<compile_context>
chip_gen: v7x
topology: tpu7x:2x2x1
jax: 0.10.2.dev20260603
libtpu: 0.0.44.dev20260713+nightly
codegen_flags: <defaults>
</compile_context>

<pallas_src>
import functools
import jax
import jax.numpy as jnp
from jax import lax
from jax.experimental import pallas as pl
from jax.experimental.pallas import tpu as pltpu
from jax.experimental.pallas import tpu_sc as plsc

B, C, H, W = 8, 19, 512, 512
NC, NS, L = 2, 16, 16
NW = NC * NS
RH = 8
CW = 256
NACC = 4
BH = 256
BPB = H // BH
TBANDS = 12
SCROW0 = TBANDS * BH
GBLK = (B * H - SCROW0) // RH
TPW = GBLK // NW
NBLK = TPW * (W // CW)

_mesh = plsc.VectorSubcoreMesh(core_axis_name="c", subcore_axis_name="s")


@functools.partial(
    pl.kernel,
    out_type=jax.ShapeDtypeStruct((NW, 3, L), jnp.float32),
    mesh=_mesh,
    scratch_types=[
        pltpu.VMEM((C, RH, CW), jnp.float32),
        pltpu.VMEM((C, RH, CW), jnp.float32),
        pltpu.VMEM((RH, CW), jnp.int32),
        pltpu.VMEM((RH, CW), jnp.int32),
        pltpu.VMEM((3, L), jnp.float32),
        pltpu.SemaphoreType.DMA,
        pltpu.SemaphoreType.DMA,
        pltpu.SemaphoreType.DMA,
        pltpu.SemaphoreType.DMA,
    ],
    compiler_params=pltpu.CompilerParams(use_tc_tiling_on_sc=True,
                                         skip_device_barrier=True),
)
def _objectosphere_sc(logits_hbm, sem_hbm, out_hbm,
                      buf0, buf1, sbuf0, sbuf1, acc,
                      sl0, sl1, ss0, ss1):
    w = lax.axis_index("s") * NC + lax.axis_index("c")
    zero = jnp.zeros((L,), jnp.float32)
    bufs = (buf0, buf1)
    sbufs = (sbuf0, sbuf1)
    sls = (sl0, sl1)
    sss = (ss0, ss1)

    def start(i, p):
        absrow = SCROW0 + (w + (i // 2) * NW) * RH
        b = absrow // H
        r = absrow % H
        col = (i % 2) * CW
        pltpu.async_copy(
            logits_hbm.at[b, :, pl.ds(r, RH), pl.ds(col, CW)], bufs[p],
            sls[p])
        pltpu.async_copy(
            sem_hbm.at[b, pl.ds(r, RH), pl.ds(col, CW)], sbufs[p], sss[p])

    def wait(p):
        pltpu.make_async_copy(
            logits_hbm.at[0, :, pl.ds(0, RH), pl.ds(0, CW)], bufs[p],
            sls[p]).wait()
        pltpu.make_async_copy(
            sem_hbm.at[0, pl.ds(0, RH), pl.ds(0, CW)], sbufs[p],
            sss[p]).wait()

    def compute_block(p, carry):
        buf, sbuf = bufs[p], sbufs[p]

        def inner(j, c2):
            sus, sks, cus = c2
            sus, sks, cus = list(sus), list(sks), list(cus)
            s16 = pl.ds(j * L, L)
            for r in range(RH):
                a = r % NACC
                n = zero
                for c in range(C):
                    v = buf[c, r, s16]
                    n = n + v * v
                m = sbuf[r, s16] == 0
                sus[a] = sus[a] + jnp.where(m, n, 0.0)
                sks[a] = sks[a] + jnp.where(m, 0.0,
                                            jnp.maximum(1.0 - n, 0.0))
                cus[a] = cus[a] + jnp.where(m, 1.0, 0.0)
            return tuple(sus), tuple(sks), tuple(cus)

        zz = (zero,) * NACC
        sus, sks, cus = lax.fori_loop(0, CW // L, inner, (zz, zz, zz))
        su, sk, cu = carry
        return (su + sum(sus), sk + sum(sks), cu + sum(cus))

    start(0, 0)
    start(1, 1)

    def pair(t, carry):
        i0 = t * 2
        wait(0)
        carry = compute_block(0, carry)

        @pl.when(i0 + 2 < NBLK)
        def _():
            start(i0 + 2, 0)

        wait(1)
        carry = compute_block(1, carry)

        @pl.when(i0 + 3 < NBLK)
        def _():
            start(i0 + 3, 1)

        return carry

    su, sk, cu = lax.fori_loop(0, NBLK // 2, pair, (zero, zero, zero))
    acc[0, :] = su
    acc[1, :] = sk
    acc[2, :] = cu
    pltpu.sync_copy(acc, out_hbm.at[w])


def _fold(v):
    return v.reshape(BH // 8, 8, W).sum(axis=0)


def _tc_body(logits_ref, sem_ref, out_ref, acc):
    t = pl.program_id(0)

    @pl.when(t == 0)
    def _():
        acc[...] = jnp.zeros_like(acc)

    x = logits_ref[0]
    n = jnp.sum(x * x, axis=0)
    m = sem_ref[0] == 0
    acc[0] += _fold(jnp.where(m, n, 0.0))
    acc[1] += _fold(jnp.where(m, 0.0, jnp.maximum(1.0 - n, 0.0)))
    acc[2] += _fold(jnp.where(m, 1.0, 0.0))

    @pl.when(t == TBANDS - 1)
    def _():
        out_ref[0] = jnp.sum(acc[0])
        out_ref[1] = jnp.sum(acc[1])
        out_ref[2] = jnp.sum(acc[2])


_tc_partials = pl.pallas_call(
    _tc_body,
    grid=(TBANDS,),
    in_specs=[
        pl.BlockSpec((1, C, BH, W), lambda t: (t // BPB, 0, t % BPB, 0)),
        pl.BlockSpec((1, BH, W), lambda t: (t // BPB, t % BPB, 0)),
    ],
    out_specs=pl.BlockSpec(memory_space=pltpu.SMEM),
    out_shape=jax.ShapeDtypeStruct((3,), jnp.float32),
    scratch_shapes=[pltpu.VMEM((3, 8, W), jnp.float32)],
    compiler_params=pltpu.CompilerParams(skip_device_barrier=True),
)


def kernel(logits, sem_gt):
    sem32 = sem_gt.astype(jnp.int32)
    parts_sc = _objectosphere_sc(logits, sem32)
    parts_tc = _tc_partials(logits, sem32)
    sum_unk = jnp.sum(parts_sc[:, 0, :]) + parts_tc[0]
    sum_kn = jnp.sum(parts_sc[:, 1, :]) + parts_tc[1]
    n_unk = jnp.sum(parts_sc[:, 2, :]) + parts_tc[2]
    n_kn = jnp.float32(B * H * W) - n_unk
    loss_unk = jnp.where(n_unk > 0, sum_unk / jnp.maximum(n_unk, 1.0), 0.0)
    loss_kn = jnp.where(n_kn > 0, sum_kn / jnp.maximum(n_kn, 1.0), 0.0)
    return 10.0 * loss_unk + loss_kn

# --- scband reference (transcript-rebuilt; emitter-appended) ---
"""Pipeline reference for scband-objectosphere-loss-51874615001274 (READ-ONLY COPY).

The authoritative reference and input builder live on the scoring server;
editing this copy changes nothing except your own understanding.
"""

import jax, jax.numpy as jnp
import numpy as np

SIGMA = 1.0
VOID_LABEL = 0

def setup_inputs(seed: int = 0) -> dict:
    key = jax.random.key(seed)
    k1, k2 = jax.random.split(key)
    logits = jax.random.normal(k1, (8, 19, 512, 512), dtype=jnp.float32)
    sem_gt = jax.random.randint(k2, (8, 512, 512), 0, 19, dtype=jnp.int64)
    return {"logits": logits, "sem_gt": sem_gt}

def reference(logits, sem_gt):
    # permute to [B, H, W, C]; norm over channel dim (matches torch dim=1 of gathered [N, C])
    x = jnp.transpose(logits, (0, 2, 3, 1))
    norms_sq = jnp.sum(x * x, axis=-1)  # [B, H, W] == ||.||^2
    mask_unk = (sem_gt == VOID_LABEL)
    mask_kn = jnp.logical_not(mask_unk)
    n_unk = jnp.sum(mask_unk)
    n_kn = jnp.sum(mask_kn)
    sum_unk = jnp.sum(jnp.where(mask_unk, norms_sq, 0.0))
    loss_unk = jnp.where(n_unk > 0, sum_unk / jnp.maximum(n_unk, 1).astype(norms_sq.dtype), jnp.array(0.0, norms_sq.dtype))
    kn_terms = jax.nn.relu(SIGMA - norms_sq)
    sum_kn = jnp.sum(jnp.where(mask_kn, kn_terms, 0.0))
    loss_kn = jnp.where(n_kn > 0, sum_kn / jnp.maximum(n_kn, 1).astype(norms_sq.dtype), jnp.array(0.0, norms_sq.dtype))
    loss = 10.0 * loss_unk + loss_kn
    return loss

if __name__ == "__main__":
    import jax
    _d = setup_inputs()
    print(jax.jit(kernel)(*tuple(_d.values())))

</pallas_src>

<mosaic_0001>
#map = affine_map<(d0, d1) -> (0, 0, 0, 0)>
#map1 = affine_map<(d0, d1) -> (0, 0, 0)>
module attributes {stable_mosaic.version = 14 : i64} {
  func.func @_objectosphere_sc(%arg0: i32, %arg1: i32, %arg2: memref<8x19x512x512xf32, #tpu.memory_space<hbm>>, %arg3: memref<8x512x512xi32, #tpu.memory_space<hbm>>, %arg4: memref<32x3x16xf32, #tpu.memory_space<hbm>>, %arg5: memref<19x8x256xf32, #tpu.memory_space<vmem>>, %arg6: memref<19x8x256xf32, #tpu.memory_space<vmem>>, %arg7: memref<8x256xi32, #tpu.memory_space<vmem>>, %arg8: memref<8x256xi32, #tpu.memory_space<vmem>>, %arg9: memref<3x16xf32, #tpu.memory_space<vmem>>, %arg10: memref<!tpu.dma_semaphore, #tpu.memory_space<semaphore_mem>>, %arg11: memref<!tpu.dma_semaphore, #tpu.memory_space<semaphore_mem>>, %arg12: memref<!tpu.dma_semaphore, #tpu.memory_space<semaphore_mem>>, %arg13: memref<!tpu.dma_semaphore, #tpu.memory_space<semaphore_mem>>) attributes {dimension_semantics = [#tpu.dimension_semantics<core_parallel>, #tpu.dimension_semantics<subcore_parallel>], iteration_bounds = array<i64: 2, 16>, scalar_prefetch = 0 : i64, scratch_operands = 9 : i64, tpu.core_type = #tpu.core_type<sc_vector_subcore>, window_params = [{transform_indices = #map}, {transform_indices = #map1}, {transform_indices = #map1}]} {
    %mul3A = arith.constant 2 : i32
    %mul3A_0 = arith.muli %arg1, %mul3A : i32
    %add3A = arith.addi %mul3A_0, %arg0 : i32
    %broadcast_in_dim3A = arith.constant 0.000000e+00 : f32
    %broadcast_in_dim3A_1 = vector.broadcast %broadcast_in_dim3A : f32 to vector<16xf32>
    %add3A_2 = arith.constant 0 : i32
    %add3A_3 = arith.addi %add3A, %add3A_2 : i32
    %mul3A_4 = arith.constant 8 : i32
    %mul3A_5 = arith.muli %add3A_3, %mul3A_4 : i32
    %add3A_6 = arith.constant 3072 : i32
    %add3A_7 = arith.addi %add3A_6, %mul3A_5 : i32
    %jit3A = arith.constant 512 : i32
    %div3A = arith.divsi %add3A_7, %jit3A : i32
    %sign3A = arith.constant 0 : i32
    %sign3A_8 = arith.cmpi sgt, %add3A_7, %sign3A : i32
    %sign3A_9 = arith.extui %sign3A_8 : i1 to i32
    %sign3A_10 = arith.constant 0 : i32
    %sign3A_11 = arith.cmpi slt, %add3A_7, %sign3A_10 : i32
    %sign3A_12 = arith.extui %sign3A_11 : i1 to i32
    %sign3A_13 = arith.subi %sign3A_9, %sign3A_12 : i32
    %sign3A_14 = arith.constant 0 : i32
    %sign3A_15 = arith.cmpi sgt, %jit3A, %sign3A_14 : i32
    %sign3A_16 = arith.extui %sign3A_15 : i1 to i32
    %sign3A_17 = arith.constant 0 : i32
    %sign3A_18 = arith.cmpi slt, %jit3A, %sign3A_17 : i32
    %sign3A_19 = arith.extui %sign3A_18 : i1 to i32
    %sign3A_20 = arith.subi %sign3A_16, %sign3A_19 : i32
    %ne3A = arith.cmpi ne, %sign3A_13, %sign3A_20 : i32
    %rem3A = arith.remsi %add3A_7, %jit3A : i32
    %ne3A_21 = arith.constant 0 : i32
    %ne3A_22 = arith.cmpi ne, %rem3A, %ne3A_21 : i32
    %and3A = arith.andi %ne3A, %ne3A_22 : i1
    %sub3A = arith.constant 1 : i32
    %sub3A_23 = arith.subi %div3A, %sub3A : i32
    %select_n3A = arith.select %and3A, %sub3A_23, %div3A : i32
    %jit3A_24 = arith.constant 512 : i32
    %eq3A = arith.constant 0 : i32
    %eq3A_25 = arith.cmpi eq, %jit3A_24, %eq3A : i32
    %jit3A_26 = arith.constant 1 : i32
    %select_n3A_27 = arith.select %eq3A_25, %jit3A_26, %jit3A_24 : i32
    %rem3A_28 = arith.remsi %add3A_7, %select_n3A_27 : i32
    %ne3A_29 = arith.constant 0 : i32
    %ne3A_30 = arith.cmpi ne, %rem3A_28, %ne3A_29 : i32
    %lt3A = arith.constant 0 : i32
    %lt3A_31 = arith.cmpi slt, %rem3A_28, %lt3A : i32
    %lt3A_32 = arith.constant 0 : i32
    %lt3A_33 = arith.cmpi slt, %select_n3A_27, %lt3A_32 : i32
    %ne3A_34 = arith.xori %lt3A_31, %lt3A_33 : i1
    %and3A_35 = arith.andi %ne3A_34, %ne3A_30 : i1
    %add3A_36 = arith.addi %rem3A_28, %select_n3A_27 : i32
    %select_n3A_37 = arith.select %and3A_35, %add3A_36, %rem3A_28 : i32
    %dma_start3A = arith.constant 0 : i32
    %dma_start3A_38 = arith.constant 0 : i32
    %dma_start3A_39 = tpu.memref_slice %arg2[%select_n3A, %dma_start3A, %select_n3A_37, %dma_start3A_38] : memref<8x19x512x512xf32, #tpu.memory_space<hbm>> -> memref<1x19x8x256xf32, #tpu.memory_space<hbm>>
    %dma_start3A_40 = tpu.memref_squeeze %dma_start3A_39 : memref<1x19x8x256xf32, #tpu.memory_space<hbm>> -> memref<19x8x256xf32, #tpu.memory_space<hbm>>
    %dma_start3A_41 = arith.constant 0 : i32
    %dma_start3A_42 = arith.constant 0 : i32
    %dma_start3A_43 = tpu.memref_slice %arg2[%select_n3A, %dma_start3A_41, %select_n3A_37, %dma_start3A_42] : memref<8x19x512x512xf32, #tpu.memory_space<hbm>> -> memref<1x19x8x256xf32, #tpu.memory_space<hbm>>
    %dma_start3A_44 = tpu.memref_squeeze %dma_start3A_43 : memref<1x19x8x256xf32, #tpu.memory_space<hbm>> -> memref<19x8x256xf32, #tpu.memory_space<hbm>>
    tpu.enqueue_dma source(%dma_start3A_44 : memref<19x8x256xf32, #tpu.memory_space<hbm>>) target(%arg5 : memref<19x8x256xf32, #tpu.memory_space<vmem>>) target_semaphore(%arg10 : memref<!tpu.dma_semaphore, #tpu.memory_space<semaphore_mem>>)
    %dma_start3A_45 = arith.constant 0 : i32
    %dma_start3A_46 = tpu.memref_slice %arg3[%select_n3A, %select_n3A_37, %dma_start3A_45] : memref<8x512x512xi32, #tpu.memory_space<hbm>> -> memref<1x8x256xi32, #tpu.memory_space<hbm>>
    %dma_start3A_47 = tpu.memref_squeeze %dma_start3A_46 : memref<1x8x256xi32, #tpu.memory_space<hbm>> -> memref<8x256xi32, #tpu.memory_space<hbm>>
    %dma_start3A_48 = arith.constant 0 : i32
    %dma_start3A_49 = tpu.memref_slice %arg3[%select_n3A, %select_n3A_37, %dma_start3A_48] : memref<8x512x512xi32, #tpu.memory_space<hbm>> -> memref<1x8x256xi32, #tpu.memory_space<hbm>>
    %dma_start3A_50 = tpu.memref_squeeze %dma_start3A_49 : memref<1x8x256xi32, #tpu.memory_space<hbm>> -> memref<8x256xi32, #tpu.memory_space<hbm>>
    tpu.enqueue_dma source(%dma_start3A_50 : memref<8x256xi32, #tpu.memory_space<hbm>>) target(%arg7 : memref<8x256xi32, #tpu.memory_space<vmem>>) target_semaphore(%arg12 : memref<!tpu.dma_semaphore, #tpu.memory_space<semaphore_mem>>)
    %add3A_51 = arith.constant 0 : i32
    %add3A_52 = arith.addi %add3A, %add3A_51 : i32
    %mul3A_53 = arith.constant 8 : i32
    %mul3A_54 = arith.muli %add3A_52, %mul3A_53 : i32
    %add3A_55 = arith.constant 3072 : i32
    %add3A_56 = arith.addi %add3A_55, %mul3A_54 : i32
    %jit3A_57 = arith.constant 512 : i32
    %div3A_58 = arith.divsi %add3A_56, %jit3A_57 : i32
    %sign3A_59 = arith.constant 0 : i32
    %sign3A_60 = arith.cmpi sgt, %add3A_56, %sign3A_59 : i32
    %sign3A_61 = arith.extui %sign3A_60 : i1 to i32
    %sign3A_62 = arith.constant 0 : i32
    %sign3A_63 = arith.cmpi slt, %add3A_56, %sign3A_62 : i32
    %sign3A_64 = arith.extui %sign3A_63 : i1 to i32
    %sign3A_65 = arith.subi %sign3A_61, %sign3A_64 : i32
    %sign3A_66 = arith.constant 0 : i32
    %sign3A_67 = arith.cmpi sgt, %jit3A_57, %sign3A_66 : i32
    %sign3A_68 = arith.extui %sign3A_67 : i1 to i32
    %sign3A_69 = arith.constant 0 : i32
    %sign3A_70 = arith.cmpi slt, %jit3A_57, %sign3A_69 : i32
    %sign3A_71 = arith.extui %sign3A_70 : i1 to i32
    %sign3A_72 = arith.subi %sign3A_68, %sign3A_71 : i32
    %ne3A_73 = arith.cmpi ne, %sign3A_65, %sign3A_72 : i32
    %rem3A_74 = arith.remsi %add3A_56, %jit3A_57 : i32
    %ne3A_75 = arith.constant 0 : i32
    %ne3A_76 = arith.cmpi ne, %rem3A_74, %ne3A_75 : i32
    %and3A_77 = arith.andi %ne3A_73, %ne3A_76 : i1
    %sub3A_78 = arith.constant 1 : i32
    %sub3A_79 = arith.subi %div3A_58, %sub3A_78 : i32
    %select_n3A_80 = arith.select %and3A_77, %sub3A_79, %div3A_58 : i32
    %jit3A_81 = arith.constant 512 : i32
    %eq3A_82 = arith.constant 0 : i32
    %eq3A_83 = arith.cmpi eq, %jit3A_81, %eq3A_82 : i32
    %jit3A_84 = arith.constant 1 : i32
    %select_n3A_85 = arith.select %eq3A_83, %jit3A_84, %jit3A_81 : i32
    %rem3A_86 = arith.remsi %add3A_56, %select_n3A_85 : i32
    %ne3A_87 = arith.constant 0 : i32
    %ne3A_88 = arith.cmpi ne, %rem3A_86, %ne3A_87 : i32
    %lt3A_89 = arith.constant 0 : i32
    %lt3A_90 = arith.cmpi slt, %rem3A_86, %lt3A_89 : i32
    %lt3A_91 = arith.constant 0 : i32
    %lt3A_92 = arith.cmpi slt, %select_n3A_85, %lt3A_91 : i32
    %ne3A_93 = arith.xori %lt3A_90, %lt3A_92 : i1
    %and3A_94 = arith.andi %ne3A_93, %ne3A_88 : i1
    %add3A_95 = arith.addi %rem3A_86, %select_n3A_85 : i32
    %select_n3A_96 = arith.select %and3A_94, %add3A_95, %rem3A_86 : i32
    %dma_start3A_97 = arith.constant 0 : i32
    %dma_start3A_98 = arith.constant 256 : i32
    %dma_start3A_99 = tpu.memref_slice %arg2[%select_n3A_80, %dma_start3A_97, %select_n3A_96, %dma_start3A_98] : memref<8x19x512x512xf32, #tpu.memory_space<hbm>> -> memref<1x19x8x256xf32, #tpu.memory_space<hbm>>
    %dma_start3A_100 = tpu.memref_squeeze %dma_start3A_99 : memref<1x19x8x256xf32, #tpu.memory_space<hbm>> -> memref<19x8x256xf32, #tpu.memory_space<hbm>>
    %dma_start3A_101 = arith.constant 0 : i32
    %dma_start3A_102 = arith.constant 256 : i32
    %dma_start3A_103 = tpu.memref_slice %arg2[%select_n3A_80, %dma_start3A_101, %select_n3A_96, %dma_start3A_102] : memref<8x19x512x512xf32, #tpu.memory_space<hbm>> -> memref<1x19x8x256xf32, #tpu.memory_space<hbm>>
    %dma_start3A_104 = tpu.memref_squeeze %dma_start3A_103 : memref<1x19x8x256xf32, #tpu.memory_space<hbm>> -> memref<19x8x256xf32, #tpu.memory_space<hbm>>
    tpu.enqueue_dma source(%dma_start3A_104 : memref<19x8x256xf32, #tpu.memory_space<hbm>>) target(%arg6 : memref<19x8x256xf32, #tpu.memory_space<vmem>>) target_semaphore(%arg11 : memref<!tpu.dma_semaphore, #tpu.memory_space<semaphore_mem>>)
    %dma_start3A_105 = arith.constant 256 : i32
    %dma_start3A_106 = tpu.memref_slice %arg3[%select_n3A_80, %select_n3A_96, %dma_start3A_105] : memref<8x512x512xi32, #tpu.memory_space<hbm>> -> memref<1x8x256xi32, #tpu.memory_space<hbm>>
    %dma_start3A_107 = tpu.memref_squeeze %dma_start3A_106 : memref<1x8x256xi32, #tpu.memory_space<hbm>> -> memref<8x256xi32, #tpu.memory_space<hbm>>
    %dma_start3A_108 = arith.constant 256 : i32
    %dma_start3A_109 = tpu.memref_slice %arg3[%select_n3A_80, %select_n3A_96, %dma_start3A_108] : memref<8x512x512xi32, #tpu.memory_space<hbm>> -> memref<1x8x256xi32, #tpu.memory_space<hbm>>
    %dma_start3A_110 = tpu.memref_squeeze %dma_start3A_109 : memref<1x8x256xi32, #tpu.memory_space<hbm>> -> memref<8x256xi32, #tpu.memory_space<hbm>>
    tpu.enqueue_dma source(%dma_start3A_110 : memref<8x256xi32, #tpu.memory_space<hbm>>) target(%arg8 : memref<8x256xi32, #tpu.memory_space<vmem>>) target_semaphore(%arg13 : memref<!tpu.dma_semaphore, #tpu.memory_space<semaphore_mem>>)
    %scan3A = arith.constant 0 : i32
    %scan3A_111 = arith.constant 4 : i32
    %scan3A_112 = arith.addi %scan3A, %scan3A_111 : i32
    %scan3A_113 = arith.constant 1 : i32
    %scan3A_114:3 = scf.for %scan3A_133 = %scan3A to %scan3A_112 step %scan3A_113 iter_args(%scan3A_134 = %broadcast_in_dim3A_1, %scan3A_135 = %broadcast_in_dim3A_1, %scan3A_136 = %broadcast_in_dim3A_1) -> (vector<16xf32>, vector<16xf32>, vector<16xf32>)  : i32 {
      %mul3A_137 = arith.constant 2 : i32
      %mul3A_138 = arith.muli %scan3A_133, %mul3A_137 : i32
      %dma_wait3A = arith.constant 0 : i32
      %dma_wait3A_139 = arith.constant 0 : i32
      %dma_wait3A_140 = arith.constant 0 : i32
      %dma_wait3A_141 = arith.constant 0 : i32
      %dma_wait3A_142 = tpu.memref_slice %arg2[%dma_wait3A, %dma_wait3A_139, %dma_wait3A_140, %dma_wait3A_141] : memref<8x19x512x512xf32, #tpu.memory_space<hbm>> -> memref<1x19x8x256xf32, #tpu.memory_space<hbm>>
      %dma_wait3A_143 = tpu.memref_squeeze %dma_wait3A_142 : memref<1x19x8x256xf32, #tpu.memory_space<hbm>> -> memref<19x8x256xf32, #tpu.memory_space<hbm>>
      %dma_wait3A_144 = arith.constant 0 : i32
      %dma_wait3A_145 = arith.constant 0 : i32
      %dma_wait3A_146 = arith.constant 0 : i32
      %dma_wait3A_147 = tpu.memref_slice %arg2[%dma_wait3A, %dma_wait3A_144, %dma_wait3A_145, %dma_wait3A_146] : memref<8x19x512x512xf32, #tpu.memory_space<hbm>> -> memref<1x19x8x256xf32, #tpu.memory_space<hbm>>
      %dma_wait3A_148 = tpu.memref_squeeze %dma_wait3A_147 : memref<1x19x8x256xf32, #tpu.memory_space<hbm>> -> memref<19x8x256xf32, #tpu.memory_space<hbm>>
      tpu.wait_dma2 semaphore(%arg10 : memref<!tpu.dma_semaphore, #tpu.memory_space<semaphore_mem>>) src(%dma_wait3A_148 : memref<19x8x256xf32, #tpu.memory_space<hbm>>) dst(%arg5 : memref<19x8x256xf32, #tpu.memory_space<vmem>>)
      %dma_wait3A_149 = arith.constant 0 : i32
      %dma_wait3A_150 = arith.constant 0 : i32
      %dma_wait3A_151 = arith.constant 0 : i32
      %dma_wait3A_152 = tpu.memref_slice %arg3[%dma_wait3A_149, %dma_wait3A_150, %dma_wait3A_151] : memref<8x512x512xi32, #tpu.memory_space<hbm>> -> memref<1x8x256xi32, #tpu.memory_space<hbm>>
      %dma_wait3A_153 = tpu.memref_squeeze %dma_wait3A_152 : memref<1x8x256xi32, #tpu.memory_space<hbm>> -> memref<8x256xi32, #tpu.memory_space<hbm>>
      %dma_wait3A_154 = arith.constant 0 : i32
      %dma_wait3A_155 = arith.constant 0 : i32
      %dma_wait3A_156 = tpu.memref_slice %arg3[%dma_wait3A_149, %dma_wait3A_154, %dma_wait3A_155] : memref<8x512x512xi32, #tpu.memory_space<hbm>> -> memref<1x8x256xi32, #tpu.memory_space<hbm>>
      %dma_wait3A_157 = tpu.memref_squeeze %dma_wait3A_156 : memref<1x8x256xi32, #tpu.memory_space<hbm>> -> memref<8x256xi32, #tpu.memory_space<hbm>>
      tpu.wait_dma2 semaphore(%arg12 : memref<!tpu.dma_semaphore, #tpu.memory_space<semaphore_mem>>) src(%dma_wait3A_157 : memref<8x256xi32, #tpu.memory_space<hbm>>) dst(%arg7 : memref<8x256xi32, #tpu.memory_space<vmem>>)
      %scan3A_158 = arith.constant 0 : i32
      %scan3A_159 = arith.constant 16 : i32
      %scan3A_160 = arith.addi %scan3A_158, %scan3A_159 : i32
      %scan3A_161 = arith.constant 1 : i32
      %scan3A_162:12 = scf.for %scan3A_244 = %scan3A_158 to %scan3A_160 step %scan3A_161 iter_args(%scan3A_245 = %broadcast_in_dim3A_1, %scan3A_246 = %broadcast_in_dim3A_1, %scan3A_247 = %broadcast_in_dim3A_1, %scan3A_248 = %broadcast_in_dim3A_1, %scan3A_249 = %broadcast_in_dim3A_1, %scan3A_250 = %broadcast_in_dim3A_1, %scan3A_251 = %broadcast_in_dim3A_1, %scan3A_252 = %broadcast_in_dim3A_1, %scan3A_253 = %broadcast_in_dim3A_1, %scan3A_254 = %broadcast_in_dim3A_1, %scan3A_255 = %broadcast_in_dim3A_1, %scan3A_256 = %broadcast_in_dim3A_1) -> (vector<16xf32>, vector<16xf32>, vector<16xf32>, vector<16xf32>, vector<16xf32>, vector<16xf32>, vector<16xf32>, vector<16xf32>, vector<16xf32>, vector<16xf32>, vector<16xf32>, vector<16xf32>)  : i32 {
        %mul3A_257 = arith.constant 16 : i32
        %mul3A_258 = arith.muli %scan3A_244, %mul3A_257 : i32
        %get3A = arith.constant 0 : i32
        %get3A_259 = arith.constant 0 : i32
        %get3A_260 = arith.index_cast %get3A : i32 to index
        %get3A_261 = arith.index_cast %get3A_259 : i32 to index
        %get3A_262 = arith.index_cast %mul3A_258 : i32 to index
        %get3A_263 = tpu.vector_load %arg5[%get3A_260, %get3A_261, %get3A_262] {strides = array<i32>} : memref<19x8x256xf32, #tpu.memory_space<vmem>>, vector<1x1x16xf32>,
        %get3A_264 = vector.shape_cast %get3A_263 : vector<1x1x16xf32> to vector<16xf32>
        %mul3A_265 = arith.mulf %get3A_264, %get3A_264 : vector<16xf32>
        %add3A_266 = arith.addf %broadcast_in_dim3A_1, %mul3A_265 : vector<16xf32>
        %get3A_267 = arith.constant 1 : i32
        %get3A_268 = arith.constant 0 : i32
        %get3A_269 = arith.index_cast %get3A_267 : i32 to index
        %get3A_270 = arith.index_cast %get3A_268 : i32 to index
        %get3A_271 = arith.index_cast %mul3A_258 : i32 to index
        %get3A_272 = tpu.vector_load %arg5[%get3A_269, %get3A_270, %get3A_271] {strides = array<i32>} : memref<19x8x256xf32, #tpu.memory_space<vmem>>, vector<1x1x16xf32>,
        %get3A_273 = vector.shape_cast %get3A_272 : vector<1x1x16xf32> to vector<16xf32>
        %mul3A_274 = arith.mulf %get3A_273, %get3A_273 : vector<16xf32>
        %add3A_275 = arith.addf %add3A_266, %mul3A_274 : vector<16xf32>
        %get3A_276 = arith.constant 2 : i32
        %get3A_277 = arith.constant 0 : i32
        %get3A_278 = arith.index_cast %get3A_276 : i32 to index
        %get3A_279 = arith.index_cast %get3A_277 : i32 to index
        %get3A_280 = arith.index_cast %mul3A_258 : i32 to index
        %get3A_281 = tpu.vector_load %arg5[%get3A_278, %get3A_279, %get3A_280] {strides = array<i32>} : memref<19x8x256xf32, #tpu.memory_space<vmem>>, vector<1x1x16xf32>,
        %get3A_282 = vector.shape_cast %get3A_281 : vector<1x1x16xf32> to vector<16xf32>
        %mul3A_283 = arith.mulf %get3A_282, %get3A_282 : vector<16xf32>
        %add3A_284 = arith.addf %add3A_275, %mul3A_283 : vector<16xf32>
        %get3A_285 = arith.constant 3 : i32
        %get3A_286 = arith.constant 0 : i32
        %get3A_287 = arith.index_cast %get3A_285 : i32 to index
        %get3A_288 = arith.index_cast %get3A_286 : i32 to index
        %get3A_289 = arith.index_cast %mul3A_258 : i32 to index
        %get3A_290 = tpu.vector_load %arg5[%get3A_287, %get3A_288, %get3A_289] {strides = array<i32>} : memref<19x8x256xf32, #tpu.memory_space<vmem>>, vector<1x1x16xf32>,
        %get3A_291 = vector.shape_cast %get3A_290 : vector<1x1x16xf32> to vector<16xf32>
        %mul3A_292 = arith.mulf %get3A_291, %get3A_291 : vector<16xf32>
        %add3A_293 = arith.addf %add3A_284, %mul3A_292 : vector<16xf32>
        %get3A_294 = arith.constant 4 : i32
        %get3A_295 = arith.constant 0 : i32
        %get3A_296 = arith.index_cast %get3A_294 : i32 to index
        %get3A_297 = arith.index_cast %get3A_295 : i32 to index
        %get3A_298 = arith.index_cast %mul3A_258 : i32 to index
        %get3A_299 = tpu.vector_load %arg5[%get3A_296, %get3A_297, %get3A_298] {strides = array<i32>} : memref<19x8x256xf32, #tpu.memory_space<vmem>>, vector<1x1x16xf32>,
        %get3A_300 = vector.shape_cast %get3A_299 : vector<1x1x16xf32> to vector<16xf32>
        %mul3A_301 = arith.mulf %get3A_300, %get3A_300 : vector<16xf32>
        %add3A_302 = arith.addf %add3A_293, %mul3A_301 : vector<16xf32>
        %get3A_303 = arith.constant 5 : i32
        %get3A_304 = arith.constant 0 : i32
        %get3A_305 = arith.index_cast %get3A_303 : i32 to index
        %get3A_306 = arith.index_cast %get3A_304 : i32 to index
        %get3A_307 = arith.index_cast %mul3A_258 : i32 to index
        %get3A_308 = tpu.vector_load %arg5[%get3A_305, %get3A_306, %get3A_307] {strides = array<i32>} : memref<19x8x256xf32, #tpu.memory_space<vmem>>, vector<1x1x16xf32>,
        %get3A_309 = vector.shape_cast %get3A_308 : vector<1x1x16xf32> to vector<16xf32>
        %mul3A_310 = arith.mulf %get3A_309, %get3A_309 : vector<16xf32>
        %add3A_311 = arith.addf %add3A_302, %mul3A_310 : vector<16xf32>
        %get3A_312 = arith.constant 6 : i32
        %get3A_313 = arith.constant 0 : i32
        %get3A_314 = arith.index_cast %get3A_312 : i32 to index
        %get3A_315 = arith.index_cast %get3A_313 : i32 to index
        %get3A_316 = arith.index_cast %mul3A_258 : i32 to index
        %get3A_317 = tpu.vector_load %arg5[%get3A_314, %get3A_315, %get3A_316] {strides = array<i32>} : memref<19x8x256xf32, #tpu.memory_space<vmem>>, vector<1x1x16xf32>,
        %get3A_318 = vector.shape_cast %get3A_317 : vector<1x1x16xf32> to vector<16xf32>
        %mul3A_319 = arith.mulf %get3A_318, %get3A_318 : vector<16xf32>
        %add3A_320 = arith.addf %add3A_311, %mul3A_319 : vector<16xf32>
        %get3A_321 = arith.constant 7 : i32
        %get3A_322 = arith.constant 0 : i32
        %get3A_323 = arith.index_cast %get3A_321 : i32 to index
        %get3A_324 = arith.index_cast %get3A_322 : i32 to index
        %get3A_325 = arith.index_cast %mul3A_258 : i32 to index
        %get3A_326 = tpu.vector_load %arg5[%get3A_323, %get3A_324, %get3A_325] {strides = array<i32>} : memref<19x8x256xf32, #tpu.memory_space<vmem>>, vector<1x1x16xf32>,
        %get3A_327 = vector.shape_cast %get3A_326 : vector<1x1x16xf32> to vector<16xf32>
        %mul3A_328 = arith.mulf %get3A_327, %get3A_327 : vector<16xf32>
        %add3A_329 = arith.addf %add3A_320, %mul3A_328 : vector<16xf32>
        %get3A_330 = arith.constant 8 : i32
        %get3A_331 = arith.constant 0 : i32
        %get3A_332 = arith.index_cast %get3A_330 : i32 to index
        %get3A_333 = arith.index_cast %get3A_331 : i32 to index
        %get3A_334 = arith.index_cast %mul3A_258 : i32 to index
        %get3A_335 = tpu.vector_load %arg5[%get3A_332, %get3A_333, %get3A_334] {strides = array<i32>} : memref<19x8x256xf32, #tpu.memory_space<vmem>>, vector<1x1x16xf32>,
        %get3A_336 = vector.shape_cast %get3A_335 : vector<1x1x16xf32> to vector<16xf32>
        %mul3A_337 = arith.mulf %get3A_336, %get3A_336 : vector<16xf32>
        %add3A_338 = arith.addf %add3A_329, %mul3A_337 : vector<16xf32>
        %get3A_339 = arith.constant 9 : i32
        %get3A_340 = arith.constant 0 : i32
        %get3A_341 = arith.index_cast %get3A_339 : i32 to index
        %get3A_342 = arith.index_cast %get3A_340 : i32 to index
        %get3A_343 = arith.index_cast %mul3A_258 : i32 to index
        %get3A_344 = tpu.vector_load %arg5[%get3A_341, %get3A_342, %get3A_343] {strides = array<i32>} : memref<19x8x256xf32, #tpu.memory_space<vmem>>, vector<1x1x16xf32>,
        %get3A_345 = vector.shape_cast %get3A_344 : vector<1x1x16xf32> to vector<16xf32>
        %mul3A_346 = arith.mulf %get3A_345, %get3A_345 : vector<16xf32>
        %add3A_347 = arith.addf %add3A_338, %mul3A_346 : vector<16xf32>
        %get3A_348 = arith.constant 10 : i32
        %get3A_349 = arith.constant 0 : i32
        %get3A_350 = arith.index_cast %get3A_348 : i32 to index
        %get3A_351 = arith.index_cast %get3A_349 : i32 to index
        %get3A_352 = arith.index_cast %mul3A_258 : i32 to index
        %get3A_353 = tpu.vector_load %arg5[%get3A_350, %get3A_351, %get3A_352] {strides = array<i32>} : memref<19x8x256xf32, #tpu.memory_space<vmem>>, vector<1x1x16xf32>,
        %get3A_354 = vector.shape_cast %get3A_353 : vector<1x1x16xf32> to vector<16xf32>
        %mul3A_355 = arith.mulf %get3A_354, %get3A_354 : vector<16xf32>
        %add3A_356 = arith.addf %add3A_347, %mul3A_355 : vector<16xf32>
        %get3A_357 = arith.constant 11 : i32
        %get3A_358 = arith.constant 0 : i32
        %get3A_359 = arith.index_cast %get3A_357 : i32 to index
        %get3A_360 = arith.index_cast %get3A_358 : i32 to index
        %get3A_361 = arith.index_cast %mul3A_258 : i32 to index
        %get3A_362 = tpu.vector_load %arg5[%get3A_359, %get3A_360, %get3A_361] {strides = array<i32>} : memref<19x8x256xf32, #tpu.memory_space<vmem>>, vector<1x1x16xf32>,
        %get3A_363 = vector.shape_cast %get3A_362 : vector<1x1x16xf32> to vector<16xf32>
        %mul3A_364 = arith.mulf %get3A_363, %get3A_363 : vector<16xf32>
        %add3A_365 = arith.addf %add3A_356, %mul3A_364 : vector<16xf32>
        %get3A_366 = arith.constant 12 : i32
        %get3A_367 = arith.constant 0 : i32
        %get3A_368 = arith.index_cast %get3A_366 : i32 to index
        %get3A_369 = arith.index_cast %get3A_367 : i32 to index
        %get3A_370 = arith.index_cast %mul3A_258 : i32 to index
        %get3A_371 = tpu.vector_load %arg5[%get3A_368, %get3A_369, %get3A_370] {strides = array<i32>} : memref<19x8x256xf32, #tpu.memory_space<vmem>>, vector<1x1x16xf32>,
        %get3A_372 = vector.shape_cast %get3A_371 : vector<1x1x16xf32> to vector<16xf32>
        %mul3A_373 = arith.mulf %get3A_372, %get3A_372 : vector<16xf32>
        %add3A_374 = arith.addf %add3A_365, %mul3A_373 : vector<16xf32>
        %get3A_375 = arith.constant 13 : i32
        %get3A_376 = arith.constant 0 : i32
        %get3A_377 = arith.index_cast %get3A_375 : i32 to index
        %get3A_378 = arith.index_cast %get3A_376 : i32 to index
        %get3A_379 = arith.index_cast %mul3A_258 : i32 to index
        %get3A_380 = tpu.vector_load %arg5[%get3A_377, %get3A_378, %get3A_379] {strides = array<i32>} : memref<19x8x256xf32, #tpu.memory_space<vmem>>, vector<1x1x16xf32>,
        %get3A_381 = vector.shape_cast %get3A_380 : vector<1x1x16xf32> to vector<16xf32>
        %mul3A_382 = arith.mulf %get3A_381, %get3A_381 : vector<16xf32>
        %add3A_383 = arith.addf %add3A_374, %mul3A_382 : vector<16xf32>
        %get3A_384 = arith.constant 14 : i32
        %get3A_385 = arith.constant 0 : i32
        %get3A_386 = arith.index_cast %get3A_384 : i32 to index
        %get3A_387 = arith.index_cast %get3A_385 : i32 to index
        %get3A_388 = arith.index_cast %mul3A_258 : i32 to index
        %get3A_389 = tpu.vector_load %arg5[%get3A_386, %get3A_387, %get3A_388] {strides = array<i32>} : memref<19x8x256xf32, #tpu.memory_space<vmem>>, vector<1x1x16xf32>,
        %get3A_390 = vector.shape_cast %get3A_389 : vector<1x1x16xf32> to vector<16xf32>
        %mul3A_391 = arith.mulf %get3A_390, %get3A_390 : vector<16xf32>
        %add3A_392 = arith.addf %add3A_383, %mul3A_391 : vector<16xf32>
        %get3A_393 = arith.constant 15 : i32
        %get3A_394 = arith.constant 0 : i32
        %get3A_395 = arith.index_cast %get3A_393 : i32 to index
        %get3A_396 = arith.index_cast %get3A_394 : i32 to index
        %get3A_397 = arith.index_cast %mul3A_258 : i32 to index
        %get3A_398 = tpu.vector_load %arg5[%get3A_395, %get3A_396, %get3A_397] {strides = array<i32>} : memref<19x8x256xf32, #tpu.memory_space<vmem>>, vector<1x1x16xf32>,
        %get3A_399 = vector.shape_cast %get3A_398 : vector<1x1x16xf32> to vector<16xf32>
        %mul3A_400 = arith.mulf %get3A_399, %get3A_399 : vector<16xf32>
        %add3A_401 = arith.addf %add3A_392, %mul3A_400 : vector<16xf32>
        %get3A_402 = arith.constant 16 : i32
        %get3A_403 = arith.constant 0 : i32
        %get3A_404 = arith.index_cast %get3A_402 : i32 to index
        %get3A_405 = arith.index_cast %get3A_403 : i32 to index
        %get3A_406 = arith.index_cast %mul3A_258 : i32 to index
        %get3A_407 = tpu.vector_load %arg5[%get3A_404, %get3A_405, %get3A_406] {strides = array<i32>} : memref<19x8x256xf32, #tpu.memory_space<vmem>>, vector<1x1x16xf32>,
        %get3A_408 = vector.shape_cast %get3A_407 : vector<1x1x16xf32> to vector<16xf32>
        %mul3A_409 = arith.mulf %get3A_408, %get3A_408 : vector<16xf32>
        %add3A_410 = arith.addf %add3A_401, %mul3A_409 : vector<16xf32>
        %get3A_411 = arith.constant 17 : i32
        %get3A_412 = arith.constant 0 : i32
        %get3A_413 = arith.index_cast %get3A_411 : i32 to index
        %get3A_414 = arith.index_cast %get3A_412 : i32 to index
        %get3A_415 = arith.index_cast %mul3A_258 : i32 to index
        %get3A_416 = tpu.vector_load %arg5[%get3A_413, %get3A_414, %get3A_415] {strides = array<i32>} : memref<19x8x256xf32, #tpu.memory_space<vmem>>, vector<1x1x16xf32>,
        %get3A_417 = vector.shape_cast %get3A_416 : vector<1x1x16xf32> to vector<16xf32>
        %mul3A_418 = arith.mulf %get3A_417, %get3A_417 : vector<16xf32>
        %add3A_419 = arith.addf %add3A_410, %mul3A_418 : vector<16xf32>
        %get3A_420 = arith.constant 18 : i32
        %get3A_421 = arith.constant 0 : i32
        %get3A_422 = arith.index_cast %get3A_420 : i32 to index
        %get3A_423 = arith.index_cast %get3A_421 : i32 to index
        %get3A_424 = arith.index_cast %mul3A_258 : i32 to index
        %get3A_425 = tpu.vector_load %arg5[%get3A_422, %get3A_423, %get3A_424] {strides = array<i32>} : memref<19x8x256xf32, #tpu.memory_space<vmem>>, vector<1x1x16xf32>,
        %get3A_426 = vector.shape_cast %get3A_425 : vector<1x1x16xf32> to vector<16xf32>
        %mul3A_427 = arith.mulf %get3A_426, %get3A_426 : vector<16xf32>
        %add3A_428 = arith.addf %add3A_419, %mul3A_427 : vector<16xf32>
        %get3A_429 = arith.constant 0 : i32
        %get3A_430 = arith.index_cast %get3A_429 : i32 to index
        %get3A_431 = arith.index_cast %mul3A_258 : i32 to index
        %get3A_432 = tpu.vector_load %arg7[%get3A_430, %get3A_431] {strides = array<i32>} : memref<8x256xi32, #tpu.memory_space<vmem>>, vector<1x16xi32>,
        %get3A_433 = vector.shape_cast %get3A_432 : vector<1x16xi32> to vector<16xi32>
        %eq3A_434 = arith.constant 0 : i32
        %eq3A_435 = vector.broadcast %eq3A_434 : i32 to vector<16xi32>
        %eq3A_436 = arith.cmpi eq, %get3A_433, %eq3A_435 : vector<16xi32>
        %jit3A_437 = arith.constant 0.000000e+00 : f32
        %broadcast_in_dim3A_438 = vector.broadcast %jit3A_437 : f32 to vector<16xf32>
        %select_n3A_439 = arith.select %eq3A_436, %add3A_428, %broadcast_in_dim3A_438 : vector<16xi1>, vector<16xf32>
        %add3A_440 = arith.addf %scan3A_245, %select_n3A_439 : vector<16xf32>
        %sub3A_441 = arith.constant 1.000000e+00 : f32
        %sub3A_442 = vector.broadcast %sub3A_441 : f32 to vector<16xf32>
        %sub3A_443 = arith.subf %sub3A_442, %add3A_428 : vector<16xf32>
        %max3A = arith.constant 0.000000e+00 : f32
        %max3A_444 = vector.broadcast %max3A : f32 to vector<16xf32>
        %max3A_445 = arith.maximumf %sub3A_443, %max3A_444 : vector<16xf32>
        %jit3A_446 = arith.constant 0.000000e+00 : f32
        %broadcast_in_dim3A_447 = vector.broadcast %jit3A_446 : f32 to vector<16xf32>
        %select_n3A_448 = arith.select %eq3A_436, %broadcast_in_dim3A_447, %max3A_445 : vector<16xi1>, vector<16xf32>
        %add3A_449 = arith.addf %scan3A_249, %select_n3A_448 : vector<16xf32>
        %jit3A_450 = arith.constant 1.000000e+00 : f32
        %jit3A_451 = arith.constant 0.000000e+00 : f32
        %broadcast_in_dim3A_452 = vector.broadcast %jit3A_450 : f32 to vector<16xf32>
        %broadcast_in_dim3A_453 = vector.broadcast %jit3A_451 : f32 to vector<16xf32>
        %select_n3A_454 = arith.select %eq3A_436, %broadcast_in_dim3A_452, %broadcast_in_dim3A_453 : vector<16xi1>, vector<16xf32>
        %add3A_455 = arith.addf %scan3A_253, %select_n3A_454 : vector<16xf32>
        %get3A_456 = arith.constant 0 : i32
        %get3A_457 = arith.constant 1 : i32
        %get3A_458 = arith.index_cast %get3A_456 : i32 to index
        %get3A_459 = arith.index_cast %get3A_457 : i32 to index
        %get3A_460 = arith.index_cast %mul3A_258 : i32 to index
        %get3A_461 = tpu.vector_load %arg5[%get3A_458, %get3A_459, %get3A_460] {strides = array<i32>} : memref<19x8x256xf32, #tpu.memory_space<vmem>>, vector<1x1x16xf32>,
        %get3A_462 = vector.shape_cast %get3A_461 : vector<1x1x16xf32> to vector<16xf32>
        %mul3A_463 = arith.mulf %get3A_462, %get3A_462 : vector<16xf32>
        %add3A_464 = arith.addf %broadcast_in_dim3A_1, %mul3A_463 : vector<16xf32>
        %get3A_465 = arith.constant 1 : i32
        %get3A_466 = arith.constant 1 : i32
        %get3A_467 = arith.index_cast %get3A_465 : i32 to index
        %get3A_468 = arith.index_cast %get3A_466 : i32 to index
        %get3A_469 = arith.index_cast %mul3A_258 : i32 to index
        %get3A_470 = tpu.vector_load %arg5[%get3A_467, %get3A_468, %get3A_469] {strides = array<i32>} : memref<19x8x256xf32, #tpu.memory_space<vmem>>, vector<1x1x16xf32>,
        %get3A_471 = vector.shape_cast %get3A_470 : vector<1x1x16xf32> to vector<16xf32>
        %mul3A_472 = arith.mulf %get3A_471, %get3A_471 : vector<16xf32>
        %add3A_473 = arith.addf %add3A_464, %mul3A_472 : vector<16xf32>
        %get3A_474 = arith.constant 2 : i32
        %get3A_475 = arith.constant 1 : i32
        %get3A_476 = arith.index_cast %get3A_474 : i32 to index
        %get3A_477 = arith.index_cast %get3A_475 : i32 to index
        %get3A_478 = arith.index_cast %mul3A_258 : i32 to index
        %get3A_479 = tpu.vector_load %arg5[%get3A_476, %get3A_477, %get3A_478] {strides = array<i32>} : memref<19x8x256xf32, #tpu.memory_space<vmem>>, vector<1x1x16xf32>,
        %get3A_480 = vector.shape_cast %get3A_479 : vector<1x1x16xf32> to vector<16xf32>
        %mul3A_481 = arith.mulf %get3A_480, %get3A_480 : vector<16xf32>
        %add3A_482 = arith.addf %add3A_473, %mul3A_481 : vector<16xf32>
        %get3A_483 = arith.constant 3 : i32
        %get3A_484 = arith.constant 1 : i32
        %get3A_485 = arith.index_cast %get3A_483 : i32 to index
        %get3A_486 = arith.index_cast %get3A_484 : i32 to index
        %get3A_487 = arith.index_cast %mul3A_258 : i32 to index
        %get3A_488 = tpu.vector_load %arg5[%get3A_485, %get3A_486, %get3A_487] {strides = array<i32>} : memref<19x8x256xf32, #tpu.memory_space<vmem>>, vector<1x1x16xf32>,
        %get3A_489 = vector.shape_cast %get3A_488 : vector<1x1x16xf32> to vector<16xf32>
        %mul3A_490 = arith.mulf %get3A_489, %get3A_489 : vector<16xf32>
        %add3A_491 = arith.addf %add3A_482, %mul3A_490 : vector<16xf32>
        %get3A_492 = arith.constant 4 : i32
        %get3A_493 = arith.constant 1 : i32
        %get3A_494 = arith.index_cast %get3A_492 : i32 to index
        %get3A_495 = arith.index_cast %get3A_493 : i32 to index
        %get3A_496 = arith.index_cast %mul3A_258 : i32 to index
        %get3A_497 = tpu.vector_load %arg5[%get3A_494, %get3A_495, %get3A_496] {strides = array<i32>} : memref<19x8x256xf32, #tpu.memory_space<vmem>>, vector<1x1x16xf32>,
        %get3A_498 = vector.shape_cast %get3A_497 : vector<1x1x16xf32> to vector<16xf32>
        %mul3A_499 = arith.mulf %get3A_498, %get3A_498 : vector<16xf32>
        %add3A_500 = arith.addf %add3A_491, %mul3A_499 : vector<16xf32>
        %get3A_501 = arith.constant 5 : i32
        %get3A_502 = arith.constant 1 : i32
        %get3A_503 = arith.index_cast %get3A_501 : i32 to index
        %get3A_504 = arith.index_cast %get3A_502 : i32 to index
        %get3A_505 = arith.index_cast %mul3A_258 : i32 to index
        %get3A_506 = tpu.vector_load %arg5[%get3A_503, %get3A_504, %get3A_505] {strides = array<i32>} : memref<19x8x256xf32, #tpu.memory_space<vmem>>, vector<1x1x16xf32>,
        %get3A_507 = vector.shape_cast %get3A_506 : vector<1x1x16xf32> to vector<16xf32>
        %mul3A_508 = arith.mulf %get3A_507, %get3A_507 : vector<16xf32>
        %add3A_509 = arith.addf %add3A_500, %mul3A_508 : vector<16xf32>
        %get3A_510 = arith.constant 6 : i32
        %get3A_511 = arith.constant 1 : i32
        %get3A_512 = arith.index_cast %get3A_510 : i32 to index
        %get3A_513 = arith.index_cast %get3A_511 : i32 to index
        %get3A_514 = arith.index_cast %mul3A_258 : i32 to index
        %get3A_515 = tpu.vector_load %arg5[%get3A_512, %get3A_513, %get3A_514] {strides = array<i32>} : memref<19x8x256xf32, #tpu.memory_space<vmem>>, vector<1x1x16xf32>,
        %get3A_516 = vector.shape_cast %get3A_515 : vector<1x1x16xf32> to vector<16xf32>
        %mul3A_517 = arith.mulf %get3A_516, %get3A_516 : vector<16xf32>
        %add3A_518 = arith.addf %add3A_509, %mul3A_517 : vector<16xf32>
        %get3A_519 = arith.constant 7 : i32
        %get3A_520 = arith.constant 1 : i32
        %get3A_521 = arith.index_cast %get3A_519 : i32 to index
        %get3A_522 = arith.index_cast %get3A_520 : i32 to index
        %get3A_523 = arith.index_cast %mul3A_258 : i32 to index
        %get3A_524 = tpu.vector_load %arg5[%get3A_521, %get3A_522, %get3A_523] {strides = array<i32>} : memref<19x8x256xf32, #tpu.memory_space<vmem>>, vector<1x1x16xf32>,
        %get3A_525 = vector.shape_cast %get3A_524 : vector<1x1x16xf32> to vector<16xf32>
        %mul3A_526 = arith.mulf %get3A_525, %get3A_525 : vector<16xf32>
        %add3A_527 = arith.addf %add3A_518, %mul3A_526 : vector<16xf32>
        %get3A_528 = arith.constant 8 : i32
        %get3A_529 = arith.constant 1 : i32
        %get3A_530 = arith.index_cast %get3A_528 : i32 to index
        %get3A_531 = arith.index_cast %get3A_529 : i32 to index
        %get3A_532 = arith.index_cast %mul3A_258 : i32 to index
        %get3A_533 = tpu.vector_load %arg5[%get3A_530, %get3A_531, %get3A_532] {strides = array<i32>} : memref<19x8x256xf32, #tpu.memory_space<vmem>>, vector<1x1x16xf32>,
        %get3A_534 = vector.shape_cast %get3A_533 : vector<1x1x16xf32> to vector<16xf32>
        %mul3A_535 = arith.mulf %get3A_534, %get3A_534 : vector<16xf32>
        %add3A_536 = arith.addf %add3A_527, %mul3A_535 : vector<16xf32>
        %get3A_537 = arith.constant 9 : i32
        %get3A_538 = arith.constant 1 : i32
        %get3A_539 = arith.index_cast %get3A_537 : i32 to index
        %get3A_540 = arith.index_cast %get3A_538 : i32 to index
        %get3A_541 = arith.index_cast %mul3A_258 : i32 to index
        %get3A_542 = tpu.vector_load %arg5[%get3A_539, %get3A_540, %get3A_541] {strides = array<i32>} : memref<19x8x256xf32, #tpu.memory_space<vmem>>, vector<1x1x16xf32>,
        %get3A_543 = vector.shape_cast %get3A_542 : vector<1x1x16xf32> to vector<16xf32>
        %mul3A_544 = arith.mulf %get3A_543, %get3A_543 : vector<16xf32>
        %add3A_545 = arith.addf %add3A_536, %mul3A_544 : vector<16xf32>
        %get3A_546 = arith.constant 10 : i32
        %get3A_547 = arith.constant 1 : i32
        %get3A_548 = arith.index_cast %get3A_546 : i32 to index
        %get3A_549 = arith.index_cast %get3A_547 : i32 to index
        %get3A_550 = arith.index_cast %mul3A_258 : i32 to index
        %get3A_551 = tpu.vector_load %arg5[%get3A_548, %get3A_549, %get3A_550] {strides = array<i32>} : memref<19x8x256xf32, #tpu.memory_space<vmem>>, vector<1x1x16xf32>,
        %get3A_552 = vector.shape_cast %get3A_551 : vector<1x1x16xf32> to vector<16xf32>
        %mul3A_553 = arith.mulf %get3A_552, %get3A_552 : vector<16xf32>
        %add3A_554 = arith.addf %add3A_545, %mul3A_553 : vector<16xf32>
        %get3A_555 = arith.constant 11 : i32
        %get3A_556 = arith.constant 1 : i32
        %get3A_557 = arith.index_cast %get3A_555 : i32 to index
        %get3A_558 = arith.index_cast %get3A_556 : i32 to index
        %get3A_559 = arith.index_cast %mul3A_258 : i32 to index
        %get3A_560 = tpu.vector_load %arg5[%get3A_557, %get3A_558, %get3A_559] {strides = array<i32>} : memref<19x8x256xf32, #tpu.memory_space<vmem>>, vector<1x1x16xf32>,
        %get3A_561 = vector.shape_cast %get3A_560 : vector<1x1x16xf32> to vector<16xf32>
        %mul3A_562 = arith.mulf %get3A_561, %get3A_561 : vector<16xf32>
        %add3A_563 = arith.addf %add3A_554, %mul3A_562 : vector<16xf32>
        %get3A_564 = arith.constant 12 : i32
        %get3A_565 = arith.constant 1 : i32
        %get3A_566 = arith.index_cast %get3A_564 : i32 to index
        %get3A_567 = arith.index_cast %get3A_565 : i32 to index
        %get3A_568 = arith.index_cast %mul3A_258 : i32 to index
        %get3A_569 = tpu.vector_load %arg5[%get3A_566, %get3A_567, %get3A_568] {strides = array<i32>} : memref<19x8x256xf32, #tpu.memory_space<vmem>>, vector<1x1x16xf32>,
        %get3A_570 = vector.shape_cast %get3A_569 : vector<1x1x16xf32> to vector<16xf32>
        %mul3A_571 = arith.mulf %get3A_570, %get3A_570 : vector<16xf32>
        %add3A_572 = arith.addf %add3A_563, %mul3A_571 : vector<16xf32>
        %get3A_573 = arith.constant 13 : i32
        %get3A_574 = arith.constant 1 : i32
        %get3A_575 = arith.index_cast %get3A_573 : i32 to index
        %get3A_576 = arith.index_cast %get3A_574 : i32 to index
        %get3A_577 = arith.index_cast %mul3A_258 : i32 to index
        %get3A_578 = tpu.vector_load %arg5[%get3A_575, %get3A_576, %get3A_577] {strides = array<i32>} : memref<19x8x256xf32, #tpu.memory_space<vmem>>, vector<1x1x16xf32>,
        %get3A_579 = vector.shape_cast %get3A_578 : vector<1x1x16xf32> to vector<16xf32>
        %mul3A_580 = arith.mulf %get3A_579, %get3A_579 : vector<16xf32>
        %add3A_581 = arith.addf %add3A_572, %mul3A_580 : vector<16xf32>
        %get3A_582 = arith.constant 14 : i32
        %get3A_583 = arith.constant 1 : i32
        %get3A_584 = arith.index_cast %get3A_582 : i32 to index
        %get3A_585 = arith.index_cast %get3A_583 : i32 to index
        %get3A_586 = arith.index_cast %mul3A_258 : i32 to index
        %get3A_587 = tpu.vector_load %arg5[%get3A_584, %get3A_585, %get3A_586] {strides = array<i32>} : memref<19x8x256xf32, #tpu.memory_space<vmem>>, vector<1x1x16xf32>,
        %get3A_588 = vector.shape_cast %get3A_587 : vector<1x1x16xf32> to vector<16xf32>
        %mul3A_589 = arith.mulf %get3A_588, %get3A_588 : vector<16xf32>
        %add3A_590 = arith.addf %add3A_581, %mul3A_589 : vector<16xf32>
        %get3A_591 = arith.constant 15 : i32
        %get3A_592 = arith.constant 1 : i32
        %get3A_593 = arith.index_cast %get3A_591 : i32 to index
        %get3A_594 = arith.index_cast %get3A_592 : i32 to index
        %get3A_595 = arith.index_cast %mul3A_258 : i32 to index
        %get3A_596 = tpu.vector_load %arg5[%get3A_593, %get3A_594, %get3A_595] {strides = array<i32>} : memref<19x8x256xf32, #tpu.memory_space<vmem>>, vector<1x1x16xf32>,
        %get3A_597 = vector.shape_cast %get3A_596 : vector<1x1x16xf32> to vector<16xf32>
        %mul3A_598 = arith.mulf %get3A_597, %get3A_597 : vector<16xf32>
        %add3A_599 = arith.addf %add3A_590, %mul3A_598 : vector<16xf32>
        %get3A_600 = arith.constant 16 : i32
        %get3A_601 = arith.constant 1 : i32
        %get3A_602 = arith.index_cast %get3A_600 : i32 to index
        %get3A_603 = arith.index_cast %get3A_601 : i32 to index
        %get3A_604 = arith.index_cast %mul3A_258 : i32 to index
        %get3A_605 = tpu.vector_load %arg5[%get3A_602, %get3A_603, %get3A_604] {strides = array<i32>} : memref<19x8x256xf32, #tpu.memory_space<vmem>>, vector<1x1x16xf32>,
        %get3A_606 = vector.shape_cast %get3A_605 : vector<1x1x16xf32> to vector<16xf32>
        %mul3A_607 = arith.mulf %get3A_606, %get3A_606 : vector<16xf32>
        %add3A_608 = arith.addf %add3A_599, %mul3A_607 : vector<16xf32>
        %get3A_609 = arith.constant 17 : i32
        %get3A_610 = arith.constant 1 : i32
        %get3A_611 = arith.index_cast %get3A_609 : i32 to index
        %get3A_612 = arith.index_cast %get3A_610 : i32 to index
        %get3A_613 = arith.index_cast %mul3A_258 : i32 to index
        %get3A_614 = tpu.vector_load %arg5[%get3A_611, %get3A_612, %get3A_613] {strides = array<i32>} : memref<19x8x256xf32, #tpu.memory_space<vmem>>, vector<1x1x16xf32>,
        %get3A_615 = vector.shape_cast %get3A_614 : vector<1x1x16xf32> to vector<16xf32>
        %mul3A_616 = arith.mulf %get3A_615, %get3A_615 : vector<16xf32>
        %add3A_617 = arith.addf %add3A_608, %mul3A_616 : vector<16xf32>
        %get3A_618 = arith.constant 18 : i32
        %get3A_619 = arith.constant 1 : i32
        %get3A_620 = arith.index_cast %get3A_618 : i32 to index
        %get3A_621 = arith.index_cast %get3A_619 : i32 to index
        %get3A_622 = arith.index_cast %mul3A_258 : i32 to index
        %get3A_623 = tpu.vector_load %arg5[%get3A_620, %get3A_621, %get3A_622] {strides = array<i32>} : memref<19x8x256xf32, #tpu.memory_space<vmem>>, vector<1x1x16xf32>,
        %get3A_624 = vector.shape_cast %get3A_623 : vector<1x1x16xf32> to vector<16xf32>
        %mul3A_625 = arith.mulf %get3A_624, %get3A_624 : vector<16xf32>
        %add3A_626 = arith.addf %add3A_617, %mul3A_625 : vector<16xf32>
        %get3A_627 = arith.constant 1 : i32
        %get3A_628 = arith.index_cast %get3A_627 : i32 to index
        %get3A_629 = arith.index_cast %mul3A_258 : i32 to index
        %get3A_630 = tpu.vector_load %arg7[%get3A_628, %get3A_629] {strides = array<i32>} : memref<8x256xi32, #tpu.memory_space<vmem>>, vector<1x16xi32>,
        %get3A_631 = vector.shape_cast %get3A_630 : vector<1x16xi32> to vector<16xi32>
        %eq3A_632 = arith.constant 0 : i32
        %eq3A_633 = vector.broadcast %eq3A_632 : i32 to vector<16xi32>
        %eq3A_634 = arith.cmpi eq, %get3A_631, %eq3A_633 : vector<16xi32>
        %jit3A_635 = arith.constant 0.000000e+00 : f32
        %broadcast_in_dim3A_636 = vector.broadcast %jit3A_635 : f32 to vector<16xf32>
        %select_n3A_637 = arith.select %eq3A_634, %add3A_626, %broadcast_in_dim3A_636 : vector<16xi1>, vector<16xf32>
        %add3A_638 = arith.addf %scan3A_246, %select_n3A_637 : vector<16xf32>
        %sub3A_639 = arith.constant 1.000000e+00 : f32
        %sub3A_640 = vector.broadcast %sub3A_639 : f32 to vector<16xf32>
        %sub3A_641 = arith.subf %sub3A_640, %add3A_626 : vector<16xf32>
        %max3A_642 = arith.constant 0.000000e+00 : f32
        %max3A_643 = vector.broadcast %max3A_642 : f32 to vector<16xf32>
        %max3A_644 = arith.maximumf %sub3A_641, %max3A_643 : vector<16xf32>
        %jit3A_645 = arith.constant 0.000000e+00 : f32
        %broadcast_in_dim3A_646 = vector.broadcast %jit3A_645 : f32 to vector<16xf32>
        %select_n3A_647 = arith.select %eq3A_634, %broadcast_in_dim3A_646, %max3A_644 : vector<16xi1>, vector<16xf32>
        %add3A_648 = arith.addf %scan3A_250, %select_n3A_647 : vector<16xf32>
        %jit3A_649 = arith.constant 1.000000e+00 : f32
        %jit3A_650 = arith.constant 0.000000e+00 : f32
        %broadcast_in_dim3A_651 = vector.broadcast %jit3A_649 : f32 to vector<16xf32>
        %broadcast_in_dim3A_652 = vector.broadcast %jit3A_650 : f32 to vector<16xf32>
        %select_n3A_653 = arith.select %eq3A_634, %broadcast_in_dim3A_651, %broadcast_in_dim3A_652 : vector<16xi1>, vector<16xf32>
        %add3A_654 = arith.addf %scan3A_254, %select_n3A_653 : vector<16xf32>
        %get3A_655 = arith.constant 0 : i32
        %get3A_656 = arith.constant 2 : i32
        %get3A_657 = arith.index_cast %get3A_655 : i32 to index
        %get3A_658 = arith.index_cast %get3A_656 : i32 to index
        %get3A_659 = arith.index_cast %mul3A_258 : i32 to index
        %get3A_660 = tpu.vector_load %arg5[%get3A_657, %get3A_658, %get3A_659] {strides = array<i32>} : memref<19x8x256xf32, #tpu.memory_space<vmem>>, vector<1x1x16xf32>,
        %get3A_661 = vector.shape_cast %get3A_660 : vector<1x1x16xf32> to vector<16xf32>
        %mul3A_662 = arith.mulf %get3A_661, %get3A_661 : vector<16xf32>
        %add3A_663 = arith.addf %broadcast_in_dim3A_1, %mul3A_662 : vector<16xf32>
        %get3A_664 = arith.constant 1 : i32
        %get3A_665 = arith.constant 2 : i32
        %get3A_666 = arith.index_cast %get3A_664 : i32 to index
        %get3A_667 = arith.index_cast %get3A_665 : i32 to index
        %get3A_668 = arith.index_cast %mul3A_258 : i32 to index
        %get3A_669 = tpu.vector_load %arg5[%get3A_666, %get3A_667, %get3A_668] {strides = array<i32>} : memref<19x8x256xf32, #tpu.memory_space<vmem>>, vector<1x1x16xf32>,
        %get3A_670 = vector.shape_cast %get3A_669 : vector<1x1x16xf32> to vector<16xf32>
        %mul3A_671 = arith.mulf %get3A_670, %get3A_670 : vector<16xf32>
        %add3A_672 = arith.addf %add3A_663, %mul3A_671 : vector<16xf32>
        %get3A_673 = arith.constant 2 : i32
        %get3A_674 = arith.constant 2 : i32
        %get3A_675 = arith.index_cast %get3A_673 : i32 to index
        %get3A_676 = arith.index_cast %get3A_674 : i32 to index
        %get3A_677 = arith.index_cast %mul3A_258 : i32 to index
        %get3A_678 = tpu.vector_load %arg5[%get3A_675, %get3A_676, %get3A_677] {strides = array<i32>} : memref<19x8x256xf32, #tpu.memory_space<vmem>>, vector<1x1x16xf32>,
        %get3A_679 = vector.shape_cast %get3A_678 : vector<1x1x16xf32> to vector<16xf32>
        %mul3A_680 = arith.mulf %get3A_679, %get3A_679 : vector<16xf32>
        %add3A_681 = arith.addf %add3A_672, %mul3A_680 : vector<16xf32>
        %get3A_682 = arith.constant 3 : i32
        %get3A_683 = arith.constant 2 : i32
        %get3A_684 = arith.index_cast %get3A_682 : i32 to index
        %get3A_685 = arith.index_cast %get3A_683 : i32 to index
        %get3A_686 = arith.index_cast %mul3A_258 : i32 to index
        %get3A_687 = tpu.vector_load %arg5[%get3A_684, %get3A_685, %get3A_686] {strides = array<i32>} : memref<19x8x256xf32, #tpu.memory_space<vmem>>, vector<1x1x16xf32>,
        %get3A_688 = vector.shape_cast %get3A_687 : vector<1x1x16xf32> to vector<16xf32>
        %mul3A_689 = arith.mulf %get3A_688, %get3A_688 : vector<16xf32>
        %add3A_690 = arith.addf %add3A_681, %mul3A_689 : vector<16xf32>
        %get3A_691 = arith.constant 4 : i32
        %get3A_692 = arith.constant 2 : i32
        %get3A_693 = arith.index_cast %get3A_691 : i32 to index
        %get3A_694 = arith.index_cast %get3A_692 : i32 to index
        %get3A_695 = arith.index_cast %mul3A_258 : i32 to index
        %get3A_696 = tpu.vector_load %arg5[%get3A_693, %get3A_694, %get3A_695] {strides = array<i32>} : memref<19x8x256xf32, #tpu.memory_space<vmem>>, vector<1x1x16xf32>,
        %get3A_697 = vector.shape_cast %get3A_696 : vector<1x1x16xf32> to vector<16xf32>
        %mul3A_698 = arith.mulf %get3A_697, %get3A_697 : vector<16xf32>
        %add3A_699 = arith.addf %add3A_690, %mul3A_698 : vector<16xf32>
        %get3A_700 = arith.constant 5 : i32
        %get3A_701 = arith.constant 2 : i32
        %get3A_702 = arith.index_cast %get3A_700 : i32 to index
        %get3A_703 = arith.index_cast %get3A_701 : i32 to index
        %get3A_704 = arith.index_cast %mul3A_258 : i32 to index
        %get3A_705 = tpu.vector_load %arg5[%get3A_702, %get3A_703, %get3A_704] {strides = array<i32>} : memref<19x8x256xf32, #tpu.memory_space<vmem>>, vector<1x1x16xf32>,
        %get3A_706 = vector.shape_cast %get3A_705 : vector<1x1x16xf32> to vector<16xf32>
        %mul3A_707 = arith.mulf %get3A_706, %get3A_706 : vector<16xf32>
        %add3A_708 = arith.addf %add3A_699, %mul3A_707 : vector<16xf32>
        %get3A_709 = arith.constant 6 : i32
        %get3A_710 = arith.constant 2 : i32
        %get3A_711 = arith.index_cast %get3A_709 : i32 to index
        %get3A_712 = arith.index_cast %get3A_710 : i32 to index
        %get3A_713 = arith.index_cast %mul3A_258 : i32 to index
        %get3A_714 = tpu.vector_load %arg5[%get3A_711, %get3A_712, %get3A_713] {strides = array<i32>} : memref<19x8x256xf32, #tpu.memory_space<vmem>>, vector<1x1x16xf32>,
        %get3A_715 = vector.shape_cast %get3A_714 : vector<1x1x16xf32> to vector<16xf32>
        %mul3A_716 = arith.mulf %get3A_715, %get3A_715 : vector<16xf32>
        %add3A_717 = arith.addf %add3A_708, %mul3A_716 : vector<16xf32>
        %get3A_718 = arith.constant 7 : i32
        %get3A_719 = arith.constant 2 : i32
        %get3A_720 = arith.index_cast %get3A_718 : i32 to index
        %get3A_721 = arith.index_cast %get3A_719 : i32 to index
        %get3A_722 = arith.index_cast %mul3A_258 : i32 to index
        %get3A_723 = tpu.vector_load %arg5[%get3A_720, %get3A_721, %get3A_722] {strides = array<i32>} : memref<19x8x256xf32, #tpu.memory_space<vmem>>, vector<1x1x16xf32>,
        %get3A_724 = vector.shape_cast %get3A_723 : vector<1x1x16xf32> to vector<16xf32>
        %mul3A_725 = arith.mulf %get3A_724, %get3A_724 : vector<16xf32>
        %add3A_726 = arith.addf %add3A_717, %mul3A_725 : vector<16xf32>
        %get3A_727 = arith.constant 8 : i32
        %get3A_728 = arith.constant 2 : i32
        %get3A_729 = arith.index_cast %get3A_727 : i32 to index
        %get3A_730 = arith.index_cast %get3A_728 : i32 to index
        %get3A_731 = arith.index_cast %mul3A_258 : i32 to index
        %get3A_732 = tpu.vector_load %arg5[%get3A_729, %get3A_730, %get3A_731] {strides = array<i32>} : memref<19x8x256xf32, #tpu.memory_space<vmem>>, vector<1x1x16xf32>,
        %get3A_733 = vector.shape_cast %get3A_732 : vector<1x1x16xf32> to vector<16xf32>
        %mul3A_734 = arith.mulf %get3A_733, %get3A_733 : vector<16xf32>
        %add3A_735 = arith.addf %add3A_726, %mul3A_734 : vector<16xf32>
        %get3A_736 = arith.constant 9 : i32
        %get3A_737 = arith.constant 2 : i32
        %get3A_738 = arith.index_cast %get3A_736 : i32 to index
        %get3A_739 = arith.index_cast %get3A_737 : i32 to index
        %get3A_740 = arith.index_cast %mul3A_258 : i32 to index
        %get3A_741 = tpu.vector_load %arg5[%get3A_738, %get3A_739, %get3A_740] {strides = array<i32>} : memref<19x8x256xf32, #tpu.memory_space<vmem>>, vector<1x1x16xf32>,
        %get3A_742 = vector.shape_cast %get3A_741 : vector<1x1x16xf32> to vector<16xf32>
        %mul3A_743 = arith.mulf %get3A_742, %get3A_742 : vector<16xf32>
        %add3A_744 = arith.addf %add3A_735, %mul3A_743 : vector<16xf32>
        %get3A_745 = arith.constant 10 : i32
        %get3A_746 = arith.constant 2 : i32
        %get3A_747 = arith.index_cast %get3A_745 : i32 to index
        %get3A_748 = arith.index_cast %get3A_746 : i32 to index
        %get3A_749 = arith.index_cast %mul3A_258 : i32 to index
        %get3A_750 = tpu.vector_load %arg5[%get3A_747, %get3A_748, %get3A_749] {strides = array<i32>} : memref<19x8x256xf32, #tpu.memory_space<vmem>>, vector<1x1x16xf32>,
        %get3A_751 = vector.shape_cast %get3A_750 : vector<1x1x16xf32> to vector<16xf32>
        %mul3A_752 = arith.mulf %get3A_751, %get3A_751 : vector<16xf32>
        %add3A_753 = arith.addf %add3A_744, %mul3A_752 : vector<16xf32>
        %get3A_754 = arith.constant 11 : i32
        %get3A_755 = arith.constant 2 : i32
        %get3A_756 = arith.index_cast %get3A_754 : i32 to index
        %get3A_757 = arith.index_cast %get3A_755 : i32 to index
        %get3A_758 = arith.index_cast %mul3A_258 : i32 to index
        %get3A_759 = tpu.vector_load %arg5[%get3A_756, %get3A_757, %get3A_758] {strides = array<i32>} : memref<19x8x256xf32, #tpu.memory_space<vmem>>, vector<1x1x16xf32>,
        %get3A_760 = vector.shape_cast %get3A_759 : vector<1x1x16xf32> to vector<16xf32>
        %mul3A_761 = arith.mulf %get3A_760, %get3A_760 : vector<16xf32>
        %add3A_762 = arith.addf %add3A_753, %mul3A_761 : vector<16xf32>
        %get3A_763 = arith.constant 12 : i32
        %get3A_764 = arith.constant 2 : i32
        %get3A_765 = arith.index_cast %get3A_763 : i32 to index
        %get3A_766 = arith.index_cast %get3A_764 : i32 to index
        %get3A_767 = arith.index_cast %mul3A_258 : i32 to index
        %get3A_768 = tpu.vector_load %arg5[%get3A_765, %get3A_766, %get3A_767] {strides = array<i32>} : memref<19x8x256xf32, #tpu.memory_space<vmem>>, vector<1x1x16xf32>,
        %get3A_769 = vector.shape_cast %get3A_768 : vector<1x1x16xf32> to vector<16xf32>
        %mul3A_770 = arith.mulf %get3A_769, %get3A_769 : vector<16xf32>
        %add3A_771 = arith.addf %add3A_762, %mul3A_770 : vector<16xf32>
        %get3A_772 = arith.constant 13 : i32
        %get3A_773 = arith.constant 2 : i32
        %get3A_774 = arith.index_cast %get3A_772 : i32 to index
        %get3A_775 = arith.index_cast %get3A_773 : i32 to index
        %get3A_776 = arith.index_cast %mul3A_258 : i32 to index
        %get3A_777 = tpu.vector_load %arg5[%get3A_774, %get3A_775, %get3A_776] {strides = array<i32>} : memref<19x8x256xf32, #tpu.memory_space<vmem>>, vector<1x1x16xf32>,
        %get3A_778 = vector.shape_cast %get3A_777 : vector<1x1x16xf32> to vector<16xf32>
        %mul3A_779 = arith.mulf %get3A_778, %get3A_778 : vector<16xf32>
        %add3A_780 = arith.addf %add3A_771, %mul3A_779 : vector<16xf32>
        %get3A_781 = arith.constant 14 : i32
        %get3A_782 = arith.constant 2 : i32
        %get3A_783 = arith.index_cast %get3A_781 : i32 to index
        %get3A_784 = arith.index_cast %get3A_782 : i32 to index
        %get3A_785 = arith.index_cast %mul3A_258 : i32 to index
        %get3A_786 = tpu.vector_load %arg5[%get3A_783, %get3A_784, %get3A_785] {strides = array<i32>} : memref<19x8x256xf32, #tpu.memory_space<vmem>>, vector<1x1x16xf32>,
        %get3A_787 = vector.shape_cast %get3A_786 : vector<1x1x16xf32> to vector<16xf32>
        %mul3A_788 = arith.mulf %get3A_787, %get3A_787 : vector<16xf32>
        %add3A_789 = arith.addf %add3A_780, %mul3A_788 : vector<16xf32>
        %get3A_790 = arith.constant 15 : i32
        %get3A_791 = arith.constant 2 : i32
        %get3A_792 = arith.index_cast %get3A_790 : i32 to index
        %get3A_793 = arith.index_cast %get3A_791 : i32 to index
        %get3A_794 = arith.index_cast %mul3A_258 : i32 to index
        %get3A_795 = tpu.vector_load %arg5[%get3A_792, %get3A_793, %get3A_794] {strides = array<i32>} : memref<19x8x256xf32, #tpu.memory_space<vmem>>, vector<1x1x16xf32>,
        %get3A_796 = vector.shape_cast %get3A_795 : vector<1x1x16xf32> to vector<16xf32>
        %mul3A_797 = arith.mulf %get3A_796, %get3A_796 : vector<16xf32>
        %add3A_798 = arith.addf %add3A_789, %mul3A_797 : vector<16xf32>
        %get3A_799 = arith.constant 16 : i32
        %get3A_800 = arith.constant 2 : i32
        %get3A_801 = arith.index_cast %get3A_799 : i32 to index
        %get3A_802 = arith.index_cast %get3A_800 : i32 to index
        %get3A_803 = arith.index_cast %mul3A_258 : i32 to index
        %get3A_804 = tpu.vector_load %arg5[%get3A_801, %get3A_802, %get3A_803] {strides = array<i32>} : memref<19x8x256xf32, #tpu.memory_space<vmem>>, vector<1x1x16xf32>,
        %get3A_805 = vector.shape_cast %get3A_804 : vector<1x1x16xf32> to vector<16xf32>
        %mul3A_806 = arith.mulf %get3A_805, %get3A_805 : vector<16xf32>
        %add3A_807 = arith.addf %add3A_798, %mul3A_806 : vector<16xf32>
        %get3A_808 = arith.constant 17 : i32
        %get3A_809 = arith.constant 2 : i32
        %get3A_810 = arith.index_cast %get3A_808 : i32 to index
        %get3A_811 = arith.index_cast %get3A_809 : i32 to index
        %get3A_812 = arith.index_cast %mul3A_258 : i32 to index
        %get3A_813 = tpu.vector_load %arg5[%get3A_810, %get3A_811, %get3A_812] {strides = array<i32>} : memref<19x8x256xf32, #tpu.memory_space<vmem>>, vector<1x1x16xf32>,
        %get3A_814 = vector.shape_cast %get3A_813 : vector<1x1x16xf32> to vector<16xf32>
        %mul3A_815 = arith.mulf %get3A_814, %get3A_814 : vector<16xf32>
        %add3A_816 = arith.addf %add3A_807, %mul3A_815 : vector<16xf32>
        %get3A_817 = arith.constant 18 : i32
        %get3A_818 = arith.constant 2 : i32
        %get3A_819 = arith.index_cast %get3A_817 : i32 to index
        %get3A_820 = arith.index_cast %get3A_818 : i32 to index
        %get3A_821 = arith.index_cast %mul3A_258 : i32 to index
        %get3A_822 = tpu.vector_load %arg5[%get3A_819, %get3A_820, %get3A_821] {strides = array<i32>} : memref<19x8x256xf32, #tpu.memory_space<vmem>>, vector<1x1x16xf32>,
        %get3A_823 = vector.shape_cast %get3A_822 : vector<1x1x16xf32> to vector<16xf32>
        %mul3A_824 = arith.mulf %get3A_823, %get3A_823 : vector<16xf32>
        %add3A_825 = arith.addf %add3A_816, %mul3A_824 : vector<16xf32>
        %get3A_826 = arith.constant 2 : i32
        %get3A_827 = arith.index_cast %get3A_826 : i32 to index
        %get3A_828 = arith.index_cast %mul3A_258 : i32 to index
        %get3A_829 = tpu.vector_load %arg7[%get3A_827, %get3A_828] {strides = array<i32>} : memref<8x256xi32, #tpu.memory_space<vmem>>, vector<1x16xi32>,
        %get3A_830 = vector.shape_cast %get3A_829 : vector<1x16xi32> to vector<16xi32>
        %eq3A_831 = arith.constant 0 : i32
        %eq3A_832 = vector.broadcast %eq3A_831 : i32 to vector<16xi32>
        %eq3A_833 = arith.cmpi eq, %get3A_830, %eq3A_832 : vector<16xi32>
        %jit3A_834 = arith.constant 0.000000e+00 : f32
        %broadcast_in_dim3A_835 = vector.broadcast %jit3A_834 : f32 to vector<16xf32>
        %select_n3A_836 = arith.select %eq3A_833, %add3A_825, %broadcast_in_dim3A_835 : vector<16xi1>, vector<16xf32>
        %add3A_837 = arith.addf %scan3A_247, %select_n3A_836 : vector<16xf32>
        %sub3A_838 = arith.constant 1.000000e+00 : f32
        %sub3A_839 = vector.broadcast %sub3A_838 : f32 to vector<16xf32>
        %sub3A_840 = arith.subf %sub3A_839, %add3A_825 : vector<16xf32>
        %max3A_841 = arith.constant 0.000000e+00 : f32
        %max3A_842 = vector.broadcast %max3A_841 : f32 to vector<16xf32>
        %max3A_843 = arith.maximumf %sub3A_840, %max3A_842 : vector<16xf32>
        %jit3A_844 = arith.constant 0.000000e+00 : f32
        %broadcast_in_dim3A_845 = vector.broadcast %jit3A_844 : f32 to vector<16xf32>
        %select_n3A_846 = arith.select %eq3A_833, %broadcast_in_dim3A_845, %max3A_843 : vector<16xi1>, vector<16xf32>
        %add3A_847 = arith.addf %scan3A_251, %select_n3A_846 : vector<16xf32>
        %jit3A_848 = arith.constant 1.000000e+00 : f32
        %jit3A_849 = arith.constant 0.000000e+00 : f32
        %broadcast_in_dim3A_850 = vector.broadcast %jit3A_848 : f32 to vector<16xf32>
        %broadcast_in_dim3A_851 = vector.broadcast %jit3A_849 : f32 to vector<16xf32>
        %select_n3A_852 = arith.select %eq3A_833, %broadcast_in_dim3A_850, %broadcast_in_dim3A_851 : vector<16xi1>, vector<16xf32>
        %add3A_853 = arith.addf %scan3A_255, %select_n3A_852 : vector<16xf32>
        %get3A_854 = arith.constant 0 : i32
        %get3A_855 = arith.constant 3 : i32
        %get3A_856 = arith.index_cast %get3A_854 : i32 to index
        %get3A_857 = arith.index_cast %get3A_855 : i32 to index
        %get3A_858 = arith.index_cast %mul3A_258 : i32 to index
        %get3A_859 = tpu.vector_load %arg5[%get3A_856, %get3A_857, %get3A_858] {strides = array<i32>} : memref<19x8x256xf32, #tpu.memory_space<vmem>>, vector<1x1x16xf32>,
        %get3A_860 = vector.shape_cast %get3A_859 : vector<1x1x16xf32> to vector<16xf32>
        %mul3A_861 = arith.mulf %get3A_860, %get3A_860 : vector<16xf32>
        %add3A_862 = arith.addf %broadcast_in_dim3A_1, %mul3A_861 : vector<16xf32>
        %get3A_863 = arith.constant 1 : i32
        %get3A_864 = arith.constant 3 : i32
        %get3A_865 = arith.index_cast %get3A_863 : i32 to index
        %get3A_866 = arith.index_cast %get3A_864 : i32 to index
        %get3A_867 = arith.index_cast %mul3A_258 : i32 to index
        %get3A_868 = tpu.vector_load %arg5[%get3A_865, %get3A_866, %get3A_867] {strides = array<i32>} : memref<19x8x256xf32, #tpu.memory_space<vmem>>, vector<1x1x16xf32>,
        %get3A_869 = vector.shape_cast %get3A_868 : vector<1x1x16xf32> to vector<16xf32>
        %mul3A_870 = arith.mulf %get3A_869, %get3A_869 : vector<16xf32>
        %add3A_871 = arith.addf %add3A_862, %mul3A_870 : vector<16xf32>
        %get3A_872 = arith.constant 2 : i32
        %get3A_873 = arith.constant 3 : i32
        %get3A_874 = arith.index_cast %get3A_872 : i32 to index
        %get3A_875 = arith.index_cast %get3A_873 : i32 to index
        %get3A_876 = arith.index_cast %mul3A_258 : i32 to index
        %get3A_877 = tpu.vector_load %arg5[%get3A_874, %get3A_875, %get3A_876] {strides = array<i32>} : memref<19x8x256xf32, #tpu.memory_space<vmem>>, vector<1x1x16xf32>,
        %get3A_878 = vector.shape_cast %get3A_877 : vector<1x1x16xf32> to vector<16xf32>
        %mul3A_879 = arith.mulf %get3A_878, %get3A_878 : vector<16xf32>
        %add3A_880 = arith.addf %add3A_871, %mul3A_879 : vector<16xf32>
        %get3A_881 = arith.constant 3 : i32
        %get3A_882 = arith.constant 3 : i32
        %get3A_883 = arith.index_cast %get3A_881 : i32 to index
        %get3A_884 = arith.index_cast %get3A_882 : i32 to index
        %get3A_885 = arith.index_cast %mul3A_258 : i32 to index
        %get3A_886 = tpu.vector_load %arg5[%get3A_883, %get3A_884, %get3A_885] {strides = array<i32>} : memref<19x8x256xf32, #tpu.memory_space<vmem>>, vector<1x1x16xf32>,
        %get3A_887 = vector.shape_cast %get3A_886 : vector<1x1x16xf32> to vector<16xf32>
        %mul3A_888 = arith.mulf %get3A_887, %get3A_887 : vector<16xf32>
        %add3A_889 = arith.addf %add3A_880, %mul3A_888 : vector<16xf32>
        %get3A_890 = arith.constant 4 : i32
        %get3A_891 = arith.constant 3 : i32
        %get3A_892 = arith.index_cast %get3A_890 : i32 to index
        %get3A_893 = arith.index_cast %get3A_891 : i32 to index
        %get3A_894 = arith.index_cast %mul3A_258 : i32 to index
        %get3A_895 = tpu.vector_load %arg5[%get3A_892, %get3A_893, %get3A_894] {strides = array<i32>} : memref<19x8x256xf32, #tpu.memory_space<vmem>>, vector<1x1x16xf32>,
        %get3A_896 = vector.shape_cast %get3A_895 : vector<1x1x16xf32> to vector<16xf32>
        %mul3A_897 = arith.mulf %get3A_896, %get3A_896 : vector<16xf32>
        %add3A_898 = arith.addf %add3A_889, %mul3A_897 : vector<16xf32>
        %get3A_899 = arith.constant 5 : i32
        %get3A_900 = arith.constant 3 : i32
        %get3A_901 = arith.index_cast %get3A_899 : i32 to index
        %get3A_902 = arith.index_cast %get3A_900 : i32 to index
        %get3A_903 = arith.index_cast %mul3A_258 : i32 to index
        %get3A_904 = tpu.vector_load %arg5[%get3A_901, %get3A_902, %get3A_903] {strides = array<i32>} : memref<19x8x256xf32, #tpu.memory_space<vmem>>, vector<1x1x16xf32>,
        %get3A_905 = vector.shape_cast %get3A_904 : vector<1x1x16xf32> to vector<16xf32>
        %mul3A_906 = arith.mulf %get3A_905, %get3A_905 : vector<16xf32>
        %add3A_907 = arith.addf %add3A_898, %mul3A_906 : vector<16xf32>
        %get3A_908 = arith.constant 6 : i32
        %get3A_909 = arith.constant 3 : i32
        %get3A_910 = arith.index_cast %get3A_908 : i32 to index
        %get3A_911 = arith.index_cast %get3A_909 : i32 to index
        %get3A_912 = arith.index_cast %mul3A_258 : i32 to index
        %get3A_913 = tpu.vector_load %arg5[%get3A_910, %get3A_911, %get3A_912] {strides = array<i32>} : memref<19x8x256xf32, #tpu.memory_space<vmem>>, vector<1x1x16xf32>,
        %get3A_914 = vector.shape_cast %get3A_913 : vector<1x1x16xf32> to vector<16xf32>
        %mul3A_915 = arith.mulf %get3A_914, %get3A_914 : vector<16xf32>
        %add3A_916 = arith.addf %add3A_907, %mul3A_915 : vector<16xf32>
        %get3A_917 = arith.constant 7 : i32
        %get3A_918 = arith.constant 3 : i32
        %get3A_919 = arith.index_cast %get3A_917 : i32 to index
        %get3A_920 = arith.index_cast %get3A_918 : i32 to index
        %get3A_921 = arith.index_cast %mul3A_258 : i32 to index
        %get3A_922 = tpu.vector_load %arg5[%get3A_919, %get3A_920, %get3A_921] {strides = array<i32>} : memref<19x8x256xf32, #tpu.memory_space<vmem>>, vector<1x1x16xf32>,
        %get3A_923 = vector.shape_cast %get3A_922 : vector<1x1x16xf32> to vector<16xf32>
        %mul3A_924 = arith.mulf %get3A_923, %get3A_923 : vector<16xf32>
        %add3A_925 = arith.addf %add3A_916, %mul3A_924 : vector<16xf32>
        %get3A_926 = arith.constant 8 : i32
        %get3A_927 = arith.constant 3 : i32
        %get3A_928 = arith.index_cast %get3A_926 : i32 to index
        %get3A_929 = arith.index_cast %get3A_927 : i32 to index
        %get3A_930 = arith.index_cast %mul3A_258 : i32 to index
        %get3A_931 = tpu.vector_load %arg5[%get3A_928, %get3A_929, %get3A_930] {strides = array<i32>} : memref<19x8x256xf32, #tpu.memory_space<vmem>>, vector<1x1x16xf32>,
        %get3A_932 = vector.shape_cast %get3A_931 : vector<1x1x16xf32> to vector<16xf32>
        %mul3A_933 = arith.mulf %get3A_932, %get3A_932 : vector<16xf32>
        %add3A_934 = arith.addf %add3A_925, %mul3A_933 : vector<16xf32>
        %get3A_935 = arith.constant 9 : i32
        %get3A_936 = arith.constant 3 : i32
        %get3A_937 = arith.index_cast %get3A_935 : i32 to index
        %get3A_938 = arith.index_cast %get3A_936 : i32 to index
        %get3A_939 = arith.index_cast %mul3A_258 : i32 to index
        %get3A_940 = tpu.vector_load %arg5[%get3A_937, %get3A_938, %get3A_939] {strides = array<i32>} : memref<19x8x256xf32, #tpu.memory_space<vmem>>, vector<1x1x16xf32>,
        %get3A_941 = vector.shape_cast %get3A_940 : vector<1x1x16xf32> to vector<16xf32>
        %mul3A_942 = arith.mulf %get3A_941, %get3A_941 : vector<16xf32>
        %add3A_943 = arith.addf %add3A_934, %mul3A_942 : vector<16xf32>
        %get3A_944 = arith.constant 10 : i32
        %get3A_945 = arith.constant 3 : i32
        %get3A_946 = arith.index_cast %get3A_944 : i32 to index
        %get3A_947 = arith.index_cast %get3A_945 : i32 to index
        %get3A_948 = arith.index_cast %mul3A_258 : i32 to index
        %get3A_949 = tpu.vector_load %arg5[%get3A_946, %get3A_947, %get3A_948] {strides = array<i32>} : memref<19x8x256xf32, #tpu.memory_space<vmem>>, vector<1x1x16xf32>,
        %get3A_950 = vector.shape_cast %get3A_949 : vector<1x1x16xf32> to vector<16xf32>
        %mul3A_951 = arith.mulf %get3A_950, %get3A_950 : vector<16xf32>
        %add3A_952 = arith.addf %add3A_943, %mul3A_951 : vector<16xf32>
        %get3A_953 = arith.constant 11 : i32
        %get3A_954 = arith.constant 3 : i32
        %get3A_955 = arith.index_cast %get3A_953 : i32 to index
        %get3A_956 = arith.index_cast %get3A_954 : i32 to index
        %get3A_957 = arith.index_cast %mul3A_258 : i32 to index
        %get3A_958 = tpu.vector_load %arg5[%get3A_955, %get3A_956, %get3A_957] {strides = array<i32>} : memref<19x8x256xf32, #tpu.memory_space<vmem>>, vector<1x1x16xf32>,
        %get3A_959 = vector.shape_cast %get3A_958 : vector<1x1x16xf32> to vector<16xf32>
        %mul3A_960 = arith.mulf %get3A_959, %get3A_959 : vector<16xf32>
        %add3A_961 = arith.addf %add3A_952, %mul3A_960 : vector<16xf32>
        %get3A_962 = arith.constant 12 : i32
        %get3A_963 = arith.constant 3 : i32
        %get3A_964 = arith.index_cast %get3A_962 : i32 to index
        %get3A_965 = arith.index_cast %get3A_963 : i32 to index
        %get3A_966 = arith.index_cast %mul3A_258 : i32 to index
        %get3A_967 = tpu.vector_load %arg5[%get3A_964, %get3A_965, %get3A_966] {strides = array<i32>} : memref<19x8x256xf32, #tpu.memory_space<vmem>>, vector<1x1x16xf32>,
        %get3A_968 = vector.shape_cast %get3A_967 : vector<1x1x16xf32> to vector<16xf32>
        %mul3A_969 = arith.mulf %get3A_968, %get3A_968 : vector<16xf32>
        %add3A_970 = arith.addf %add3A_961, %mul3A_969 : vector<16xf32>
        %get3A_971 = arith.constant 13 : i32
        %get3A_972 = arith.constant 3 : i32
        %get3A_973 = arith.index_cast %get3A_971 : i32 to index
        %get3A_974 = arith.index_cast %get3A_972 : i32 to index
        %get3A_975 = arith.index_cast %mul3A_258 : i32 to index
        %get3A_976 = tpu.vector_load %arg5[%get3A_973, %get3A_974, %get3A_975] {strides = array<i32>} : memref<19x8x256xf32, #tpu.memory_space<vmem>>, vector<1x1x16xf32>,
        %get3A_977 = vector.shape_cast %get3A_976 : vector<1x1x16xf32> to vector<16xf32>
        %mul3A_978 = arith.mulf %get3A_977, %get3A_977 : vector<16xf32>
        %add3A_979 = arith.addf %add3A_970, %mul3A_978 : vector<16xf32>
        %get3A_980 = arith.constant 14 : i32
        %get3A_981 = arith.constant 3 : i32
        %get3A_982 = arith.index_cast %get3A_980 : i32 to index
        %get3A_983 = arith.index_cast %get3A_981 : i32 to index
        %get3A_984 = arith.index_cast %mul3A_258 : i32 to index
        %get3A_985 = tpu.vector_load %arg5[%get3A_982, %get3A_983, %get3A_984] {strides = array<i32>} : memref<19x8x256xf32, #tpu.memory_space<vmem>>, vector<1x1x16xf32>,
        %get3A_986 = vector.shape_cast %get3A_985 : vector<1x1x16xf32> to vector<16xf32>
        %mul3A_987 = arith.mulf %get3A_986, %get3A_986 : vector<16xf32>
        %add3A_988 = arith.addf %add3A_979, %mul3A_987 : vector<16xf32>
        %get3A_989 = arith.constant 15 : i32
        %get3A_990 = arith.constant 3 : i32
        %get3A_991 = arith.index_cast %get3A_989 : i32 to index
        %get3A_992 = arith.index_cast %get3A_990 : i32 to index
        %get3A_993 = arith.index_cast %mul3A_258 : i32 to index
        %get3A_994 = tpu.vector_load %arg5[%get3A_991, %get3A_992, %get3A_993] {strides = array<i32>} : memref<19x8x256xf32, #tpu.memory_space<vmem>>, vector<1x1x16xf32>,
        %get3A_995 = vector.shape_cast %get3A_994 : vector<1x1x16xf32> to vector<16xf32>
        %mul3A_996 = arith.mulf %get3A_995, %get3A_995 : vector<16xf32>
        %add3A_997 = arith.addf %add3A_988, %mul3A_996 : vector<16xf32>
        %get3A_998 = arith.constant 16 : i32
        %get3A_999 = arith.constant 3 : i32
        %get3A_1000 = arith.index_cast %get3A_998 : i32 to index
        %get3A_1001 = arith.index_cast %get3A_999 : i32 to index
        %get3A_1002 = arith.index_cast %mul3A_258 : i32 to index
        %get3A_1003 = tpu.vector_load %arg5[%get3A_1000, %get3A_1001, %get3A_1002] {strides = array<i32>} : memref<19x8x256xf32, #tpu.memory_space<vmem>>, vector<1x1x16xf32>,
        %get3A_1004 = vector.shape_cast %get3A_1003 : vector<1x1x16xf32> to vector<16xf32>
        %mul3A_1005 = arith.mulf %get3A_1004, %get3A_1004 : vector<16xf32>
        %add3A_1006 = arith.addf %add3A_997, %mul3A_1005 : vector<16xf32>
        %get3A_1007 = arith.constant 17 : i32
        %get3A_1008 = arith.constant 3 : i32
        %get3A_1009 = arith.index_cast %get3A_1007 : i32 to index
        %get3A_1010 = arith.index_cast %get3A_1008 : i32 to index
        %get3A_1011 = arith.index_cast %mul3A_258 : i32 to index
        %get3A_1012 = tpu.vector_load %arg5[%get3A_1009, %get3A_1010, %get3A_1011] {strides = array<i32>} : memref<19x8x256xf32, #tpu.memory_space<vmem>>, vector<1x1x16xf32>,
        %get3A_1013 = vector.shape_cast %get3A_1012 : vector<1x1x16xf32> to vector<16xf32>
        %mul3A_1014 = arith.mulf %get3A_1013, %get3A_1013 : vector<16xf32>
        %add3A_1015 = arith.addf %add3A_1006, %mul3A_1014 : vector<16xf32>
        %get3A_1016 = arith.constant 18 : i32
        %get3A_1017 = arith.constant 3 : i32
        %get3A_1018 = arith.index_cast %get3A_1016 : i32 to index
        %get3A_1019 = arith.index_cast %get3A_1017 : i32 to index
        %get3A_1020 = arith.index_cast %mul3A_258 : i32 to index
        %get3A_1021 = tpu.vector_load %arg5[%get3A_1018, %get3A_1019, %get3A_1020] {strides = array<i32>} : memref<19x8x256xf32, #tpu.memory_space<vmem>>, vector<1x1x16xf32>,
        %get3A_1022 = vector.shape_cast %get3A_1021 : vector<1x1x16xf32> to vector<16xf32>
        %mul3A_1023 = arith.mulf %get3A_1022, %get3A_1022 : vector<16xf32>
        %add3A_1024 = arith.addf %add3A_1015, %mul3A_1023 : vector<16xf32>
        %get3A_1025 = arith.constant 3 : i32
        %get3A_1026 = arith.index_cast %get3A_1025 : i32 to index
        %get3A_1027 = arith.index_cast %mul3A_258 : i32 to index
        %get3A_1028 = tpu.vector_load %arg7[%get3A_1026, %get3A_1027] {strides = array<i32>} : memref<8x256xi32, #tpu.memory_space<vmem>>, vector<1x16xi32>,
        %get3A_1029 = vector.shape_cast %get3A_1028 : vector<1x16xi32> to vector<16xi32>
        %eq3A_1030 = arith.constant 0 : i32
        %eq3A_1031 = vector.broadcast %eq3A_1030 : i32 to vector<16xi32>
        %eq3A_1032 = arith.cmpi eq, %get3A_1029, %eq3A_1031 : vector<16xi32>
        %jit3A_1033 = arith.constant 0.000000e+00 : f32
        %broadcast_in_dim3A_1034 = vector.broadcast %jit3A_1033 : f32 to vector<16xf32>
        %select_n3A_1035 = arith.select %eq3A_1032, %add3A_1024, %broadcast_in_dim3A_1034 : vector<16xi1>, vector<16xf32>
        %add3A_1036 = arith.addf %scan3A_248, %select_n3A_1035 : vector<16xf32>
        %sub3A_1037 = arith.constant 1.000000e+00 : f32
        %sub3A_1038 = vector.broadcast %sub3A_1037 : f32 to vector<16xf32>
        %sub3A_1039 = arith.subf %sub3A_1038, %add3A_1024 : vector<16xf32>
        %max3A_1040 = arith.constant 0.000000e+00 : f32
        %max3A_1041 = vector.broadcast %max3A_1040 : f32 to vector<16xf32>
        %max3A_1042 = arith.maximumf %sub3A_1039, %max3A_1041 : vector<16xf32>
        %jit3A_1043 = arith.constant 0.000000e+00 : f32
        %broadcast_in_dim3A_1044 = vector.broadcast %jit3A_1043 : f32 to vector<16xf32>
        %select_n3A_1045 = arith.select %eq3A_1032, %broadcast_in_dim3A_1044, %max3A_1042 : vector<16xi1>, vector<16xf32>
        %add3A_1046 = arith.addf %scan3A_252, %select_n3A_1045 : vector<16xf32>
        %jit3A_1047 = arith.constant 1.000000e+00 : f32
        %jit3A_1048 = arith.constant 0.000000e+00 : f32
        %broadcast_in_dim3A_1049 = vector.broadcast %jit3A_1047 : f32 to vector<16xf32>
        %broadcast_in_dim3A_1050 = vector.broadcast %jit3A_1048 : f32 to vector<16xf32>
        %select_n3A_1051 = arith.select %eq3A_1032, %broadcast_in_dim3A_1049, %broadcast_in_dim3A_1050 : vector<16xi1>, vector<16xf32>
        %add3A_1052 = arith.addf %scan3A_256, %select_n3A_1051 : vector<16xf32>
        %get3A_1053 = arith.constant 0 : i32
        %get3A_1054 = arith.constant 4 : i32
        %get3A_1055 = arith.index_cast %get3A_1053 : i32 to index
        %get3A_1056 = arith.index_cast %get3A_1054 : i32 to index
        %get3A_1057 = arith.index_cast %mul3A_258 : i32 to index
        %get3A_1058 = tpu.vector_load %arg5[%get3A_1055, %get3A_1056, %get3A_1057] {strides = array<i32>} : memref<19x8x256xf32, #tpu.memory_space<vmem>>, vector<1x1x16xf32>,
        %get3A_1059 = vector.shape_cast %get3A_1058 : vector<1x1x16xf32> to vector<16xf32>
        %mul3A_1060 = arith.mulf %get3A_1059, %get3A_1059 : vector<16xf32>
        %add3A_1061 = arith.addf %broadcast_in_dim3A_1, %mul3A_1060 : vector<16xf32>
        %get3A_1062 = arith.constant 1 : i32
        %get3A_1063 = arith.constant 4 : i32
        %get3A_1064 = arith.index_cast %get3A_1062 : i32 to index
        %get3A_1065 = arith.index_cast %get3A_1063 : i32 to index
        %get3A_1066 = arith.index_cast %mul3A_258 : i32 to index
        %get3A_1067 = tpu.vector_load %arg5[%get3A_1064, %get3A_1065, %get3A_1066] {strides = array<i32>} : memref<19x8x256xf32, #tpu.memory_space<vmem>>, vector<1x1x16xf32>,
        %get3A_1068 = vector.shape_cast %get3A_1067 : vector<1x1x16xf32> to vector<16xf32>
        %mul3A_1069 = arith.mulf %get3A_1068, %get3A_1068 : vector<16xf32>
        %add3A_1070 = arith.addf %add3A_1061, %mul3A_1069 : vector<16xf32>
        %get3A_1071 = arith.constant 2 : i32
        %get3A_1072 = arith.constant 4 : i32
        %get3A_1073 = arith.index_cast %get3A_1071 : i32 to index
        %get3A_1074 = arith.index_cast %get3A_1072 : i32 to index
        %get3A_1075 = arith.index_cast %mul3A_258 : i32 to index
        %get3A_1076 = tpu.vector_load %arg5[%get3A_1073, %get3A_1074, %get3A_1075] {strides = array<i32>} : memref<19x8x256xf32, #tpu.memory_space<vmem>>, vector<1x1x16xf32>,
        %get3A_1077 = vector.shape_cast %get3A_1076 : vector<1x1x16xf32> to vector<16xf32>
        %mul3A_1078 = arith.mulf %get3A_1077, %get3A_1077 : vector<16xf32>
        %add3A_1079 = arith.addf %add3A_1070, %mul3A_1078 : vector<16xf32>
        %get3A_1080 = arith.constant 3 : i32
        %get3A_1081 = arith.constant 4 : i32
        %get3A_1082 = arith.index_cast %get3A_1080 : i32 to index
        %get3A_1083 = arith.index_cast %get3A_1081 : i32 to index
        %get3A_1084 = arith.index_cast %mul3A_258 : i32 to index
        %get3A_1085 = tpu.vector_load %arg5[%get3A_1082, %get3A_1083, %get3A_1084] {strides = array<i32>} : memref<19x8x256xf32, #tpu.memory_space<vmem>>, vector<1x1x16xf32>,
        %get3A_1086 = vector.shape_cast %get3A_1085 : vector<1x1x16xf32> to vector<16xf32>
        %mul3A_1087 = arith.mulf %get3A_1086, %get3A_1086 : vector<16xf32>
        %add3A_1088 = arith.addf %add3A_1079, %mul3A_1087 : vector<16xf32>
        %get3A_1089 = arith.constant 4 : i32
        %get3A_1090 = arith.constant 4 : i32
        %get3A_1091 = arith.index_cast %get3A_1089 : i32 to index
        %get3A_1092 = arith.index_cast %get3A_1090 : i32 to index
        %get3A_1093 = arith.index_cast %mul3A_258 : i32 to index
        %get3A_1094 = tpu.vector_load %arg5[%get3A_1091, %get3A_1092, %get3A_1093] {strides = array<i32>} : memref<19x8x256xf32, #tpu.memory_space<vmem>>, vector<1x1x16xf32>,
        %get3A_1095 = vector.shape_cast %get3A_1094 : vector<1x1x16xf32> to vector<16xf32>
        %mul3A_1096 = arith.mulf %get3A_1095, %get3A_1095 : vector<16xf32>
        %add3A_1097 = arith.addf %add3A_1088, %mul3A_1096 : vector<16xf32>
        %get3A_1098 = arith.constant 5 : i32
        %get3A_1099 = arith.constant 4 : i32
        %get3A_1100 = arith.index_cast %get3A_1098 : i32 to index
        %get3A_1101 = arith.index_cast %get3A_1099 : i32 to index
        %get3A_1102 = arith.index_cast %mul3A_258 : i32 to index
        %get3A_1103 = tpu.vector_load %arg5[%get3A_1100, %get3A_1101, %get3A_1102] {strides = array<i32>} : memref<19x8x256xf32, #tpu.memory_space<vmem>>, vector<1x1x16xf32>,
        %get3A_1104 = vector.shape_cast %get3A_1103 : vector<1x1x16xf32> to vector<16xf32>
        %mul3A_1105 = arith.mulf %get3A_1104, %get3A_1104 : vector<16xf32>
        %add3A_1106 = arith.addf %add3A_1097, %mul3A_1105 : vector<16xf32>
        %get3A_1107 = arith.constant 6 : i32
        %get3A_1108 = arith.constant 4 : i32
        %get3A_1109 = arith.index_cast %get3A_1107 : i32 to index
        %get3A_1110 = arith.index_cast %get3A_1108 : i32 to index
        %get3A_1111 = arith.index_cast %mul3A_258 : i32 to index
        %get3A_1112 = tpu.vector_load %arg5[%get3A_1109, %get3A_1110, %get3A_1111] {strides = array<i32>} : memref<19x8x256xf32, #tpu.memory_space<vmem>>, vector<1x1x16xf32>,
        %get3A_1113 = vector.shape_cast %get3A_1112 : vector<1x1x16xf32> to vector<16xf32>
        %mul3A_1114 = arith.mulf %get3A_1113, %get3A_1113 : vector<16xf32>
        %add3A_1115 = arith.addf %add3A_1106, %mul3A_1114 : vector<16xf32>
        %get3A_1116 = arith.constant 7 : i32
        %get3A_1117 = arith.constant 4 : i32
        %get3A_1118 = arith.index_cast %get3A_1116 : i32 to index
        %get3A_1119 = arith.index_cast %get3A_1117 : i32 to index
        %get3A_1120 = arith.index_cast %mul3A_258 : i32 to index
        %get3A_1121 = tpu.vector_load %arg5[%get3A_1118, %get3A_1119, %get3A_1120] {strides = array<i32>} : memref<19x8x256xf32, #tpu.memory_space<vmem>>, vector<1x1x16xf32>,
        %get3A_1122 = vector.shape_cast %get3A_1121 : vector<1x1x16xf32> to vector<16xf32>
        %mul3A_1123 = arith.mulf %get3A_1122, %get3A_1122 : vector<16xf32>
        %add3A_1124 = arith.addf %add3A_1115, %mul3A_1123 : vector<16xf32>
        %get3A_1125 = arith.constant 8 : i32
        %get3A_1126 = arith.constant 4 : i32
        %get3A_1127 = arith.index_cast %get3A_1125 : i32 to index
        %get3A_1128 = arith.index_cast %get3A_1126 : i32 to index
        %get3A_1129 = arith.index_cast %mul3A_258 : i32 to index
        %get3A_1130 = tpu.vector_load %arg5[%get3A_1127, %get3A_1128, %get3A_1129] {strides = array<i32>} : memref<19x8x256xf32, #tpu.memory_space<vmem>>, vector<1x1x16xf32>,
        %get3A_1131 = vector.shape_cast %get3A_1130 : vector<1x1x16xf32> to vector<16xf32>
        %mul3A_1132 = arith.mulf %get3A_1131, %get3A_1131 : vector<16xf32>
        %add3A_1133 = arith.addf %add3A_1124, %mul3A_1132 : vector<16xf32>
        %get3A_1134 = arith.constant 9 : i32
        %get3A_1135 = arith.constant 4 : i32
        %get3A_1136 = arith.index_cast %get3A_1134 : i32 to index
        %get3A_1137 = arith.index_cast %get3A_1135 : i32 to index
        %get3A_1138 = arith.index_cast %mul3A_258 : i32 to index
        %get3A_1139 = tpu.vector_load %arg5[%get3A_1136, %get3A_1137, %get3A_1138] {strides = array<i32>} : memref<19x8x256xf32, #tpu.memory_space<vmem>>, vector<1x1x16xf32>,
        %get3A_1140 = vector.shape_cast %get3A_1139 : vector<1x1x16xf32> to vector<16xf32>
        %mul3A_1141 = arith.mulf %get3A_1140, %get3A_1140 : vector<16xf32>
        %add3A_1142 = arith.addf %add3A_1133, %mul3A_1141 : vector<16xf32>
        %get3A_1143 = arith.constant 10 : i32
        %get3A_1144 = arith.constant 4 : i32
        %get3A_1145 = arith.index_cast %get3A_1143 : i32 to index
        %get3A_1146 = arith.index_cast %get3A_1144 : i32 to index
        %get3A_1147 = arith.index_cast %mul3A_258 : i32 to index
        %get3A_1148 = tpu.vector_load %arg5[%get3A_1145, %get3A_1146, %get3A_1147] {strides = array<i32>} : memref<19x8x256xf32, #tpu.memory_space<vmem>>, vector<1x1x16xf32>,
        %get3A_1149 = vector.shape_cast %get3A_1148 : vector<1x1x16xf32> to vector<16xf32>
        %mul3A_1150 = arith.mulf %get3A_1149, %get3A_1149 : vector<16xf32>
        %add3A_1151 = arith.addf %add3A_1142, %mul3A_1150 : vector<16xf32>
        %get3A_1152 = arith.constant 11 : i32
        %get3A_1153 = arith.constant 4 : i32
        %get3A_1154 = arith.index_cast %get3A_1152 : i32 to index
        %get3A_1155 = arith.index_cast %get3A_1153 : i32 to index
        %get3A_1156 = arith.index_cast %mul3A_258 : i32 to index
        %get3A_1157 = tpu.vector_load %arg5[%get3A_1154, %get3A_1155, %get3A_1156] {strides = array<i32>} : memref<19x8x256xf32, #tpu.memory_space<vmem>>, vector<1x1x16xf32>,
        %get3A_1158 = vector.shape_cast %get3A_1157 : vector<1x1x16xf32> to vector<16xf32>
        %mul3A_1159 = arith.mulf %get3A_1158, %get3A_1158 : vector<16xf32>
        %add3A_1160 = arith.addf %add3A_1151, %mul3A_1159 : vector<16xf32>
        %get3A_1161 = arith.constant 12 : i32
        %get3A_1162 = arith.constant 4 : i32
        %get3A_1163 = arith.index_cast %get3A_1161 : i32 to index
        %get3A_1164 = arith.index_cast %get3A_1162 : i32 to index
        %get3A_1165 = arith.index_cast %mul3A_258 : i32 to index
        %get3A_1166 = tpu.vector_load %arg5[%get3A_1163, %get3A_1164, %get3A_1165] {strides = array<i32>} : memref<19x8x256xf32, #tpu.memory_space<vmem>>, vector<1x1x16xf32>,
        %get3A_1167 = vector.shape_cast %get3A_1166 : vector<1x1x16xf32> to vector<16xf32>
        %mul3A_1168 = arith.mulf %get3A_1167, %get3A_1167 : vector<16xf32>
        %add3A_1169 = arith.addf %add3A_1160, %mul3A_1168 : vector<16xf32>
        %get3A_1170 = arith.constant 13 : i32
        %get3A_1171 = arith.constant 4 : i32
        %get3A_1172 = arith.index_cast %get3A_1170 : i32 to index
        %get3A_1173 = arith.index_cast %get3A_1171 : i32 to index
        %get3A_1174 = arith.index_cast %mul3A_258 : i32 to index
        %get3A_1175 = tpu.vector_load %arg5[%get3A_1172, %get3A_1173, %get3A_1174] {strides = array<i32>} : memref<19x8x256xf32, #tpu.memory_space<vmem>>, vector<1x1x16xf32>,
        %get3A_1176 = vector.shape_cast %get3A_1175 : vector<1x1x16xf32> to vector<16xf32>
        %mul3A_1177 = arith.mulf %get3A_1176, %get3A_1176 : vector<16xf32>
        %add3A_1178 = arith.addf %add3A_1169, %mul3A_1177 : vector<16xf32>
        %get3A_1179 = arith.constant 14 : i32
        %get3A_1180 = arith.constant 4 : i32
        %get3A_1181 = arith.index_cast %get3A_1179 : i32 to index
        %get3A_1182 = arith.index_cast %get3A_1180 : i32 to index
        %get3A_1183 = arith.index_cast %mul3A_258 : i32 to index
        %get3A_1184 = tpu.vector_load %arg5[%get3A_1181, %get3A_1182, %get3A_1183] {strides = array<i32>} : memref<19x8x256xf32, #tpu.memory_space<vmem>>, vector<1x1x16xf32>,
        %get3A_1185 = vector.shape_cast %get3A_1184 : vector<1x1x16xf32> to vector<16xf32>
        %mul3A_1186 = arith.mulf %get3A_1185, %get3A_1185 : vector<16xf32>
        %add3A_1187 = arith.addf %add3A_1178, %mul3A_1186 : vector<16xf32>
        %get3A_1188 = arith.constant 15 : i32
        %get3A_1189 = arith.constant 4 : i32
        %get3A_1190 = arith.index_cast %get3A_1188 : i32 to index
        %get3A_1191 = arith.index_cast %get3A_1189 : i32 to index
        %get3A_1192 = arith.index_cast %mul3A_258 : i32 to index
        %get3A_1193 = tpu.vector_load %arg5[%get3A_1190, %get3A_1191, %get3A_1192] {strides = array<i32>} : memref<19x8x256xf32, #tpu.memory_space<vmem>>, vector<1x1x16xf32>,
        %get3A_1194 = vector.shape_cast %get3A_1193 : vector<1x1x16xf32> to vector<16xf32>
        %mul3A_1195 = arith.mulf %get3A_1194, %get3A_1194 : vector<16xf32>
        %add3A_1196 = arith.addf %add3A_1187, %mul3A_1195 : vector<16xf32>
        %get3A_1197 = arith.constant 16 : i32
        %get3A_1198 = arith.constant 4 : i32
        %get3A_1199 = arith.index_cast %get3A_1197 : i32 to index
        %get3A_1200 = arith.index_cast %get3A_1198 : i32 to index
        %get3A_1201 = arith.index_cast %mul3A_258 : i32 to index
        %get3A_1202 = tpu.vector_load %arg5[%get3A_1199, %get3A_1200, %get3A_1201] {strides = array<i32>} : memref<19x8x256xf32, #tpu.memory_space<vmem>>, vector<1x1x16xf32>,
        %get3A_1203 = vector.shape_cast %get3A_1202 : vector<1x1x16xf32> to vector<16xf32>
        %mul3A_1204 = arith.mulf %get3A_1203, %get3A_1203 : vector<16xf32>
        %add3A_1205 = arith.addf %add3A_1196, %mul3A_1204 : vector<16xf32>
        %get3A_1206 = arith.constant 17 : i32
        %get3A_1207 = arith.constant 4 : i32
        %get3A_1208 = arith.index_cast %get3A_1206 : i32 to index
        %get3A_1209 = arith.index_cast %get3A_1207 : i32 to index
        %get3A_1210 = arith.index_cast %mul3A_258 : i32 to index
        %get3A_1211 = tpu.vector_load %arg5[%get3A_1208, %get3A_1209, %get3A_1210] {strides = array<i32>} : memref<19x8x256xf32, #tpu.memory_space<vmem>>, vector<1x1x16xf32>,
        %get3A_1212 = vector.shape_cast %get3A_1211 : vector<1x1x16xf32> to vector<16xf32>
        %mul3A_1213 = arith.mulf %get3A_1212, %get3A_1212 : vector<16xf32>
        %add3A_1214 = arith.addf %add3A_1205, %mul3A_1213 : vector<16xf32>
        %get3A_1215 = arith.constant 18 : i32
        %get3A_1216 = arith.constant 4 : i32
        %get3A_1217 = arith.index_cast %get3A_1215 : i32 to index
        %get3A_1218 = arith.index_cast %get3A_1216 : i32 to index
        %get3A_1219 = arith.index_cast %mul3A_258 : i32 to index
        %get3A_1220 = tpu.vector_load %arg5[%get3A_1217, %get3A_1218, %get3A_1219] {strides = array<i32>} : memref<19x8x256xf32, #tpu.memory_space<vmem>>, vector<1x1x16xf32>,
        %get3A_1221 = vector.shape_cast %get3A_1220 : vector<1x1x16xf32> to vector<16xf32>
        %mul3A_1222 = arith.mulf %get3A_1221, %get3A_1221 : vector<16xf32>
        %add3A_1223 = arith.addf %add3A_1214, %mul3A_1222 : vector<16xf32>
        %get3A_1224 = arith.constant 4 : i32
        %get3A_1225 = arith.index_cast %get3A_1224 : i32 to index
        %get3A_1226 = arith.index_cast %mul3A_258 : i32 to index
        %get3A_1227 = tpu.vector_load %arg7[%get3A_1225, %get3A_1226] {strides = array<i32>} : memref<8x256xi32, #tpu.memory_space<vmem>>, vector<1x16xi32>,
        %get3A_1228 = vector.shape_cast %get3A_1227 : vector<1x16xi32> to vector<16xi32>
        %eq3A_1229 = arith.constant 0 : i32
        %eq3A_1230 = vector.broadcast %eq3A_1229 : i32 to vector<16xi32>
        %eq3A_1231 = arith.cmpi eq, %get3A_1228, %eq3A_1230 : vector<16xi32>
        %jit3A_1232 = arith.constant 0.000000e+00 : f32
        %broadcast_in_dim3A_1233 = vector.broadcast %jit3A_1232 : f32 to vector<16xf32>
        %select_n3A_1234 = arith.select %eq3A_1231, %add3A_1223, %broadcast_in_dim3A_1233 : vector<16xi1>, vector<16xf32>
        %add3A_1235 = arith.addf %add3A_440, %select_n3A_1234 : vector<16xf32>
        %sub3A_1236 = arith.constant 1.000000e+00 : f32
        %sub3A_1237 = vector.broadcast %sub3A_1236 : f32 to vector<16xf32>
        %sub3A_1238 = arith.subf %sub3A_1237, %add3A_1223 : vector<16xf32>
        %max3A_1239 = arith.constant 0.000000e+00 : f32
        %max3A_1240 = vector.broadcast %max3A_1239 : f32 to vector<16xf32>
        %max3A_1241 = arith.maximumf %sub3A_1238, %max3A_1240 : vector<16xf32>
        %jit3A_1242 = arith.constant 0.000000e+00 : f32
        %broadcast_in_dim3A_1243 = vector.broadcast %jit3A_1242 : f32 to vector<16xf32>
        %select_n3A_1244 = arith.select %eq3A_1231, %broadcast_in_dim3A_1243, %max3A_1241 : vector<16xi1>, vector<16xf32>
        %add3A_1245 = arith.addf %add3A_449, %select_n3A_1244 : vector<16xf32>
        %jit3A_1246 = arith.constant 1.000000e+00 : f32
        %jit3A_1247 = arith.constant 0.000000e+00 : f32
        %broadcast_in_dim3A_1248 = vector.broadcast %jit3A_1246 : f32 to vector<16xf32>
        %broadcast_in_dim3A_1249 = vector.broadcast %jit3A_1247 : f32 to vector<16xf32>
        %select_n3A_1250 = arith.select %eq3A_1231, %broadcast_in_dim3A_1248, %broadcast_in_dim3A_1249 : vector<16xi1>, vector<16xf32>
        %add3A_1251 = arith.addf %add3A_455, %select_n3A_1250 : vector<16xf32>
        %get3A_1252 = arith.constant 0 : i32
        %get3A_1253 = arith.constant 5 : i32
        %get3A_1254 = arith.index_cast %get3A_1252 : i32 to index
        %get3A_1255 = arith.index_cast %get3A_1253 : i32 to index
        %get3A_1256 = arith.index_cast %mul3A_258 : i32 to index
        %get3A_1257 = tpu.vector_load %arg5[%get3A_1254, %get3A_1255, %get3A_1256] {strides = array<i32>} : memref<19x8x256xf32, #tpu.memory_space<vmem>>, vector<1x1x16xf32>,
        %get3A_1258 = vector.shape_cast %get3A_1257 : vector<1x1x16xf32> to vector<16xf32>
        %mul3A_1259 = arith.mulf %get3A_1258, %get3A_1258 : vector<16xf32>
        %add3A_1260 = arith.addf %broadcast_in_dim3A_1, %mul3A_1259 : vector<16xf32>
        %get3A_1261 = arith.constant 1 : i32
        %get3A_1262 = arith.constant 5 : i32
        %get3A_1263 = arith.index_cast %get3A_1261 : i32 to index
        %get3A_1264 = arith.index_cast %get3A_1262 : i32 to index
        %get3A_1265 = arith.index_cast %mul3A_258 : i32 to index
        %get3A_1266 = tpu.vector_load %arg5[%get3A_1263, %get3A_1264, %get3A_1265] {strides = array<i32>} : memref<19x8x256xf32, #tpu.memory_space<vmem>>, vector<1x1x16xf32>,
        %get3A_1267 = vector.shape_cast %get3A_1266 : vector<1x1x16xf32> to vector<16xf32>
        %mul3A_1268 = arith.mulf %get3A_1267, %get3A_1267 : vector<16xf32>
        %add3A_1269 = arith.addf %add3A_1260, %mul3A_1268 : vector<16xf32>
        %get3A_1270 = arith.constant 2 : i32
        %get3A_1271 = arith.constant 5 : i32
        %get3A_1272 = arith.index_cast %get3A_1270 : i32 to index
        %get3A_1273 = arith.index_cast %get3A_1271 : i32 to index
        %get3A_1274 = arith.index_cast %mul3A_258 : i32 to index
        %get3A_1275 = tpu.vector_load %arg5[%get3A_1272, %get3A_1273, %get3A_1274] {strides = array<i32>} : memref<19x8x256xf32, #tpu.memory_space<vmem>>, vector<1x1x16xf32>,
        %get3A_1276 = vector.shape_cast %get3A_1275 : vector<1x1x16xf32> to vector<16xf32>
        %mul3A_1277 = arith.mulf %get3A_1276, %get3A_1276 : vector<16xf32>
        %add3A_1278 = arith.addf %add3A_1269, %mul3A_1277 : vector<16xf32>
        %get3A_1279 = arith.constant 3 : i32
        %get3A_1280 = arith.constant 5 : i32
        %get3A_1281 = arith.index_cast %get3A_1279 : i32 to index
        %get3A_1282 = arith.index_cast %get3A_1280 : i32 to index
        %get3A_1283 = arith.index_cast %mul3A_258 : i32 to index
        %get3A_1284 = tpu.vector_load %arg5[%get3A_1281, %get3A_1282, %get3A_1283] {strides = array<i32>} : memref<19x8x256xf32, #tpu.memory_space<vmem>>, vector<1x1x16xf32>,
        %get3A_1285 = vector.shape_cast %get3A_1284 : vector<1x1x16xf32> to vector<16xf32>
        %mul3A_1286 = arith.mulf %get3A_1285, %get3A_1285 : vector<16xf32>
        %add3A_1287 = arith.addf %add3A_1278, %mul3A_1286 : vector<16xf32>
        %get3A_1288 = arith.constant 4 : i32
        %get3A_1289 = arith.constant 5 : i32
        %get3A_1290 = arith.index_cast %get3A_1288 : i32 to index
        %get3A_1291 = arith.index_cast %get3A_1289 : i32 to index
        %get3A_1292 = arith.index_cast %mul3A_258 : i32 to index
        %get3A_1293 = tpu.vector_load %arg5[%get3A_1290, %get3A_1291, %get3A_1292] {strides = array<i32>} : memref<19x8x256xf32, #tpu.memory_space<vmem>>, vector<1x1x16xf32>,
        %get3A_1294 = vector.shape_cast %get3A_1293 : vector<1x1x16xf32> to vector<16xf32>
        %mul3A_1295 = arith.mulf %get3A_1294, %get3A_1294 : vector<16xf32>
        %add3A_1296 = arith.addf %add3A_1287, %mul3A_1295 : vector<16xf32>
        %get3A_1297 = arith.constant 5 : i32
        %get3A_1298 = arith.constant 5 : i32
        %get3A_1299 = arith.index_cast %get3A_1297 : i32 to index
        %get3A_1300 = arith.index_cast %get3A_1298 : i32 to index
        %get3A_1301 = arith.index_cast %mul3A_258 : i32 to index
        %get3A_1302 = tpu.vector_load %arg5[%get3A_1299, %get3A_1300, %get3A_1301] {strides = array<i32>} : memref<19x8x256xf32, #tpu.memory_space<vmem>>, vector<1x1x16xf32>,
        %get3A_1303 = vector.shape_cast %get3A_1302 : vector<1x1x16xf32> to vector<16xf32>
        %mul3A_1304 = arith.mulf %get3A_1303, %get3A_1303 : vector<16xf32>
        %add3A_1305 = arith.addf %add3A_1296, %mul3A_1304 : vector<16xf32>
        %get3A_1306 = arith.constant 6 : i32
        %get3A_1307 = arith.constant 5 : i32
        %get3A_1308 = arith.index_cast %get3A_1306 : i32 to index
        %get3A_1309 = arith.index_cast %get3A_1307 : i32 to index
        %get3A_1310 = arith.index_cast %mul3A_258 : i32 to index
        %get3A_1311 = tpu.vector_load %arg5[%get3A_1308, %get3A_1309, %get3A_1310] {strides = array<i32>} : memref<19x8x256xf32, #tpu.memory_space<vmem>>, vector<1x1x16xf32>,
        %get3A_1312 = vector.shape_cast %get3A_1311 : vector<1x1x16xf32> to vector<16xf32>
        %mul3A_1313 = arith.mulf %get3A_1312, %get3A_1312 : vector<16xf32>
        %add3A_1314 = arith.addf %add3A_1305, %mul3A_1313 : vector<16xf32>
        %get3A_1315 = arith.constant 7 : i32
        %get3A_1316 = arith.constant 5 : i32
        %get3A_1317 = arith.index_cast %get3A_1315 : i32 to index
        %get3A_1318 = arith.index_cast %get3A_1316 : i32 to index
        %get3A_1319 = arith.index_cast %mul3A_258 : i32 to index
        %get3A_1320 = tpu.vector_load %arg5[%get3A_1317, %get3A_1318, %get3A_1319] {strides = array<i32>} : memref<19x8x256xf32, #tpu.memory_space<vmem>>, vector<1x1x16xf32>,
        %get3A_1321 = vector.shape_cast %get3A_1320 : vector<1x1x16xf32> to vector<16xf32>
        %mul3A_1322 = arith.mulf %get3A_1321, %get3A_1321 : vector<16xf32>
        %add3A_1323 = arith.addf %add3A_1314, %mul3A_1322 : vector<16xf32>
        %get3A_1324 = arith.constant 8 : i32
        %get3A_1325 = arith.constant 5 : i32
        %get3A_1326 = arith.index_cast %get3A_1324 : i32 to index
        %get3A_1327 = arith.index_cast %get3A_1325 : i32 to index
        %get3A_1328 = arith.index_cast %mul3A_258 : i32 to index
        %get3A_1329 = tpu.vector_load %arg5[%get3A_1326, %get3A_1327, %get3A_1328] {strides = array<i32>} : memref<19x8x256xf32, #tpu.memory_space<vmem>>, vector<1x1x16xf32>,
        %get3A_1330 = vector.shape_cast %get3A_1329 : vector<1x1x16xf32> to vector<16xf32>
        %mul3A_1331 = arith.mulf %get3A_1330, %get3A_1330 : vector<16xf32>
        %add3A_1332 = arith.addf %add3A_1323, %mul3A_1331 : vector<16xf32>
        %get3A_1333 = arith.constant 9 : i32
        %get3A_1334 = arith.constant 5 : i32
        %get3A_1335 = arith.index_cast %get3A_1333 : i32 to index
        %get3A_1336 = arith.index_cast %get3A_1334 : i32 to index
        %get3A_1337 = arith.index_cast %mul3A_258 : i32 to index
        %get3A_1338 = tpu.vector_load %arg5[%get3A_1335, %get3A_1336, %get3A_1337] {strides = array<i32>} : memref<19x8x256xf32, #tpu.memory_space<vmem>>, vector<1x1x16xf32>,
        %get3A_1339 = vector.shape_cast %get3A_1338 : vector<1x1x16xf32> to vector<16xf32>
        %mul3A_1340 = arith.mulf %get3A_1339, %get3A_1339 : vector<16xf32>
        %add3A_1341 = arith.addf %add3A_1332, %mul3A_1340 : vector<16xf32>
        %get3A_1342 = arith.constant 10 : i32
        %get3A_1343 = arith.constant 5 : i32
        %get3A_1344 = arith.index_cast %get3A_1342 : i32 to index
        %get3A_1345 = arith.index_cast %get3A_1343 : i32 to index
        %get3A_1346 = arith.index_cast %mul3A_258 : i32 to index
        %get3A_1347 = tpu.vector_load %arg5[%get3A_1344, %get3A_1345, %get3A_1346] {strides = array<i32>} : memref<19x8x256xf32, #tpu.memory_space<vmem>>, vector<1x1x16xf32>,
        %get3A_1348 = vector.shape_cast %get3A_1347 : vector<1x1x16xf32> to vector<16xf32>
        %mul3A_1349 = arith.mulf %get3A_1348, %get3A_1348 : vector<16xf32>
        %add3A_1350 = arith.addf %add3A_1341, %mul3A_1349 : vector<16xf32>
        %get3A_1351 = arith.constant 11 : i32
        %get3A_1352 = arith.constant 5 : i32
        %get3A_1353 = arith.index_cast %get3A_1351 : i32 to index
        %get3A_1354 = arith.index_cast %get3A_1352 : i32 to index
        %get3A_1355 = arith.index_cast %mul3A_258 : i32 to index
        %get3A_1356 = tpu.vector_load %arg5[%get3A_1353, %get3A_1354, %get3A_1355] {strides = array<i32>} : memref<19x8x256xf32, #tpu.memory_space<vmem>>, vector<1x1x16xf32>,
        %get3A_1357 = vector.shape_cast %get3A_1356 : vector<1x1x16xf32> to vector<16xf32>
        %mul3A_1358 = arith.mulf %get3A_1357, %get3A_1357 : vector<16xf32>
        %add3A_1359 = arith.addf %add3A_1350, %mul3A_1358 : vector<16xf32>
        %get3A_1360 = arith.constant 12 : i32
        %get3A_1361 = arith.constant 5 : i32
        %get3A_1362 = arith.index_cast %get3A_1360 : i32 to index
        %get3A_1363 = arith.index_cast %get3A_1361 : i32 to index
        %get3A_1364 = arith.index_cast %mul3A_258 : i32 to index
        %get3A_1365 = tpu.vector_load %arg5[%get3A_1362, %get3A_1363, %get3A_1364] {strides = array<i32>} : memref<19x8x256xf32, #tpu.memory_space<vmem>>, vector<1x1x16xf32>,
        %get3A_1366 = vector.shape_cast %get3A_1365 : vector<1x1x16xf32> to vector<16xf32>
        %mul3A_1367 = arith.mulf %get3A_1366, %get3A_1366 : vector<16xf32>
        %add3A_1368 = arith.addf %add3A_1359, %mul3A_1367 : vector<16xf32>
        %get3A_1369 = arith.constant 13 : i32
        %get3A_1370 = arith.constant 5 : i32
        %get3A_1371 = arith.index_cast %get3A_1369 : i32 to index
        %get3A_1372 = arith.index_cast %get3A_1370 : i32 to index
        %get3A_1373 = arith.index_cast %mul3A_258 : i32 to index
        %get3A_1374 = tpu.vector_load %arg5[%get3A_1371, %get3A_1372, %get3A_1373] {strides = array<i32>} : memref<19x8x256xf32, #tpu.memory_space<vmem>>, vector<1x1x16xf32>,
        %get3A_1375 = vector.shape_cast %get3A_1374 : vector<1x1x16xf32> to vector<16xf32>
        %mul3A_1376 = arith.mulf %get3A_1375, %get3A_1375 : vector<16xf32>
        %add3A_1377 = arith.addf %add3A_1368, %mul3A_1376 : vector<16xf32>
        %get3A_1378 = arith.constant 14 : i32
        %get3A_1379 = arith.constant 5 : i32
        %get3A_1380 = arith.index_cast %get3A_1378 : i32 to index
        %get3A_1381 = arith.index_cast %get3A_1379 : i32 to index
        %get3A_1382 = arith.index_cast %mul3A_258 : i32 to index
        %get3A_1383 = tpu.vector_load %arg5[%get3A_1380, %get3A_1381, %get3A_1382] {strides = array<i32>} : memref<19x8x256xf32, #tpu.memory_space<vmem>>, vector<1x1x16xf32>,
        %get3A_1384 = vector.shape_cast %get3A_1383 : vector<1x1x16xf32> to vector<16xf32>
        %mul3A_1385 = arith.mulf %get3A_1384, %get3A_1384 : vector<16xf32>
        %add3A_1386 = arith.addf %add3A_1377, %mul3A_1385 : vector<16xf32>
        %get3A_1387 = arith.constant 15 : i32
        %get3A_1388 = arith.constant 5 : i32
        %get3A_1389 = arith.index_cast %get3A_1387 : i32 to index
        %get3A_1390 = arith.index_cast %get3A_1388 : i32 to index
        %get3A_1391 = arith.index_cast %mul3A_258 : i32 to index
        %get3A_1392 = tpu.vector_load %arg5[%get3A_1389, %get3A_1390, %get3A_1391] {strides = array<i32>} : memref<19x8x256xf32, #tpu.memory_space<vmem>>, vector<1x1x16xf32>,
        %get3A_1393 = vector.shape_cast %get3A_1392 : vector<1x1x16xf32> to vector<16xf32>
        %mul3A_1394 = arith.mulf %get3A_1393, %get3A_1393 : vector<16xf32>
        %add3A_1395 = arith.addf %add3A_1386, %mul3A_1394 : vector<16xf32>
        %get3A_1396 = arith.constant 16 : i32
        %get3A_1397 = arith.constant 5 : i32
        %get3A_1398 = arith.index_cast %get3A_1396 : i32 to index
        %get3A_1399 = arith.index_cast %get3A_1397 : i32 to index
        %get3A_1400 = arith.index_cast %mul3A_258 : i32 to index
        %get3A_1401 = tpu.vector_load %arg5[%get3A_1398, %get3A_1399, %get3A_1400] {strides = array<i32>} : memref<19x8x256xf32, #tpu.memory_space<vmem>>, vector<1x1x16xf32>,
        %get3A_1402 = vector.shape_cast %get3A_1401 : vector<1x1x16xf32> to vector<16xf32>
        %mul3A_1403 = arith.mulf %get3A_1402, %get3A_1402 : vector<16xf32>
        %add3A_1404 = arith.addf %add3A_1395, %mul3A_1403 : vector<16xf32>
        %get3A_1405 = arith.constant 17 : i32
        %get3A_1406 = arith.constant 5 : i32
        %get3A_1407 = arith.index_cast %get3A_1405 : i32 to index
        %get3A_1408 = arith.index_cast %get3A_1406 : i32 to index
        %get3A_1409 = arith.index_cast %mul3A_258 : i32 to index
        %get3A_1410 = tpu.vector_load %arg5[%get3A_1407, %get3A_1408, %get3A_1409] {strides = array<i32>} : memref<19x8x256xf32, #tpu.memory_space<vmem>>, vector<1x1x16xf32>,
        %get3A_1411 = vector.shape_cast %get3A_1410 : vector<1x1x16xf32> to vector<16xf32>
        %mul3A_1412 = arith.mulf %get3A_1411, %get3A_1411 : vector<16xf32>
        %add3A_1413 = arith.addf %add3A_1404, %mul3A_1412 : vector<16xf32>
        %get3A_1414 = arith.constant 18 : i32
        %get3A_1415 = arith.constant 5 : i32
        %get3A_1416 = arith.index_cast %get3A_1414 : i32 to index
        %get3A_1417 = arith.index_cast %get3A_1415 : i32 to index
        %get3A_1418 = arith.index_cast %mul3A_258 : i32 to index
        %get3A_1419 = tpu.vector_load %arg5[%get3A_1416, %get3A_1417, %get3A_1418] {strides = array<i32>} : memref<19x8x256xf32, #tpu.memory_space<vmem>>, vector<1x1x16xf32>,
        %get3A_1420 = vector.shape_cast %get3A_1419 : vector<1x1x16xf32> to vector<16xf32>
        %mul3A_1421 = arith.mulf %get3A_1420, %get3A_1420 : vector<16xf32>
        %add3A_1422 = arith.addf %add3A_1413, %mul3A_1421 : vector<16xf32>
        %get3A_1423 = arith.constant 5 : i32
        %get3A_1424 = arith.index_cast %get3A_1423 : i32 to index
        %get3A_1425 = arith.index_cast %mul3A_258 : i32 to index
        %get3A_1426 = tpu.vector_load %arg7[%get3A_1424, %get3A_1425] {strides = array<i32>} : memref<8x256xi32, #tpu.memory_space<vmem>>, vector<1x16xi32>,
        %get3A_1427 = vector.shape_cast %get3A_1426 : vector<1x16xi32> to vector<16xi32>
        %eq3A_1428 = arith.constant 0 : i32
        %eq3A_1429 = vector.broadcast %eq3A_1428 : i32 to vector<16xi32>
        %eq3A_1430 = arith.cmpi eq, %get3A_1427, %eq3A_1429 : vector<16xi32>
        %jit3A_1431 = arith.constant 0.000000e+00 : f32
        %broadcast_in_dim3A_1432 = vector.broadcast %jit3A_1431 : f32 to vector<16xf32>
        %select_n3A_1433 = arith.select %eq3A_1430, %add3A_1422, %broadcast_in_dim3A_1432 : vector<16xi1>, vector<16xf32>
        %add3A_1434 = arith.addf %add3A_638, %select_n3A_1433 : vector<16xf32>
        %sub3A_1435 = arith.constant 1.000000e+00 : f32
        %sub3A_1436 = vector.broadcast %sub3A_1435 : f32 to vector<16xf32>
        %sub3A_1437 = arith.subf %sub3A_1436, %add3A_1422 : vector<16xf32>
        %max3A_1438 = arith.constant 0.000000e+00 : f32
        %max3A_1439 = vector.broadcast %max3A_1438 : f32 to vector<16xf32>
        %max3A_1440 = arith.maximumf %sub3A_1437, %max3A_1439 : vector<16xf32>
        %jit3A_1441 = arith.constant 0.000000e+00 : f32
        %broadcast_in_dim3A_1442 = vector.broadcast %jit3A_1441 : f32 to vector<16xf32>
        %select_n3A_1443 = arith.select %eq3A_1430, %broadcast_in_dim3A_1442, %max3A_1440 : vector<16xi1>, vector<16xf32>
        %add3A_1444 = arith.addf %add3A_648, %select_n3A_1443 : vector<16xf32>
        %jit3A_1445 = arith.constant 1.000000e+00 : f32
        %jit3A_1446 = arith.constant 0.000000e+00 : f32
        %broadcast_in_dim3A_1447 = vector.broadcast %jit3A_1445 : f32 to vector<16xf32>
        %broadcast_in_dim3A_1448 = vector.broadcast %jit3A_1446 : f32 to vector<16xf32>
        %select_n3A_1449 = arith.select %eq3A_1430, %broadcast_in_dim3A_1447, %broadcast_in_dim3A_1448 : vector<16xi1>, vector<16xf32>
        %add3A_1450 = arith.addf %add3A_654, %select_n3A_1449 : vector<16xf32>
        %get3A_1451 = arith.constant 0 : i32
        %get3A_1452 = arith.constant 6 : i32
        %get3A_1453 = arith.index_cast %get3A_1451 : i32 to index
        %get3A_1454 = arith.index_cast %get3A_1452 : i32 to index
        %get3A_1455 = arith.index_cast %mul3A_258 : i32 to index
        %get3A_1456 = tpu.vector_load %arg5[%get3A_1453, %get3A_1454, %get3A_1455] {strides = array<i32>} : memref<19x8x256xf32, #tpu.memory_space<vmem>>, vector<1x1x16xf32>,
        %get3A_1457 = vector.shape_cast %get3A_1456 : vector<1x1x16xf32> to vector<16xf32>
        %mul3A_1458 = arith.mulf %get3A_1457, %get3A_1457 : vector<16xf32>
        %add3A_1459 = arith.addf %broadcast_in_dim3A_1, %mul3A_1458 : vector<16xf32>
        %get3A_1460 = arith.constant 1 : i32
        %get3A_1461 = arith.constant 6 : i32
        %get3A_1462 = arith.index_cast %get3A_1460 : i32 to index
        %get3A_1463 = arith.index_cast %get3A_1461 : i32 to index
        %get3A_1464 = arith.index_cast %mul3A_258 : i32 to index
        %get3A_1465 = tpu.vector_load %arg5[%get3A_1462, %get3A_1463, %get3A_1464] {strides = array<i32>} : memref<19x8x256xf32, #tpu.memory_space<vmem>>, vector<1x1x16xf32>,
        %get3A_1466 = vector.shape_cast %get3A_1465 : vector<1x1x16xf32> to vector<16xf32>
        %mul3A_1467 = arith.mulf %get3A_1466, %get3A_1466 : vector<16xf32>
        %add3A_1468 = arith.addf %add3A_1459, %mul3A_1467 : vector<16xf32>
        %get3A_1469 = arith.constant 2 : i32
        %get3A_1470 = arith.constant 6 : i32
        %get3A_1471 = arith.index_cast %get3A_1469 : i32 to index
        %get3A_1472 = arith.index_cast %get3A_1470 : i32 to index
        %get3A_1473 = arith.index_cast %mul3A_258 : i32 to index
        %get3A_1474 = tpu.vector_load %arg5[%get3A_1471, %get3A_1472, %get3A_1473] {strides = array<i32>} : memref<19x8x256xf32, #tpu.memory_space<vmem>>, vector<1x1x16xf32>,
        %get3A_1475 = vector.shape_cast %get3A_1474 : vector<1x1x16xf32> to vector<16xf32>
        %mul3A_1476 = arith.mulf %get3A_1475, %get3A_1475 : vector<16xf32>
        %add3A_1477 = arith.addf %add3A_1468, %mul3A_1476 : vector<16xf32>
        %get3A_1478 = arith.constant 3 : i32
        %get3A_1479 = arith.constant 6 : i32
        %get3A_1480 = arith.index_cast %get3A_1478 : i32 to index
        %get3A_1481 = arith.index_cast %get3A_1479 : i32 to index
        %get3A_1482 = arith.index_cast %mul3A_258 : i32 to index
        %get3A_1483 = tpu.vector_load %arg5[%get3A_1480, %get3A_1481, %get3A_1482] {strides = array<i32>} : memref<19x8x256xf32, #tpu.memory_space<vmem>>, vector<1x1x16xf32>,
        %get3A_1484 = vector.shape_cast %get3A_1483 : vector<1x1x16xf32> to vector<16xf32>
        %mul3A_1485 = arith.mulf %get3A_1484, %get3A_1484 : vector<16xf32>
        %add3A_1486 = arith.addf %add3A_1477, %mul3A_1485 : vector<16xf32>
        %get3A_1487 = arith.constant 4 : i32
        %get3A_1488 = arith.constant 6 : i32
        %get3A_1489 = arith.index_cast %get3A_1487 : i32 to index
        %get3A_1490 = arith.index_cast %get3A_1488 : i32 to index
        %get3A_1491 = arith.index_cast %mul3A_258 : i32 to index
        %get3A_1492 = tpu.vector_load %arg5[%get3A_1489, %get3A_1490, %get3A_1491] {strides = array<i32>} : memref<19x8x256xf32, #tpu.memory_space<vmem>>, vector<1x1x16xf32>,
        %get3A_1493 = vector.shape_cast %get3A_1492 : vector<1x1x16xf32> to vector<16xf32>
        %mul3A_1494 = arith.mulf %get3A_1493, %get3A_1493 : vector<16xf32>
        %add3A_1495 = arith.addf %add3A_1486, %mul3A_1494 : vector<16xf32>
        %get3A_1496 = arith.constant 5 : i32
        %get3A_1497 = arith.constant 6 : i32
        %get3A_1498 = arith.index_cast %get3A_1496 : i32 to index
        %get3A_1499 = arith.index_cast %get3A_1497 : i32 to index
        %get3A_1500 = arith.index_cast %mul3A_258 : i32 to index
        %get3A_1501 = tpu.vector_load %arg5[%get3A_1498, %get3A_1499, %get3A_1500] {strides = array<i32>} : memref<19x8x256xf32, #tpu.memory_space<vmem>>, vector<1x1x16xf32>,
        %get3A_1502 = vector.shape_cast %get3A_1501 : vector<1x1x16xf32> to vector<16xf32>
        %mul3A_1503 = arith.mulf %get3A_1502, %get3A_1502 : vector<16xf32>
        %add3A_1504 = arith.addf %add3A_1495, %mul3A_1503 : vector<16xf32>
        %get3A_1505 = arith.constant 6 : i32
        %get3A_1506 = arith.constant 6 : i32
        %get3A_1507 = arith.index_cast %get3A_1505 : i32 to index
        %get3A_1508 = arith.index_cast %get3A_1506 : i32 to index
        %get3A_1509 = arith.index_cast %mul3A_258 : i32 to index
        %get3A_1510 = tpu.vector_load %arg5[%get3A_1507, %get3A_1508, %get3A_1509] {strides = array<i32>} : memref<19x8x256xf32, #tpu.memory_space<vmem>>, vector<1x1x16xf32>,
        %get3A_1511 = vector.shape_cast %get3A_1510 : vector<1x1x16xf32> to vector<16xf32>
        %mul3A_1512 = arith.mulf %get3A_1511, %get3A_1511 : vector<16xf32>
        %add3A_1513 = arith.addf %add3A_1504, %mul3A_1512 : vector<16xf32>
        %get3A_1514 = arith.constant 7 : i32
        %get3A_1515 = arith.constant 6 : i32
        %get3A_1516 = arith.index_cast %get3A_1514 : i32 to index
        %get3A_1517 = arith.index_cast %get3A_1515 : i32 to index
        %get3A_1518 = arith.index_cast %mul3A_258 : i32 to index
        %get3A_1519 = tpu.vector_load %arg5[%get3A_1516, %get3A_1517, %get3A_1518] {strides = array<i32>} : memref<19x8x256xf32, #tpu.memory_space<vmem>>, vector<1x1x16xf32>,
        %get3A_1520 = vector.shape_cast %get3A_1519 : vector<1x1x16xf32> to vector<16xf32>
        %mul3A_1521 = arith.mulf %get3A_1520, %get3A_1520 : vector<16xf32>
        %add3A_1522 = arith.addf %add3A_1513, %mul3A_1521 : vector<16xf32>
        %get3A_1523 = arith.constant 8 : i32
        %get3A_1524 = arith.constant 6 : i32
        %get3A_1525 = arith.index_cast %get3A_1523 : i32 to index
        %get3A_1526 = arith.index_cast %get3A_1524 : i32 to index
        %get3A_1527 = arith.index_cast %mul3A_258 : i32 to index
        %get3A_1528 = tpu.vector_load %arg5[%get3A_1525, %get3A_1526, %get3A_1527] {strides = array<i32>} : memref<19x8x256xf32, #tpu.memory_space<vmem>>, vector<1x1x16xf32>,
        %get3A_1529 = vector.shape_cast %get3A_1528 : vector<1x1x16xf32> to vector<16xf32>
        %mul3A_1530 = arith.mulf %get3A_1529, %get3A_1529 : vector<16xf32>
        %add3A_1531 = arith.addf %add3A_1522, %mul3A_1530 : vector<16xf32>
        %get3A_1532 = arith.constant 9 : i32
        %get3A_1533 = arith.constant 6 : i32
        %get3A_1534 = arith.index_cast %get3A_1532 : i32 to index
        %get3A_1535 = arith.index_cast %get3A_1533 : i32 to index
        %get3A_1536 = arith.index_cast %mul3A_258 : i32 to index
        %get3A_1537 = tpu.vector_load %arg5[%get3A_1534, %get3A_1535, %get3A_1536] {strides = array<i32>} : memref<19x8x256xf32, #tpu.memory_space<vmem>>, vector<1x1x16xf32>,
        %get3A_1538 = vector.shape_cast %get3A_1537 : vector<1x1x16xf32> to vector<16xf32>
        %mul3A_1539 = arith.mulf %get3A_1538, %get3A_1538 : vector<16xf32>
        %add3A_1540 = arith.addf %add3A_1531, %mul3A_1539 : vector<16xf32>
        %get3A_1541 = arith.constant 10 : i32
        %get3A_1542 = arith.constant 6 : i32
        %get3A_1543 = arith.index_cast %get3A_1541 : i32 to index
        %get3A_1544 = arith.index_cast %get3A_1542 : i32 to index
        %get3A_1545 = arith.index_cast %mul3A_258 : i32 to index
        %get3A_1546 = tpu.vector_load %arg5[%get3A_1543, %get3A_1544, %get3A_1545] {strides = array<i32>} : memref<19x8x256xf32, #tpu.memory_space<vmem>>, vector<1x1x16xf32>,
        %get3A_1547 = vector.shape_cast %get3A_1546 : vector<1x1x16xf32> to vector<16xf32>
        %mul3A_1548 = arith.mulf %get3A_1547, %get3A_1547 : vector<16xf32>
        %add3A_1549 = arith.addf %add3A_1540, %mul3A_1548 : vector<16xf32>
        %get3A_1550 = arith.constant 11 : i32
        %get3A_1551 = arith.constant 6 : i32
        %get3A_1552 = arith.index_cast %get3A_1550 : i32 to index
        %get3A_1553 = arith.index_cast %get3A_1551 : i32 to index
        %get3A_1554 = arith.index_cast %mul3A_258 : i32 to index
        %get3A_1555 = tpu.vector_load %arg5[%get3A_1552, %get3A_1553, %get3A_1554] {strides = array<i32>} : memref<19x8x256xf32, #tpu.memory_space<vmem>>, vector<1x1x16xf32>,
        %get3A_1556 = vector.shape_cast %get3A_1555 : vector<1x1x16xf32> to vector<16xf32>
        %mul3A_1557 = arith.mulf %get3A_1556, %get3A_1556 : vector<16xf32>
        %add3A_1558 = arith.addf %add3A_1549, %mul3A_1557 : vector<16xf32>
        %get3A_1559 = arith.constant 12 : i32
        %get3A_1560 = arith.constant 6 : i32
        %get3A_1561 = arith.index_cast %get3A_1559 : i32 to index
        %get3A_1562 = arith.index_cast %get3A_1560 : i32 to index
        %get3A_1563 = arith.index_cast %mul3A_258 : i32 to index
        %get3A_1564 = tpu.vector_load %arg5[%get3A_1561, %get3A_1562, %get3A_1563] {strides = array<i32>} : memref<19x8x256xf32, #tpu.memory_space<vmem>>, vector<1x1x16xf32>,
        %get3A_1565 = vector.shape_cast %get3A_1564 : vector<1x1x16xf32> to vector<16xf32>
        %mul3A_1566 = arith.mulf %get3A_1565, %get3A_1565 : vector<16xf32>
        %add3A_1567 = arith.addf %add3A_1558, %mul3A_1566 : vector<16xf32>
        %get3A_1568 = arith.constant 13 : i32
        %get3A_1569 = arith.constant 6 : i32
        %get3A_1570 = arith.index_cast %get3A_1568 : i32 to index
        %get3A_1571 = arith.index_cast %get3A_1569 : i32 to index
        %get3A_1572 = arith.index_cast %mul3A_258 : i32 to index
        %get3A_1573 = tpu.vector_load %arg5[%get3A_1570, %get3A_1571, %get3A_1572] {strides = array<i32>} : memref<19x8x256xf32, #tpu.memory_space<vmem>>, vector<1x1x16xf32>,
        %get3A_1574 = vector.shape_cast %get3A_1573 : vector<1x1x16xf32> to vector<16xf32>
        %mul3A_1575 = arith.mulf %get3A_1574, %get3A_1574 : vector<16xf32>
        %add3A_1576 = arith.addf %add3A_1567, %mul3A_1575 : vector<16xf32>
        %get3A_1577 = arith.constant 14 : i32
        %get3A_1578 = arith.constant 6 : i32
        %get3A_1579 = arith.index_cast %get3A_1577 : i32 to index
        %get3A_1580 = arith.index_cast %get3A_1578 : i32 to index
        %get3A_1581 = arith.index_cast %mul3A_258 : i32 to index
        %get3A_1582 = tpu.vector_load %arg5[%get3A_1579, %get3A_1580, %get3A_1581] {strides = array<i32>} : memref<19x8x256xf32, #tpu.memory_space<vmem>>, vector<1x1x16xf32>,
        %get3A_1583 = vector.shape_cast %get3A_1582 : vector<1x1x16xf32> to vector<16xf32>
        %mul3A_1584 = arith.mulf %get3A_1583, %get3A_1583 : vector<16xf32>
        %add3A_1585 = arith.addf %add3A_1576, %mul3A_1584 : vector<16xf32>
        %get3A_1586 = arith.constant 15 : i32
        %get3A_1587 = arith.constant 6 : i32
        %get3A_1588 = arith.index_cast %get3A_1586 : i32 to index
        %get3A_1589 = arith.index_cast %get3A_1587 : i32 to index
        %get3A_1590 = arith.index_cast %mul3A_258 : i32 to index
        %get3A_1591 = tpu.vector_load %arg5[%get3A_1588, %get3A_1589, %get3A_1590] {strides = array<i32>} : memref<19x8x256xf32, #tpu.memory_space<vmem>>, vector<1x1x16xf32>,
        %get3A_1592 = vector.shape_cast %get3A_1591 : vector<1x1x16xf32> to vector<16xf32>
        %mul3A_1593 = arith.mulf %get3A_1592, %get3A_1592 : vector<16xf32>
        %add3A_1594 = arith.addf %add3A_1585, %mul3A_1593 : vector<16xf32>
        %get3A_1595 = arith.constant 16 : i32
        %get3A_1596 = arith.constant 6 : i32
        %get3A_1597 = arith.index_cast %get3A_1595 : i32 to index
        %get3A_1598 = arith.index_cast %get3A_1596 : i32 to index
        %get3A_1599 = arith.index_cast %mul3A_258 : i32 to index
        %get3A_1600 = tpu.vector_load %arg5[%get3A_1597, %get3A_1598, %get3A_1599] {strides = array<i32>} : memref<19x8x256xf32, #tpu.memory_space<vmem>>, vector<1x1x16xf32>,
        %get3A_1601 = vector.shape_cast %get3A_1600 : vector<1x1x16xf32> to vector<16xf32>
        %mul3A_1602 = arith.mulf %get3A_1601, %get3A_1601 : vector<16xf32>
        %add3A_1603 = arith.addf %add3A_1594, %mul3A_1602 : vector<16xf32>
        %get3A_1604 = arith.constant 17 : i32
        %get3A_1605 = arith.constant 6 : i32
        %get3A_1606 = arith.index_cast %get3A_1604 : i32 to index
        %get3A_1607 = arith.index_cast %get3A_1605 : i32 to index
        %get3A_1608 = arith.index_cast %mul3A_258 : i32 to index
        %get3A_1609 = tpu.vector_load %arg5[%get3A_1606, %get3A_1607, %get3A_1608] {strides = array<i32>} : memref<19x8x256xf32, #tpu.memory_space<vmem>>, vector<1x1x16xf32>,
        %get3A_1610 = vector.shape_cast %get3A_1609 : vector<1x1x16xf32> to vector<16xf32>
        %mul3A_1611 = arith.mulf %get3A_1610, %get3A_1610 : vector<16xf32>
        %add3A_1612 = arith.addf %add3A_1603, %mul3A_1611 : vector<16xf32>
        %get3A_1613 = arith.constant 18 : i32
        %get3A_1614 = arith.constant 6 : i32
        %get3A_1615 = arith.index_cast %get3A_1613 : i32 to index
        %get3A_1616 = arith.index_cast %get3A_1614 : i32 to index
        %get3A_1617 = arith.index_cast %mul3A_258 : i32 to index
        %get3A_1618 = tpu.vector_load %arg5[%get3A_1615, %get3A_1616, %get3A_1617] {strides = array<i32>} : memref<19x8x256xf32, #tpu.memory_space<vmem>>, vector<1x1x16xf32>,
        %get3A_1619 = vector.shape_cast %get3A_1618 : vector<1x1x16xf32> to vector<16xf32>
        %mul3A_1620 = arith.mulf %get3A_1619, %get3A_1619 : vector<16xf32>
        %add3A_1621 = arith.addf %add3A_1612, %mul3A_1620 : vector<16xf32>
        %get3A_1622 = arith.constant 6 : i32
        %get3A_1623 = arith.index_cast %get3A_1622 : i32 to index
        %get3A_1624 = arith.index_cast %mul3A_258 : i32 to index
        %get3A_1625 = tpu.vector_load %arg7[%get3A_1623, %get3A_1624] {strides = array<i32>} : memref<8x256xi32, #tpu.memory_space<vmem>>, vector<1x16xi32>,
        %get3A_1626 = vector.shape_cast %get3A_1625 : vector<1x16xi32> to vector<16xi32>
        %eq3A_1627 = arith.constant 0 : i32
        %eq3A_1628 = vector.broadcast %eq3A_1627 : i32 to vector<16xi32>
        %eq3A_1629 = arith.cmpi eq, %get3A_1626, %eq3A_1628 : vector<16xi32>
        %jit3A_1630 = arith.constant 0.000000e+00 : f32
        %broadcast_in_dim3A_1631 = vector.broadcast %jit3A_1630 : f32 to vector<16xf32>
        %select_n3A_1632 = arith.select %eq3A_1629, %add3A_1621, %broadcast_in_dim3A_1631 : vector<16xi1>, vector<16xf32>
        %add3A_1633 = arith.addf %add3A_837, %select_n3A_1632 : vector<16xf32>
        %sub3A_1634 = arith.constant 1.000000e+00 : f32
        %sub3A_1635 = vector.broadcast %sub3A_1634 : f32 to vector<16xf32>
        %sub3A_1636 = arith.subf %sub3A_1635, %add3A_1621 : vector<16xf32>
        %max3A_1637 = arith.constant 0.000000e+00 : f32
        %max3A_1638 = vector.broadcast %max3A_1637 : f32 to vector<16xf32>
        %max3A_1639 = arith.maximumf %sub3A_1636, %max3A_1638 : vector<16xf32>
        %jit3A_1640 = arith.constant 0.000000e+00 : f32
        %broadcast_in_dim3A_1641 = vector.broadcast %jit3A_1640 : f32 to vector<16xf32>
        %select_n3A_1642 = arith.select %eq3A_1629, %broadcast_in_dim3A_1641, %max3A_1639 : vector<16xi1>, vector<16xf32>
        %add3A_1643 = arith.addf %add3A_847, %select_n3A_1642 : vector<16xf32>
        %jit3A_1644 = arith.constant 1.000000e+00 : f32
        %jit3A_1645 = arith.constant 0.000000e+00 : f32
        %broadcast_in_dim3A_1646 = vector.broadcast %jit3A_1644 : f32 to vector<16xf32>
        %broadcast_in_dim3A_1647 = vector.broadcast %jit3A_1645 : f32 to vector<16xf32>
        %select_n3A_1648 = arith.select %eq3A_1629, %broadcast_in_dim3A_1646, %broadcast_in_dim3A_1647 : vector<16xi1>, vector<16xf32>
        %add3A_1649 = arith.addf %add3A_853, %select_n3A_1648 : vector<16xf32>
        %get3A_1650 = arith.constant 0 : i32
        %get3A_1651 = arith.constant 7 : i32
        %get3A_1652 = arith.index_cast %get3A_1650 : i32 to index
        %get3A_1653 = arith.index_cast %get3A_1651 : i32 to index
        %get3A_1654 = arith.index_cast %mul3A_258 : i32 to index
        %get3A_1655 = tpu.vector_load %arg5[%get3A_1652, %get3A_1653, %get3A_1654] {strides = array<i32>} : memref<19x8x256xf32, #tpu.memory_space<vmem>>, vector<1x1x16xf32>,
        %get3A_1656 = vector.shape_cast %get3A_1655 : vector<1x1x16xf32> to vector<16xf32>
        %mul3A_1657 = arith.mulf %get3A_1656, %get3A_1656 : vector<16xf32>
        %add3A_1658 = arith.addf %broadcast_in_dim3A_1, %mul3A_1657 : vector<16xf32>
        %get3A_1659 = arith.constant 1 : i32
        %get3A_1660 = arith.constant 7 : i32
        %get3A_1661 = arith.index_cast %get3A_1659 : i32 to index
        %get3A_1662 = arith.index_cast %get3A_1660 : i32 to index
        %get3A_1663 = arith.index_cast %mul3A_258 : i32 to index
        %get3A_1664 = tpu.vector_load %arg5[%get3A_1661, %get3A_1662, %get3A_1663] {strides = array<i32>} : memref<19x8x256xf32, #tpu.memory_space<vmem>>, vector<1x1x16xf32>,
        %get3A_1665 = vector.shape_cast %get3A_1664 : vector<1x1x16xf32> to vector<16xf32>
        %mul3A_1666 = arith.mulf %get3A_1665, %get3A_1665 : vector<16xf32>
        %add3A_1667 = arith.addf %add3A_1658, %mul3A_1666 : vector<16xf32>
        %get3A_1668 = arith.constant 2 : i32
        %get3A_1669 = arith.constant 7 : i32
        %get3A_1670 = arith.index_cast %get3A_1668 : i32 to index
        %get3A_1671 = arith.index_cast %get3A_1669 : i32 to index
        %get3A_1672 = arith.index_cast %mul3A_258 : i32 to index
        %get3A_1673 = tpu.vector_load %arg5[%get3A_1670, %get3A_1671, %get3A_1672] {strides = array<i32>} : memref<19x8x256xf32, #tpu.memory_space<vmem>>, vector<1x1x16xf32>,
        %get3A_1674 = vector.shape_cast %get3A_1673 : vector<1x1x16xf32> to vector<16xf32>
        %mul3A_1675 = arith.mulf %get3A_1674, %get3A_1674 : vector<16xf32>
        %add3A_1676 = arith.addf %add3A_1667, %mul3A_1675 : vector<16xf32>
        %get3A_1677 = arith.constant 3 : i32
        %get3A_1678 = arith.constant 7 : i32
        %get3A_1679 = arith.index_cast %get3A_1677 : i32 to index
        %get3A_1680 = arith.index_cast %get3A_1678 : i32 to index
        %get3A_1681 = arith.index_cast %mul3A_258 : i32 to index
        %get3A_1682 = tpu.vector_load %arg5[%get3A_1679, %get3A_1680, %get3A_1681] {strides = array<i32>} : memref<19x8x256xf32, #tpu.memory_space<vmem>>, vector<1x1x16xf32>,
        %get3A_1683 = vector.shape_cast %get3A_1682 : vector<1x1x16xf32> to vector<16xf32>
        %mul3A_1684 = arith.mulf %get3A_1683, %get3A_1683 : vector<16xf32>
        %add3A_1685 = arith.addf %add3A_1676, %mul3A_1684 : vector<16xf32>
        %get3A_1686 = arith.constant 4 : i32
        %get3A_1687 = arith.constant 7 : i32
        %get3A_1688 = arith.index_cast %get3A_1686 : i32 to index
        %get3A_1689 = arith.index_cast %get3A_1687 : i32 to index
        %get3A_1690 = arith.index_cast %mul3A_258 : i32 to index
        %get3A_1691 = tpu.vector_load %arg5[%get3A_1688, %get3A_1689, %get3A_1690] {strides = array<i32>} : memref<19x8x256xf32, #tpu.memory_space<vmem>>, vector<1x1x16xf32>,
        %get3A_1692 = vector.shape_cast %get3A_1691 : vector<1x1x16xf32> to vector<16xf32>
        %mul3A_1693 = arith.mulf %get3A_1692, %get3A_1692 : vector<16xf32>
        %add3A_1694 = arith.addf %add3A_1685, %mul3A_1693 : vector<16xf32>
        %get3A_1695 = arith.constant 5 : i32
        %get3A_1696 = arith.constant 7 : i32
        %get3A_1697 = arith.index_cast %get3A_1695 : i32 to index
        %get3A_1698 = arith.index_cast %get3A_1696 : i32 to index
        %get3A_1699 = arith.index_cast %mul3A_258 : i32 to index
        %get3A_1700 = tpu.vector_load %arg5[%get3A_1697, %get3A_1698, %get3A_1699] {strides = array<i32>} : memref<19x8x256xf32, #tpu.memory_space<vmem>>, vector<1x1x16xf32>,
        %get3A_1701 = vector.shape_cast %get3A_1700 : vector<1x1x16xf32> to vector<16xf32>
        %mul3A_1702 = arith.mulf %get3A_1701, %get3A_1701 : vector<16xf32>
        %add3A_1703 = arith.addf %add3A_1694, %mul3A_1702 : vector<16xf32>
        %get3A_1704 = arith.constant 6 : i32
        %get3A_1705 = arith.constant 7 : i32
        %get3A_1706 = arith.index_cast %get3A_1704 : i32 to index
        %get3A_1707 = arith.index_cast %get3A_1705 : i32 to index
        %get3A_1708 = arith.index_cast %mul3A_258 : i32 to index
        %get3A_1709 = tpu.vector_load %arg5[%get3A_1706, %get3A_1707, %get3A_1708] {strides = array<i32>} : memref<19x8x256xf32, #tpu.memory_space<vmem>>, vector<1x1x16xf32>,
        %get3A_1710 = vector.shape_cast %get3A_1709 : vector<1x1x16xf32> to vector<16xf32>
        %mul3A_1711 = arith.mulf %get3A_1710, %get3A_1710 : vector<16xf32>
        %add3A_1712 = arith.addf %add3A_1703, %mul3A_1711 : vector<16xf32>
        %get3A_1713 = arith.constant 7 : i32
        %get3A_1714 = arith.constant 7 : i32
        %get3A_1715 = arith.index_cast %get3A_1713 : i32 to index
        %get3A_1716 = arith.index_cast %get3A_1714 : i32 to index
        %get3A_1717 = arith.index_cast %mul3A_258 : i32 to index
        %get3A_1718 = tpu.vector_load %arg5[%get3A_1715, %get3A_1716, %get3A_1717] {strides = array<i32>} : memref<19x8x256xf32, #tpu.memory_space<vmem>>, vector<1x1x16xf32>,
        %get3A_1719 = vector.shape_cast %get3A_1718 : vector<1x1x16xf32> to vector<16xf32>
        %mul3A_1720 = arith.mulf %get3A_1719, %get3A_1719 : vector<16xf32>
        %add3A_1721 = arith.addf %add3A_1712, %mul3A_1720 : vector<16xf32>
        %get3A_1722 = arith.constant 8 : i32
        %get3A_1723 = arith.constant 7 : i32
        %get3A_1724 = arith.index_cast %get3A_1722 : i32 to index
        %get3A_1725 = arith.index_cast %get3A_1723 : i32 to index
        %get3A_1726 = arith.index_cast %mul3A_258 : i32 to index
        %get3A_1727 = tpu.vector_load %arg5[%get3A_1724, %get3A_1725, %get3A_1726] {strides = array<i32>} : memref<19x8x256xf32, #tpu.memory_space<vmem>>, vector<1x1x16xf32>,
        %get3A_1728 = vector.shape_cast %get3A_1727 : vector<1x1x16xf32> to vector<16xf32>
        %mul3A_1729 = arith.mulf %get3A_1728, %get3A_1728 : vector<16xf32>
        %add3A_1730 = arith.addf %add3A_1721, %mul3A_1729 : vector<16xf32>
        %get3A_1731 = arith.constant 9 : i32
        %get3A_1732 = arith.constant 7 : i32
        %get3A_1733 = arith.index_cast %get3A_1731 : i32 to index
        %get3A_1734 = arith.index_cast %get3A_1732 : i32 to index
        %get3A_1735 = arith.index_cast %mul3A_258 : i32 to index
        %get3A_1736 = tpu.vector_load %arg5[%get3A_1733, %get3A_1734, %get3A_1735] {strides = array<i32>} : memref<19x8x256xf32, #tpu.memory_space<vmem>>, vector<1x1x16xf32>,
        %get3A_1737 = vector.shape_cast %get3A_1736 : vector<1x1x16xf32> to vector<16xf32>
        %mul3A_1738 = arith.mulf %get3A_1737, %get3A_1737 : vector<16xf32>
        %add3A_1739 = arith.addf %add3A_1730, %mul3A_1738 : vector<16xf32>
        %get3A_1740 = arith.constant 10 : i32
        %get3A_1741 = arith.constant 7 : i32
        %get3A_1742 = arith.index_cast %get3A_1740 : i32 to index
        %get3A_1743 = arith.index_cast %get3A_1741 : i32 to index
        %get3A_1744 = arith.index_cast %mul3A_258 : i32 to index
        %get3A_1745 = tpu.vector_load %arg5[%get3A_1742, %get3A_1743, %get3A_1744] {strides = array<i32>} : memref<19x8x256xf32, #tpu.memory_space<vmem>>, vector<1x1x16xf32>,
        %get3A_1746 = vector.shape_cast %get3A_1745 : vector<1x1x16xf32> to vector<16xf32>
        %mul3A_1747 = arith.mulf %get3A_1746, %get3A_1746 : vector<16xf32>
        %add3A_1748 = arith.addf %add3A_1739, %mul3A_1747 : vector<16xf32>
        %get3A_1749 = arith.constant 11 : i32
        %get3A_1750 = arith.constant 7 : i32
        %get3A_1751 = arith.index_cast %get3A_1749 : i32 to index
        %get3A_1752 = arith.index_cast %get3A_1750 : i32 to index
        %get3A_1753 = arith.index_cast %mul3A_258 : i32 to index
        %get3A_1754 = tpu.vector_load %arg5[%get3A_1751, %get3A_1752, %get3A_1753] {strides = array<i32>} : memref<19x8x256xf32, #tpu.memory_space<vmem>>, vector<1x1x16xf32>,
        %get3A_1755 = vector.shape_cast %get3A_1754 : vector<1x1x16xf32> to vector<16xf32>
        %mul3A_1756 = arith.mulf %get3A_1755, %get3A_1755 : vector<16xf32>
        %add3A_1757 = arith.addf %add3A_1748, %mul3A_1756 : vector<16xf32>
        %get3A_1758 = arith.constant 12 : i32
        %get3A_1759 = arith.constant 7 : i32
        %get3A_1760 = arith.index_cast %get3A_1758 : i32 to index
        %get3A_1761 = arith.index_cast %get3A_1759 : i32 to index
        %get3A_1762 = arith.index_cast %mul3A_258 : i32 to index
        %get3A_1763 = tpu.vector_load %arg5[%get3A_1760, %get3A_1761, %get3A_1762] {strides = array<i32>} : memref<19x8x256xf32, #tpu.memory_space<vmem>>, vector<1x1x16xf32>,
        %get3A_1764 = vector.shape_cast %get3A_1763 : vector<1x1x16xf32> to vector<16xf32>
        %mul3A_1765 = arith.mulf %get3A_1764, %get3A_1764 : vector<16xf32>
        %add3A_1766 = arith.addf %add3A_1757, %mul3A_1765 : vector<16xf32>
        %get3A_1767 = arith.constant 13 : i32
        %get3A_1768 = arith.constant 7 : i32
        %get3A_1769 = arith.index_cast %get3A_1767 : i32 to index
        %get3A_1770 = arith.index_cast %get3A_1768 : i32 to index
        %get3A_1771 = arith.index_cast %mul3A_258 : i32 to index
        %get3A_1772 = tpu.vector_load %arg5[%get3A_1769, %get3A_1770, %get3A_1771] {strides = array<i32>} : memref<19x8x256xf32, #tpu.memory_space<vmem>>, vector<1x1x16xf32>,
        %get3A_1773 = vector.shape_cast %get3A_1772 : vector<1x1x16xf32> to vector<16xf32>
        %mul3A_1774 = arith.mulf %get3A_1773, %get3A_1773 : vector<16xf32>
        %add3A_1775 = arith.addf %add3A_1766, %mul3A_1774 : vector<16xf32>
        %get3A_1776 = arith.constant 14 : i32
        %get3A_1777 = arith.constant 7 : i32
        %get3A_1778 = arith.index_cast %get3A_1776 : i32 to index
        %get3A_1779 = arith.index_cast %get3A_1777 : i32 to index
        %get3A_1780 = arith.index_cast %mul3A_258 : i32 to index
        %get3A_1781 = tpu.vector_load %arg5[%get3A_1778, %get3A_1779, %get3A_1780] {strides = array<i32>} : memref<19x8x256xf32, #tpu.memory_space<vmem>>, vector<1x1x16xf32>,
        %get3A_1782 = vector.shape_cast %get3A_1781 : vector<1x1x16xf32> to vector<16xf32>
        %mul3A_1783 = arith.mulf %get3A_1782, %get3A_1782 : vector<16xf32>
        %add3A_1784 = arith.addf %add3A_1775, %mul3A_1783 : vector<16xf32>
        %get3A_1785 = arith.constant 15 : i32
        %get3A_1786 = arith.constant 7 : i32
        %get3A_1787 = arith.index_cast %get3A_1785 : i32 to index
        %get3A_1788 = arith.index_cast %get3A_1786 : i32 to index
        %get3A_1789 = arith.index_cast %mul3A_258 : i32 to index
        %get3A_1790 = tpu.vector_load %arg5[%get3A_1787, %get3A_1788, %get3A_1789] {strides = array<i32>} : memref<19x8x256xf32, #tpu.memory_space<vmem>>, vector<1x1x16xf32>,
        %get3A_1791 = vector.shape_cast %get3A_1790 : vector<1x1x16xf32> to vector<16xf32>
        %mul3A_1792 = arith.mulf %get3A_1791, %get3A_1791 : vector<16xf32>
        %add3A_1793 = arith.addf %add3A_1784, %mul3A_1792 : vector<16xf32>
        %get3A_1794 = arith.constant 16 : i32
        %get3A_1795 = arith.constant 7 : i32
        %get3A_1796 = arith.index_cast %get3A_1794 : i32 to index
        %get3A_1797 = arith.index_cast %get3A_1795 : i32 to index
        %get3A_1798 = arith.index_cast %mul3A_258 : i32 to index
        %get3A_1799 = tpu.vector_load %arg5[%get3A_1796, %get3A_1797, %get3A_1798] {strides = array<i32>} : memref<19x8x256xf32, #tpu.memory_space<vmem>>, vector<1x1x16xf32>,
        %get3A_1800 = vector.shape_cast %get3A_1799 : vector<1x1x16xf32> to vector<16xf32>
        %mul3A_1801 = arith.mulf %get3A_1800, %get3A_1800 : vector<16xf32>
        %add3A_1802 = arith.addf %add3A_1793, %mul3A_1801 : vector<16xf32>
        %get3A_1803 = arith.constant 17 : i32
        %get3A_1804 = arith.constant 7 : i32
        %get3A_1805 = arith.index_cast %get3A_1803 : i32 to index
        %get3A_1806 = arith.index_cast %get3A_1804 : i32 to index
        %get3A_1807 = arith.index_cast %mul3A_258 : i32 to index
        %get3A_1808 = tpu.vector_load %arg5[%get3A_1805, %get3A_1806, %get3A_1807] {strides = array<i32>} : memref<19x8x256xf32, #tpu.memory_space<vmem>>, vector<1x1x16xf32>,
        %get3A_1809 = vector.shape_cast %get3A_1808 : vector<1x1x16xf32> to vector<16xf32>
        %mul3A_1810 = arith.mulf %get3A_1809, %get3A_1809 : vector<16xf32>
        %add3A_1811 = arith.addf %add3A_1802, %mul3A_1810 : vector<16xf32>
        %get3A_1812 = arith.constant 18 : i32
        %get3A_1813 = arith.constant 7 : i32
        %get3A_1814 = arith.index_cast %get3A_1812 : i32 to index
        %get3A_1815 = arith.index_cast %get3A_1813 : i32 to index
        %get3A_1816 = arith.index_cast %mul3A_258 : i32 to index
        %get3A_1817 = tpu.vector_load %arg5[%get3A_1814, %get3A_1815, %get3A_1816] {strides = array<i32>} : memref<19x8x256xf32, #tpu.memory_space<vmem>>, vector<1x1x16xf32>,
        %get3A_1818 = vector.shape_cast %get3A_1817 : vector<1x1x16xf32> to vector<16xf32>
        %mul3A_1819 = arith.mulf %get3A_1818, %get3A_1818 : vector<16xf32>
        %add3A_1820 = arith.addf %add3A_1811, %mul3A_1819 : vector<16xf32>
        %get3A_1821 = arith.constant 7 : i32
        %get3A_1822 = arith.index_cast %get3A_1821 : i32 to index
        %get3A_1823 = arith.index_cast %mul3A_258 : i32 to index
        %get3A_1824 = tpu.vector_load %arg7[%get3A_1822, %get3A_1823] {strides = array<i32>} : memref<8x256xi32, #tpu.memory_space<vmem>>, vector<1x16xi32>,
        %get3A_1825 = vector.shape_cast %get3A_1824 : vector<1x16xi32> to vector<16xi32>
        %eq3A_1826 = arith.constant 0 : i32
        %eq3A_1827 = vector.broadcast %eq3A_1826 : i32 to vector<16xi32>
        %eq3A_1828 = arith.cmpi eq, %get3A_1825, %eq3A_1827 : vector<16xi32>
        %jit3A_1829 = arith.constant 0.000000e+00 : f32
        %broadcast_in_dim3A_1830 = vector.broadcast %jit3A_1829 : f32 to vector<16xf32>
        %select_n3A_1831 = arith.select %eq3A_1828, %add3A_1820, %broadcast_in_dim3A_1830 : vector<16xi1>, vector<16xf32>
        %add3A_1832 = arith.addf %add3A_1036, %select_n3A_1831 : vector<16xf32>
        %sub3A_1833 = arith.constant 1.000000e+00 : f32
        %sub3A_1834 = vector.broadcast %sub3A_1833 : f32 to vector<16xf32>
        %sub3A_1835 = arith.subf %sub3A_1834, %add3A_1820 : vector<16xf32>
        %max3A_1836 = arith.constant 0.000000e+00 : f32
        %max3A_1837 = vector.broadcast %max3A_1836 : f32 to vector<16xf32>
        %max3A_1838 = arith.maximumf %sub3A_1835, %max3A_1837 : vector<16xf32>
        %jit3A_1839 = arith.constant 0.000000e+00 : f32
        %broadcast_in_dim3A_1840 = vector.broadcast %jit3A_1839 : f32 to vector<16xf32>
        %select_n3A_1841 = arith.select %eq3A_1828, %broadcast_in_dim3A_1840, %max3A_1838 : vector<16xi1>, vector<16xf32>
        %add3A_1842 = arith.addf %add3A_1046, %select_n3A_1841 : vector<16xf32>
        %jit3A_1843 = arith.constant 1.000000e+00 : f32
        %jit3A_1844 = arith.constant 0.000000e+00 : f32
        %broadcast_in_dim3A_1845 = vector.broadcast %jit3A_1843 : f32 to vector<16xf32>
        %broadcast_in_dim3A_1846 = vector.broadcast %jit3A_1844 : f32 to vector<16xf32>
        %select_n3A_1847 = arith.select %eq3A_1828, %broadcast_in_dim3A_1845, %broadcast_in_dim3A_1846 : vector<16xi1>, vector<16xf32>
        %add3A_1848 = arith.addf %add3A_1052, %select_n3A_1847 : vector<16xf32>
        scf.yield %add3A_1235, %add3A_1434, %add3A_1633, %add3A_1832, %add3A_1245, %add3A_1444, %add3A_1643, %add3A_1842, %add3A_1251, %add3A_1450, %add3A_1649, %add3A_1848 : vector<16xf32>, vector<16xf32>, vector<16xf32>, vector<16xf32>, vector<16xf32>, vector<16xf32>, vector<16xf32>, vector<16xf32>, vector<16xf32>, vector<16xf32>, vector<16xf32>, vector<16xf32>
      }
      %scan3A_163 = arith.constant 16 : i32
      %add3A_164 = arith.constant 0.000000e+00 : f32
      %add3A_165 = vector.broadcast %add3A_164 : f32 to vector<16xf32>
      %add3A_166 = arith.addf %add3A_165, %scan3A_162#0 : vector<16xf32>
      %add3A_167 = arith.addf %add3A_166, %scan3A_162#1 : vector<16xf32>
      %add3A_168 = arith.addf %add3A_167, %scan3A_162#2 : vector<16xf32>
      %add3A_169 = arith.addf %add3A_168, %scan3A_162#3 : vector<16xf32>
      %add3A_170 = arith.addf %scan3A_134, %add3A_169 : vector<16xf32>
      %add3A_171 = arith.constant 0.000000e+00 : f32
      %add3A_172 = vector.broadcast %add3A_171 : f32 to vector<16xf32>
      %add3A_173 = arith.addf %add3A_172, %scan3A_162#4 : vector<16xf32>
      %add3A_174 = arith.addf %add3A_173, %scan3A_162#5 : vector<16xf32>
      %add3A_175 = arith.addf %add3A_174, %scan3A_162#6 : vector<16xf32>
      %add3A_176 = arith.addf %add3A_175, %scan3A_162#7 : vector<16xf32>
      %add3A_177 = arith.addf %scan3A_135, %add3A_176 : vector<16xf32>
      %add3A_178 = arith.constant 0.000000e+00 : f32
      %add3A_179 = vector.broadcast %add3A_178 : f32 to vector<16xf32>
      %add3A_180 = arith.addf %add3A_179, %scan3A_162#8 : vector<16xf32>
      %add3A_181 = arith.addf %add3A_180, %scan3A_162#9 : vector<16xf32>
      %add3A_182 = arith.addf %add3A_181, %scan3A_162#10 : vector<16xf32>
      %add3A_183 = arith.addf %add3A_182, %scan3A_162#11 : vector<16xf32>
      %add3A_184 = arith.addf %scan3A_136, %add3A_183 : vector<16xf32>
      %add3A_185 = arith.constant 2 : i32
      %add3A_186 = arith.addi %mul3A_138, %add3A_185 : i32
      %lt3A_187 = arith.constant 8 : i32
      %lt3A_188 = arith.cmpi slt, %add3A_186, %lt3A_187 : i32
      %convert_element_type3A = arith.extui %lt3A_188 : i1 to i32
      %cond3A = arith.constant 0 : i32
      %cond3A_189 = arith.cmpi ne, %convert_element_type3A, %cond3A : i32
      scf.if %cond3A_189 {
        %add3A_244 = arith.constant 2 : i32
        %add3A_245 = arith.addi %mul3A_138, %add3A_244 : i32
        %jit3A_246 = arith.constant 2 : i32
        %div3A_247 = arith.divsi %add3A_245, %jit3A_246 : i32
        %sign3A_248 = arith.constant 0 : i32
        %sign3A_249 = arith.cmpi sgt, %add3A_245, %sign3A_248 : i32
        %sign3A_250 = arith.extui %sign3A_249 : i1 to i32
        %sign3A_251 = arith.constant 0 : i32
        %sign3A_252 = arith.cmpi slt, %add3A_245, %sign3A_251 : i32
        %sign3A_253 = arith.extui %sign3A_252 : i1 to i32
        %sign3A_254 = arith.subi %sign3A_250, %sign3A_253 : i32
        %sign3A_255 = arith.constant 0 : i32
        %sign3A_256 = arith.cmpi sgt, %jit3A_246, %sign3A_255 : i32
        %sign3A_257 = arith.extui %sign3A_256 : i1 to i32
        %sign3A_258 = arith.constant 0 : i32
        %sign3A_259 = arith.cmpi slt, %jit3A_246, %sign3A_258 : i32
        %sign3A_260 = arith.extui %sign3A_259 : i1 to i32
        %sign3A_261 = arith.subi %sign3A_257, %sign3A_260 : i32
        %ne3A_262 = arith.cmpi ne, %sign3A_254, %sign3A_261 : i32
        %rem3A_263 = arith.remsi %add3A_245, %jit3A_246 : i32
        %ne3A_264 = arith.constant 0 : i32
        %ne3A_265 = arith.cmpi ne, %rem3A_263, %ne3A_264 : i32
        %and3A_266 = arith.andi %ne3A_262, %ne3A_265 : i1
        %sub3A_267 = arith.constant 1 : i32
        %sub3A_268 = arith.subi %div3A_247, %sub3A_267 : i32
        %select_n3A_269 = arith.select %and3A_266, %sub3A_268, %div3A_247 : i32
        %mul3A_270 = arith.constant 32 : i32
        %mul3A_271 = arith.muli %select_n3A_269, %mul3A_270 : i32
        %add3A_272 = arith.addi %add3A, %mul3A_271 : i32
        %mul3A_273 = arith.constant 8 : i32
        %mul3A_274 = arith.muli %add3A_272, %mul3A_273 : i32
        %add3A_275 = arith.constant 3072 : i32
        %add3A_276 = arith.addi %add3A_275, %mul3A_274 : i32
        %jit3A_277 = arith.constant 512 : i32
        %div3A_278 = arith.divsi %add3A_276, %jit3A_277 : i32
        %sign3A_279 = arith.constant 0 : i32
        %sign3A_280 = arith.cmpi sgt, %add3A_276, %sign3A_279 : i32
        %sign3A_281 = arith.extui %sign3A_280 : i1 to i32
        %sign3A_282 = arith.constant 0 : i32
        %sign3A_283 = arith.cmpi slt, %add3A_276, %sign3A_282 : i32
        %sign3A_284 = arith.extui %sign3A_283 : i1 to i32
        %sign3A_285 = arith.subi %sign3A_281, %sign3A_284 : i32
        %sign3A_286 = arith.constant 0 : i32
        %sign3A_287 = arith.cmpi sgt, %jit3A_277, %sign3A_286 : i32
        %sign3A_288 = arith.extui %sign3A_287 : i1 to i32
        %sign3A_289 = arith.constant 0 : i32
        %sign3A_290 = arith.cmpi slt, %jit3A_277, %sign3A_289 : i32
        %sign3A_291 = arith.extui %sign3A_290 : i1 to i32
        %sign3A_292 = arith.subi %sign3A_288, %sign3A_291 : i32
        %ne3A_293 = arith.cmpi ne, %sign3A_285, %sign3A_292 : i32
        %rem3A_294 = arith.remsi %add3A_276, %jit3A_277 : i32
        %ne3A_295 = arith.constant 0 : i32
        %ne3A_296 = arith.cmpi ne, %rem3A_294, %ne3A_295 : i32
        %and3A_297 = arith.andi %ne3A_293, %ne3A_296 : i1
        %sub3A_298 = arith.constant 1 : i32
        %sub3A_299 = arith.subi %div3A_278, %sub3A_298 : i32
        %select_n3A_300 = arith.select %and3A_297, %sub3A_299, %div3A_278 : i32
        %jit3A_301 = arith.constant 512 : i32
        %eq3A_302 = arith.constant 0 : i32
        %eq3A_303 = arith.cmpi eq, %jit3A_301, %eq3A_302 : i32
        %jit3A_304 = arith.constant 1 : i32
        %select_n3A_305 = arith.select %eq3A_303, %jit3A_304, %jit3A_301 : i32
        %rem3A_306 = arith.remsi %add3A_276, %select_n3A_305 : i32
        %ne3A_307 = arith.constant 0 : i32
        %ne3A_308 = arith.cmpi ne, %rem3A_306, %ne3A_307 : i32
        %lt3A_309 = arith.constant 0 : i32
        %lt3A_310 = arith.cmpi slt, %rem3A_306, %lt3A_309 : i32
        %lt3A_311 = arith.constant 0 : i32
        %lt3A_312 = arith.cmpi slt, %select_n3A_305, %lt3A_311 : i32
        %ne3A_313 = arith.xori %lt3A_310, %lt3A_312 : i1
        %and3A_314 = arith.andi %ne3A_313, %ne3A_308 : i1
        %add3A_315 = arith.addi %rem3A_306, %select_n3A_305 : i32
        %select_n3A_316 = arith.select %and3A_314, %add3A_315, %rem3A_306 : i32
        %jit3A_317 = arith.constant 2 : i32
        %eq3A_318 = arith.constant 0 : i32
        %eq3A_319 = arith.cmpi eq, %jit3A_317, %eq3A_318 : i32
        %jit3A_320 = arith.constant 1 : i32
        %select_n3A_321 = arith.select %eq3A_319, %jit3A_320, %jit3A_317 : i32
        %rem3A_322 = arith.remsi %add3A_245, %select_n3A_321 : i32
        %ne3A_323 = arith.constant 0 : i32
        %ne3A_324 = arith.cmpi ne, %rem3A_322, %ne3A_323 : i32
        %lt3A_325 = arith.constant 0 : i32
        %lt3A_326 = arith.cmpi slt, %rem3A_322, %lt3A_325 : i32
        %lt3A_327 = arith.constant 0 : i32
        %lt3A_328 = arith.cmpi slt, %select_n3A_321, %lt3A_327 : i32
        %ne3A_329 = arith.xori %lt3A_326, %lt3A_328 : i1
        %and3A_330 = arith.andi %ne3A_329, %ne3A_324 : i1
        %add3A_331 = arith.addi %rem3A_322, %select_n3A_321 : i32
        %select_n3A_332 = arith.select %and3A_330, %add3A_331, %rem3A_322 : i32
        %mul3A_333 = arith.constant 256 : i32
        %mul3A_334 = arith.muli %select_n3A_332, %mul3A_333 : i32
        %dma_start3A_335 = arith.constant 0 : i32
        %dma_start3A_336 = tpu.memref_slice %arg2[%select_n3A_300, %dma_start3A_335, %select_n3A_316, %mul3A_334] : memref<8x19x512x512xf32, #tpu.memory_space<hbm>> -> memref<1x19x8x256xf32, #tpu.memory_space<hbm>>
        %dma_start3A_337 = tpu.memref_squeeze %dma_start3A_336 : memref<1x19x8x256xf32, #tpu.memory_space<hbm>> -> memref<19x8x256xf32, #tpu.memory_space<hbm>>
        %dma_start3A_338 = arith.constant 0 : i32
        %dma_start3A_339 = tpu.memref_slice %arg2[%select_n3A_300, %dma_start3A_338, %select_n3A_316, %mul3A_334] : memref<8x19x512x512xf32, #tpu.memory_space<hbm>> -> memref<1x19x8x256xf32, #tpu.memory_space<hbm>>
        %dma_start3A_340 = tpu.memref_squeeze %dma_start3A_339 : memref<1x19x8x256xf32, #tpu.memory_space<hbm>> -> memref<19x8x256xf32, #tpu.memory_space<hbm>>
        tpu.enqueue_dma source(%dma_start3A_340 : memref<19x8x256xf32, #tpu.memory_space<hbm>>) target(%arg5 : memref<19x8x256xf32, #tpu.memory_space<vmem>>) target_semaphore(%arg10 : memref<!tpu.dma_semaphore, #tpu.memory_space<semaphore_mem>>)
        %dma_start3A_341 = tpu.memref_slice %arg3[%select_n3A_300, %select_n3A_316, %mul3A_334] : memref<8x512x512xi32, #tpu.memory_space<hbm>> -> memref<1x8x256xi32, #tpu.memory_space<hbm>>
        %dma_start3A_342 = tpu.memref_squeeze %dma_start3A_341 : memref<1x8x256xi32, #tpu.memory_space<hbm>> -> memref<8x256xi32, #tpu.memory_space<hbm>>
        %dma_start3A_343 = tpu.memref_slice %arg3[%select_n3A_300, %select_n3A_316, %mul3A_334] : memref<8x512x512xi32, #tpu.memory_space<hbm>> -> memref<1x8x256xi32, #tpu.memory_space<hbm>>
        %dma_start3A_344 = tpu.memref_squeeze %dma_start3A_343 : memref<1x8x256xi32, #tpu.memory_space<hbm>> -> memref<8x256xi32, #tpu.memory_space<hbm>>
        tpu.enqueue_dma source(%dma_start3A_344 : memref<8x256xi32, #tpu.memory_space<hbm>>) target(%arg7 : memref<8x256xi32, #tpu.memory_space<vmem>>) target_semaphore(%arg12 : memref<!tpu.dma_semaphore, #tpu.memory_space<semaphore_mem>>)
      } else {
      }
      %dma_wait3A_190 = arith.constant 0 : i32
      %dma_wait3A_191 = arith.constant 0 : i32
      %dma_wait3A_192 = arith.constant 0 : i32
      %dma_wait3A_193 = arith.constant 0 : i32
      %dma_wait3A_194 = tpu.memref_slice %arg2[%dma_wait3A_190, %dma_wait3A_191, %dma_wait3A_192, %dma_wait3A_193] : memref<8x19x512x512xf32, #tpu.memory_space<hbm>> -> memref<1x19x8x256xf32, #tpu.memory_space<hbm>>
      %dma_wait3A_195 = tpu.memref_squeeze %dma_wait3A_194 : memref<1x19x8x256xf32, #tpu.memory_space<hbm>> -> memref<19x8x256xf32, #tpu.memory_space<hbm>>
      %dma_wait3A_196 = arith.constant 0 : i32
      %dma_wait3A_197 = arith.constant 0 : i32
      %dma_wait3A_198 = arith.constant 0 : i32
      %dma_wait3A_199 = tpu.memref_slice %arg2[%dma_wait3A_190, %dma_wait3A_196, %dma_wait3A_197, %dma_wait3A_198] : memref<8x19x512x512xf32, #tpu.memory_space<hbm>> -> memref<1x19x8x256xf32, #tpu.memory_space<hbm>>
      %dma_wait3A_200 = tpu.memref_squeeze %dma_wait3A_199 : memref<1x19x8x256xf32, #tpu.memory_space<hbm>> -> memref<19x8x256xf32, #tpu.memory_space<hbm>>
      tpu.wait_dma2 semaphore(%arg11 : memref<!tpu.dma_semaphore, #tpu.memory_space<semaphore_mem>>) src(%dma_wait3A_200 : memref<19x8x256xf32, #tpu.memory_space<hbm>>) dst(%arg6 : memref<19x8x256xf32, #tpu.memory_space<vmem>>)
      %dma_wait3A_201 = arith.constant 0 : i32
      %dma_wait3A_202 = arith.constant 0 : i32
      %dma_wait3A_203 = arith.constant 0 : i32
      %dma_wait3A_204 = tpu.memref_slice %arg3[%dma_wait3A_201, %dma_wait3A_202, %dma_wait3A_203] : memref<8x512x512xi32, #tpu.memory_space<hbm>> -> memref<1x8x256xi32, #tpu.memory_space<hbm>>
      %dma_wait3A_205 = tpu.memref_squeeze %dma_wait3A_204 : memref<1x8x256xi32, #tpu.memory_space<hbm>> -> memref<8x256xi32, #tpu.memory_space<hbm>>
      %dma_wait3A_206 = arith.constant 0 : i32
      %dma_wait3A_207 = arith.constant 0 : i32
      %dma_wait3A_208 = tpu.memref_slice %arg3[%dma_wait3A_201, %dma_wait3A_206, %dma_wait3A_207] : memref<8x512x512xi32, #tpu.memory_space<hbm>> -> memref<1x8x256xi32, #tpu.memory_space<hbm>>
      %dma_wait3A_209 = tpu.memref_squeeze %dma_wait3A_208 : memref<1x8x256xi32, #tpu.memory_space<hbm>> -> memref<8x256xi32, #tpu.memory_space<hbm>>
      tpu.wait_dma2 semaphore(%arg13 : memref<!tpu.dma_semaphore, #tpu.memory_space<semaphore_mem>>) src(%dma_wait3A_209 : memref<8x256xi32, #tpu.memory_space<hbm>>) dst(%arg8 : memref<8x256xi32, #tpu.memory_space<vmem>>)
      %scan3A_210 = arith.constant 0 : i32
      %scan3A_211 = arith.constant 16 : i32
      %scan3A_212 = arith.addi %scan3A_210, %scan3A_211 : i32
      %scan3A_213 = arith.constant 1 : i32
      %scan3A_214:12 = scf.for %scan3A_244 = %scan3A_210 to %scan3A_212 step %scan3A_213 iter_args(%scan3A_245 = %broadcast_in_dim3A_1, %scan3A_246 = %broadcast_in_dim3A_1, %scan3A_247 = %broadcast_in_dim3A_1, %scan3A_248 = %broadcast_in_dim3A_1, %scan3A_249 = %broadcast_in_dim3A_1, %scan3A_250 = %broadcast_in_dim3A_1, %scan3A_251 = %broadcast_in_dim3A_1, %scan3A_252 = %broadcast_in_dim3A_1, %scan3A_253 = %broadcast_in_dim3A_1, %scan3A_254 = %broadcast_in_dim3A_1, %scan3A_255 = %broadcast_in_dim3A_1, %scan3A_256 = %broadcast_in_dim3A_1) -> (vector<16xf32>, vector<16xf32>, vector<16xf32>, vector<16xf32>, vector<16xf32>, vector<16xf32>, vector<16xf32>, vector<16xf32>, vector<16xf32>, vector<16xf32>, vector<16xf32>, vector<16xf32>)  : i32 {
        %mul3A_257 = arith.constant 16 : i32
        %mul3A_258 = arith.muli %scan3A_244, %mul3A_257 : i32
        %get3A = arith.constant 0 : i32
        %get3A_259 = arith.constant 0 : i32
        %get3A_260 = arith.index_cast %get3A : i32 to index
        %get3A_261 = arith.index_cast %get3A_259 : i32 to index
        %get3A_262 = arith.index_cast %mul3A_258 : i32 to index
        %get3A_263 = tpu.vector_load %arg6[%get3A_260, %get3A_261, %get3A_262] {strides = array<i32>} : memref<19x8x256xf32, #tpu.memory_space<vmem>>, vector<1x1x16xf32>,
        %get3A_264 = vector.shape_cast %get3A_263 : vector<1x1x16xf32> to vector<16xf32>
        %mul3A_265 = arith.mulf %get3A_264, %get3A_264 : vector<16xf32>
        %add3A_266 = arith.addf %broadcast_in_dim3A_1, %mul3A_265 : vector<16xf32>
        %get3A_267 = arith.constant 1 : i32
        %get3A_268 = arith.constant 0 : i32
        %get3A_269 = arith.index_cast %get3A_267 : i32 to index
        %get3A_270 = arith.index_cast %get3A_268 : i32 to index
        %get3A_271 = arith.index_cast %mul3A_258 : i32 to index
        %get3A_272 = tpu.vector_load %arg6[%get3A_269, %get3A_270, %get3A_271] {strides = array<i32>} : memref<19x8x256xf32, #tpu.memory_space<vmem>>, vector<1x1x16xf32>,
        %get3A_273 = vector.shape_cast %get3A_272 : vector<1x1x16xf32> to vector<16xf32>
        %mul3A_274 = arith.mulf %get3A_273, %get3A_273 : vector<16xf32>
        %add3A_275 = arith.addf %add3A_266, %mul3A_274 : vector<16xf32>
        %get3A_276 = arith.constant 2 : i32
        %get3A_277 = arith.constant 0 : i32
        %get3A_278 = arith.index_cast %get3A_276 : i32 to index
        %get3A_279 = arith.index_cast %get3A_277 : i32 to index
        %get3A_280 = arith.index_cast %mul3A_258 : i32 to index
        %get3A_281 = tpu.vector_load %arg6[%get3A_278, %get3A_279, %get3A_280] {strides = array<i32>} : memref<19x8x256xf32, #tpu.memory_space<vmem>>, vector<1x1x16xf32>,
        %get3A_282 = vector.shape_cast %get3A_281 : vector<1x1x16xf32> to vector<16xf32>
        %mul3A_283 = arith.mulf %get3A_282, %get3A_282 : vector<16xf32>
        %add3A_284 = arith.addf %add3A_275, %mul3A_283 : vector<16xf32>
        %get3A_285 = arith.constant 3 : i32
        %get3A_286 = arith.constant 0 : i32
        %get3A_287 = arith.index_cast %get3A_285 : i32 to index
        %get3A_288 = arith.index_cast %get3A_286 : i32 to index
        %get3A_289 = arith.index_cast %mul3A_258 : i32 to index
        %get3A_290 = tpu.vector_load %arg6[%get3A_287, %get3A_288, %get3A_289] {strides = array<i32>} : memref<19x8x256xf32, #tpu.memory_space<vmem>>, vector<1x1x16xf32>,
        %get3A_291 = vector.shape_cast %get3A_290 : vector<1x1x16xf32> to vector<16xf32>
        %mul3A_292 = arith.mulf %get3A_291, %get3A_291 : vector<16xf32>
        %add3A_293 = arith.addf %add3A_284, %mul3A_292 : vector<16xf32>
        %get3A_294 = arith.constant 4 : i32
        %get3A_295 = arith.constant 0 : i32
        %get3A_296 = arith.index_cast %get3A_294 : i32 to index
        %get3A_297 = arith.index_cast %get3A_295 : i32 to index
        %get3A_298 = arith.index_cast %mul3A_258 : i32 to index
        %get3A_299 = tpu.vector_load %arg6[%get3A_296, %get3A_297, %get3A_298] {strides = array<i32>} : memref<19x8x256xf32, #tpu.memory_space<vmem>>, vector<1x1x16xf32>,
        %get3A_300 = vector.shape_cast %get3A_299 : vector<1x1x16xf32> to vector<16xf32>
        %mul3A_301 = arith.mulf %get3A_300, %get3A_300 : vector<16xf32>
        %add3A_302 = arith.addf %add3A_293, %mul3A_301 : vector<16xf32>
        %get3A_303 = arith.constant 5 : i32
        %get3A_304 = arith.constant 0 : i32
        %get3A_305 = arith.index_cast %get3A_303 : i32 to index
        %get3A_306 = arith.index_cast %get3A_304 : i32 to index
        %get3A_307 = arith.index_cast %mul3A_258 : i32 to index
        %get3A_308 = tpu.vector_load %arg6[%get3A_305, %get3A_306, %get3A_307] {strides = array<i32>} : memref<19x8x256xf32, #tpu.memory_space<vmem>>, vector<1x1x16xf32>,
        %get3A_309 = vector.shape_cast %get3A_308 : vector<1x1x16xf32> to vector<16xf32>
        %mul3A_310 = arith.mulf %get3A_309, %get3A_309 : vector<16xf32>
        %add3A_311 = arith.addf %add3A_302, %mul3A_310 : vector<16xf32>
        %get3A_312 = arith.constant 6 : i32
        %get3A_313 = arith.constant 0 : i32
        %get3A_314 = arith.index_cast %get3A_312 : i32 to index
        %get3A_315 = arith.index_cast %get3A_313 : i32 to index
        %get3A_316 = arith.index_cast %mul3A_258 : i32 to index
        %get3A_317 = tpu.vector_load %arg6[%get3A_314, %get3A_315, %get3A_316] {strides = array<i32>} : memref<19x8x256xf32, #tpu.memory_space<vmem>>, vector<1x1x16xf32>,
        %get3A_318 = vector.shape_cast %get3A_317 : vector<1x1x16xf32> to vector<16xf32>
        %mul3A_319 = arith.mulf %get3A_318, %get3A_318 : vector<16xf32>
        %add3A_320 = arith.addf %add3A_311, %mul3A_319 : vector<16xf32>
        %get3A_321 = arith.constant 7 : i32
        %get3A_322 = arith.constant 0 : i32
        %get3A_323 = arith.index_cast %get3A_321 : i32 to index
        %get3A_324 = arith.index_cast %get3A_322 : i32 to index
        %get3A_325 = arith.index_cast %mul3A_258 : i32 to index
        %get3A_326 = tpu.vector_load %arg6[%get3A_323, %get3A_324, %get3A_325] {strides = array<i32>} : memref<19x8x256xf32, #tpu.memory_space<vmem>>, vector<1x1x16xf32>,
        %get3A_327 = vector.shape_cast %get3A_326 : vector<1x1x16xf32> to vector<16xf32>
        %mul3A_328 = arith.mulf %get3A_327, %get3A_327 : vector<16xf32>
        %add3A_329 = arith.addf %add3A_320, %mul3A_328 : vector<16xf32>
        %get3A_330 = arith.constant 8 : i32
        %get3A_331 = arith.constant 0 : i32
        %get3A_332 = arith.index_cast %get3A_330 : i32 to index
        %get3A_333 = arith.index_cast %get3A_331 : i32 to index
        %get3A_334 = arith.index_cast %mul3A_258 : i32 to index
        %get3A_335 = tpu.vector_load %arg6[%get3A_332, %get3A_333, %get3A_334] {strides = array<i32>} : memref<19x8x256xf32, #tpu.memory_space<vmem>>, vector<1x1x16xf32>,
        %get3A_336 = vector.shape_cast %get3A_335 : vector<1x1x16xf32> to vector<16xf32>
        %mul3A_337 = arith.mulf %get3A_336, %get3A_336 : vector<16xf32>
        %add3A_338 = arith.addf %add3A_329, %mul3A_337 : vector<16xf32>
        %get3A_339 = arith.constant 9 : i32
        %get3A_340 = arith.constant 0 : i32
        %get3A_341 = arith.index_cast %get3A_339 : i32 to index
        %get3A_342 = arith.index_cast %get3A_340 : i32 to index
        %get3A_343 = arith.index_cast %mul3A_258 : i32 to index
        %get3A_344 = tpu.vector_load %arg6[%get3A_341, %get3A_342, %get3A_343] {strides = array<i32>} : memref<19x8x256xf32, #tpu.memory_space<vmem>>, vector<1x1x16xf32>,
        %get3A_345 = vector.shape_cast %get3A_344 : vector<1x1x16xf32> to vector<16xf32>
        %mul3A_346 = arith.mulf %get3A_345, %get3A_345 : vector<16xf32>
        %add3A_347 = arith.addf %add3A_338, %mul3A_346 : vector<16xf32>
        %get3A_348 = arith.constant 10 : i32
        %get3A_349 = arith.constant 0 : i32
        %get3A_350 = arith.index_cast %get3A_348 : i32 to index
        %get3A_351 = arith.index_cast %get3A_349 : i32 to index
        %get3A_352 = arith.index_cast %mul3A_258 : i32 to index
        %get3A_353 = tpu.vector_load %arg6[%get3A_350, %get3A_351, %get3A_352] {strides = array<i32>} : memref<19x8x256xf32, #tpu.memory_space<vmem>>, vector<1x1x16xf32>,
        %get3A_354 = vector.shape_cast %get3A_353 : vector<1x1x16xf32> to vector<16xf32>
        %mul3A_355 = arith.mulf %get3A_354, %get3A_354 : vector<16xf32>
        %add3A_356 = arith.addf %add3A_347, %mul3A_355 : vector<16xf32>
        %get3A_357 = arith.constant 11 : i32
        %get3A_358 = arith.constant 0 : i32
        %get3A_359 = arith.index_cast %get3A_357 : i32 to index
        %get3A_360 = arith.index_cast %get3A_358 : i32 to index
        %get3A_361 = arith.index_cast %mul3A_258 : i32 to index
        %get3A_362 = tpu.vector_load %arg6[%get3A_359, %get3A_360, %get3A_361] {strides = array<i32>} : memref<19x8x256xf32, #tpu.memory_space<vmem>>, vector<1x1x16xf32>,
        %get3A_363 = vector.shape_cast %get3A_362 : vector<1x1x16xf32> to vector<16xf32>
        %mul3A_364 = arith.mulf %get3A_363, %get3A_363 : vector<16xf32>
        %add3A_365 = arith.addf %add3A_356, %mul3A_364 : vector<16xf32>
        %get3A_366 = arith.constant 12 : i32
        %get3A_367 = arith.constant 0 : i32
        %get3A_368 = arith.index_cast %get3A_366 : i32 to index
        %get3A_369 = arith.index_cast %get3A_367 : i32 to index
        %get3A_370 = arith.index_cast %mul3A_258 : i32 to index
        %get3A_371 = tpu.vector_load %arg6[%get3A_368, %get3A_369, %get3A_370] {strides = array<i32>} : memref<19x8x256xf32, #tpu.memory_space<vmem>>, vector<1x1x16xf32>,
        %get3A_372 = vector.shape_cast %get3A_371 : vector<1x1x16xf32> to vector<16xf32>
        %mul3A_373 = arith.mulf %get3A_372, %get3A_372 : vector<16xf32>
        %add3A_374 = arith.addf %add3A_365, %mul3A_373 : vector<16xf32>
        %get3A_375 = arith.constant 13 : i32
        %get3A_376 = arith.constant 0 : i32
        %get3A_377 = arith.index_cast %get3A_375 : i32 to index
        %get3A_378 = arith.index_cast %get3A_376 : i32 to index
        %get3A_379 = arith.index_cast %mul3A_258 : i32 to index
        %get3A_380 = tpu.vector_load %arg6[%get3A_377, %get3A_378, %get3A_379] {strides = array<i32>} : memref<19x8x256xf32, #tpu.memory_space<vmem>>, vector<1x1x16xf32>,
        %get3A_381 = vector.shape_cast %get3A_380 : vector<1x1x16xf32> to vector<16xf32>
        %mul3A_382 = arith.mulf %get3A_381, %get3A_381 : vector<16xf32>
        %add3A_383 = arith.addf %add3A_374, %mul3A_382 : vector<16xf32>
        %get3A_384 = arith.constant 14 : i32
        %get3A_385 = arith.constant 0 : i32
        %get3A_386 = arith.index_cast %get3A_384 : i32 to index
        %get3A_387 = arith.index_cast %get3A_385 : i32 to index
        %get3A_388 = arith.index_cast %mul3A_258 : i32 to index
        %get3A_389 = tpu.vector_load %arg6[%get3A_386, %get3A_387, %get3A_388] {strides = array<i32>} : memref<19x8x256xf32, #tpu.memory_space<vmem>>, vector<1x1x16xf32>,
        %get3A_390 = vector.shape_cast %get3A_389 : vector<1x1x16xf32> to vector<16xf32>
        %mul3A_391 = arith.mulf %get3A_390, %get3A_390 : vector<16xf32>
        %add3A_392 = arith.addf %add3A_383, %mul3A_391 : vector<16xf32>
        %get3A_393 = arith.constant 15 : i32
        %get3A_394 = arith.constant 0 : i32
        %get3A_395 = arith.index_cast %get3A_393 : i32 to index
        %get3A_396 = arith.index_cast %get3A_394 : i32 to index
        %get3A_397 = arith.index_cast %mul3A_258 : i32 to index
        %get3A_398 = tpu.vector_load %arg6[%get3A_395, %get3A_396, %get3A_397] {strides = array<i32>} : memref<19x8x256xf32, #tpu.memory_space<vmem>>, vector<1x1x16xf32>,
        %get3A_399 = vector.shape_cast %get3A_398 : vector<1x1x16xf32> to vector<16xf32>
        %mul3A_400 = arith.mulf %get3A_399, %get3A_399 : vector<16xf32>
        %add3A_401 = arith.addf %add3A_392, %mul3A_400 : vector<16xf32>
        %get3A_402 = arith.constant 16 : i32
        %get3A_403 = arith.constant 0 : i32
        %get3A_404 = arith.index_cast %get3A_402 : i32 to index
        %get3A_405 = arith.index_cast %get3A_403 : i32 to index
        %get3A_406 = arith.index_cast %mul3A_258 : i32 to index
        %get3A_407 = tpu.vector_load %arg6[%get3A_404, %get3A_405, %get3A_406] {strides = array<i32>} : memref<19x8x256xf32, #tpu.memory_space<vmem>>, vector<1x1x16xf32>,
        %get3A_408 = vector.shape_cast %get3A_407 : vector<1x1x16xf32> to vector<16xf32>
        %mul3A_409 = arith.mulf %get3A_408, %get3A_408 : vector<16xf32>
        %add3A_410 = arith.addf %add3A_401, %mul3A_409 : vector<16xf32>
        %get3A_411 = arith.constant 17 : i32
        %get3A_412 = arith.constant 0 : i32
        %get3A_413 = arith.index_cast %get3A_411 : i32 to index
        %get3A_414 = arith.index_cast %get3A_412 : i32 to index
        %get3A_415 = arith.index_cast %mul3A_258 : i32 to index
        %get3A_416 = tpu.vector_load %arg6[%get3A_413, %get3A_414, %get3A_415] {strides = array<i32>} : memref<19x8x256xf32, #tpu.memory_space<vmem>>, vector<1x1x16xf32>,
        %get3A_417 = vector.shape_cast %get3A_416 : vector<1x1x16xf32> to vector<16xf32>
        %mul3A_418 = arith.mulf %get3A_417, %get3A_417 : vector<16xf32>
        %add3A_419 = arith.addf %add3A_410, %mul3A_418 : vector<16xf32>
        %get3A_420 = arith.constant 18 : i32
        %get3A_421 = arith.constant 0 : i32
        %get3A_422 = arith.index_cast %get3A_420 : i32 to index
        %get3A_423 = arith.index_cast %get3A_421 : i32 to index
        %get3A_424 = arith.index_cast %mul3A_258 : i32 to index
        %get3A_425 = tpu.vector_load %arg6[%get3A_422, %get3A_423, %get3A_424] {strides = array<i32>} : memref<19x8x256xf32, #tpu.memory_space<vmem>>, vector<1x1x16xf32>,
        %get3A_426 = vector.shape_cast %get3A_425 : vector<1x1x16xf32> to vector<16xf32>
        %mul3A_427 = arith.mulf %get3A_426, %get3A_426 : vector<16xf32>
        %add3A_428 = arith.addf %add3A_419, %mul3A_427 : vector<16xf32>
        %get3A_429 = arith.constant 0 : i32
        %get3A_430 = arith.index_cast %get3A_429 : i32 to index
        %get3A_431 = arith.index_cast %mul3A_258 : i32 to index
        %get3A_432 = tpu.vector_load %arg8[%get3A_430, %get3A_431] {strides = array<i32>} : memref<8x256xi32, #tpu.memory_space<vmem>>, vector<1x16xi32>,
        %get3A_433 = vector.shape_cast %get3A_432 : vector<1x16xi32> to vector<16xi32>
        %eq3A_434 = arith.constant 0 : i32
        %eq3A_435 = vector.broadcast %eq3A_434 : i32 to vector<16xi32>
        %eq3A_436 = arith.cmpi eq, %get3A_433, %eq3A_435 : vector<16xi32>
        %jit3A_437 = arith.constant 0.000000e+00 : f32
        %broadcast_in_dim3A_438 = vector.broadcast %jit3A_437 : f32 to vector<16xf32>
        %select_n3A_439 = arith.select %eq3A_436, %add3A_428, %broadcast_in_dim3A_438 : vector<16xi1>, vector<16xf32>
        %add3A_440 = arith.addf %scan3A_245, %select_n3A_439 : vector<16xf32>
        %sub3A_441 = arith.constant 1.000000e+00 : f32
        %sub3A_442 = vector.broadcast %sub3A_441 : f32 to vector<16xf32>
        %sub3A_443 = arith.subf %sub3A_442, %add3A_428 : vector<16xf32>
        %max3A = arith.constant 0.000000e+00 : f32
        %max3A_444 = vector.broadcast %max3A : f32 to vector<16xf32>
        %max3A_445 = arith.maximumf %sub3A_443, %max3A_444 : vector<16xf32>
        %jit3A_446 = arith.constant 0.000000e+00 : f32
        %broadcast_in_dim3A_447 = vector.broadcast %jit3A_446 : f32 to vector<16xf32>
        %select_n3A_448 = arith.select %eq3A_436, %broadcast_in_dim3A_447, %max3A_445 : vector<16xi1>, vector<16xf32>
        %add3A_449 = arith.addf %scan3A_249, %select_n3A_448 : vector<16xf32>
        %jit3A_450 = arith.constant 1.000000e+00 : f32
        %jit3A_451 = arith.constant 0.000000e+00 : f32
        %broadcast_in_dim3A_452 = vector.broadcast %jit3A_450 : f32 to vector<16xf32>
        %broadcast_in_dim3A_453 = vector.broadcast %jit3A_451 : f32 to vector<16xf32>
        %select_n3A_454 = arith.select %eq3A_436, %broadcast_in_dim3A_452, %broadcast_in_dim3A_453 : vector<16xi1>, vector<16xf32>
        %add3A_455 = arith.addf %scan3A_253, %select_n3A_454 : vector<16xf32>
        %get3A_456 = arith.constant 0 : i32
        %get3A_457 = arith.constant 1 : i32
        %get3A_458 = arith.index_cast %get3A_456 : i32 to index
        %get3A_459 = arith.index_cast %get3A_457 : i32 to index
        %get3A_460 = arith.index_cast %mul3A_258 : i32 to index
        %get3A_461 = tpu.vector_load %arg6[%get3A_458, %get3A_459, %get3A_460] {strides = array<i32>} : memref<19x8x256xf32, #tpu.memory_space<vmem>>, vector<1x1x16xf32>,
        %get3A_462 = vector.shape_cast %get3A_461 : vector<1x1x16xf32> to vector<16xf32>
        %mul3A_463 = arith.mulf %get3A_462, %get3A_462 : vector<16xf32>
        %add3A_464 = arith.addf %broadcast_in_dim3A_1, %mul3A_463 : vector<16xf32>
        %get3A_465 = arith.constant 1 : i32
        %get3A_466 = arith.constant 1 : i32
        %get3A_467 = arith.index_cast %get3A_465 : i32 to index
        %get3A_468 = arith.index_cast %get3A_466 : i32 to index
        %get3A_469 = arith.index_cast %mul3A_258 : i32 to index
        %get3A_470 = tpu.vector_load %arg6[%get3A_467, %get3A_468, %get3A_469] {strides = array<i32>} : memref<19x8x256xf32, #tpu.memory_space<vmem>>, vector<1x1x16xf32>,
        %get3A_471 = vector.shape_cast %get3A_470 : vector<1x1x16xf32> to vector<16xf32>
        %mul3A_472 = arith.mulf %get3A_471, %get3A_471 : vector<16xf32>
        %add3A_473 = arith.addf %add3A_464, %mul3A_472 : vector<16xf32>
        %get3A_474 = arith.constant 2 : i32
        %get3A_475 = arith.constant 1 : i32
        %get3A_476 = arith.index_cast %get3A_474 : i32 to index
        %get3A_477 = arith.index_cast %get3A_475 : i32 to index
        %get3A_478 = arith.index_cast %mul3A_258 : i32 to index
        %get3A_479 = tpu.vector_load %arg6[%get3A_476, %get3A_477, %get3A_478] {strides = array<i32>} : memref<19x8x256xf32, #tpu.memory_space<vmem>>, vector<1x1x16xf32>,
        %get3A_480 = vector.shape_cast %get3A_479 : vector<1x1x16xf32> to vector<16xf32>
        %mul3A_481 = arith.mulf %get3A_480, %get3A_480 : vector<16xf32>
        %add3A_482 = arith.addf %add3A_473, %mul3A_481 : vector<16xf32>
        %get3A_483 = arith.constant 3 : i32
        %get3A_484 = arith.constant 1 : i32
        %get3A_485 = arith.index_cast %get3A_483 : i32 to index
        %get3A_486 = arith.index_cast %get3A_484 : i32 to index
        %get3A_487 = arith.index_cast %mul3A_258 : i32 to index
        %get3A_488 = tpu.vector_load %arg6[%get3A_485, %get3A_486, %get3A_487] {strides = array<i32>} : memref<19x8x256xf32, #tpu.memory_space<vmem>>, vector<1x1x16xf32>,
        %get3A_489 = vector.shape_cast %get3A_488 : vector<1x1x16xf32> to vector<16xf32>
        %mul3A_490 = arith.mulf %get3A_489, %get3A_489 : vector<16xf32>
        %add3A_491 = arith.addf %add3A_482, %mul3A_490 : vector<16xf32>
        %get3A_492 = arith.constant 4 : i32
        %get3A_493 = arith.constant 1 : i32
        %get3A_494 = arith.index_cast %get3A_492 : i32 to index
        %get3A_495 = arith.index_cast %get3A_493 : i32 to index
        %get3A_496 = arith.index_cast %mul3A_258 : i32 to index
        %get3A_497 = tpu.vector_load %arg6[%get3A_494, %get3A_495, %get3A_496] {strides = array<i32>} : memref<19x8x256xf32, #tpu.memory_space<vmem>>, vector<1x1x16xf32>,
        %get3A_498 = vector.shape_cast %get3A_497 : vector<1x1x16xf32> to vector<16xf32>
        %mul3A_499 = arith.mulf %get3A_498, %get3A_498 : vector<16xf32>
        %add3A_500 = arith.addf %add3A_491, %mul3A_499 : vector<16xf32>
        %get3A_501 = arith.constant 5 : i32
        %get3A_502 = arith.constant 1 : i32
        %get3A_503 = arith.index_cast %get3A_501 : i32 to index
        %get3A_504 = arith.index_cast %get3A_502 : i32 to index
        %get3A_505 = arith.index_cast %mul3A_258 : i32 to index
        %get3A_506 = tpu.vector_load %arg6[%get3A_503, %get3A_504, %get3A_505] {strides = array<i32>} : memref<19x8x256xf32, #tpu.memory_space<vmem>>, vector<1x1x16xf32>,
        %get3A_507 = vector.shape_cast %get3A_506 : vector<1x1x16xf32> to vector<16xf32>
        %mul3A_508 = arith.mulf %get3A_507, %get3A_507 : vector<16xf32>
        %add3A_509 = arith.addf %add3A_500, %mul3A_508 : vector<16xf32>
        %get3A_510 = arith.constant 6 : i32
        %get3A_511 = arith.constant 1 : i32
        %get3A_512 = arith.index_cast %get3A_510 : i32 to index
        %get3A_513 = arith.index_cast %get3A_511 : i32 to index
        %get3A_514 = arith.index_cast %mul3A_258 : i32 to index
        %get3A_515 = tpu.vector_load %arg6[%get3A_512, %get3A_513, %get3A_514] {strides = array<i32>} : memref<19x8x256xf32, #tpu.memory_space<vmem>>, vector<1x1x16xf32>,
        %get3A_516 = vector.shape_cast %get3A_515 : vector<1x1x16xf32> to vector<16xf32>
        %mul3A_517 = arith.mulf %get3A_516, %get3A_516 : vector<16xf32>
        %add3A_518 = arith.addf %add3A_509, %mul3A_517 : vector<16xf32>
        %get3A_519 = arith.constant 7 : i32
        %get3A_520 = arith.constant 1 : i32
        %get3A_521 = arith.index_cast %get3A_519 : i32 to index
        %get3A_522 = arith.index_cast %get3A_520 : i32 to index
        %get3A_523 = arith.index_cast %mul3A_258 : i32 to index
        %get3A_524 = tpu.vector_load %arg6[%get3A_521, %get3A_522, %get3A_523] {strides = array<i32>} : memref<19x8x256xf32, #tpu.memory_space<vmem>>, vector<1x1x16xf32>,
        %get3A_525 = vector.shape_cast %get3A_524 : vector<1x1x16xf32> to vector<16xf32>
        %mul3A_526 = arith.mulf %get3A_525, %get3A_525 : vector<16xf32>
        %add3A_527 = arith.addf %add3A_518, %mul3A_526 : vector<16xf32>
        %get3A_528 = arith.constant 8 : i32
        %get3A_529 = arith.constant 1 : i32
        %get3A_530 = arith.index_cast %get3A_528 : i32 to index
        %get3A_531 = arith.index_cast %get3A_529 : i32 to index
        %get3A_532 = arith.index_cast %mul3A_258 : i32 to index
        %get3A_533 = tpu.vector_load %arg6[%get3A_530, %get3A_531, %get3A_532] {strides = array<i32>} : memref<19x8x256xf32, #tpu.memory_space<vmem>>, vector<1x1x16xf32>,
        %get3A_534 = vector.shape_cast %get3A_533 : vector<1x1x16xf32> to vector<16xf32>
        %mul3A_535 = arith.mulf %get3A_534, %get3A_534 : vector<16xf32>
        %add3A_536 = arith.addf %add3A_527, %mul3A_535 : vector<16xf32>
        %get3A_537 = arith.constant 9 : i32
        %get3A_538 = arith.constant 1 : i32
        %get3A_539 = arith.index_cast %get3A_537 : i32 to index
        %get3A_540 = arith.index_cast %get3A_538 : i32 to index
        %get3A_541 = arith.index_cast %mul3A_258 : i32 to index
        %get3A_542 = tpu.vector_load %arg6[%get3A_539, %get3A_540, %get3A_541] {strides = array<i32>} : memref<19x8x256xf32, #tpu.memory_space<vmem>>, vector<1x1x16xf32>,
        %get3A_543 = vector.shape_cast %get3A_542 : vector<1x1x16xf32> to vector<16xf32>
        %mul3A_544 = arith.mulf %get3A_543, %get3A_543 : vector<16xf32>
        %add3A_545 = arith.addf %add3A_536, %mul3A_544 : vector<16xf32>
        %get3A_546 = arith.constant 10 : i32
        %get3A_547 = arith.constant 1 : i32
        %get3A_548 = arith.index_cast %get3A_546 : i32 to index
        %get3A_549 = arith.index_cast %get3A_547 : i32 to index
        %get3A_550 = arith.index_cast %mul3A_258 : i32 to index
        %get3A_551 = tpu.vector_load %arg6[%get3A_548, %get3A_549, %get3A_550] {strides = array<i32>} : memref<19x8x256xf32, #tpu.memory_space<vmem>>, vector<1x1x16xf32>,
        %get3A_552 = vector.shape_cast %get3A_551 : vector<1x1x16xf32> to vector<16xf32>
        %mul3A_553 = arith.mulf %get3A_552, %get3A_552 : vector<16xf32>
        %add3A_554 = arith.addf %add3A_545, %mul3A_553 : vector<16xf32>
        %get3A_555 = arith.constant 11 : i32
        %get3A_556 = arith.constant 1 : i32
        %get3A_557 = arith.index_cast %get3A_555 : i32 to index
        %get3A_558 = arith.index_cast %get3A_556 : i32 to index
        %get3A_559 = arith.index_cast %mul3A_258 : i32 to index
        %get3A_560 = tpu.vector_load %arg6[%get3A_557, %get3A_558, %get3A_559] {strides = array<i32>} : memref<19x8x256xf32, #tpu.memory_space<vmem>>, vector<1x1x16xf32>,
        %get3A_561 = vector.shape_cast %get3A_560 : vector<1x1x16xf32> to vector<16xf32>
        %mul3A_562 = arith.mulf %get3A_561, %get3A_561 : vector<16xf32>
        %add3A_563 = arith.addf %add3A_554, %mul3A_562 : vector<16xf32>
        %get3A_564 = arith.constant 12 : i32
        %get3A_565 = arith.constant 1 : i32
        %get3A_566 = arith.index_cast %get3A_564 : i32 to index
        %get3A_567 = arith.index_cast %get3A_565 : i32 to index
        %get3A_568 = arith.index_cast %mul3A_258 : i32 to index
        %get3A_569 = tpu.vector_load %arg6[%get3A_566, %get3A_567, %get3A_568] {strides = array<i32>} : memref<19x8x256xf32, #tpu.memory_space<vmem>>, vector<1x1x16xf32>,
        %get3A_570 = vector.shape_cast %get3A_569 : vector<1x1x16xf32> to vector<16xf32>
        %mul3A_571 = arith.mulf %get3A_570, %get3A_570 : vector<16xf32>
        %add3A_572 = arith.addf %add3A_563, %mul3A_571 : vector<16xf32>
        %get3A_573 = arith.constant 13 : i32
        %get3A_574 = arith.constant 1 : i32
        %get3A_575 = arith.index_cast %get3A_573 : i32 to index
        %get3A_576 = arith.index_cast %get3A_574 : i32 to index
        %get3A_577 = arith.index_cast %mul3A_258 : i32 to index
        %get3A_578 = tpu.vector_load %arg6[%get3A_575, %get3A_576, %get3A_577] {strides = array<i32>} : memref<19x8x256xf32, #tpu.memory_space<vmem>>, vector<1x1x16xf32>,
        %get3A_579 = vector.shape_cast %get3A_578 : vector<1x1x16xf32> to vector<16xf32>
        %mul3A_580 = arith.mulf %get3A_579, %get3A_579 : vector<16xf32>
        %add3A_581 = arith.addf %add3A_572, %mul3A_580 : vector<16xf32>
        %get3A_582 = arith.constant 14 : i32
        %get3A_583 = arith.constant 1 : i32
        %get3A_584 = arith.index_cast %get3A_582 : i32 to index
        %get3A_585 = arith.index_cast %get3A_583 : i32 to index
        %get3A_586 = arith.index_cast %mul3A_258 : i32 to index
        %get3A_587 = tpu.vector_load %arg6[%get3A_584, %get3A_585, %get3A_586] {strides = array<i32>} : memref<19x8x256xf32, #tpu.memory_space<vmem>>, vector<1x1x16xf32>,
        %get3A_588 = vector.shape_cast %get3A_587 : vector<1x1x16xf32> to vector<16xf32>
        %mul3A_589 = arith.mulf %get3A_588, %get3A_588 : vector<16xf32>
        %add3A_590 = arith.addf %add3A_581, %mul3A_589 : vector<16xf32>
        %get3A_591 = arith.constant 15 : i32
        %get3A_592 = arith.constant 1 : i32
        %get3A_593 = arith.index_cast %get3A_591 : i32 to index
        %get3A_594 = arith.index_cast %get3A_592 : i32 to index
        %get3A_595 = arith.index_cast %mul3A_258 : i32 to index
        %get3A_596 = tpu.vector_load %arg6[%get3A_593, %get3A_594, %get3A_595] {strides = array<i32>} : memref<19x8x256xf32, #tpu.memory_space<vmem>>, vector<1x1x16xf32>,
        %get3A_597 = vector.shape_cast %get3A_596 : vector<1x1x16xf32> to vector<16xf32>
        %mul3A_598 = arith.mulf %get3A_597, %get3A_597 : vector<16xf32>
        %add3A_599 = arith.addf %add3A_590, %mul3A_598 : vector<16xf32>
        %get3A_600 = arith.constant 16 : i32
        %get3A_601 = arith.constant 1 : i32
        %get3A_602 = arith.index_cast %get3A_600 : i32 to index
        %get3A_603 = arith.index_cast %get3A_601 : i32 to index
        %get3A_604 = arith.index_cast %mul3A_258 : i32 to index
        %get3A_605 = tpu.vector_load %arg6[%get3A_602, %get3A_603, %get3A_604] {strides = array<i32>} : memref<19x8x256xf32, #tpu.memory_space<vmem>>, vector<1x1x16xf32>,
        %get3A_606 = vector.shape_cast %get3A_605 : vector<1x1x16xf32> to vector<16xf32>
        %mul3A_607 = arith.mulf %get3A_606, %get3A_606 : vector<16xf32>
        %add3A_608 = arith.addf %add3A_599, %mul3A_607 : vector<16xf32>
        %get3A_609 = arith.constant 17 : i32
        %get3A_610 = arith.constant 1 : i32
        %get3A_611 = arith.index_cast %get3A_609 : i32 to index
        %get3A_612 = arith.index_cast %get3A_610 : i32 to index
        %get3A_613 = arith.index_cast %mul3A_258 : i32 to index
        %get3A_614 = tpu.vector_load %arg6[%get3A_611, %get3A_612, %get3A_613] {strides = array<i32>} : memref<19x8x256xf32, #tpu.memory_space<vmem>>, vector<1x1x16xf32>,
        %get3A_615 = vector.shape_cast %get3A_614 : vector<1x1x16xf32> to vector<16xf32>
        %mul3A_616 = arith.mulf %get3A_615, %get3A_615 : vector<16xf32>
        %add3A_617 = arith.addf %add3A_608, %mul3A_616 : vector<16xf32>
        %get3A_618 = arith.constant 18 : i32
        %get3A_619 = arith.constant 1 : i32
        %get3A_620 = arith.index_cast %get3A_618 : i32 to index
        %get3A_621 = arith.index_cast %get3A_619 : i32 to index
        %get3A_622 = arith.index_cast %mul3A_258 : i32 to index
        %get3A_623 = tpu.vector_load %arg6[%get3A_620, %get3A_621, %get3A_622] {strides = array<i32>} : memref<19x8x256xf32, #tpu.memory_space<vmem>>, vector<1x1x16xf32>,
        %get3A_624 = vector.shape_cast %get3A_623 : vector<1x1x16xf32> to vector<16xf32>
        %mul3A_625 = arith.mulf %get3A_624, %get3A_624 : vector<16xf32>
        %add3A_626 = arith.addf %add3A_617, %mul3A_625 : vector<16xf32>
        %get3A_627 = arith.constant 1 : i32
        %get3A_628 = arith.index_cast %get3A_627 : i32 to index
        %get3A_629 = arith.index_cast %mul3A_258 : i32 to index
        %get3A_630 = tpu.vector_load %arg8[%get3A_628, %get3A_629] {strides = array<i32>} : memref<8x256xi32, #tpu.memory_space<vmem>>, vector<1x16xi32>,
        %get3A_631 = vector.shape_cast %get3A_630 : vector<1x16xi32> to vector<16xi32>
        %eq3A_632 = arith.constant 0 : i32
        %eq3A_633 = vector.broadcast %eq3A_632 : i32 to vector<16xi32>
        %eq3A_634 = arith.cmpi eq, %get3A_631, %eq3A_633 : vector<16xi32>
        %jit3A_635 = arith.constant 0.000000e+00 : f32
        %broadcast_in_dim3A_636 = vector.broadcast %jit3A_635 : f32 to vector<16xf32>
        %select_n3A_637 = arith.select %eq3A_634, %add3A_626, %broadcast_in_dim3A_636 : vector<16xi1>, vector<16xf32>
        %add3A_638 = arith.addf %scan3A_246, %select_n3A_637 : vector<16xf32>
        %sub3A_639 = arith.constant 1.000000e+00 : f32
        %sub3A_640 = vector.broadcast %sub3A_639 : f32 to vector<16xf32>
        %sub3A_641 = arith.subf %sub3A_640, %add3A_626 : vector<16xf32>
        %max3A_642 = arith.constant 0.000000e+00 : f32
        %max3A_643 = vector.broadcast %max3A_642 : f32 to vector<16xf32>
        %max3A_644 = arith.maximumf %sub3A_641, %max3A_643 : vector<16xf32>
        %jit3A_645 = arith.constant 0.000000e+00 : f32
        %broadcast_in_dim3A_646 = vector.broadcast %jit3A_645 : f32 to vector<16xf32>
        %select_n3A_647 = arith.select %eq3A_634, %broadcast_in_dim3A_646, %max3A_644 : vector<16xi1>, vector<16xf32>
        %add3A_648 = arith.addf %scan3A_250, %select_n3A_647 : vector<16xf32>
        %jit3A_649 = arith.constant 1.000000e+00 : f32
        %jit3A_650 = arith.constant 0.000000e+00 : f32
        %broadcast_in_dim3A_651 = vector.broadcast %jit3A_649 : f32 to vector<16xf32>
        %broadcast_in_dim3A_652 = vector.broadcast %jit3A_650 : f32 to vector<16xf32>
        %select_n3A_653 = arith.select %eq3A_634, %broadcast_in_dim3A_651, %broadcast_in_dim3A_652 : vector<16xi1>, vector<16xf32>
        %add3A_654 = arith.addf %scan3A_254, %select_n3A_653 : vector<16xf32>
        %get3A_655 = arith.constant 0 : i32
        %get3A_656 = arith.constant 2 : i32
        %get3A_657 = arith.index_cast %get3A_655 : i32 to index
        %get3A_658 = arith.index_cast %get3A_656 : i32 to index
        %get3A_659 = arith.index_cast %mul3A_258 : i32 to index
        %get3A_660 = tpu.vector_load %arg6[%get3A_657, %get3A_658, %get3A_659] {strides = array<i32>} : memref<19x8x256xf32, #tpu.memory_space<vmem>>, vector<1x1x16xf32>,
        %get3A_661 = vector.shape_cast %get3A_660 : vector<1x1x16xf32> to vector<16xf32>
        %mul3A_662 = arith.mulf %get3A_661, %get3A_661 : vector<16xf32>
        %add3A_663 = arith.addf %broadcast_in_dim3A_1, %mul3A_662 : vector<16xf32>
        %get3A_664 = arith.constant 1 : i32
        %get3A_665 = arith.constant 2 : i32
        %get3A_666 = arith.index_cast %get3A_664 : i32 to index
        %get3A_667 = arith.index_cast %get3A_665 : i32 to index
        %get3A_668 = arith.index_cast %mul3A_258 : i32 to index
        %get3A_669 = tpu.vector_load %arg6[%get3A_666, %get3A_667, %get3A_668] {strides = array<i32>} : memref<19x8x256xf32, #tpu.memory_space<vmem>>, vector<1x1x16xf32>,
        %get3A_670 = vector.shape_cast %get3A_669 : vector<1x1x16xf32> to vector<16xf32>
        %mul3A_671 = arith.mulf %get3A_670, %get3A_670 : vector<16xf32>
        %add3A_672 = arith.addf %add3A_663, %mul3A_671 : vector<16xf32>
        %get3A_673 = arith.constant 2 : i32
        %get3A_674 = arith.constant 2 : i32
        %get3A_675 = arith.index_cast %get3A_673 : i32 to index
        %get3A_676 = arith.index_cast %get3A_674 : i32 to index
        %get3A_677 = arith.index_cast %mul3A_258 : i32 to index
        %get3A_678 = tpu.vector_load %arg6[%get3A_675, %get3A_676, %get3A_677] {strides = array<i32>} : memref<19x8x256xf32, #tpu.memory_space<vmem>>, vector<1x1x16xf32>,
        %get3A_679 = vector.shape_cast %get3A_678 : vector<1x1x16xf32> to vector<16xf32>
        %mul3A_680 = arith.mulf %get3A_679, %get3A_679 : vector<16xf32>
        %add3A_681 = arith.addf %add3A_672, %mul3A_680 : vector<16xf32>
        %get3A_682 = arith.constant 3 : i32
        %get3A_683 = arith.constant 2 : i32
        %get3A_684 = arith.index_cast %get3A_682 : i32 to index
        %get3A_685 = arith.index_cast %get3A_683 : i32 to index
        %get3A_686 = arith.index_cast %mul3A_258 : i32 to index
        %get3A_687 = tpu.vector_load %arg6[%get3A_684, %get3A_685, %get3A_686] {strides = array<i32>} : memref<19x8x256xf32, #tpu.memory_space<vmem>>, vector<1x1x16xf32>,
        %get3A_688 = vector.shape_cast %get3A_687 : vector<1x1x16xf32> to vector<16xf32>
        %mul3A_689 = arith.mulf %get3A_688, %get3A_688 : vector<16xf32>
        %add3A_690 = arith.addf %add3A_681, %mul3A_689 : vector<16xf32>
        %get3A_691 = arith.constant 4 : i32
        %get3A_692 = arith.constant 2 : i32
        %get3A_693 = arith.index_cast %get3A_691 : i32 to index
        %get3A_694 = arith.index_cast %get3A_692 : i32 to index
        %get3A_695 = arith.index_cast %mul3A_258 : i32 to index
        %get3A_696 = tpu.vector_load %arg6[%get3A_693, %get3A_694, %get3A_695] {strides = array<i32>} : memref<19x8x256xf32, #tpu.memory_space<vmem>>, vector<1x1x16xf32>,
        %get3A_697 = vector.shape_cast %get3A_696 : vector<1x1x16xf32> to vector<16xf32>
        %mul3A_698 = arith.mulf %get3A_697, %get3A_697 : vector<16xf32>
        %add3A_699 = arith.addf %add3A_690, %mul3A_698 : vector<16xf32>
        %get3A_700 = arith.constant 5 : i32
        %get3A_701 = arith.constant 2 : i32
        %get3A_702 = arith.index_cast %get3A_700 : i32 to index
        %get3A_703 = arith.index_cast %get3A_701 : i32 to index
        %get3A_704 = arith.index_cast %mul3A_258 : i32 to index
        %get3A_705 = tpu.vector_load %arg6[%get3A_702, %get3A_703, %get3A_704] {strides = array<i32>} : memref<19x8x256xf32, #tpu.memory_space<vmem>>, vector<1x1x16xf32>,
        %get3A_706 = vector.shape_cast %get3A_705 : vector<1x1x16xf32> to vector<16xf32>
        %mul3A_707 = arith.mulf %get3A_706, %get3A_706 : vector<16xf32>
        %add3A_708 = arith.addf %add3A_699, %mul3A_707 : vector<16xf32>
        %get3A_709 = arith.constant 6 : i32
        %get3A_710 = arith.constant 2 : i32
        %get3A_711 = arith.index_cast %get3A_709 : i32 to index
        %get3A_712 = arith.index_cast %get3A_710 : i32 to index
        %get3A_713 = arith.index_cast %mul3A_258 : i32 to index
        %get3A_714 = tpu.vector_load %arg6[%get3A_711, %get3A_712, %get3A_713] {strides = array<i32>} : memref<19x8x256xf32, #tpu.memory_space<vmem>>, vector<1x1x16xf32>,
        %get3A_715 = vector.shape_cast %get3A_714 : vector<1x1x16xf32> to vector<16xf32>
        %mul3A_716 = arith.mulf %get3A_715, %get3A_715 : vector<16xf32>
        %add3A_717 = arith.addf %add3A_708, %mul3A_716 : vector<16xf32>
        %get3A_718 = arith.constant 7 : i32
        %get3A_719 = arith.constant 2 : i32
        %get3A_720 = arith.index_cast %get3A_718 : i32 to index
        %get3A_721 = arith.index_cast %get3A_719 : i32 to index
        %get3A_722 = arith.index_cast %mul3A_258 : i32 to index
        %get3A_723 = tpu.vector_load %arg6[%get3A_720, %get3A_721, %get3A_722] {strides = array<i32>} : memref<19x8x256xf32, #tpu.memory_space<vmem>>, vector<1x1x16xf32>,
        %get3A_724 = vector.shape_cast %get3A_723 : vector<1x1x16xf32> to vector<16xf32>
        %mul3A_725 = arith.mulf %get3A_724, %get3A_724 : vector<16xf32>
        %add3A_726 = arith.addf %add3A_717, %mul3A_725 : vector<16xf32>
        %get3A_727 = arith.constant 8 : i32
        %get3A_728 = arith.constant 2 : i32
        %get3A_729 = arith.index_cast %get3A_727 : i32 to index
        %get3A_730 = arith.index_cast %get3A_728 : i32 to index
        %get3A_731 = arith.index_cast %mul3A_258 : i32 to index
        %get3A_732 = tpu.vector_load %arg6[%get3A_729, %get3A_730, %get3A_731] {strides = array<i32>} : memref<19x8x256xf32, #tpu.memory_space<vmem>>, vector<1x1x16xf32>,
        %get3A_733 = vector.shape_cast %get3A_732 : vector<1x1x16xf32> to vector<16xf32>
        %mul3A_734 = arith.mulf %get3A_733, %get3A_733 : vector<16xf32>
        %add3A_735 = arith.addf %add3A_726, %mul3A_734 : vector<16xf32>
        %get3A_736 = arith.constant 9 : i32
        %get3A_737 = arith.constant 2 : i32
        %get3A_738 = arith.index_cast %get3A_736 : i32 to index
        %get3A_739 = arith.index_cast %get3A_737 : i32 to index
        %get3A_740 = arith.index_cast %mul3A_258 : i32 to index
        %get3A_741 = tpu.vector_load %arg6[%get3A_738, %get3A_739, %get3A_740] {strides = array<i32>} : memref<19x8x256xf32, #tpu.memory_space<vmem>>, vector<1x1x16xf32>,
        %get3A_742 = vector.shape_cast %get3A_741 : vector<1x1x16xf32> to vector<16xf32>
        %mul3A_743 = arith.mulf %get3A_742, %get3A_742 : vector<16xf32>
        %add3A_744 = arith.addf %add3A_735, %mul3A_743 : vector<16xf32>
        %get3A_745 = arith.constant 10 : i32
        %get3A_746 = arith.constant 2 : i32
        %get3A_747 = arith.index_cast %get3A_745 : i32 to index
        %get3A_748 = arith.index_cast %get3A_746 : i32 to index
        %get3A_749 = arith.index_cast %mul3A_258 : i32 to index
        %get3A_750 = tpu.vector_load %arg6[%get3A_747, %get3A_748, %get3A_749] {strides = array<i32>} : memref<19x8x256xf32, #tpu.memory_space<vmem>>, vector<1x1x16xf32>,
        %get3A_751 = vector.shape_cast %get3A_750 : vector<1x1x16xf32> to vector<16xf32>
        %mul3A_752 = arith.mulf %get3A_751, %get3A_751 : vector<16xf32>
        %add3A_753 = arith.addf %add3A_744, %mul3A_752 : vector<16xf32>
        %get3A_754 = arith.constant 11 : i32
        %get3A_755 = arith.constant 2 : i32
        %get3A_756 = arith.index_cast %get3A_754 : i32 to index
        %get3A_757 = arith.index_cast %get3A_755 : i32 to index
        %get3A_758 = arith.index_cast %mul3A_258 : i32 to index
        %get3A_759 = tpu.vector_load %arg6[%get3A_756, %get3A_757, %get3A_758] {strides = array<i32>} : memref<19x8x256xf32, #tpu.memory_space<vmem>>, vector<1x1x16xf32>,
        %get3A_760 = vector.shape_cast %get3A_759 : vector<1x1x16xf32> to vector<16xf32>
        %mul3A_761 = arith.mulf %get3A_760, %get3A_760 : vector<16xf32>
        %add3A_762 = arith.addf %add3A_753, %mul3A_761 : vector<16xf32>
        %get3A_763 = arith.constant 12 : i32
        %get3A_764 = arith.constant 2 : i32
        %get3A_765 = arith.index_cast %get3A_763 : i32 to index
        %get3A_766 = arith.index_cast %get3A_764 : i32 to index
        %get3A_767 = arith.index_cast %mul3A_258 : i32 to index
        %get3A_768 = tpu.vector_load %arg6[%get3A_765, %get3A_766, %get3A_767] {strides = array<i32>} : memref<19x8x256xf32, #tpu.memory_space<vmem>>, vector<1x1x16xf32>,
        %get3A_769 = vector.shape_cast %get3A_768 : vector<1x1x16xf32> to vector<16xf32>
        %mul3A_770 = arith.mulf %get3A_769, %get3A_769 : vector<16xf32>
        %add3A_771 = arith.addf %add3A_762, %mul3A_770 : vector<16xf32>
        %get3A_772 = arith.constant 13 : i32
        %get3A_773 = arith.constant 2 : i32
        %get3A_774 = arith.index_cast %get3A_772 : i32 to index
        %get3A_775 = arith.index_cast %get3A_773 : i32 to index
        %get3A_776 = arith.index_cast %mul3A_258 : i32 to index
        %get3A_777 = tpu.vector_load %arg6[%get3A_774, %get3A_775, %get3A_776] {strides = array<i32>} : memref<19x8x256xf32, #tpu.memory_space<vmem>>, vector<1x1x16xf32>,
        %get3A_778 = vector.shape_cast %get3A_777 : vector<1x1x16xf32> to vector<16xf32>
        %mul3A_779 = arith.mulf %get3A_778, %get3A_778 : vector<16xf32>
        %add3A_780 = arith.addf %add3A_771, %mul3A_779 : vector<16xf32>
        %get3A_781 = arith.constant 14 : i32
        %get3A_782 = arith.constant 2 : i32
        %get3A_783 = arith.index_cast %get3A_781 : i32 to index
        %get3A_784 = arith.index_cast %get3A_782 : i32 to index
        %get3A_785 = arith.index_cast %mul3A_258 : i32 to index
        %get3A_786 = tpu.vector_load %arg6[%get3A_783, %get3A_784, %get3A_785] {strides = array<i32>} : memref<19x8x256xf32, #tpu.memory_space<vmem>>, vector<1x1x16xf32>,
        %get3A_787 = vector.shape_cast %get3A_786 : vector<1x1x16xf32> to vector<16xf32>
        %mul3A_788 = arith.mulf %get3A_787, %get3A_787 : vector<16xf32>
        %add3A_789 = arith.addf %add3A_780, %mul3A_788 : vector<16xf32>
        %get3A_790 = arith.constant 15 : i32
        %get3A_791 = arith.constant 2 : i32
        %get3A_792 = arith.index_cast %get3A_790 : i32 to index
        %get3A_793 = arith.index_cast %get3A_791 : i32 to index
        %get3A_794 = arith.index_cast %mul3A_258 : i32 to index
        %get3A_795 = tpu.vector_load %arg6[%get3A_792, %get3A_793, %get3A_794] {strides = array<i32>} : memref<19x8x256xf32, #tpu.memory_space<vmem>>, vector<1x1x16xf32>,
        %get3A_796 = vector.shape_cast %get3A_795 : vector<1x1x16xf32> to vector<16xf32>
        %mul3A_797 = arith.mulf %get3A_796, %get3A_796 : vector<16xf32>
        %add3A_798 = arith.addf %add3A_789, %mul3A_797 : vector<16xf32>
        %get3A_799 = arith.constant 16 : i32
        %get3A_800 = arith.constant 2 : i32
        %get3A_801 = arith.index_cast %get3A_799 : i32 to index
        %get3A_802 = arith.index_cast %get3A_800 : i32 to index
        %get3A_803 = arith.index_cast %mul3A_258 : i32 to index
        %get3A_804 = tpu.vector_load %arg6[%get3A_801, %get3A_802, %get3A_803] {strides = array<i32>} : memref<19x8x256xf32, #tpu.memory_space<vmem>>, vector<1x1x16xf32>,
        %get3A_805 = vector.shape_cast %get3A_804 : vector<1x1x16xf32> to vector<16xf32>
        %mul3A_806 = arith.mulf %get3A_805, %get3A_805 : vector<16xf32>
        %add3A_807 = arith.addf %add3A_798, %mul3A_806 : vector<16xf32>
        %get3A_808 = arith.constant 17 : i32
        %get3A_809 = arith.constant 2 : i32
        %get3A_810 = arith.index_cast %get3A_808 : i32 to index
        %get3A_811 = arith.index_cast %get3A_809 : i32 to index
        %get3A_812 = arith.index_cast %mul3A_258 : i32 to index
        %get3A_813 = tpu.vector_load %arg6[%get3A_810, %get3A_811, %get3A_812] {strides = array<i32>} : memref<19x8x256xf32, #tpu.memory_space<vmem>>, vector<1x1x16xf32>,
        %get3A_814 = vector.shape_cast %get3A_813 : vector<1x1x16xf32> to vector<16xf32>
        %mul3A_815 = arith.mulf %get3A_814, %get3A_814 : vector<16xf32>
        %add3A_816 = arith.addf %add3A_807, %mul3A_815 : vector<16xf32>
        %get3A_817 = arith.constant 18 : i32
        %get3A_818 = arith.constant 2 : i32
        %get3A_819 = arith.index_cast %get3A_817 : i32 to index
        %get3A_820 = arith.index_cast %get3A_818 : i32 to index
        %get3A_821 = arith.index_cast %mul3A_258 : i32 to index
        %get3A_822 = tpu.vector_load %arg6[%get3A_819, %get3A_820, %get3A_821] {strides = array<i32>} : memref<19x8x256xf32, #tpu.memory_space<vmem>>, vector<1x1x16xf32>,
        %get3A_823 = vector.shape_cast %get3A_822 : vector<1x1x16xf32> to vector<16xf32>
        %mul3A_824 = arith.mulf %get3A_823, %get3A_823 : vector<16xf32>
        %add3A_825 = arith.addf %add3A_816, %mul3A_824 : vector<16xf32>
        %get3A_826 = arith.constant 2 : i32
        %get3A_827 = arith.index_cast %get3A_826 : i32 to index
        %get3A_828 = arith.index_cast %mul3A_258 : i32 to index
        %get3A_829 = tpu.vector_load %arg8[%get3A_827, %get3A_828] {strides = array<i32>} : memref<8x256xi32, #tpu.memory_space<vmem>>, vector<1x16xi32>,
        %get3A_830 = vector.shape_cast %get3A_829 : vector<1x16xi32> to vector<16xi32>
        %eq3A_831 = arith.constant 0 : i32
        %eq3A_832 = vector.broadcast %eq3A_831 : i32 to vector<16xi32>
        %eq3A_833 = arith.cmpi eq, %get3A_830, %eq3A_832 : vector<16xi32>
        %jit3A_834 = arith.constant 0.000000e+00 : f32
        %broadcast_in_dim3A_835 = vector.broadcast %jit3A_834 : f32 to vector<16xf32>
        %select_n3A_836 = arith.select %eq3A_833, %add3A_825, %broadcast_in_dim3A_835 : vector<16xi1>, vector<16xf32>
        %add3A_837 = arith.addf %scan3A_247, %select_n3A_836 : vector<16xf32>
        %sub3A_838 = arith.constant 1.000000e+00 : f32
        %sub3A_839 = vector.broadcast %sub3A_838 : f32 to vector<16xf32>
        %sub3A_840 = arith.subf %sub3A_839, %add3A_825 : vector<16xf32>
        %max3A_841 = arith.constant 0.000000e+00 : f32
        %max3A_842 = vector.broadcast %max3A_841 : f32 to vector<16xf32>
        %max3A_843 = arith.maximumf %sub3A_840, %max3A_842 : vector<16xf32>
        %jit3A_844 = arith.constant 0.000000e+00 : f32
        %broadcast_in_dim3A_845 = vector.broadcast %jit3A_844 : f32 to vector<16xf32>
        %select_n3A_846 = arith.select %eq3A_833, %broadcast_in_dim3A_845, %max3A_843 : vector<16xi1>, vector<16xf32>
        %add3A_847 = arith.addf %scan3A_251, %select_n3A_846 : vector<16xf32>
        %jit3A_848 = arith.constant 1.000000e+00 : f32
        %jit3A_849 = arith.constant 0.000000e+00 : f32
        %broadcast_in_dim3A_850 = vector.broadcast %jit3A_848 : f32 to vector<16xf32>
        %broadcast_in_dim3A_851 = vector.broadcast %jit3A_849 : f32 to vector<16xf32>
        %select_n3A_852 = arith.select %eq3A_833, %broadcast_in_dim3A_850, %broadcast_in_dim3A_851 : vector<16xi1>, vector<16xf32>
        %add3A_853 = arith.addf %scan3A_255, %select_n3A_852 : vector<16xf32>
        %get3A_854 = arith.constant 0 : i32
        %get3A_855 = arith.constant 3 : i32
        %get3A_856 = arith.index_cast %get3A_854 : i32 to index
        %get3A_857 = arith.index_cast %get3A_855 : i32 to index
        %get3A_858 = arith.index_cast %mul3A_258 : i32 to index
        %get3A_859 = tpu.vector_load %arg6[%get3A_856, %get3A_857, %get3A_858] {strides = array<i32>} : memref<19x8x256xf32, #tpu.memory_space<vmem>>, vector<1x1x16xf32>,
        %get3A_860 = vector.shape_cast %get3A_859 : vector<1x1x16xf32> to vector<16xf32>
        %mul3A_861 = arith.mulf %get3A_860, %get3A_860 : vector<16xf32>
        %add3A_862 = arith.addf %broadcast_in_dim3A_1, %mul3A_861 : vector<16xf32>
        %get3A_863 = arith.constant 1 : i32
        %get3A_864 = arith.constant 3 : i32
        %get3A_865 = arith.index_cast %get3A_863 : i32 to index
        %get3A_866 = arith.index_cast %get3A_864 : i32 to index
        %get3A_867 = arith.index_cast %mul3A_258 : i32 to index
        %get3A_868 = tpu.vector_load %arg6[%get3A_865, %get3A_866, %get3A_867] {strides = array<i32>} : memref<19x8x256xf32, #tpu.memory_space<vmem>>, vector<1x1x16xf32>,
        %get3A_869 = vector.shape_cast %get3A_868 : vector<1x1x16xf32> to vector<16xf32>
        %mul3A_870 = arith.mulf %get3A_869, %get3A_869 : vector<16xf32>
        %add3A_871 = arith.addf %add3A_862, %mul3A_870 : vector<16xf32>
        %get3A_872 = arith.constant 2 : i32
        %get3A_873 = arith.constant 3 : i32
        %get3A_874 = arith.index_cast %get3A_872 : i32 to index
        %get3A_875 = arith.index_cast %get3A_873 : i32 to index
        %get3A_876 = arith.index_cast %mul3A_258 : i32 to index
        %get3A_877 = tpu.vector_load %arg6[%get3A_874, %get3A_875, %get3A_876] {strides = array<i32>} : memref<19x8x256xf32, #tpu.memory_space<vmem>>, vector<1x1x16xf32>,
        %get3A_878 = vector.shape_cast %get3A_877 : vector<1x1x16xf32> to vector<16xf32>
        %mul3A_879 = arith.mulf %get3A_878, %get3A_878 : vector<16xf32>
        %add3A_880 = arith.addf %add3A_871, %mul3A_879 : vector<16xf32>
        %get3A_881 = arith.constant 3 : i32
        %get3A_882 = arith.constant 3 : i32
        %get3A_883 = arith.index_cast %get3A_881 : i32 to index
        %get3A_884 = arith.index_cast %get3A_882 : i32 to index
        %get3A_885 = arith.index_cast %mul3A_258 : i32 to index
        %get3A_886 = tpu.vector_load %arg6[%get3A_883, %get3A_884, %get3A_885] {strides = array<i32>} : memref<19x8x256xf32, #tpu.memory_space<vmem>>, vector<1x1x16xf32>,
        %get3A_887 = vector.shape_cast %get3A_886 : vector<1x1x16xf32> to vector<16xf32>
        %mul3A_888 = arith.mulf %get3A_887, %get3A_887 : vector<16xf32>
        %add3A_889 = arith.addf %add3A_880, %mul3A_888 : vector<16xf32>
        %get3A_890 = arith.constant 4 : i32
        %get3A_891 = arith.constant 3 : i32
        %get3A_892 = arith.index_cast %get3A_890 : i32 to index
        %get3A_893 = arith.index_cast %get3A_891 : i32 to index
        %get3A_894 = arith.index_cast %mul3A_258 : i32 to index
        %get3A_895 = tpu.vector_load %arg6[%get3A_892, %get3A_893, %get3A_894] {strides = array<i32>} : memref<19x8x256xf32, #tpu.memory_space<vmem>>, vector<1x1x16xf32>,
        %get3A_896 = vector.shape_cast %get3A_895 : vector<1x1x16xf32> to vector<16xf32>
        %mul3A_897 = arith.mulf %get3A_896, %get3A_896 : vector<16xf32>
        %add3A_898 = arith.addf %add3A_889, %mul3A_897 : vector<16xf32>
        %get3A_899 = arith.constant 5 : i32
        %get3A_900 = arith.constant 3 : i32
        %get3A_901 = arith.index_cast %get3A_899 : i32 to index
        %get3A_902 = arith.index_cast %get3A_900 : i32 to index
        %get3A_903 = arith.index_cast %mul3A_258 : i32 to index
        %get3A_904 = tpu.vector_load %arg6[%get3A_901, %get3A_902, %get3A_903] {strides = array<i32>} : memref<19x8x256xf32, #tpu.memory_space<vmem>>, vector<1x1x16xf32>,
        %get3A_905 = vector.shape_cast %get3A_904 : vector<1x1x16xf32> to vector<16xf32>
        %mul3A_906 = arith.mulf %get3A_905, %get3A_905 : vector<16xf32>
        %add3A_907 = arith.addf %add3A_898, %mul3A_906 : vector<16xf32>
        %get3A_908 = arith.constant 6 : i32
        %get3A_909 = arith.constant 3 : i32
        %get3A_910 = arith.index_cast %get3A_908 : i32 to index
        %get3A_911 = arith.index_cast %get3A_909 : i32 to index
        %get3A_912 = arith.index_cast %mul3A_258 : i32 to index
        %get3A_913 = tpu.vector_load %arg6[%get3A_910, %get3A_911, %get3A_912] {strides = array<i32>} : memref<19x8x256xf32, #tpu.memory_space<vmem>>, vector<1x1x16xf32>,
        %get3A_914 = vector.shape_cast %get3A_913 : vector<1x1x16xf32> to vector<16xf32>
        %mul3A_915 = arith.mulf %get3A_914, %get3A_914 : vector<16xf32>
        %add3A_916 = arith.addf %add3A_907, %mul3A_915 : vector<16xf32>
        %get3A_917 = arith.constant 7 : i32
        %get3A_918 = arith.constant 3 : i32
        %get3A_919 = arith.index_cast %get3A_917 : i32 to index
        %get3A_920 = arith.index_cast %get3A_918 : i32 to index
        %get3A_921 = arith.index_cast %mul3A_258 : i32 to index
        %get3A_922 = tpu.vector_load %arg6[%get3A_919, %get3A_920, %get3A_921] {strides = array<i32>} : memref<19x8x256xf32, #tpu.memory_space<vmem>>, vector<1x1x16xf32>,
        %get3A_923 = vector.shape_cast %get3A_922 : vector<1x1x16xf32> to vector<16xf32>
        %mul3A_924 = arith.mulf %get3A_923, %get3A_923 : vector<16xf32>
        %add3A_925 = arith.addf %add3A_916, %mul3A_924 : vector<16xf32>
        %get3A_926 = arith.constant 8 : i32
        %get3A_927 = arith.constant 3 : i32
        %get3A_928 = arith.index_cast %get3A_926 : i32 to index
        %get3A_929 = arith.index_cast %get3A_927 : i32 to index
        %get3A_930 = arith.index_cast %mul3A_258 : i32 to index
        %get3A_931 = tpu.vector_load %arg6[%get3A_928, %get3A_929, %get3A_930] {strides = array<i32>} : memref<19x8x256xf32, #tpu.memory_space<vmem>>, vector<1x1x16xf32>,
        %get3A_932 = vector.shape_cast %get3A_931 : vector<1x1x16xf32> to vector<16xf32>
        %mul3A_933 = arith.mulf %get3A_932, %get3A_932 : vector<16xf32>
        %add3A_934 = arith.addf %add3A_925, %mul3A_933 : vector<16xf32>
        %get3A_935 = arith.constant 9 : i32
        %get3A_936 = arith.constant 3 : i32
        %get3A_937 = arith.index_cast %get3A_935 : i32 to index
        %get3A_938 = arith.index_cast %get3A_936 : i32 to index
        %get3A_939 = arith.index_cast %mul3A_258 : i32 to index
        %get3A_940 = tpu.vector_load %arg6[%get3A_937, %get3A_938, %get3A_939] {strides = array<i32>} : memref<19x8x256xf32, #tpu.memory_space<vmem>>, vector<1x1x16xf32>,
        %get3A_941 = vector.shape_cast %get3A_940 : vector<1x1x16xf32> to vector<16xf32>
        %mul3A_942 = arith.mulf %get3A_941, %get3A_941 : vector<16xf32>
        %add3A_943 = arith.addf %add3A_934, %mul3A_942 : vector<16xf32>
        %get3A_944 = arith.constant 10 : i32
        %get3A_945 = arith.constant 3 : i32
        %get3A_946 = arith.index_cast %get3A_944 : i32 to index
        %get3A_947 = arith.index_cast %get3A_945 : i32 to index
        %get3A_948 = arith.index_cast %mul3A_258 : i32 to index
        %get3A_949 = tpu.vector_load %arg6[%get3A_946, %get3A_947, %get3A_948] {strides = array<i32>} : memref<19x8x256xf32, #tpu.memory_space<vmem>>, vector<1x1x16xf32>,
        %get3A_950 = vector.shape_cast %get3A_949 : vector<1x1x16xf32> to vector<16xf32>
        %mul3A_951 = arith.mulf %get3A_950, %get3A_950 : vector<16xf32>
        %add3A_952 = arith.addf %add3A_943, %mul3A_951 : vector<16xf32>
        %get3A_953 = arith.constant 11 : i32
        %get3A_954 = arith.constant 3 : i32
        %get3A_955 = arith.index_cast %get3A_953 : i32 to index
        %get3A_956 = arith.index_cast %get3A_954 : i32 to index
        %get3A_957 = arith.index_cast %mul3A_258 : i32 to index
        %get3A_958 = tpu.vector_load %arg6[%get3A_955, %get3A_956, %get3A_957] {strides = array<i32>} : memref<19x8x256xf32, #tpu.memory_space<vmem>>, vector<1x1x16xf32>,
        %get3A_959 = vector.shape_cast %get3A_958 : vector<1x1x16xf32> to vector<16xf32>
        %mul3A_960 = arith.mulf %get3A_959, %get3A_959 : vector<16xf32>
        %add3A_961 = arith.addf %add3A_952, %mul3A_960 : vector<16xf32>
        %get3A_962 = arith.constant 12 : i32
        %get3A_963 = arith.constant 3 : i32
        %get3A_964 = arith.index_cast %get3A_962 : i32 to index
        %get3A_965 = arith.index_cast %get3A_963 : i32 to index
        %get3A_966 = arith.index_cast %mul3A_258 : i32 to index
        %get3A_967 = tpu.vector_load %arg6[%get3A_964, %get3A_965, %get3A_966] {strides = array<i32>} : memref<19x8x256xf32, #tpu.memory_space<vmem>>, vector<1x1x16xf32>,
        %get3A_968 = vector.shape_cast %get3A_967 : vector<1x1x16xf32> to vector<16xf32>
        %mul3A_969 = arith.mulf %get3A_968, %get3A_968 : vector<16xf32>
        %add3A_970 = arith.addf %add3A_961, %mul3A_969 : vector<16xf32>
        %get3A_971 = arith.constant 13 : i32
        %get3A_972 = arith.constant 3 : i32
        %get3A_973 = arith.index_cast %get3A_971 : i32 to index
        %get3A_974 = arith.index_cast %get3A_972 : i32 to index
        %get3A_975 = arith.index_cast %mul3A_258 : i32 to index
        %get3A_976 = tpu.vector_load %arg6[%get3A_973, %get3A_974, %get3A_975] {strides = array<i32>} : memref<19x8x256xf32, #tpu.memory_space<vmem>>, vector<1x1x16xf32>,
        %get3A_977 = vector.shape_cast %get3A_976 : vector<1x1x16xf32> to vector<16xf32>
        %mul3A_978 = arith.mulf %get3A_977, %get3A_977 : vector<16xf32>
        %add3A_979 = arith.addf %add3A_970, %mul3A_978 : vector<16xf32>
        %get3A_980 = arith.constant 14 : i32
        %get3A_981 = arith.constant 3 : i32
        %get3A_982 = arith.index_cast %get3A_980 : i32 to index
        %get3A_983 = arith.index_cast %get3A_981 : i32 to index
        %get3A_984 = arith.index_cast %mul3A_258 : i32 to index
        %get3A_985 = tpu.vector_load %arg6[%get3A_982, %get3A_983, %get3A_984] {strides = array<i32>} : memref<19x8x256xf32, #tpu.memory_space<vmem>>, vector<1x1x16xf32>,
        %get3A_986 = vector.shape_cast %get3A_985 : vector<1x1x16xf32> to vector<16xf32>
        %mul3A_987 = arith.mulf %get3A_986, %get3A_986 : vector<16xf32>
        %add3A_988 = arith.addf %add3A_979, %mul3A_987 : vector<16xf32>
        %get3A_989 = arith.constant 15 : i32
        %get3A_990 = arith.constant 3 : i32
        %get3A_991 = arith.index_cast %get3A_989 : i32 to index
        %get3A_992 = arith.index_cast %get3A_990 : i32 to index
        %get3A_993 = arith.index_cast %mul3A_258 : i32 to index
        %get3A_994 = tpu.vector_load %arg6[%get3A_991, %get3A_992, %get3A_993] {strides = array<i32>} : memref<19x8x256xf32, #tpu.memory_space<vmem>>, vector<1x1x16xf32>,
        %get3A_995 = vector.shape_cast %get3A_994 : vector<1x1x16xf32> to vector<16xf32>
        %mul3A_996 = arith.mulf %get3A_995, %get3A_995 : vector<16xf32>
        %add3A_997 = arith.addf %add3A_988, %mul3A_996 : vector<16xf32>
        %get3A_998 = arith.constant 16 : i32
        %get3A_999 = arith.constant 3 : i32
        %get3A_1000 = arith.index_cast %get3A_998 : i32 to index
        %get3A_1001 = arith.index_cast %get3A_999 : i32 to index
        %get3A_1002 = arith.index_cast %mul3A_258 : i32 to index
        %get3A_1003 = tpu.vector_load %arg6[%get3A_1000, %get3A_1001, %get3A_1002] {strides = array<i32>} : memref<19x8x256xf32, #tpu.memory_space<vmem>>, vector<1x1x16xf32>,
        %get3A_1004 = vector.shape_cast %get3A_1003 : vector<1x1x16xf32> to vector<16xf32>
        %mul3A_1005 = arith.mulf %get3A_1004, %get3A_1004 : vector<16xf32>
        %add3A_1006 = arith.addf %add3A_997, %mul3A_1005 : vector<16xf32>
        %get3A_1007 = arith.constant 17 : i32
        %get3A_1008 = arith.constant 3 : i32
        %get3A_1009 = arith.index_cast %get3A_1007 : i32 to index
        %get3A_1010 = arith.index_cast %get3A_1008 : i32 to index
        %get3A_1011 = arith.index_cast %mul3A_258 : i32 to index
        %get3A_1012 = tpu.vector_load %arg6[%get3A_1009, %get3A_1010, %get3A_1011] {strides = array<i32>} : memref<19x8x256xf32, #tpu.memory_space<vmem>>, vector<1x1x16xf32>,
        %get3A_1013 = vector.shape_cast %get3A_1012 : vector<1x1x16xf32> to vector<16xf32>
        %mul3A_1014 = arith.mulf %get3A_1013, %get3A_1013 : vector<16xf32>
        %add3A_1015 = arith.addf %add3A_1006, %mul3A_1014 : vector<16xf32>
        %get3A_1016 = arith.constant 18 : i32
        %get3A_1017 = arith.constant 3 : i32
        %get3A_1018 = arith.index_cast %get3A_1016 : i32 to index
        %get3A_1019 = arith.index_cast %get3A_1017 : i32 to index
        %get3A_1020 = arith.index_cast %mul3A_258 : i32 to index
        %get3A_1021 = tpu.vector_load %arg6[%get3A_1018, %get3A_1019, %get3A_1020] {strides = array<i32>} : memref<19x8x256xf32, #tpu.memory_space<vmem>>, vector<1x1x16xf32>,
        %get3A_1022 = vector.shape_cast %get3A_1021 : vector<1x1x16xf32> to vector<16xf32>
        %mul3A_1023 = arith.mulf %get3A_1022, %get3A_1022 : vector<16xf32>
        %add3A_1024 = arith.addf %add3A_1015, %mul3A_1023 : vector<16xf32>
        %get3A_1025 = arith.constant 3 : i32
        %get3A_1026 = arith.index_cast %get3A_1025 : i32 to index
        %get3A_1027 = arith.index_cast %mul3A_258 : i32 to index
        %get3A_1028 = tpu.vector_load %arg8[%get3A_1026, %get3A_1027] {strides = array<i32>} : memref<8x256xi32, #tpu.memory_space<vmem>>, vector<1x16xi32>,
        %get3A_1029 = vector.shape_cast %get3A_1028 : vector<1x16xi32> to vector<16xi32>
        %eq3A_1030 = arith.constant 0 : i32
        %eq3A_1031 = vector.broadcast %eq3A_1030 : i32 to vector<16xi32>
        %eq3A_1032 = arith.cmpi eq, %get3A_1029, %eq3A_1031 : vector<16xi32>
        %jit3A_1033 = arith.constant 0.000000e+00 : f32
        %broadcast_in_dim3A_1034 = vector.broadcast %jit3A_1033 : f32 to vector<16xf32>
        %select_n3A_1035 = arith.select %eq3A_1032, %add3A_1024, %broadcast_in_dim3A_1034 : vector<16xi1>, vector<16xf32>
        %add3A_1036 = arith.addf %scan3A_248, %select_n3A_1035 : vector<16xf32>
        %sub3A_1037 = arith.constant 1.000000e+00 : f32
        %sub3A_1038 = vector.broadcast %sub3A_1037 : f32 to vector<16xf32>
        %sub3A_1039 = arith.subf %sub3A_1038, %add3A_1024 : vector<16xf32>
        %max3A_1040 = arith.constant 0.000000e+00 : f32
        %max3A_1041 = vector.broadcast %max3A_1040 : f32 to vector<16xf32>
        %max3A_1042 = arith.maximumf %sub3A_1039, %max3A_1041 : vector<16xf32>
        %jit3A_1043 = arith.constant 0.000000e+00 : f32
        %broadcast_in_dim3A_1044 = vector.broadcast %jit3A_1043 : f32 to vector<16xf32>
        %select_n3A_1045 = arith.select %eq3A_1032, %broadcast_in_dim3A_1044, %max3A_1042 : vector<16xi1>, vector<16xf32>
        %add3A_1046 = arith.addf %scan3A_252, %select_n3A_1045 : vector<16xf32>
        %jit3A_1047 = arith.constant 1.000000e+00 : f32
        %jit3A_1048 = arith.constant 0.000000e+00 : f32
        %broadcast_in_dim3A_1049 = vector.broadcast %jit3A_1047 : f32 to vector<16xf32>
        %broadcast_in_dim3A_1050 = vector.broadcast %jit3A_1048 : f32 to vector<16xf32>
        %select_n3A_1051 = arith.select %eq3A_1032, %broadcast_in_dim3A_1049, %broadcast_in_dim3A_1050 : vector<16xi1>, vector<16xf32>
        %add3A_1052 = arith.addf %scan3A_256, %select_n3A_1051 : vector<16xf32>
        %get3A_1053 = arith.constant 0 : i32
        %get3A_1054 = arith.constant 4 : i32
        %get3A_1055 = arith.index_cast %get3A_1053 : i32 to index
        %get3A_1056 = arith.index_cast %get3A_1054 : i32 to index
        %get3A_1057 = arith.index_cast %mul3A_258 : i32 to index
        %get3A_1058 = tpu.vector_load %arg6[%get3A_1055, %get3A_1056, %get3A_1057] {strides = array<i32>} : memref<19x8x256xf32, #tpu.memory_space<vmem>>, vector<1x1x16xf32>,
        %get3A_1059 = vector.shape_cast %get3A_1058 : vector<1x1x16xf32> to vector<16xf32>
        %mul3A_1060 = arith.mulf %get3A_1059, %get3A_1059 : vector<16xf32>
        %add3A_1061 = arith.addf %broadcast_in_dim3A_1, %mul3A_1060 : vector<16xf32>
        %get3A_1062 = arith.constant 1 : i32
        %get3A_1063 = arith.constant 4 : i32
        %get3A_1064 = arith.index_cast %get3A_1062 : i32 to index
        %get3A_1065 = arith.index_cast %get3A_1063 : i32 to index
        %get3A_1066 = arith.index_cast %mul3A_258 : i32 to index
        %get3A_1067 = tpu.vector_load %arg6[%get3A_1064, %get3A_1065, %get3A_1066] {strides = array<i32>} : memref<19x8x256xf32, #tpu.memory_space<vmem>>, vector<1x1x16xf32>,
        %get3A_1068 = vector.shape_cast %get3A_1067 : vector<1x1x16xf32> to vector<16xf32>
        %mul3A_1069 = arith.mulf %get3A_1068, %get3A_1068 : vector<16xf32>
        %add3A_1070 = arith.addf %add3A_1061, %mul3A_1069 : vector<16xf32>
        %get3A_1071 = arith.constant 2 : i32
        %get3A_1072 = arith.constant 4 : i32
        %get3A_1073 = arith.index_cast %get3A_1071 : i32 to index
        %get3A_1074 = arith.index_cast %get3A_1072 : i32 to index
        %get3A_1075 = arith.index_cast %mul3A_258 : i32 to index
        %get3A_1076 = tpu.vector_load %arg6[%get3A_1073, %get3A_1074, %get3A_1075] {strides = array<i32>} : memref<19x8x256xf32, #tpu.memory_space<vmem>>, vector<1x1x16xf32>,
        %get3A_1077 = vector.shape_cast %get3A_1076 : vector<1x1x16xf32> to vector<16xf32>
        %mul3A_1078 = arith.mulf %get3A_1077, %get3A_1077 : vector<16xf32>
        %add3A_1079 = arith.addf %add3A_1070, %mul3A_1078 : vector<16xf32>
        %get3A_1080 = arith.constant 3 : i32
        %get3A_1081 = arith.constant 4 : i32
        %get3A_1082 = arith.index_cast %get3A_1080 : i32 to index
        %get3A_1083 = arith.index_cast %get3A_1081 : i32 to index
        %get3A_1084 = arith.index_cast %mul3A_258 : i32 to index
        %get3A_1085 = tpu.vector_load %arg6[%get3A_1082, %get3A_1083, %get3A_1084] {strides = array<i32>} : memref<19x8x256xf32, #tpu.memory_space<vmem>>, vector<1x1x16xf32>,
        %get3A_1086 = vector.shape_cast %get3A_1085 : vector<1x1x16xf32> to vector<16xf32>
        %mul3A_1087 = arith.mulf %get3A_1086, %get3A_1086 : vector<16xf32>
        %add3A_1088 = arith.addf %add3A_1079, %mul3A_1087 : vector<16xf32>
        %get3A_1089 = arith.constant 4 : i32
        %get3A_1090 = arith.constant 4 : i32
        %get3A_1091 = arith.index_cast %get3A_1089 : i32 to index
        %get3A_1092 = arith.index_cast %get3A_1090 : i32 to index
        %get3A_1093 = arith.index_cast %mul3A_258 : i32 to index
        %get3A_1094 = tpu.vector_load %arg6[%get3A_1091, %get3A_1092, %get3A_1093] {strides = array<i32>} : memref<19x8x256xf32, #tpu.memory_space<vmem>>, vector<1x1x16xf32>,
        %get3A_1095 = vector.shape_cast %get3A_1094 : vector<1x1x16xf32> to vector<16xf32>
        %mul3A_1096 = arith.mulf %get3A_1095, %get3A_1095 : vector<16xf32>
        %add3A_1097 = arith.addf %add3A_1088, %mul3A_1096 : vector<16xf32>
        %get3A_1098 = arith.constant 5 : i32
        %get3A_1099 = arith.constant 4 : i32
        %get3A_1100 = arith.index_cast %get3A_1098 : i32 to index
        %get3A_1101 = arith.index_cast %get3A_1099 : i32 to index
        %get3A_1102 = arith.index_cast %mul3A_258 : i32 to index
        %get3A_1103 = tpu.vector_load %arg6[%get3A_1100, %get3A_1101, %get3A_1102] {strides = array<i32>} : memref<19x8x256xf32, #tpu.memory_space<vmem>>, vector<1x1x16xf32>,
        %get3A_1104 = vector.shape_cast %get3A_1103 : vector<1x1x16xf32> to vector<16xf32>
        %mul3A_1105 = arith.mulf %get3A_1104, %get3A_1104 : vector<16xf32>
        %add3A_1106 = arith.addf %add3A_1097, %mul3A_1105 : vector<16xf32>
        %get3A_1107 = arith.constant 6 : i32
        %get3A_1108 = arith.constant 4 : i32
        %get3A_1109 = arith.index_cast %get3A_1107 : i32 to index
        %get3A_1110 = arith.index_cast %get3A_1108 : i32 to index
        %get3A_1111 = arith.index_cast %mul3A_258 : i32 to index
        %get3A_1112 = tpu.vector_load %arg6[%get3A_1109, %get3A_1110, %get3A_1111] {strides = array<i32>} : memref<19x8x256xf32, #tpu.memory_space<vmem>>, vector<1x1x16xf32>,
        %get3A_1113 = vector.shape_cast %get3A_1112 : vector<1x1x16xf32> to vector<16xf32>
        %mul3A_1114 = arith.mulf %get3A_1113, %get3A_1113 : vector<16xf32>
        %add3A_1115 = arith.addf %add3A_1106, %mul3A_1114 : vector<16xf32>
        %get3A_1116 = arith.constant 7 : i32
        %get3A_1117 = arith.constant 4 : i32
        %get3A_1118 = arith.index_cast %get3A_1116 : i32 to index
        %get3A_1119 = arith.index_cast %get3A_1117 : i32 to index
        %get3A_1120 = arith.index_cast %mul3A_258 : i32 to index
        %get3A_1121 = tpu.vector_load %arg6[%get3A_1118, %get3A_1119, %get3A_1120] {strides = array<i32>} : memref<19x8x256xf32, #tpu.memory_space<vmem>>, vector<1x1x16xf32>,
        %get3A_1122 = vector.shape_cast %get3A_1121 : vector<1x1x16xf32> to vector<16xf32>
        %mul3A_1123 = arith.mulf %get3A_1122, %get3A_1122 : vector<16xf32>
        %add3A_1124 = arith.addf %add3A_1115, %mul3A_1123 : vector<16xf32>
        %get3A_1125 = arith.constant 8 : i32
        %get3A_1126 = arith.constant 4 : i32
        %get3A_1127 = arith.index_cast %get3A_1125 : i32 to index
        %get3A_1128 = arith.index_cast %get3A_1126 : i32 to index
        %get3A_1129 = arith.index_cast %mul3A_258 : i32 to index
        %get3A_1130 = tpu.vector_load %arg6[%get3A_1127, %get3A_1128, %get3A_1129] {strides = array<i32>} : memref<19x8x256xf32, #tpu.memory_space<vmem>>, vector<1x1x16xf32>,
        %get3A_1131 = vector.shape_cast %get3A_1130 : vector<1x1x16xf32> to vector<16xf32>
        %mul3A_1132 = arith.mulf %get3A_1131, %get3A_1131 : vector<16xf32>
        %add3A_1133 = arith.addf %add3A_1124, %mul3A_1132 : vector<16xf32>
        %get3A_1134 = arith.constant 9 : i32
        %get3A_1135 = arith.constant 4 : i32
        %get3A_1136 = arith.index_cast %get3A_1134 : i32 to index
        %get3A_1137 = arith.index_cast %get3A_1135 : i32 to index
        %get3A_1138 = arith.index_cast %mul3A_258 : i32 to index
        %get3A_1139 = tpu.vector_load %arg6[%get3A_1136, %get3A_1137, %get3A_1138] {strides = array<i32>} : memref<19x8x256xf32, #tpu.memory_space<vmem>>, vector<1x1x16xf32>,
        %get3A_1140 = vector.shape_cast %get3A_1139 : vector<1x1x16xf32> to vector<16xf32>
        %mul3A_1141 = arith.mulf %get3A_1140, %get3A_1140 : vector<16xf32>
        %add3A_1142 = arith.addf %add3A_1133, %mul3A_1141 : vector<16xf32>
        %get3A_1143 = arith.constant 10 : i32
        %get3A_1144 = arith.constant 4 : i32
        %get3A_1145 = arith.index_cast %get3A_1143 : i32 to index
        %get3A_1146 = arith.index_cast %get3A_1144 : i32 to index
        %get3A_1147 = arith.index_cast %mul3A_258 : i32 to index
        %get3A_1148 = tpu.vector_load %arg6[%get3A_1145, %get3A_1146, %get3A_1147] {strides = array<i32>} : memref<19x8x256xf32, #tpu.memory_space<vmem>>, vector<1x1x16xf32>,
        %get3A_1149 = vector.shape_cast %get3A_1148 : vector<1x1x16xf32> to vector<16xf32>
        %mul3A_1150 = arith.mulf %get3A_1149, %get3A_1149 : vector<16xf32>
        %add3A_1151 = arith.addf %add3A_1142, %mul3A_1150 : vector<16xf32>
        %get3A_1152 = arith.constant 11 : i32
        %get3A_1153 = arith.constant 4 : i32
        %get3A_1154 = arith.index_cast %get3A_1152 : i32 to index
        %get3A_1155 = arith.index_cast %get3A_1153 : i32 to index
        %get3A_1156 = arith.index_cast %mul3A_258 : i32 to index
        %get3A_1157 = tpu.vector_load %arg6[%get3A_1154, %get3A_1155, %get3A_1156] {strides = array<i32>} : memref<19x8x256xf32, #tpu.memory_space<vmem>>, vector<1x1x16xf32>,
        %get3A_1158 = vector.shape_cast %get3A_1157 : vector<1x1x16xf32> to vector<16xf32>
        %mul3A_1159 = arith.mulf %get3A_1158, %get3A_1158 : vector<16xf32>
        %add3A_1160 = arith.addf %add3A_1151, %mul3A_1159 : vector<16xf32>
        %get3A_1161 = arith.constant 12 : i32
        %get3A_1162 = arith.constant 4 : i32
        %get3A_1163 = arith.index_cast %get3A_1161 : i32 to index
        %get3A_1164 = arith.index_cast %get3A_1162 : i32 to index
        %get3A_1165 = arith.index_cast %mul3A_258 : i32 to index
        %get3A_1166 = tpu.vector_load %arg6[%get3A_1163, %get3A_1164, %get3A_1165] {strides = array<i32>} : memref<19x8x256xf32, #tpu.memory_space<vmem>>, vector<1x1x16xf32>,
        %get3A_1167 = vector.shape_cast %get3A_1166 : vector<1x1x16xf32> to vector<16xf32>
        %mul3A_1168 = arith.mulf %get3A_1167, %get3A_1167 : vector<16xf32>
        %add3A_1169 = arith.addf %add3A_1160, %mul3A_1168 : vector<16xf32>
        %get3A_1170 = arith.constant 13 : i32
        %get3A_1171 = arith.constant 4 : i32
        %get3A_1172 = arith.index_cast %get3A_1170 : i32 to index
        %get3A_1173 = arith.index_cast %get3A_1171 : i32 to index
        %get3A_1174 = arith.index_cast %mul3A_258 : i32 to index
        %get3A_1175 = tpu.vector_load %arg6[%get3A_1172, %get3A_1173, %get3A_1174] {strides = array<i32>} : memref<19x8x256xf32, #tpu.memory_space<vmem>>, vector<1x1x16xf32>,
        %get3A_1176 = vector.shape_cast %get3A_1175 : vector<1x1x16xf32> to vector<16xf32>
        %mul3A_1177 = arith.mulf %get3A_1176, %get3A_1176 : vector<16xf32>
        %add3A_1178 = arith.addf %add3A_1169, %mul3A_1177 : vector<16xf32>
        %get3A_1179 = arith.constant 14 : i32
        %get3A_1180 = arith.constant 4 : i32
        %get3A_1181 = arith.index_cast %get3A_1179 : i32 to index
        %get3A_1182 = arith.index_cast %get3A_1180 : i32 to index
        %get3A_1183 = arith.index_cast %mul3A_258 : i32 to index
        %get3A_1184 = tpu.vector_load %arg6[%get3A_1181, %get3A_1182, %get3A_1183] {strides = array<i32>} : memref<19x8x256xf32, #tpu.memory_space<vmem>>, vector<1x1x16xf32>,
        %get3A_1185 = vector.shape_cast %get3A_1184 : vector<1x1x16xf32> to vector<16xf32>
        %mul3A_1186 = arith.mulf %get3A_1185, %get3A_1185 : vector<16xf32>
        %add3A_1187 = arith.addf %add3A_1178, %mul3A_1186 : vector<16xf32>
        %get3A_1188 = arith.constant 15 : i32
        %get3A_1189 = arith.constant 4 : i32
        %get3A_1190 = arith.index_cast %get3A_1188 : i32 to index
        %get3A_1191 = arith.index_cast %get3A_1189 : i32 to index
        %get3A_1192 = arith.index_cast %mul3A_258 : i32 to index
        %get3A_1193 = tpu.vector_load %arg6[%get3A_1190, %get3A_1191, %get3A_1192] {strides = array<i32>} : memref<19x8x256xf32, #tpu.memory_space<vmem>>, vector<1x1x16xf32>,
        %get3A_1194 = vector.shape_cast %get3A_1193 : vector<1x1x16xf32> to vector<16xf32>
        %mul3A_1195 = arith.mulf %get3A_1194, %get3A_1194 : vector<16xf32>
        %add3A_1196 = arith.addf %add3A_1187, %mul3A_1195 : vector<16xf32>
        %get3A_1197 = arith.constant 16 : i32
        %get3A_1198 = arith.constant 4 : i32
        %get3A_1199 = arith.index_cast %get3A_1197 : i32 to index
        %get3A_1200 = arith.index_cast %get3A_1198 : i32 to index
        %get3A_1201 = arith.index_cast %mul3A_258 : i32 to index
        %get3A_1202 = tpu.vector_load %arg6[%get3A_1199, %get3A_1200, %get3A_1201] {strides = array<i32>} : memref<19x8x256xf32, #tpu.memory_space<vmem>>, vector<1x1x16xf32>,
        %get3A_1203 = vector.shape_cast %get3A_1202 : vector<1x1x16xf32> to vector<16xf32>
        %mul3A_1204 = arith.mulf %get3A_1203, %get3A_1203 : vector<16xf32>
        %add3A_1205 = arith.addf %add3A_1196, %mul3A_1204 : vector<16xf32>
        %get3A_1206 = arith.constant 17 : i32
        %get3A_1207 = arith.constant 4 : i32
        %get3A_1208 = arith.index_cast %get3A_1206 : i32 to index
        %get3A_1209 = arith.index_cast %get3A_1207 : i32 to index
        %get3A_1210 = arith.index_cast %mul3A_258 : i32 to index
        %get3A_1211 = tpu.vector_load %arg6[%get3A_1208, %get3A_1209, %get3A_1210] {strides = array<i32>} : memref<19x8x256xf32, #tpu.memory_space<vmem>>, vector<1x1x16xf32>,
        %get3A_1212 = vector.shape_cast %get3A_1211 : vector<1x1x16xf32> to vector<16xf32>
        %mul3A_1213 = arith.mulf %get3A_1212, %get3A_1212 : vector<16xf32>
        %add3A_1214 = arith.addf %add3A_1205, %mul3A_1213 : vector<16xf32>
        %get3A_1215 = arith.constant 18 : i32
        %get3A_1216 = arith.constant 4 : i32
        %get3A_1217 = arith.index_cast %get3A_1215 : i32 to index
        %get3A_1218 = arith.index_cast %get3A_1216 : i32 to index
        %get3A_1219 = arith.index_cast %mul3A_258 : i32 to index
        %get3A_1220 = tpu.vector_load %arg6[%get3A_1217, %get3A_1218, %get3A_1219] {strides = array<i32>} : memref<19x8x256xf32, #tpu.memory_space<vmem>>, vector<1x1x16xf32>,
        %get3A_1221 = vector.shape_cast %get3A_1220 : vector<1x1x16xf32> to vector<16xf32>
        %mul3A_1222 = arith.mulf %get3A_1221, %get3A_1221 : vector<16xf32>
        %add3A_1223 = arith.addf %add3A_1214, %mul3A_1222 : vector<16xf32>
        %get3A_1224 = arith.constant 4 : i32
        %get3A_1225 = arith.index_cast %get3A_1224 : i32 to index
        %get3A_1226 = arith.index_cast %mul3A_258 : i32 to index
        %get3A_1227 = tpu.vector_load %arg8[%get3A_1225, %get3A_1226] {strides = array<i32>} : memref<8x256xi32, #tpu.memory_space<vmem>>, vector<1x16xi32>,
        %get3A_1228 = vector.shape_cast %get3A_1227 : vector<1x16xi32> to vector<16xi32>
        %eq3A_1229 = arith.constant 0 : i32
        %eq3A_1230 = vector.broadcast %eq3A_1229 : i32 to vector<16xi32>
        %eq3A_1231 = arith.cmpi eq, %get3A_1228, %eq3A_1230 : vector<16xi32>
        %jit3A_1232 = arith.constant 0.000000e+00 : f32
        %broadcast_in_dim3A_1233 = vector.broadcast %jit3A_1232 : f32 to vector<16xf32>
        %select_n3A_1234 = arith.select %eq3A_1231, %add3A_1223, %broadcast_in_dim3A_1233 : vector<16xi1>, vector<16xf32>
        %add3A_1235 = arith.addf %add3A_440, %select_n3A_1234 : vector<16xf32>
        %sub3A_1236 = arith.constant 1.000000e+00 : f32
        %sub3A_1237 = vector.broadcast %sub3A_1236 : f32 to vector<16xf32>
        %sub3A_1238 = arith.subf %sub3A_1237, %add3A_1223 : vector<16xf32>
        %max3A_1239 = arith.constant 0.000000e+00 : f32
        %max3A_1240 = vector.broadcast %max3A_1239 : f32 to vector<16xf32>
        %max3A_1241 = arith.maximumf %sub3A_1238, %max3A_1240 : vector<16xf32>
        %jit3A_1242 = arith.constant 0.000000e+00 : f32
        %broadcast_in_dim3A_1243 = vector.broadcast %jit3A_1242 : f32 to vector<16xf32>
        %select_n3A_1244 = arith.select %eq3A_1231, %broadcast_in_dim3A_1243, %max3A_1241 : vector<16xi1>, vector<16xf32>
        %add3A_1245 = arith.addf %add3A_449, %select_n3A_1244 : vector<16xf32>
        %jit3A_1246 = arith.constant 1.000000e+00 : f32
        %jit3A_1247 = arith.constant 0.000000e+00 : f32
        %broadcast_in_dim3A_1248 = vector.broadcast %jit3A_1246 : f32 to vector<16xf32>
        %broadcast_in_dim3A_1249 = vector.broadcast %jit3A_1247 : f32 to vector<16xf32>
        %select_n3A_1250 = arith.select %eq3A_1231, %broadcast_in_dim3A_1248, %broadcast_in_dim3A_1249 : vector<16xi1>, vector<16xf32>
        %add3A_1251 = arith.addf %add3A_455, %select_n3A_1250 : vector<16xf32>
        %get3A_1252 = arith.constant 0 : i32
        %get3A_1253 = arith.constant 5 : i32
        %get3A_1254 = arith.index_cast %get3A_1252 : i32 to index
        %get3A_1255 = arith.index_cast %get3A_1253 : i32 to index
        %get3A_1256 = arith.index_cast %mul3A_258 : i32 to index
        %get3A_1257 = tpu.vector_load %arg6[%get3A_1254, %get3A_1255, %get3A_1256] {strides = array<i32>} : memref<19x8x256xf32, #tpu.memory_space<vmem>>, vector<1x1x16xf32>,
        %get3A_1258 = vector.shape_cast %get3A_1257 : vector<1x1x16xf32> to vector<16xf32>
        %mul3A_1259 = arith.mulf %get3A_1258, %get3A_1258 : vector<16xf32>
        %add3A_1260 = arith.addf %broadcast_in_dim3A_1, %mul3A_1259 : vector<16xf32>
        %get3A_1261 = arith.constant 1 : i32
        %get3A_1262 = arith.constant 5 : i32
        %get3A_1263 = arith.index_cast %get3A_1261 : i32 to index
        %get3A_1264 = arith.index_cast %get3A_1262 : i32 to index
        %get3A_1265 = arith.index_cast %mul3A_258 : i32 to index
        %get3A_1266 = tpu.vector_load %arg6[%get3A_1263, %get3A_1264, %get3A_1265] {strides = array<i32>} : memref<19x8x256xf32, #tpu.memory_space<vmem>>, vector<1x1x16xf32>,
        %get3A_1267 = vector.shape_cast %get3A_1266 : vector<1x1x16xf32> to vector<16xf32>
        %mul3A_1268 = arith.mulf %get3A_1267, %get3A_1267 : vector<16xf32>
        %add3A_1269 = arith.addf %add3A_1260, %mul3A_1268 : vector<16xf32>
        %get3A_1270 = arith.constant 2 : i32
        %get3A_1271 = arith.constant 5 : i32
        %get3A_1272 = arith.index_cast %get3A_1270 : i32 to index
        %get3A_1273 = arith.index_cast %get3A_1271 : i32 to index
        %get3A_1274 = arith.index_cast %mul3A_258 : i32 to index
        %get3A_1275 = tpu.vector_load %arg6[%get3A_1272, %get3A_1273, %get3A_1274] {strides = array<i32>} : memref<19x8x256xf32, #tpu.memory_space<vmem>>, vector<1x1x16xf32>,
        %get3A_1276 = vector.shape_cast %get3A_1275 : vector<1x1x16xf32> to vector<16xf32>
        %mul3A_1277 = arith.mulf %get3A_1276, %get3A_1276 : vector<16xf32>
        %add3A_1278 = arith.addf %add3A_1269, %mul3A_1277 : vector<16xf32>
        %get3A_1279 = arith.constant 3 : i32
        %get3A_1280 = arith.constant 5 : i32
        %get3A_1281 = arith.index_cast %get3A_1279 : i32 to index
        %get3A_1282 = arith.index_cast %get3A_1280 : i32 to index
        %get3A_1283 = arith.index_cast %mul3A_258 : i32 to index
        %get3A_1284 = tpu.vector_load %arg6[%get3A_1281, %get3A_1282, %get3A_1283] {strides = array<i32>} : memref<19x8x256xf32, #tpu.memory_space<vmem>>, vector<1x1x16xf32>,
        %get3A_1285 = vector.shape_cast %get3A_1284 : vector<1x1x16xf32> to vector<16xf32>
        %mul3A_1286 = arith.mulf %get3A_1285, %get3A_1285 : vector<16xf32>
        %add3A_1287 = arith.addf %add3A_1278, %mul3A_1286 : vector<16xf32>
        %get3A_1288 = arith.constant 4 : i32
        %get3A_1289 = arith.constant 5 : i32
        %get3A_1290 = arith.index_cast %get3A_1288 : i32 to index
        %get3A_1291 = arith.index_cast %get3A_1289 : i32 to index
        %get3A_1292 = arith.index_cast %mul3A_258 : i32 to index
        %get3A_1293 = tpu.vector_load %arg6[%get3A_1290, %get3A_1291, %get3A_1292] {strides = array<i32>} : memref<19x8x256xf32, #tpu.memory_space<vmem>>, vector<1x1x16xf32>,
        %get3A_1294 = vector.shape_cast %get3A_1293 : vector<1x1x16xf32> to vector<16xf32>
        %mul3A_1295 = arith.mulf %get3A_1294, %get3A_1294 : vector<16xf32>
        %add3A_1296 = arith.addf %add3A_1287, %mul3A_1295 : vector<16xf32>
        %get3A_1297 = arith.constant 5 : i32
        %get3A_1298 = arith.constant 5 : i32
        %get3A_1299 = arith.index_cast %get3A_1297 : i32 to index
        %get3A_1300 = arith.index_cast %get3A_1298 : i32 to index
        %get3A_1301 = arith.index_cast %mul3A_258 : i32 to index
        %get3A_1302 = tpu.vector_load %arg6[%get3A_1299, %get3A_1300, %get3A_1301] {strides = array<i32>} : memref<19x8x256xf32, #tpu.memory_space<vmem>>, vector<1x1x16xf32>,
        %get3A_1303 = vector.shape_cast %get3A_1302 : vector<1x1x16xf32> to vector<16xf32>
        %mul3A_1304 = arith.mulf %get3A_1303, %get3A_1303 : vector<16xf32>
        %add3A_1305 = arith.addf %add3A_1296, %mul3A_1304 : vector<16xf32>
        %get3A_1306 = arith.constant 6 : i32
        %get3A_1307 = arith.constant 5 : i32
        %get3A_1308 = arith.index_cast %get3A_1306 : i32 to index
        %get3A_1309 = arith.index_cast %get3A_1307 : i32 to index
        %get3A_1310 = arith.index_cast %mul3A_258 : i32 to index
        %get3A_1311 = tpu.vector_load %arg6[%get3A_1308, %get3A_1309, %get3A_1310] {strides = array<i32>} : memref<19x8x256xf32, #tpu.memory_space<vmem>>, vector<1x1x16xf32>,
        %get3A_1312 = vector.shape_cast %get3A_1311 : vector<1x1x16xf32> to vector<16xf32>
        %mul3A_1313 = arith.mulf %get3A_1312, %get3A_1312 : vector<16xf32>
        %add3A_1314 = arith.addf %add3A_1305, %mul3A_1313 : vector<16xf32>
        %get3A_1315 = arith.constant 7 : i32
        %get3A_1316 = arith.constant 5 : i32
        %get3A_1317 = arith.index_cast %get3A_1315 : i32 to index
        %get3A_1318 = arith.index_cast %get3A_1316 : i32 to index
        %get3A_1319 = arith.index_cast %mul3A_258 : i32 to index
        %get3A_1320 = tpu.vector_load %arg6[%get3A_1317, %get3A_1318, %get3A_1319] {strides = array<i32>} : memref<19x8x256xf32, #tpu.memory_space<vmem>>, vector<1x1x16xf32>,
        %get3A_1321 = vector.shape_cast %get3A_1320 : vector<1x1x16xf32> to vector<16xf32>
        %mul3A_1322 = arith.mulf %get3A_1321, %get3A_1321 : vector<16xf32>
        %add3A_1323 = arith.addf %add3A_1314, %mul3A_1322 : vector<16xf32>
        %get3A_1324 = arith.constant 8 : i32
        %get3A_1325 = arith.constant 5 : i32
        %get3A_1326 = arith.index_cast %get3A_1324 : i32 to index
        %get3A_1327 = arith.index_cast %get3A_1325 : i32 to index
        %get3A_1328 = arith.index_cast %mul3A_258 : i32 to index
        %get3A_1329 = tpu.vector_load %arg6[%get3A_1326, %get3A_1327, %get3A_1328] {strides = array<i32>} : memref<19x8x256xf32, #tpu.memory_space<vmem>>, vector<1x1x16xf32>,
        %get3A_1330 = vector.shape_cast %get3A_1329 : vector<1x1x16xf32> to vector<16xf32>
        %mul3A_1331 = arith.mulf %get3A_1330, %get3A_1330 : vector<16xf32>
        %add3A_1332 = arith.addf %add3A_1323, %mul3A_1331 : vector<16xf32>
        %get3A_1333 = arith.constant 9 : i32
        %get3A_1334 = arith.constant 5 : i32
        %get3A_1335 = arith.index_cast %get3A_1333 : i32 to index
        %get3A_1336 = arith.index_cast %get3A_1334 : i32 to index
        %get3A_1337 = arith.index_cast %mul3A_258 : i32 to index
        %get3A_1338 = tpu.vector_load %arg6[%get3A_1335, %get3A_1336, %get3A_1337] {strides = array<i32>} : memref<19x8x256xf32, #tpu.memory_space<vmem>>, vector<1x1x16xf32>,
        %get3A_1339 = vector.shape_cast %get3A_1338 : vector<1x1x16xf32> to vector<16xf32>
        %mul3A_1340 = arith.mulf %get3A_1339, %get3A_1339 : vector<16xf32>
        %add3A_1341 = arith.addf %add3A_1332, %mul3A_1340 : vector<16xf32>
        %get3A_1342 = arith.constant 10 : i32
        %get3A_1343 = arith.constant 5 : i32
        %get3A_1344 = arith.index_cast %get3A_1342 : i32 to index
        %get3A_1345 = arith.index_cast %get3A_1343 : i32 to index
        %get3A_1346 = arith.index_cast %mul3A_258 : i32 to index
        %get3A_1347 = tpu.vector_load %arg6[%get3A_1344, %get3A_1345, %get3A_1346] {strides = array<i32>} : memref<19x8x256xf32, #tpu.memory_space<vmem>>, vector<1x1x16xf32>,
        %get3A_1348 = vector.shape_cast %get3A_1347 : vector<1x1x16xf32> to vector<16xf32>
        %mul3A_1349 = arith.mulf %get3A_1348, %get3A_1348 : vector<16xf32>
        %add3A_1350 = arith.addf %add3A_1341, %mul3A_1349 : vector<16xf32>
        %get3A_1351 = arith.constant 11 : i32
        %get3A_1352 = arith.constant 5 : i32
        %get3A_1353 = arith.index_cast %get3A_1351 : i32 to index
        %get3A_1354 = arith.index_cast %get3A_1352 : i32 to index
        %get3A_1355 = arith.index_cast %mul3A_258 : i32 to index
        %get3A_1356 = tpu.vector_load %arg6[%get3A_1353, %get3A_1354, %get3A_1355] {strides = array<i32>} : memref<19x8x256xf32, #tpu.memory_space<vmem>>, vector<1x1x16xf32>,
        %get3A_1357 = vector.shape_cast %get3A_1356 : vector<1x1x16xf32> to vector<16xf32>
        %mul3A_1358 = arith.mulf %get3A_1357, %get3A_1357 : vector<16xf32>
        %add3A_1359 = arith.addf %add3A_1350, %mul3A_1358 : vector<16xf32>
        %get3A_1360 = arith.constant 12 : i32
        %get3A_1361 = arith.constant 5 : i32
        %get3A_1362 = arith.index_cast %get3A_1360 : i32 to index
        %get3A_1363 = arith.index_cast %get3A_1361 : i32 to index
        %get3A_1364 = arith.index_cast %mul3A_258 : i32 to index
        %get3A_1365 = tpu.vector_load %arg6[%get3A_1362, %get3A_1363, %get3A_1364] {strides = array<i32>} : memref<19x8x256xf32, #tpu.memory_space<vmem>>, vector<1x1x16xf32>,
        %get3A_1366 = vector.shape_cast %get3A_1365 : vector<1x1x16xf32> to vector<16xf32>
        %mul3A_1367 = arith.mulf %get3A_1366, %get3A_1366 : vector<16xf32>
        %add3A_1368 = arith.addf %add3A_1359, %mul3A_1367 : vector<16xf32>
        %get3A_1369 = arith.constant 13 : i32
        %get3A_1370 = arith.constant 5 : i32
        %get3A_1371 = arith.index_cast %get3A_1369 : i32 to index
        %get3A_1372 = arith.index_cast %get3A_1370 : i32 to index
        %get3A_1373 = arith.index_cast %mul3A_258 : i32 to index
        %get3A_1374 = tpu.vector_load %arg6[%get3A_1371, %get3A_1372, %get3A_1373] {strides = array<i32>} : memref<19x8x256xf32, #tpu.memory_space<vmem>>, vector<1x1x16xf32>,
        %get3A_1375 = vector.shape_cast %get3A_1374 : vector<1x1x16xf32> to vector<16xf32>
        %mul3A_1376 = arith.mulf %get3A_1375, %get3A_1375 : vector<16xf32>
        %add3A_1377 = arith.addf %add3A_1368, %mul3A_1376 : vector<16xf32>
        %get3A_1378 = arith.constant 14 : i32
        %get3A_1379 = arith.constant 5 : i32
        %get3A_1380 = arith.index_cast %get3A_1378 : i32 to index
        %get3A_1381 = arith.index_cast %get3A_1379 : i32 to index
        %get3A_1382 = arith.index_cast %mul3A_258 : i32 to index
        %get3A_1383 = tpu.vector_load %arg6[%get3A_1380, %get3A_1381, %get3A_1382] {strides = array<i32>} : memref<19x8x256xf32, #tpu.memory_space<vmem>>, vector<1x1x16xf32>,
        %get3A_1384 = vector.shape_cast %get3A_1383 : vector<1x1x16xf32> to vector<16xf32>
        %mul3A_1385 = arith.mulf %get3A_1384, %get3A_1384 : vector<16xf32>
        %add3A_1386 = arith.addf %add3A_1377, %mul3A_1385 : vector<16xf32>
        %get3A_1387 = arith.constant 15 : i32
        %get3A_1388 = arith.constant 5 : i32
        %get3A_1389 = arith.index_cast %get3A_1387 : i32 to index
        %get3A_1390 = arith.index_cast %get3A_1388 : i32 to index
        %get3A_1391 = arith.index_cast %mul3A_258 : i32 to index
        %get3A_1392 = tpu.vector_load %arg6[%get3A_1389, %get3A_1390, %get3A_1391] {strides = array<i32>} : memref<19x8x256xf32, #tpu.memory_space<vmem>>, vector<1x1x16xf32>,
        %get3A_1393 = vector.shape_cast %get3A_1392 : vector<1x1x16xf32> to vector<16xf32>
        %mul3A_1394 = arith.mulf %get3A_1393, %get3A_1393 : vector<16xf32>
        %add3A_1395 = arith.addf %add3A_1386, %mul3A_1394 : vector<16xf32>
        %get3A_1396 = arith.constant 16 : i32
        %get3A_1397 = arith.constant 5 : i32
        %get3A_1398 = arith.index_cast %get3A_1396 : i32 to index
        %get3A_1399 = arith.index_cast %get3A_1397 : i32 to index
        %get3A_1400 = arith.index_cast %mul3A_258 : i32 to index
        %get3A_1401 = tpu.vector_load %arg6[%get3A_1398, %get3A_1399, %get3A_1400] {strides = array<i32>} : memref<19x8x256xf32, #tpu.memory_space<vmem>>, vector<1x1x16xf32>,
        %get3A_1402 = vector.shape_cast %get3A_1401 : vector<1x1x16xf32> to vector<16xf32>
        %mul3A_1403 = arith.mulf %get3A_1402, %get3A_1402 : vector<16xf32>
        %add3A_1404 = arith.addf %add3A_1395, %mul3A_1403 : vector<16xf32>
        %get3A_1405 = arith.constant 17 : i32
        %get3A_1406 = arith.constant 5 : i32
        %get3A_1407 = arith.index_cast %get3A_1405 : i32 to index
        %get3A_1408 = arith.index_cast %get3A_1406 : i32 to index
        %get3A_1409 = arith.index_cast %mul3A_258 : i32 to index
        %get3A_1410 = tpu.vector_load %arg6[%get3A_1407, %get3A_1408, %get3A_1409] {strides = array<i32>} : memref<19x8x256xf32, #tpu.memory_space<vmem>>, vector<1x1x16xf32>,
        %get3A_1411 = vector.shape_cast %get3A_1410 : vector<1x1x16xf32> to vector<16xf32>
        %mul3A_1412 = arith.mulf %get3A_1411, %get3A_1411 : vector<16xf32>
        %add3A_1413 = arith.addf %add3A_1404, %mul3A_1412 : vector<16xf32>
        %get3A_1414 = arith.constant 18 : i32
        %get3A_1415 = arith.constant 5 : i32
        %get3A_1416 = arith.index_cast %get3A_1414 : i32 to index
        %get3A_1417 = arith.index_cast %get3A_1415 : i32 to index
        %get3A_1418 = arith.index_cast %mul3A_258 : i32 to index
        %get3A_1419 = tpu.vector_load %arg6[%get3A_1416, %get3A_1417, %get3A_1418] {strides = array<i32>} : memref<19x8x256xf32, #tpu.memory_space<vmem>>, vector<1x1x16xf32>,
        %get3A_1420 = vector.shape_cast %get3A_1419 : vector<1x1x16xf32> to vector<16xf32>
        %mul3A_1421 = arith.mulf %get3A_1420, %get3A_1420 : vector<16xf32>
        %add3A_1422 = arith.addf %add3A_1413, %mul3A_1421 : vector<16xf32>
        %get3A_1423 = arith.constant 5 : i32
        %get3A_1424 = arith.index_cast %get3A_1423 : i32 to index
        %get3A_1425 = arith.index_cast %mul3A_258 : i32 to index
        %get3A_1426 = tpu.vector_load %arg8[%get3A_1424, %get3A_1425] {strides = array<i32>} : memref<8x256xi32, #tpu.memory_space<vmem>>, vector<1x16xi32>,
        %get3A_1427 = vector.shape_cast %get3A_1426 : vector<1x16xi32> to vector<16xi32>
        %eq3A_1428 = arith.constant 0 : i32
        %eq3A_1429 = vector.broadcast %eq3A_1428 : i32 to vector<16xi32>
        %eq3A_1430 = arith.cmpi eq, %get3A_1427, %eq3A_1429 : vector<16xi32>
        %jit3A_1431 = arith.constant 0.000000e+00 : f32
        %broadcast_in_dim3A_1432 = vector.broadcast %jit3A_1431 : f32 to vector<16xf32>
        %select_n3A_1433 = arith.select %eq3A_1430, %add3A_1422, %broadcast_in_dim3A_1432 : vector<16xi1>, vector<16xf32>
        %add3A_1434 = arith.addf %add3A_638, %select_n3A_1433 : vector<16xf32>
        %sub3A_1435 = arith.constant 1.000000e+00 : f32
        %sub3A_1436 = vector.broadcast %sub3A_1435 : f32 to vector<16xf32>
        %sub3A_1437 = arith.subf %sub3A_1436, %add3A_1422 : vector<16xf32>
        %max3A_1438 = arith.constant 0.000000e+00 : f32
        %max3A_1439 = vector.broadcast %max3A_1438 : f32 to vector<16xf32>
        %max3A_1440 = arith.maximumf %sub3A_1437, %max3A_1439 : vector<16xf32>
        %jit3A_1441 = arith.constant 0.000000e+00 : f32
        %broadcast_in_dim3A_1442 = vector.broadcast %jit3A_1441 : f32 to vector<16xf32>
        %select_n3A_1443 = arith.select %eq3A_1430, %broadcast_in_dim3A_1442, %max3A_1440 : vector<16xi1>, vector<16xf32>
        %add3A_1444 = arith.addf %add3A_648, %select_n3A_1443 : vector<16xf32>
        %jit3A_1445 = arith.constant 1.000000e+00 : f32
        %jit3A_1446 = arith.constant 0.000000e+00 : f32
        %broadcast_in_dim3A_1447 = vector.broadcast %jit3A_1445 : f32 to vector<16xf32>
        %broadcast_in_dim3A_1448 = vector.broadcast %jit3A_1446 : f32 to vector<16xf32>
        %select_n3A_1449 = arith.select %eq3A_1430, %broadcast_in_dim3A_1447, %broadcast_in_dim3A_1448 : vector<16xi1>, vector<16xf32>
        %add3A_1450 = arith.addf %add3A_654, %select_n3A_1449 : vector<16xf32>
        %get3A_1451 = arith.constant 0 : i32
        %get3A_1452 = arith.constant 6 : i32
        %get3A_1453 = arith.index_cast %get3A_1451 : i32 to index
        %get3A_1454 = arith.index_cast %get3A_1452 : i32 to index
        %get3A_1455 = arith.index_cast %mul3A_258 : i32 to index
        %get3A_1456 = tpu.vector_load %arg6[%get3A_1453, %get3A_1454, %get3A_1455] {strides = array<i32>} : memref<19x8x256xf32, #tpu.memory_space<vmem>>, vector<1x1x16xf32>,
        %get3A_1457 = vector.shape_cast %get3A_1456 : vector<1x1x16xf32> to vector<16xf32>
        %mul3A_1458 = arith.mulf %get3A_1457, %get3A_1457 : vector<16xf32>
        %add3A_1459 = arith.addf %broadcast_in_dim3A_1, %mul3A_1458 : vector<16xf32>
        %get3A_1460 = arith.constant 1 : i32
        %get3A_1461 = arith.constant 6 : i32
        %get3A_1462 = arith.index_cast %get3A_1460 : i32 to index
        %get3A_1463 = arith.index_cast %get3A_1461 : i32 to index
        %get3A_1464 = arith.index_cast %mul3A_258 : i32 to index
        %get3A_1465 = tpu.vector_load %arg6[%get3A_1462, %get3A_1463, %get3A_1464] {strides = array<i32>} : memref<19x8x256xf32, #tpu.memory_space<vmem>>, vector<1x1x16xf32>,
        %get3A_1466 = vector.shape_cast %get3A_1465 : vector<1x1x16xf32> to vector<16xf32>
        %mul3A_1467 = arith.mulf %get3A_1466, %get3A_1466 : vector<16xf32>
        %add3A_1468 = arith.addf %add3A_1459, %mul3A_1467 : vector<16xf32>
        %get3A_1469 = arith.constant 2 : i32
        %get3A_1470 = arith.constant 6 : i32
        %get3A_1471 = arith.index_cast %get3A_1469 : i32 to index
        %get3A_1472 = arith.index_cast %get3A_1470 : i32 to index
        %get3A_1473 = arith.index_cast %mul3A_258 : i32 to index
        %get3A_1474 = tpu.vector_load %arg6[%get3A_1471, %get3A_1472, %get3A_1473] {strides = array<i32>} : memref<19x8x256xf32, #tpu.memory_space<vmem>>, vector<1x1x16xf32>,
        %get3A_1475 = vector.shape_cast %get3A_1474 : vector<1x1x16xf32> to vector<16xf32>
        %mul3A_1476 = arith.mulf %get3A_1475, %get3A_1475 : vector<16xf32>
        %add3A_1477 = arith.addf %add3A_1468, %mul3A_1476 : vector<16xf32>
        %get3A_1478 = arith.constant 3 : i32
        %get3A_1479 = arith.constant 6 : i32
        %get3A_1480 = arith.index_cast %get3A_1478 : i32 to index
        %get3A_1481 = arith.index_cast %get3A_1479 : i32 to index
        %get3A_1482 = arith.index_cast %mul3A_258 : i32 to index
        %get3A_1483 = tpu.vector_load %arg6[%get3A_1480, %get3A_1481, %get3A_1482] {strides = array<i32>} : memref<19x8x256xf32, #tpu.memory_space<vmem>>, vector<1x1x16xf32>,
        %get3A_1484 = vector.shape_cast %get3A_1483 : vector<1x1x16xf32> to vector<16xf32>
        %mul3A_1485 = arith.mulf %get3A_1484, %get3A_1484 : vector<16xf32>
        %add3A_1486 = arith.addf %add3A_1477, %mul3A_1485 : vector<16xf32>
        %get3A_1487 = arith.constant 4 : i32
        %get3A_1488 = arith.constant 6 : i32
        %get3A_1489 = arith.index_cast %get3A_1487 : i32 to index
        %get3A_1490 = arith.index_cast %get3A_1488 : i32 to index
        %get3A_1491 = arith.index_cast %mul3A_258 : i32 to index
        %get3A_1492 = tpu.vector_load %arg6[%get3A_1489, %get3A_1490, %get3A_1491] {strides = array<i32>} : memref<19x8x256xf32, #tpu.memory_space<vmem>>, vector<1x1x16xf32>,
        %get3A_1493 = vector.shape_cast %get3A_1492 : vector<1x1x16xf32> to vector<16xf32>
        %mul3A_1494 = arith.mulf %get3A_1493, %get3A_1493 : vector<16xf32>
        %add3A_1495 = arith.addf %add3A_1486, %mul3A_1494 : vector<16xf32>
        %get3A_1496 = arith.constant 5 : i32
        %get3A_1497 = arith.constant 6 : i32
        %get3A_1498 = arith.index_cast %get3A_1496 : i32 to index
        %get3A_1499 = arith.index_cast %get3A_1497 : i32 to index
        %get3A_1500 = arith.index_cast %mul3A_258 : i32 to index
        %get3A_1501 = tpu.vector_load %arg6[%get3A_1498, %get3A_1499, %get3A_1500] {strides = array<i32>} : memref<19x8x256xf32, #tpu.memory_space<vmem>>, vector<1x1x16xf32>,
        %get3A_1502 = vector.shape_cast %get3A_1501 : vector<1x1x16xf32> to vector<16xf32>
        %mul3A_1503 = arith.mulf %get3A_1502, %get3A_1502 : vector<16xf32>
        %add3A_1504 = arith.addf %add3A_1495, %mul3A_1503 : vector<16xf32>
        %get3A_1505 = arith.constant 6 : i32
        %get3A_1506 = arith.constant 6 : i32
        %get3A_1507 = arith.index_cast %get3A_1505 : i32 to index
        %get3A_1508 = arith.index_cast %get3A_1506 : i32 to index
        %get3A_1509 = arith.index_cast %mul3A_258 : i32 to index
        %get3A_1510 = tpu.vector_load %arg6[%get3A_1507, %get3A_1508, %get3A_1509] {strides = array<i32>} : memref<19x8x256xf32, #tpu.memory_space<vmem>>, vector<1x1x16xf32>,
        %get3A_1511 = vector.shape_cast %get3A_1510 : vector<1x1x16xf32> to vector<16xf32>
        %mul3A_1512 = arith.mulf %get3A_1511, %get3A_1511 : vector<16xf32>
        %add3A_1513 = arith.addf %add3A_1504, %mul3A_1512 : vector<16xf32>
        %get3A_1514 = arith.constant 7 : i32
        %get3A_1515 = arith.constant 6 : i32
        %get3A_1516 = arith.index_cast %get3A_1514 : i32 to index
        %get3A_1517 = arith.index_cast %get3A_1515 : i32 to index
        %get3A_1518 = arith.index_cast %mul3A_258 : i32 to index
        %get3A_1519 = tpu.vector_load %arg6[%get3A_1516, %get3A_1517, %get3A_1518] {strides = array<i32>} : memref<19x8x256xf32, #tpu.memory_space<vmem>>, vector<1x1x16xf32>,
        %get3A_1520 = vector.shape_cast %get3A_1519 : vector<1x1x16xf32> to vector<16xf32>
        %mul3A_1521 = arith.mulf %get3A_1520, %get3A_1520 : vector<16xf32>
        %add3A_1522 = arith.addf %add3A_1513, %mul3A_1521 : vector<16xf32>
        %get3A_1523 = arith.constant 8 : i32
        %get3A_1524 = arith.constant 6 : i32
        %get3A_1525 = arith.index_cast %get3A_1523 : i32 to index
        %get3A_1526 = arith.index_cast %get3A_1524 : i32 to index
        %get3A_1527 = arith.index_cast %mul3A_258 : i32 to index
        %get3A_1528 = tpu.vector_load %arg6[%get3A_1525, %get3A_1526, %get3A_1527] {strides = array<i32>} : memref<19x8x256xf32, #tpu.memory_space<vmem>>, vector<1x1x16xf32>,
        %get3A_1529 = vector.shape_cast %get3A_1528 : vector<1x1x16xf32> to vector<16xf32>
        %mul3A_1530 = arith.mulf %get3A_1529, %get3A_1529 : vector<16xf32>
        %add3A_1531 = arith.addf %add3A_1522, %mul3A_1530 : vector<16xf32>
        %get3A_1532 = arith.constant 9 : i32
        %get3A_1533 = arith.constant 6 : i32
        %get3A_1534 = arith.index_cast %get3A_1532 : i32 to index
        %get3A_1535 = arith.index_cast %get3A_1533 : i32 to index
        %get3A_1536 = arith.index_cast %mul3A_258 : i32 to index
        %get3A_1537 = tpu.vector_load %arg6[%get3A_1534, %get3A_1535, %get3A_1536] {strides = array<i32>} : memref<19x8x256xf32, #tpu.memory_space<vmem>>, vector<1x1x16xf32>,
        %get3A_1538 = vector.shape_cast %get3A_1537 : vector<1x1x16xf32> to vector<16xf32>
        %mul3A_1539 = arith.mulf %get3A_1538, %get3A_1538 : vector<16xf32>
        %add3A_1540 = arith.addf %add3A_1531, %mul3A_1539 : vector<16xf32>
        %get3A_1541 = arith.constant 10 : i32
        %get3A_1542 = arith.constant 6 : i32
        %get3A_1543 = arith.index_cast %get3A_1541 : i32 to index
        %get3A_1544 = arith.index_cast %get3A_1542 : i32 to index
        %get3A_1545 = arith.index_cast %mul3A_258 : i32 to index
        %get3A_1546 = tpu.vector_load %arg6[%get3A_1543, %get3A_1544, %get3A_1545] {strides = array<i32>} : memref<19x8x256xf32, #tpu.memory_space<vmem>>, vector<1x1x16xf32>,
        %get3A_1547 = vector.shape_cast %get3A_1546 : vector<1x1x16xf32> to vector<16xf32>
        %mul3A_1548 = arith.mulf %get3A_1547, %get3A_1547 : vector<16xf32>
        %add3A_1549 = arith.addf %add3A_1540, %mul3A_1548 : vector<16xf32>
        %get3A_1550 = arith.constant 11 : i32
        %get3A_1551 = arith.constant 6 : i32
        %get3A_1552 = arith.index_cast %get3A_1550 : i32 to index
        %get3A_1553 = arith.index_cast %get3A_1551 : i32 to index
        %get3A_1554 = arith.index_cast %mul3A_258 : i32 to index
        %get3A_1555 = tpu.vector_load %arg6[%get3A_1552, %get3A_1553, %get3A_1554] {strides = array<i32>} : memref<19x8x256xf32, #tpu.memory_space<vmem>>, vector<1x1x16xf32>,
        %get3A_1556 = vector.shape_cast %get3A_1555 : vector<1x1x16xf32> to vector<16xf32>
        %mul3A_1557 = arith.mulf %get3A_1556, %get3A_1556 : vector<16xf32>
        %add3A_1558 = arith.addf %add3A_1549, %mul3A_1557 : vector<16xf32>
        %get3A_1559 = arith.constant 12 : i32
        %get3A_1560 = arith.constant 6 : i32
        %get3A_1561 = arith.index_cast %get3A_1559 : i32 to index
        %get3A_1562 = arith.index_cast %get3A_1560 : i32 to index
        %get3A_1563 = arith.index_cast %mul3A_258 : i32 to index
        %get3A_1564 = tpu.vector_load %arg6[%get3A_1561, %get3A_1562, %get3A_1563] {strides = array<i32>} : memref<19x8x256xf32, #tpu.memory_space<vmem>>, vector<1x1x16xf32>,
        %get3A_1565 = vector.shape_cast %get3A_1564 : vector<1x1x16xf32> to vector<16xf32>
        %mul3A_1566 = arith.mulf %get3A_1565, %get3A_1565 : vector<16xf32>
        %add3A_1567 = arith.addf %add3A_1558, %mul3A_1566 : vector<16xf32>
        %get3A_1568 = arith.constant 13 : i32
        %get3A_1569 = arith.constant 6 : i32
        %get3A_1570 = arith.index_cast %get3A_1568 : i32 to index
        %get3A_1571 = arith.index_cast %get3A_1569 : i32 to index
        %get3A_1572 = arith.index_cast %mul3A_258 : i32 to index
        %get3A_1573 = tpu.vector_load %arg6[%get3A_1570, %get3A_1571, %get3A_1572] {strides = array<i32>} : memref<19x8x256xf32, #tpu.memory_space<vmem>>, vector<1x1x16xf32>,
        %get3A_1574 = vector.shape_cast %get3A_1573 : vector<1x1x16xf32> to vector<16xf32>
        %mul3A_1575 = arith.mulf %get3A_1574, %get3A_1574 : vector<16xf32>
        %add3A_1576 = arith.addf %add3A_1567, %mul3A_1575 : vector<16xf32>
        %get3A_1577 = arith.constant 14 : i32
        %get3A_1578 = arith.constant 6 : i32
        %get3A_1579 = arith.index_cast %get3A_1577 : i32 to index
        %get3A_1580 = arith.index_cast %get3A_1578 : i32 to index
        %get3A_1581 = arith.index_cast %mul3A_258 : i32 to index
        %get3A_1582 = tpu.vector_load %arg6[%get3A_1579, %get3A_1580, %get3A_1581] {strides = array<i32>} : memref<19x8x256xf32, #tpu.memory_space<vmem>>, vector<1x1x16xf32>,
        %get3A_1583 = vector.shape_cast %get3A_1582 : vector<1x1x16xf32> to vector<16xf32>
        %mul3A_1584 = arith.mulf %get3A_1583, %get3A_1583 : vector<16xf32>
        %add3A_1585 = arith.addf %add3A_1576, %mul3A_1584 : vector<16xf32>
        %get3A_1586 = arith.constant 15 : i32
        %get3A_1587 = arith.constant 6 : i32
        %get3A_1588 = arith.index_cast %get3A_1586 : i32 to index
        %get3A_1589 = arith.index_cast %get3A_1587 : i32 to index
        %get3A_1590 = arith.index_cast %mul3A_258 : i32 to index
        %get3A_1591 = tpu.vector_load %arg6[%get3A_1588, %get3A_1589, %get3A_1590] {strides = array<i32>} : memref<19x8x256xf32, #tpu.memory_space<vmem>>, vector<1x1x16xf32>,
        %get3A_1592 = vector.shape_cast %get3A_1591 : vector<1x1x16xf32> to vector<16xf32>
        %mul3A_1593 = arith.mulf %get3A_1592, %get3A_1592 : vector<16xf32>
        %add3A_1594 = arith.addf %add3A_1585, %mul3A_1593 : vector<16xf32>
        %get3A_1595 = arith.constant 16 : i32
        %get3A_1596 = arith.constant 6 : i32
        %get3A_1597 = arith.index_cast %get3A_1595 : i32 to index
        %get3A_1598 = arith.index_cast %get3A_1596 : i32 to index
        %get3A_1599 = arith.index_cast %mul3A_258 : i32 to index
        %get3A_1600 = tpu.vector_load %arg6[%get3A_1597, %get3A_1598, %get3A_1599] {strides = array<i32>} : memref<19x8x256xf32, #tpu.memory_space<vmem>>, vector<1x1x16xf32>,
        %get3A_1601 = vector.shape_cast %get3A_1600 : vector<1x1x16xf32> to vector<16xf32>
        %mul3A_1602 = arith.mulf %get3A_1601, %get3A_1601 : vector<16xf32>
        %add3A_1603 = arith.addf %add3A_1594, %mul3A_1602 : vector<16xf32>
        %get3A_1604 = arith.constant 17 : i32
        %get3A_1605 = arith.constant 6 : i32
        %get3A_1606 = arith.index_cast %get3A_1604 : i32 to index
        %get3A_1607 = arith.index_cast %get3A_1605 : i32 to index
        %get3A_1608 = arith.index_cast %mul3A_258 : i32 to index
        %get3A_1609 = tpu.vector_load %arg6[%get3A_1606, %get3A_1607, %get3A_1608] {strides = array<i32>} : memref<19x8x256xf32, #tpu.memory_space<vmem>>, vector<1x1x16xf32>,
        %get3A_1610 = vector.shape_cast %get3A_1609 : vector<1x1x16xf32> to vector<16xf32>
        %mul3A_1611 = arith.mulf %get3A_1610, %get3A_1610 : vector<16xf32>
        %add3A_1612 = arith.addf %add3A_1603, %mul3A_1611 : vector<16xf32>
        %get3A_1613 = arith.constant 18 : i32
        %get3A_1614 = arith.constant 6 : i32
        %get3A_1615 = arith.index_cast %get3A_1613 : i32 to index
        %get3A_1616 = arith.index_cast %get3A_1614 : i32 to index
        %get3A_1617 = arith.index_cast %mul3A_258 : i32 to index
        %get3A_1618 = tpu.vector_load %arg6[%get3A_1615, %get3A_1616, %get3A_1617] {strides = array<i32>} : memref<19x8x256xf32, #tpu.memory_space<vmem>>, vector<1x1x16xf32>,
        %get3A_1619 = vector.shape_cast %get3A_1618 : vector<1x1x16xf32> to vector<16xf32>
        %mul3A_1620 = arith.mulf %get3A_1619, %get3A_1619 : vector<16xf32>
        %add3A_1621 = arith.addf %add3A_1612, %mul3A_1620 : vector<16xf32>
        %get3A_1622 = arith.constant 6 : i32
        %get3A_1623 = arith.index_cast %get3A_1622 : i32 to index
        %get3A_1624 = arith.index_cast %mul3A_258 : i32 to index
        %get3A_1625 = tpu.vector_load %arg8[%get3A_1623, %get3A_1624] {strides = array<i32>} : memref<8x256xi32, #tpu.memory_space<vmem>>, vector<1x16xi32>,
        %get3A_1626 = vector.shape_cast %get3A_1625 : vector<1x16xi32> to vector<16xi32>
        %eq3A_1627 = arith.constant 0 : i32
        %eq3A_1628 = vector.broadcast %eq3A_1627 : i32 to vector<16xi32>
        %eq3A_1629 = arith.cmpi eq, %get3A_1626, %eq3A_1628 : vector<16xi32>
        %jit3A_1630 = arith.constant 0.000000e+00 : f32
        %broadcast_in_dim3A_1631 = vector.broadcast %jit3A_1630 : f32 to vector<16xf32>
        %select_n3A_1632 = arith.select %eq3A_1629, %add3A_1621, %broadcast_in_dim3A_1631 : vector<16xi1>, vector<16xf32>
        %add3A_1633 = arith.addf %add3A_837, %select_n3A_1632 : vector<16xf32>
        %sub3A_1634 = arith.constant 1.000000e+00 : f32
        %sub3A_1635 = vector.broadcast %sub3A_1634 : f32 to vector<16xf32>
        %sub3A_1636 = arith.subf %sub3A_1635, %add3A_1621 : vector<16xf32>
        %max3A_1637 = arith.constant 0.000000e+00 : f32
        %max3A_1638 = vector.broadcast %max3A_1637 : f32 to vector<16xf32>
        %max3A_1639 = arith.maximumf %sub3A_1636, %max3A_1638 : vector<16xf32>
        %jit3A_1640 = arith.constant 0.000000e+00 : f32
        %broadcast_in_dim3A_1641 = vector.broadcast %jit3A_1640 : f32 to vector<16xf32>
        %select_n3A_1642 = arith.select %eq3A_1629, %broadcast_in_dim3A_1641, %max3A_1639 : vector<16xi1>, vector<16xf32>
        %add3A_1643 = arith.addf %add3A_847, %select_n3A_1642 : vector<16xf32>
        %jit3A_1644 = arith.constant 1.000000e+00 : f32
        %jit3A_1645 = arith.constant 0.000000e+00 : f32
        %broadcast_in_dim3A_1646 = vector.broadcast %jit3A_1644 : f32 to vector<16xf32>
        %broadcast_in_dim3A_1647 = vector.broadcast %jit3A_1645 : f32 to vector<16xf32>
        %select_n3A_1648 = arith.select %eq3A_1629, %broadcast_in_dim3A_1646, %broadcast_in_dim3A_1647 : vector<16xi1>, vector<16xf32>
        %add3A_1649 = arith.addf %add3A_853, %select_n3A_1648 : vector<16xf32>
        %get3A_1650 = arith.constant 0 : i32
        %get3A_1651 = arith.constant 7 : i32
        %get3A_1652 = arith.index_cast %get3A_1650 : i32 to index
        %get3A_1653 = arith.index_cast %get3A_1651 : i32 to index
        %get3A_1654 = arith.index_cast %mul3A_258 : i32 to index
        %get3A_1655 = tpu.vector_load %arg6[%get3A_1652, %get3A_1653, %get3A_1654] {strides = array<i32>} : memref<19x8x256xf32, #tpu.memory_space<vmem>>, vector<1x1x16xf32>,
        %get3A_1656 = vector.shape_cast %get3A_1655 : vector<1x1x16xf32> to vector<16xf32>
        %mul3A_1657 = arith.mulf %get3A_1656, %get3A_1656 : vector<16xf32>
        %add3A_1658 = arith.addf %broadcast_in_dim3A_1, %mul3A_1657 : vector<16xf32>
        %get3A_1659 = arith.constant 1 : i32
        %get3A_1660 = arith.constant 7 : i32
        %get3A_1661 = arith.index_cast %get3A_1659 : i32 to index
        %get3A_1662 = arith.index_cast %get3A_1660 : i32 to index
        %get3A_1663 = arith.index_cast %mul3A_258 : i32 to index
        %get3A_1664 = tpu.vector_load %arg6[%get3A_1661, %get3A_1662, %get3A_1663] {strides = array<i32>} : memref<19x8x256xf32, #tpu.memory_space<vmem>>, vector<1x1x16xf32>,
        %get3A_1665 = vector.shape_cast %get3A_1664 : vector<1x1x16xf32> to vector<16xf32>
        %mul3A_1666 = arith.mulf %get3A_1665, %get3A_1665 : vector<16xf32>
        %add3A_1667 = arith.addf %add3A_1658, %mul3A_1666 : vector<16xf32>
        %get3A_1668 = arith.constant 2 : i32
        %get3A_1669 = arith.constant 7 : i32
        %get3A_1670 = arith.index_cast %get3A_1668 : i32 to index
        %get3A_1671 = arith.index_cast %get3A_1669 : i32 to index
        %get3A_1672 = arith.index_cast %mul3A_258 : i32 to index
        %get3A_1673 = tpu.vector_load %arg6[%get3A_1670, %get3A_1671, %get3A_1672] {strides = array<i32>} : memref<19x8x256xf32, #tpu.memory_space<vmem>>, vector<1x1x16xf32>,
        %get3A_1674 = vector.shape_cast %get3A_1673 : vector<1x1x16xf32> to vector<16xf32>
        %mul3A_1675 = arith.mulf %get3A_1674, %get3A_1674 : vector<16xf32>
        %add3A_1676 = arith.addf %add3A_1667, %mul3A_1675 : vector<16xf32>
        %get3A_1677 = arith.constant 3 : i32
        %get3A_1678 = arith.constant 7 : i32
        %get3A_1679 = arith.index_cast %get3A_1677 : i32 to index
        %get3A_1680 = arith.index_cast %get3A_1678 : i32 to index
        %get3A_1681 = arith.index_cast %mul3A_258 : i32 to index
        %get3A_1682 = tpu.vector_load %arg6[%get3A_1679, %get3A_1680, %get3A_1681] {strides = array<i32>} : memref<19x8x256xf32, #tpu.memory_space<vmem>>, vector<1x1x16xf32>,
        %get3A_1683 = vector.shape_cast %get3A_1682 : vector<1x1x16xf32> to vector<16xf32>
        %mul3A_1684 = arith.mulf %get3A_1683, %get3A_1683 : vector<16xf32>
        %add3A_1685 = arith.addf %add3A_1676, %mul3A_1684 : vector<16xf32>
        %get3A_1686 = arith.constant 4 : i32
        %get3A_1687 = arith.constant 7 : i32
        %get3A_1688 = arith.index_cast %get3A_1686 : i32 to index
        %get3A_1689 = arith.index_cast %get3A_1687 : i32 to index
        %get3A_1690 = arith.index_cast %mul3A_258 : i32 to index
        %get3A_1691 = tpu.vector_load %arg6[%get3A_1688, %get3A_1689, %get3A_1690] {strides = array<i32>} : memref<19x8x256xf32, #tpu.memory_space<vmem>>, vector<1x1x16xf32>,
        %get3A_1692 = vector.shape_cast %get3A_1691 : vector<1x1x16xf32> to vector<16xf32>
        %mul3A_1693 = arith.mulf %get3A_1692, %get3A_1692 : vector<16xf32>
        %add3A_1694 = arith.addf %add3A_1685, %mul3A_1693 : vector<16xf32>
        %get3A_1695 = arith.constant 5 : i32
        %get3A_1696 = arith.constant 7 : i32
        %get3A_1697 = arith.index_cast %get3A_1695 : i32 to index
        %get3A_1698 = arith.index_cast %get3A_1696 : i32 to index
        %get3A_1699 = arith.index_cast %mul3A_258 : i32 to index
        %get3A_1700 = tpu.vector_load %arg6[%get3A_1697, %get3A_1698, %get3A_1699] {strides = array<i32>} : memref<19x8x256xf32, #tpu.memory_space<vmem>>, vector<1x1x16xf32>,
        %get3A_1701 = vector.shape_cast %get3A_1700 : vector<1x1x16xf32> to vector<16xf32>
        %mul3A_1702 = arith.mulf %get3A_1701, %get3A_1701 : vector<16xf32>
        %add3A_1703 = arith.addf %add3A_1694, %mul3A_1702 : vector<16xf32>
        %get3A_1704 = arith.constant 6 : i32
        %get3A_1705 = arith.constant 7 : i32
        %get3A_1706 = arith.index_cast %get3A_1704 : i32 to index
        %get3A_1707 = arith.index_cast %get3A_1705 : i32 to index
        %get3A_1708 = arith.index_cast %mul3A_258 : i32 to index
        %get3A_1709 = tpu.vector_load %arg6[%get3A_1706, %get3A_1707, %get3A_1708] {strides = array<i32>} : memref<19x8x256xf32, #tpu.memory_space<vmem>>, vector<1x1x16xf32>,
        %get3A_1710 = vector.shape_cast %get3A_1709 : vector<1x1x16xf32> to vector<16xf32>
        %mul3A_1711 = arith.mulf %get3A_1710, %get3A_1710 : vector<16xf32>
        %add3A_1712 = arith.addf %add3A_1703, %mul3A_1711 : vector<16xf32>
        %get3A_1713 = arith.constant 7 : i32
        %get3A_1714 = arith.constant 7 : i32
        %get3A_1715 = arith.index_cast %get3A_1713 : i32 to index
        %get3A_1716 = arith.index_cast %get3A_1714 : i32 to index
        %get3A_1717 = arith.index_cast %mul3A_258 : i32 to index
        %get3A_1718 = tpu.vector_load %arg6[%get3A_1715, %get3A_1716, %get3A_1717] {strides = array<i32>} : memref<19x8x256xf32, #tpu.memory_space<vmem>>, vector<1x1x16xf32>,
        %get3A_1719 = vector.shape_cast %get3A_1718 : vector<1x1x16xf32> to vector<16xf32>
        %mul3A_1720 = arith.mulf %get3A_1719, %get3A_1719 : vector<16xf32>
        %add3A_1721 = arith.addf %add3A_1712, %mul3A_1720 : vector<16xf32>
        %get3A_1722 = arith.constant 8 : i32
        %get3A_1723 = arith.constant 7 : i32
        %get3A_1724 = arith.index_cast %get3A_1722 : i32 to index
        %get3A_1725 = arith.index_cast %get3A_1723 : i32 to index
        %get3A_1726 = arith.index_cast %mul3A_258 : i32 to index
        %get3A_1727 = tpu.vector_load %arg6[%get3A_1724, %get3A_1725, %get3A_1726] {strides = array<i32>} : memref<19x8x256xf32, #tpu.memory_space<vmem>>, vector<1x1x16xf32>,
        %get3A_1728 = vector.shape_cast %get3A_1727 : vector<1x1x16xf32> to vector<16xf32>
        %mul3A_1729 = arith.mulf %get3A_1728, %get3A_1728 : vector<16xf32>
        %add3A_1730 = arith.addf %add3A_1721, %mul3A_1729 : vector<16xf32>
        %get3A_1731 = arith.constant 9 : i32
        %get3A_1732 = arith.constant 7 : i32
        %get3A_1733 = arith.index_cast %get3A_1731 : i32 to index
        %get3A_1734 = arith.index_cast %get3A_1732 : i32 to index
        %get3A_1735 = arith.index_cast %mul3A_258 : i32 to index
        %get3A_1736 = tpu.vector_load %arg6[%get3A_1733, %get3A_1734, %get3A_1735] {strides = array<i32>} : memref<19x8x256xf32, #tpu.memory_space<vmem>>, vector<1x1x16xf32>,
        %get3A_1737 = vector.shape_cast %get3A_1736 : vector<1x1x16xf32> to vector<16xf32>
        %mul3A_1738 = arith.mulf %get3A_1737, %get3A_1737 : vector<16xf32>
        %add3A_1739 = arith.addf %add3A_1730, %mul3A_1738 : vector<16xf32>
        %get3A_1740 = arith.constant 10 : i32
        %get3A_1741 = arith.constant 7 : i32
        %get3A_1742 = arith.index_cast %get3A_1740 : i32 to index
        %get3A_1743 = arith.index_cast %get3A_1741 : i32 to index
        %get3A_1744 = arith.index_cast %mul3A_258 : i32 to index
        %get3A_1745 = tpu.vector_load %arg6[%get3A_1742, %get3A_1743, %get3A_1744] {strides = array<i32>} : memref<19x8x256xf32, #tpu.memory_space<vmem>>, vector<1x1x16xf32>,
        %get3A_1746 = vector.shape_cast %get3A_1745 : vector<1x1x16xf32> to vector<16xf32>
        %mul3A_1747 = arith.mulf %get3A_1746, %get3A_1746 : vector<16xf32>
        %add3A_1748 = arith.addf %add3A_1739, %mul3A_1747 : vector<16xf32>
        %get3A_1749 = arith.constant 11 : i32
        %get3A_1750 = arith.constant 7 : i32
        %get3A_1751 = arith.index_cast %get3A_1749 : i32 to index
        %get3A_1752 = arith.index_cast %get3A_1750 : i32 to index
        %get3A_1753 = arith.index_cast %mul3A_258 : i32 to index
        %get3A_1754 = tpu.vector_load %arg6[%get3A_1751, %get3A_1752, %get3A_1753] {strides = array<i32>} : memref<19x8x256xf32, #tpu.memory_space<vmem>>, vector<1x1x16xf32>,
        %get3A_1755 = vector.shape_cast %get3A_1754 : vector<1x1x16xf32> to vector<16xf32>
        %mul3A_1756 = arith.mulf %get3A_1755, %get3A_1755 : vector<16xf32>
        %add3A_1757 = arith.addf %add3A_1748, %mul3A_1756 : vector<16xf32>
        %get3A_1758 = arith.constant 12 : i32
        %get3A_1759 = arith.constant 7 : i32
        %get3A_1760 = arith.index_cast %get3A_1758 : i32 to index
        %get3A_1761 = arith.index_cast %get3A_1759 : i32 to index
        %get3A_1762 = arith.index_cast %mul3A_258 : i32 to index
        %get3A_1763 = tpu.vector_load %arg6[%get3A_1760, %get3A_1761, %get3A_1762] {strides = array<i32>} : memref<19x8x256xf32, #tpu.memory_space<vmem>>, vector<1x1x16xf32>,
        %get3A_1764 = vector.shape_cast %get3A_1763 : vector<1x1x16xf32> to vector<16xf32>
        %mul3A_1765 = arith.mulf %get3A_1764, %get3A_1764 : vector<16xf32>
        %add3A_1766 = arith.addf %add3A_1757, %mul3A_1765 : vector<16xf32>
        %get3A_1767 = arith.constant 13 : i32
        %get3A_1768 = arith.constant 7 : i32
        %get3A_1769 = arith.index_cast %get3A_1767 : i32 to index
        %get3A_1770 = arith.index_cast %get3A_1768 : i32 to index
        %get3A_1771 = arith.index_cast %mul3A_258 : i32 to index
        %get3A_1772 = tpu.vector_load %arg6[%get3A_1769, %get3A_1770, %get3A_1771] {strides = array<i32>} : memref<19x8x256xf32, #tpu.memory_space<vmem>>, vector<1x1x16xf32>,
        %get3A_1773 = vector.shape_cast %get3A_1772 : vector<1x1x16xf32> to vector<16xf32>
        %mul3A_1774 = arith.mulf %get3A_1773, %get3A_1773 : vector<16xf32>
        %add3A_1775 = arith.addf %add3A_1766, %mul3A_1774 : vector<16xf32>
        %get3A_1776 = arith.constant 14 : i32
        %get3A_1777 = arith.constant 7 : i32
        %get3A_1778 = arith.index_cast %get3A_1776 : i32 to index
        %get3A_1779 = arith.index_cast %get3A_1777 : i32 to index
        %get3A_1780 = arith.index_cast %mul3A_258 : i32 to index
        %get3A_1781 = tpu.vector_load %arg6[%get3A_1778, %get3A_1779, %get3A_1780] {strides = array<i32>} : memref<19x8x256xf32, #tpu.memory_space<vmem>>, vector<1x1x16xf32>,
        %get3A_1782 = vector.shape_cast %get3A_1781 : vector<1x1x16xf32> to vector<16xf32>
        %mul3A_1783 = arith.mulf %get3A_1782, %get3A_1782 : vector<16xf32>
        %add3A_1784 = arith.addf %add3A_1775, %mul3A_1783 : vector<16xf32>
        %get3A_1785 = arith.constant 15 : i32
        %get3A_1786 = arith.constant 7 : i32
        %get3A_1787 = arith.index_cast %get3A_1785 : i32 to index
        %get3A_1788 = arith.index_cast %get3A_1786 : i32 to index
        %get3A_1789 = arith.index_cast %mul3A_258 : i32 to index
        %get3A_1790 = tpu.vector_load %arg6[%get3A_1787, %get3A_1788, %get3A_1789] {strides = array<i32>} : memref<19x8x256xf32, #tpu.memory_space<vmem>>, vector<1x1x16xf32>,
        %get3A_1791 = vector.shape_cast %get3A_1790 : vector<1x1x16xf32> to vector<16xf32>
        %mul3A_1792 = arith.mulf %get3A_1791, %get3A_1791 : vector<16xf32>
        %add3A_1793 = arith.addf %add3A_1784, %mul3A_1792 : vector<16xf32>
        %get3A_1794 = arith.constant 16 : i32
        %get3A_1795 = arith.constant 7 : i32
        %get3A_1796 = arith.index_cast %get3A_1794 : i32 to index
        %get3A_1797 = arith.index_cast %get3A_1795 : i32 to index
        %get3A_1798 = arith.index_cast %mul3A_258 : i32 to index
        %get3A_1799 = tpu.vector_load %arg6[%get3A_1796, %get3A_1797, %get3A_1798] {strides = array<i32>} : memref<19x8x256xf32, #tpu.memory_space<vmem>>, vector<1x1x16xf32>,
        %get3A_1800 = vector.shape_cast %get3A_1799 : vector<1x1x16xf32> to vector<16xf32>
        %mul3A_1801 = arith.mulf %get3A_1800, %get3A_1800 : vector<16xf32>
        %add3A_1802 = arith.addf %add3A_1793, %mul3A_1801 : vector<16xf32>
        %get3A_1803 = arith.constant 17 : i32
        %get3A_1804 = arith.constant 7 : i32
        %get3A_1805 = arith.index_cast %get3A_1803 : i32 to index
        %get3A_1806 = arith.index_cast %get3A_1804 : i32 to index
        %get3A_1807 = arith.index_cast %mul3A_258 : i32 to index
        %get3A_1808 = tpu.vector_load %arg6[%get3A_1805, %get3A_1806, %get3A_1807] {strides = array<i32>} : memref<19x8x256xf32, #tpu.memory_space<vmem>>, vector<1x1x16xf32>,
        %get3A_1809 = vector.shape_cast %get3A_1808 : vector<1x1x16xf32> to vector<16xf32>
        %mul3A_1810 = arith.mulf %get3A_1809, %get3A_1809 : vector<16xf32>
        %add3A_1811 = arith.addf %add3A_1802, %mul3A_1810 : vector<16xf32>
        %get3A_1812 = arith.constant 18 : i32
        %get3A_1813 = arith.constant 7 : i32
        %get3A_1814 = arith.index_cast %get3A_1812 : i32 to index
        %get3A_1815 = arith.index_cast %get3A_1813 : i32 to index
        %get3A_1816 = arith.index_cast %mul3A_258 : i32 to index
        %get3A_1817 = tpu.vector_load %arg6[%get3A_1814, %get3A_1815, %get3A_1816] {strides = array<i32>} : memref<19x8x256xf32, #tpu.memory_space<vmem>>, vector<1x1x16xf32>,
        %get3A_1818 = vector.shape_cast %get3A_1817 : vector<1x1x16xf32> to vector<16xf32>
        %mul3A_1819 = arith.mulf %get3A_1818, %get3A_1818 : vector<16xf32>
        %add3A_1820 = arith.addf %add3A_1811, %mul3A_1819 : vector<16xf32>
        %get3A_1821 = arith.constant 7 : i32
        %get3A_1822 = arith.index_cast %get3A_1821 : i32 to index
        %get3A_1823 = arith.index_cast %mul3A_258 : i32 to index
        %get3A_1824 = tpu.vector_load %arg8[%get3A_1822, %get3A_1823] {strides = array<i32>} : memref<8x256xi32, #tpu.memory_space<vmem>>, vector<1x16xi32>,
        %get3A_1825 = vector.shape_cast %get3A_1824 : vector<1x16xi32> to vector<16xi32>
        %eq3A_1826 = arith.constant 0 : i32
        %eq3A_1827 = vector.broadcast %eq3A_1826 : i32 to vector<16xi32>
        %eq3A_1828 = arith.cmpi eq, %get3A_1825, %eq3A_1827 : vector<16xi32>
        %jit3A_1829 = arith.constant 0.000000e+00 : f32
        %broadcast_in_dim3A_1830 = vector.broadcast %jit3A_1829 : f32 to vector<16xf32>
        %select_n3A_1831 = arith.select %eq3A_1828, %add3A_1820, %broadcast_in_dim3A_1830 : vector<16xi1>, vector<16xf32>
        %add3A_1832 = arith.addf %add3A_1036, %select_n3A_1831 : vector<16xf32>
        %sub3A_1833 = arith.constant 1.000000e+00 : f32
        %sub3A_1834 = vector.broadcast %sub3A_1833 : f32 to vector<16xf32>
        %sub3A_1835 = arith.subf %sub3A_1834, %add3A_1820 : vector<16xf32>
        %max3A_1836 = arith.constant 0.000000e+00 : f32
        %max3A_1837 = vector.broadcast %max3A_1836 : f32 to vector<16xf32>
        %max3A_1838 = arith.maximumf %sub3A_1835, %max3A_1837 : vector<16xf32>
        %jit3A_1839 = arith.constant 0.000000e+00 : f32
        %broadcast_in_dim3A_1840 = vector.broadcast %jit3A_1839 : f32 to vector<16xf32>
        %select_n3A_1841 = arith.select %eq3A_1828, %broadcast_in_dim3A_1840, %max3A_1838 : vector<16xi1>, vector<16xf32>
        %add3A_1842 = arith.addf %add3A_1046, %select_n3A_1841 : vector<16xf32>
        %jit3A_1843 = arith.constant 1.000000e+00 : f32
        %jit3A_1844 = arith.constant 0.000000e+00 : f32
        %broadcast_in_dim3A_1845 = vector.broadcast %jit3A_1843 : f32 to vector<16xf32>
        %broadcast_in_dim3A_1846 = vector.broadcast %jit3A_1844 : f32 to vector<16xf32>
        %select_n3A_1847 = arith.select %eq3A_1828, %broadcast_in_dim3A_1845, %broadcast_in_dim3A_1846 : vector<16xi1>, vector<16xf32>
        %add3A_1848 = arith.addf %add3A_1052, %select_n3A_1847 : vector<16xf32>
        scf.yield %add3A_1235, %add3A_1434, %add3A_1633, %add3A_1832, %add3A_1245, %add3A_1444, %add3A_1643, %add3A_1842, %add3A_1251, %add3A_1450, %add3A_1649, %add3A_1848 : vector<16xf32>, vector<16xf32>, vector<16xf32>, vector<16xf32>, vector<16xf32>, vector<16xf32>, vector<16xf32>, vector<16xf32>, vector<16xf32>, vector<16xf32>, vector<16xf32>, vector<16xf32>
      }
      %scan3A_215 = arith.constant 16 : i32
      %add3A_216 = arith.constant 0.000000e+00 : f32
      %add3A_217 = vector.broadcast %add3A_216 : f32 to vector<16xf32>
      %add3A_218 = arith.addf %add3A_217, %scan3A_214#0 : vector<16xf32>
      %add3A_219 = arith.addf %add3A_218, %scan3A_214#1 : vector<16xf32>
      %add3A_220 = arith.addf %add3A_219, %scan3A_214#2 : vector<16xf32>
      %add3A_221 = arith.addf %add3A_220, %scan3A_214#3 : vector<16xf32>
      %add3A_222 = arith.addf %add3A_170, %add3A_221 : vector<16xf32>
      %add3A_223 = arith.constant 0.000000e+00 : f32
      %add3A_224 = vector.broadcast %add3A_223 : f32 to vector<16xf32>
      %add3A_225 = arith.addf %add3A_224, %scan3A_214#4 : vector<16xf32>
      %add3A_226 = arith.addf %add3A_225, %scan3A_214#5 : vector<16xf32>
      %add3A_227 = arith.addf %add3A_226, %scan3A_214#6 : vector<16xf32>
      %add3A_228 = arith.addf %add3A_227, %scan3A_214#7 : vector<16xf32>
      %add3A_229 = arith.addf %add3A_177, %add3A_228 : vector<16xf32>
      %add3A_230 = arith.constant 0.000000e+00 : f32
      %add3A_231 = vector.broadcast %add3A_230 : f32 to vector<16xf32>
      %add3A_232 = arith.addf %add3A_231, %scan3A_214#8 : vector<16xf32>
      %add3A_233 = arith.addf %add3A_232, %scan3A_214#9 : vector<16xf32>
      %add3A_234 = arith.addf %add3A_233, %scan3A_214#10 : vector<16xf32>
      %add3A_235 = arith.addf %add3A_234, %scan3A_214#11 : vector<16xf32>
      %add3A_236 = arith.addf %add3A_184, %add3A_235 : vector<16xf32>
      %add3A_237 = arith.constant 3 : i32
      %add3A_238 = arith.addi %mul3A_138, %add3A_237 : i32
      %lt3A_239 = arith.constant 8 : i32
      %lt3A_240 = arith.cmpi slt, %add3A_238, %lt3A_239 : i32
      %convert_element_type3A_241 = arith.extui %lt3A_240 : i1 to i32
      %cond3A_242 = arith.constant 0 : i32
      %cond3A_243 = arith.cmpi ne, %convert_element_type3A_241, %cond3A_242 : i32
      scf.if %cond3A_243 {
        %add3A_244 = arith.constant 3 : i32
        %add3A_245 = arith.addi %mul3A_138, %add3A_244 : i32
        %jit3A_246 = arith.constant 2 : i32
        %div3A_247 = arith.divsi %add3A_245, %jit3A_246 : i32
        %sign3A_248 = arith.constant 0 : i32
        %sign3A_249 = arith.cmpi sgt, %add3A_245, %sign3A_248 : i32
        %sign3A_250 = arith.extui %sign3A_249 : i1 to i32
        %sign3A_251 = arith.constant 0 : i32
        %sign3A_252 = arith.cmpi slt, %add3A_245, %sign3A_251 : i32
        %sign3A_253 = arith.extui %sign3A_252 : i1 to i32
        %sign3A_254 = arith.subi %sign3A_250, %sign3A_253 : i32
        %sign3A_255 = arith.constant 0 : i32
        %sign3A_256 = arith.cmpi sgt, %jit3A_246, %sign3A_255 : i32
        %sign3A_257 = arith.extui %sign3A_256 : i1 to i32
        %sign3A_258 = arith.constant 0 : i32
        %sign3A_259 = arith.cmpi slt, %jit3A_246, %sign3A_258 : i32
        %sign3A_260 = arith.extui %sign3A_259 : i1 to i32
        %sign3A_261 = arith.subi %sign3A_257, %sign3A_260 : i32
        %ne3A_262 = arith.cmpi ne, %sign3A_254, %sign3A_261 : i32
        %rem3A_263 = arith.remsi %add3A_245, %jit3A_246 : i32
        %ne3A_264 = arith.constant 0 : i32
        %ne3A_265 = arith.cmpi ne, %rem3A_263, %ne3A_264 : i32
        %and3A_266 = arith.andi %ne3A_262, %ne3A_265 : i1
        %sub3A_267 = arith.constant 1 : i32
        %sub3A_268 = arith.subi %div3A_247, %sub3A_267 : i32
        %select_n3A_269 = arith.select %and3A_266, %sub3A_268, %div3A_247 : i32
        %mul3A_270 = arith.constant 32 : i32
        %mul3A_271 = arith.muli %select_n3A_269, %mul3A_270 : i32
        %add3A_272 = arith.addi %add3A, %mul3A_271 : i32
        %mul3A_273 = arith.constant 8 : i32
        %mul3A_274 = arith.muli %add3A_272, %mul3A_273 : i32
        %add3A_275 = arith.constant 3072 : i32
        %add3A_276 = arith.addi %add3A_275, %mul3A_274 : i32
        %jit3A_277 = arith.constant 512 : i32
        %div3A_278 = arith.divsi %add3A_276, %jit3A_277 : i32
        %sign3A_279 = arith.constant 0 : i32
        %sign3A_280 = arith.cmpi sgt, %add3A_276, %sign3A_279 : i32
        %sign3A_281 = arith.extui %sign3A_280 : i1 to i32
        %sign3A_282 = arith.constant 0 : i32
        %sign3A_283 = arith.cmpi slt, %add3A_276, %sign3A_282 : i32
        %sign3A_284 = arith.extui %sign3A_283 : i1 to i32
        %sign3A_285 = arith.subi %sign3A_281, %sign3A_284 : i32
        %sign3A_286 = arith.constant 0 : i32
        %sign3A_287 = arith.cmpi sgt, %jit3A_277, %sign3A_286 : i32
        %sign3A_288 = arith.extui %sign3A_287 : i1 to i32
        %sign3A_289 = arith.constant 0 : i32
        %sign3A_290 = arith.cmpi slt, %jit3A_277, %sign3A_289 : i32
        %sign3A_291 = arith.extui %sign3A_290 : i1 to i32
        %sign3A_292 = arith.subi %sign3A_288, %sign3A_291 : i32
        %ne3A_293 = arith.cmpi ne, %sign3A_285, %sign3A_292 : i32
        %rem3A_294 = arith.remsi %add3A_276, %jit3A_277 : i32
        %ne3A_295 = arith.constant 0 : i32
        %ne3A_296 = arith.cmpi ne, %rem3A_294, %ne3A_295 : i32
        %and3A_297 = arith.andi %ne3A_293, %ne3A_296 : i1
        %sub3A_298 = arith.constant 1 : i32
        %sub3A_299 = arith.subi %div3A_278, %sub3A_298 : i32
        %select_n3A_300 = arith.select %and3A_297, %sub3A_299, %div3A_278 : i32
        %jit3A_301 = arith.constant 512 : i32
        %eq3A_302 = arith.constant 0 : i32
        %eq3A_303 = arith.cmpi eq, %jit3A_301, %eq3A_302 : i32
        %jit3A_304 = arith.constant 1 : i32
        %select_n3A_305 = arith.select %eq3A_303, %jit3A_304, %jit3A_301 : i32
        %rem3A_306 = arith.remsi %add3A_276, %select_n3A_305 : i32
        %ne3A_307 = arith.constant 0 : i32
        %ne3A_308 = arith.cmpi ne, %rem3A_306, %ne3A_307 : i32
        %lt3A_309 = arith.constant 0 : i32
        %lt3A_310 = arith.cmpi slt, %rem3A_306, %lt3A_309 : i32
        %lt3A_311 = arith.constant 0 : i32
        %lt3A_312 = arith.cmpi slt, %select_n3A_305, %lt3A_311 : i32
        %ne3A_313 = arith.xori %lt3A_310, %lt3A_312 : i1
        %and3A_314 = arith.andi %ne3A_313, %ne3A_308 : i1
        %add3A_315 = arith.addi %rem3A_306, %select_n3A_305 : i32
        %select_n3A_316 = arith.select %and3A_314, %add3A_315, %rem3A_306 : i32
        %jit3A_317 = arith.constant 2 : i32
        %eq3A_318 = arith.constant 0 : i32
        %eq3A_319 = arith.cmpi eq, %jit3A_317, %eq3A_318 : i32
        %jit3A_320 = arith.constant 1 : i32
        %select_n3A_321 = arith.select %eq3A_319, %jit3A_320, %jit3A_317 : i32
        %rem3A_322 = arith.remsi %add3A_245, %select_n3A_321 : i32
        %ne3A_323 = arith.constant 0 : i32
        %ne3A_324 = arith.cmpi ne, %rem3A_322, %ne3A_323 : i32
        %lt3A_325 = arith.constant 0 : i32
        %lt3A_326 = arith.cmpi slt, %rem3A_322, %lt3A_325 : i32
        %lt3A_327 = arith.constant 0 : i32
        %lt3A_328 = arith.cmpi slt, %select_n3A_321, %lt3A_327 : i32
        %ne3A_329 = arith.xori %lt3A_326, %lt3A_328 : i1
        %and3A_330 = arith.andi %ne3A_329, %ne3A_324 : i1
        %add3A_331 = arith.addi %rem3A_322, %select_n3A_321 : i32
        %select_n3A_332 = arith.select %and3A_330, %add3A_331, %rem3A_322 : i32
        %mul3A_333 = arith.constant 256 : i32
        %mul3A_334 = arith.muli %select_n3A_332, %mul3A_333 : i32
        %dma_start3A_335 = arith.constant 0 : i32
        %dma_start3A_336 = tpu.memref_slice %arg2[%select_n3A_300, %dma_start3A_335, %select_n3A_316, %mul3A_334] : memref<8x19x512x512xf32, #tpu.memory_space<hbm>> -> memref<1x19x8x256xf32, #tpu.memory_space<hbm>>
        %dma_start3A_337 = tpu.memref_squeeze %dma_start3A_336 : memref<1x19x8x256xf32, #tpu.memory_space<hbm>> -> memref<19x8x256xf32, #tpu.memory_space<hbm>>
        %dma_start3A_338 = arith.constant 0 : i32
        %dma_start3A_339 = tpu.memref_slice %arg2[%select_n3A_300, %dma_start3A_338, %select_n3A_316, %mul3A_334] : memref<8x19x512x512xf32, #tpu.memory_space<hbm>> -> memref<1x19x8x256xf32, #tpu.memory_space<hbm>>
        %dma_start3A_340 = tpu.memref_squeeze %dma_start3A_339 : memref<1x19x8x256xf32, #tpu.memory_space<hbm>> -> memref<19x8x256xf32, #tpu.memory_space<hbm>>
        tpu.enqueue_dma source(%dma_start3A_340 : memref<19x8x256xf32, #tpu.memory_space<hbm>>) target(%arg6 : memref<19x8x256xf32, #tpu.memory_space<vmem>>) target_semaphore(%arg11 : memref<!tpu.dma_semaphore, #tpu.memory_space<semaphore_mem>>)
        %dma_start3A_341 = tpu.memref_slice %arg3[%select_n3A_300, %select_n3A_316, %mul3A_334] : memref<8x512x512xi32, #tpu.memory_space<hbm>> -> memref<1x8x256xi32, #tpu.memory_space<hbm>>
        %dma_start3A_342 = tpu.memref_squeeze %dma_start3A_341 : memref<1x8x256xi32, #tpu.memory_space<hbm>> -> memref<8x256xi32, #tpu.memory_space<hbm>>
        %dma_start3A_343 = tpu.memref_slice %arg3[%select_n3A_300, %select_n3A_316, %mul3A_334] : memref<8x512x512xi32, #tpu.memory_space<hbm>> -> memref<1x8x256xi32, #tpu.memory_space<hbm>>
        %dma_start3A_344 = tpu.memref_squeeze %dma_start3A_343 : memref<1x8x256xi32, #tpu.memory_space<hbm>> -> memref<8x256xi32, #tpu.memory_space<hbm>>
        tpu.enqueue_dma source(%dma_start3A_344 : memref<8x256xi32, #tpu.memory_space<hbm>>) target(%arg8 : memref<8x256xi32, #tpu.memory_space<vmem>>) target_semaphore(%arg13 : memref<!tpu.dma_semaphore, #tpu.memory_space<semaphore_mem>>)
      } else {
      }
      scf.yield %add3A_222, %add3A_229, %add3A_236 : vector<16xf32>, vector<16xf32>, vector<16xf32>
    }
    %scan3A_115 = arith.constant 4 : i32
    %swap3A = arith.constant 0 : i32
    %swap3A_116 = arith.index_cast %swap3A : i32 to index
    %swap3A_117 = arith.constant 0 : index
    %swap3A_118 = tpu.vector_load %arg9[%swap3A_116, %swap3A_117] {strides = array<i32>} : memref<3x16xf32, #tpu.memory_space<vmem>>, vector<1x16xf32>,
    %swap3A_119 = vector.shape_cast %swap3A_118 : vector<1x16xf32> to vector<16xf32>
    %swap3A_120 = vector.shape_cast %scan3A_114#0 : vector<16xf32> to vector<1x16xf32>
    tpu.vector_store %arg9[%swap3A_116, %swap3A_117], %swap3A_120 {strides = array<i32>} : memref<3x16xf32, #tpu.memory_space<vmem>>, vector<1x16xf32>,
    %swap3A_121 = arith.constant 1 : i32
    %swap3A_122 = arith.index_cast %swap3A_121 : i32 to index
    %swap3A_123 = arith.constant 0 : index
    %swap3A_124 = tpu.vector_load %arg9[%swap3A_122, %swap3A_123] {strides = array<i32>} : memref<3x16xf32, #tpu.memory_space<vmem>>, vector<1x16xf32>,
    %swap3A_125 = vector.shape_cast %swap3A_124 : vector<1x16xf32> to vector<16xf32>
    %swap3A_126 = vector.shape_cast %scan3A_114#1 : vector<16xf32> to vector<1x16xf32>
    tpu.vector_store %arg9[%swap3A_122, %swap3A_123], %swap3A_126 {strides = array<i32>} : memref<3x16xf32, #tpu.memory_space<vmem>>, vector<1x16xf32>,
    %swap3A_127 = arith.constant 2 : i32
    %swap3A_128 = arith.index_cast %swap3A_127 : i32 to index
    %swap3A_129 = arith.constant 0 : index
    %swap3A_130 = tpu.vector_load %arg9[%swap3A_128, %swap3A_129] {strides = array<i32>} : memref<3x16xf32, #tpu.memory_space<vmem>>, vector<1x16xf32>,
    %swap3A_131 = vector.shape_cast %swap3A_130 : vector<1x16xf32> to vector<16xf32>
    %swap3A_132 = vector.shape_cast %scan3A_114#2 : vector<16xf32> to vector<1x16xf32>
    tpu.vector_store %arg9[%swap3A_128, %swap3A_129], %swap3A_132 {strides = array<i32>} : memref<3x16xf32, #tpu.memory_space<vmem>>, vector<1x16xf32>,
    "tpu.region"() ({
      %run_scoped3A = tpu.sem_alloc : memref<!tpu.dma_semaphore, #tpu.memory_space<semaphore_mem>>
      %dma_start3A_133 = arith.constant 0 : i32
      %dma_start3A_134 = arith.constant 0 : i32
      %dma_start3A_135 = tpu.memref_slice %arg4[%add3A, %dma_start3A_133, %dma_start3A_134] : memref<32x3x16xf32, #tpu.memory_space<hbm>> -> memref<1x3x16xf32, #tpu.memory_space<hbm>>
      %dma_start3A_136 = tpu.memref_squeeze %dma_start3A_135 : memref<1x3x16xf32, #tpu.memory_space<hbm>> -> memref<3x16xf32, #tpu.memory_space<hbm>>
      %dma_start3A_137 = arith.constant 0 : i32
      %dma_start3A_138 = arith.constant 0 : i32
      %dma_start3A_139 = tpu.memref_slice %arg4[%add3A, %dma_start3A_137, %dma_start3A_138] : memref<32x3x16xf32, #tpu.memory_space<hbm>> -> memref<1x3x16xf32, #tpu.memory_space<hbm>>
      %dma_start3A_140 = tpu.memref_squeeze %dma_start3A_139 : memref<1x3x16xf32, #tpu.memory_space<hbm>> -> memref<3x16xf32, #tpu.memory_space<hbm>>
      tpu.enqueue_dma source(%arg9 : memref<3x16xf32, #tpu.memory_space<vmem>>) target(%dma_start3A_140 : memref<3x16xf32, #tpu.memory_space<hbm>>) target_semaphore(%run_scoped3A : memref<!tpu.dma_semaphore, #tpu.memory_space<semaphore_mem>>)
      %dma_wait3A = arith.constant 0 : i32
      %dma_wait3A_141 = arith.constant 0 : i32
      %dma_wait3A_142 = tpu.memref_slice %arg4[%add3A, %dma_wait3A, %dma_wait3A_141] : memref<32x3x16xf32, #tpu.memory_space<hbm>> -> memref<1x3x16xf32, #tpu.memory_space<hbm>>
      %dma_wait3A_143 = tpu.memref_squeeze %dma_wait3A_142 : memref<1x3x16xf32, #tpu.memory_space<hbm>> -> memref<3x16xf32, #tpu.memory_space<hbm>>
      %dma_wait3A_144 = arith.constant 0 : i32
      %dma_wait3A_145 = arith.constant 0 : i32
      %dma_wait3A_146 = tpu.memref_slice %arg4[%add3A, %dma_wait3A_144, %dma_wait3A_145] : memref<32x3x16xf32, #tpu.memory_space<hbm>> -> memref<1x3x16xf32, #tpu.memory_space<hbm>>
      %dma_wait3A_147 = tpu.memref_squeeze %dma_wait3A_146 : memref<1x3x16xf32, #tpu.memory_space<hbm>> -> memref<3x16xf32, #tpu.memory_space<hbm>>
      tpu.wait_dma2 semaphore(%run_scoped3A : memref<!tpu.dma_semaphore, #tpu.memory_space<semaphore_mem>>) src(%arg9 : memref<3x16xf32, #tpu.memory_space<vmem>>) dst(%dma_wait3A_147 : memref<3x16xf32, #tpu.memory_space<hbm>>)
      tpu.yield
    }) : () -> ()
    return
  }
}

module attributes {stable_mosaic.version = 14 : i64} {
  func.func @_tc_body(%arg0: i32, %arg1: memref<1x19x256x512xf32, #tpu.memory_space<vmem>>, %arg2: memref<1x256x512xi32, #tpu.memory_space<vmem>>, %arg3: memref<3xf32, #tpu.memory_space<smem>>, %arg4: memref<3x8x512xf32, #tpu.memory_space<vmem>>) attributes {dimension_semantics = [#tpu.dimension_semantics<arbitrary>], iteration_bounds = array<i64: 12>, scalar_prefetch = 0 : i64, scratch_operands = 1 : i64, tpu.core_type = #tpu.core_type<tc>, window_params = [{transform_indices = @transform_0, window_bounds = array<i64: 1, 19, 256, 512>}, {transform_indices = @transform_1, window_bounds = array<i64: 1, 256, 512>}, {transform_indices = @transform_2, window_bounds = array<i64: 3>}]} {
    %eq3A = arith.constant 0 : i32
    %eq3A_0 = arith.cmpi eq, %arg0, %eq3A : i32
    %convert_element_type3A = arith.extui %eq3A_0 : i1 to i32
    %cond3A = arith.constant 0 : i32
    %cond3A_1 = arith.cmpi ne, %convert_element_type3A, %cond3A : i32
    scf.if %cond3A_1 {
      %broadcast_in_dim3A_75 = arith.constant 0.000000e+00 : f32
      %broadcast_in_dim3A_76 = vector.broadcast %broadcast_in_dim3A_75 : f32 to vector<3x8x512xf32>
      %swap3A_77 = arith.constant 0 : index
      %swap3A_78 = arith.constant 0 : index
      %swap3A_79 = arith.constant 0 : index
      %swap3A_80 = vector.load %arg4[%swap3A_77, %swap3A_78, %swap3A_79] : memref<3x8x512xf32, #tpu.memory_space<vmem>>, vector<3x8x512xf32>
      tpu.vector_store %arg4[%swap3A_77, %swap3A_78, %swap3A_79], %broadcast_in_dim3A_76 {strides = array<i32>} : memref<3x8x512xf32, #tpu.memory_space<vmem>>, vector<3x8x512xf32>,
    } else {
    }
    %get3A = arith.constant 0 : index
    %get3A_2 = arith.constant 0 : index
    %get3A_3 = arith.constant 0 : index
    %get3A_4 = arith.constant 0 : index
    %get3A_5 = vector.load %arg1[%get3A, %get3A_2, %get3A_3, %get3A_4] : memref<1x19x256x512xf32, #tpu.memory_space<vmem>>, vector<1x19x256x512xf32>
    %get3A_6 = vector.shape_cast %get3A_5 : vector<1x19x256x512xf32> to vector<19x256x512xf32>
    %mul3A = arith.mulf %get3A_6, %get3A_6 : vector<19x256x512xf32>
    %reduce_sum3A = arith.constant dense<0.000000e+00> : vector<256x512xf32>
    %reduce_sum3A_7 = vector.multi_reduction <add>, %mul3A, %reduce_sum3A [0] : vector<19x256x512xf32> to vector<256x512xf32>
    %get3A_8 = arith.constant 0 : index
    %get3A_9 = arith.constant 0 : index
    %get3A_10 = arith.constant 0 : index
    %get3A_11 = vector.load %arg2[%get3A_8, %get3A_9, %get3A_10] : memref<1x256x512xi32, #tpu.memory_space<vmem>>, vector<1x256x512xi32>
    %get3A_12 = vector.shape_cast %get3A_11 : vector<1x256x512xi32> to vector<256x512xi32>
    %eq3A_13 = arith.constant 0 : i32
    %eq3A_14 = vector.broadcast %eq3A_13 : i32 to vector<256x512xi32>
    %eq3A_15 = arith.cmpi eq, %get3A_12, %eq3A_14 : vector<256x512xi32>
    %get3A_16 = arith.constant 0 : index
    %get3A_17 = arith.constant 0 : index
    %get3A_18 = arith.constant 0 : index
    %get3A_19 = vector.load %arg4[%get3A_16, %get3A_17, %get3A_18] : memref<3x8x512xf32, #tpu.memory_space<vmem>>, vector<1x8x512xf32>
    %get3A_20 = vector.shape_cast %get3A_19 : vector<1x8x512xf32> to vector<8x512xf32>
    %jit3A = arith.constant 0.000000e+00 : f32
    %broadcast_in_dim3A = vector.broadcast %jit3A : f32 to vector<256x512xf32>
    %select_n3A = arith.select %eq3A_15, %reduce_sum3A_7, %broadcast_in_dim3A : vector<256x512xi1>, vector<256x512xf32>
    %reshape3A = vector.shape_cast %select_n3A : vector<256x512xf32> to vector<32x8x512xf32>
    %reduce_sum3A_21 = arith.constant dense<0.000000e+00> : vector<8x512xf32>
    %reduce_sum3A_22 = vector.multi_reduction <add>, %reshape3A, %reduce_sum3A_21 [0] : vector<32x8x512xf32> to vector<8x512xf32>
    %add3A = arith.addf %get3A_20, %reduce_sum3A_22 : vector<8x512xf32>
    %swap3A = arith.constant 0 : index
    %swap3A_23 = arith.constant 0 : index
    %swap3A_24 = arith.constant 0 : index
    %swap3A_25 = vector.load %arg4[%swap3A, %swap3A_23, %swap3A_24] : memref<3x8x512xf32, #tpu.memory_space<vmem>>, vector<1x8x512xf32>
    %swap3A_26 = vector.shape_cast %swap3A_25 : vector<1x8x512xf32> to vector<8x512xf32>
    %swap3A_27 = vector.shape_cast %add3A : vector<8x512xf32> to vector<1x8x512xf32>
    tpu.vector_store %arg4[%swap3A, %swap3A_23, %swap3A_24], %swap3A_27 {strides = array<i32>} : memref<3x8x512xf32, #tpu.memory_space<vmem>>, vector<1x8x512xf32>,
    %get3A_28 = arith.constant 1 : index
    %get3A_29 = arith.constant 0 : index
    %get3A_30 = arith.constant 0 : index
    %get3A_31 = vector.load %arg4[%get3A_28, %get3A_29, %get3A_30] : memref<3x8x512xf32, #tpu.memory_space<vmem>>, vector<1x8x512xf32>
    %get3A_32 = vector.shape_cast %get3A_31 : vector<1x8x512xf32> to vector<8x512xf32>
    %sub3A = arith.constant 1.000000e+00 : f32
    %sub3A_33 = vector.broadcast %sub3A : f32 to vector<256x512xf32>
    %sub3A_34 = arith.subf %sub3A_33, %reduce_sum3A_7 : vector<256x512xf32>
    %max3A = arith.constant 0.000000e+00 : f32
    %max3A_35 = vector.broadcast %max3A : f32 to vector<256x512xf32>
    %max3A_36 = arith.maximumf %sub3A_34, %max3A_35 : vector<256x512xf32>
    %jit3A_37 = arith.constant 0.000000e+00 : f32
    %broadcast_in_dim3A_38 = vector.broadcast %jit3A_37 : f32 to vector<256x512xf32>
    %select_n3A_39 = arith.select %eq3A_15, %broadcast_in_dim3A_38, %max3A_36 : vector<256x512xi1>, vector<256x512xf32>
    %reshape3A_40 = vector.shape_cast %select_n3A_39 : vector<256x512xf32> to vector<32x8x512xf32>
    %reduce_sum3A_41 = arith.constant dense<0.000000e+00> : vector<8x512xf32>
    %reduce_sum3A_42 = vector.multi_reduction <add>, %reshape3A_40, %reduce_sum3A_41 [0] : vector<32x8x512xf32> to vector<8x512xf32>
    %add3A_43 = arith.addf %get3A_32, %reduce_sum3A_42 : vector<8x512xf32>
    %swap3A_44 = arith.constant 1 : index
    %swap3A_45 = arith.constant 0 : index
    %swap3A_46 = arith.constant 0 : index
    %swap3A_47 = vector.load %arg4[%swap3A_44, %swap3A_45, %swap3A_46] : memref<3x8x512xf32, #tpu.memory_space<vmem>>, vector<1x8x512xf32>
    %swap3A_48 = vector.shape_cast %swap3A_47 : vector<1x8x512xf32> to vector<8x512xf32>
    %swap3A_49 = vector.shape_cast %add3A_43 : vector<8x512xf32> to vector<1x8x512xf32>
    tpu.vector_store %arg4[%swap3A_44, %swap3A_45, %swap3A_46], %swap3A_49 {strides = array<i32>} : memref<3x8x512xf32, #tpu.memory_space<vmem>>, vector<1x8x512xf32>,
    %get3A_50 = arith.constant 2 : index
    %get3A_51 = arith.constant 0 : index
    %get3A_52 = arith.constant 0 : index
    %get3A_53 = vector.load %arg4[%get3A_50, %get3A_51, %get3A_52] : memref<3x8x512xf32, #tpu.memory_space<vmem>>, vector<1x8x512xf32>
    %get3A_54 = vector.shape_cast %get3A_53 : vector<1x8x512xf32> to vector<8x512xf32>
    %jit3A_55 = arith.constant 1.000000e+00 : f32
    %jit3A_56 = arith.constant 0.000000e+00 : f32
    %broadcast_in_dim3A_57 = vector.broadcast %jit3A_55 : f32 to vector<256x512xf32>
    %broadcast_in_dim3A_58 = vector.broadcast %jit3A_56 : f32 to vector<256x512xf32>
    %select_n3A_59 = arith.select %eq3A_15, %broadcast_in_dim3A_57, %broadcast_in_dim3A_58 : vector<256x512xi1>, vector<256x512xf32>
    %reshape3A_60 = vector.shape_cast %select_n3A_59 : vector<256x512xf32> to vector<32x8x512xf32>
    %reduce_sum3A_61 = arith.constant dense<0.000000e+00> : vector<8x512xf32>
    %reduce_sum3A_62 = vector.multi_reduction <add>, %reshape3A_60, %reduce_sum3A_61 [0] : vector<32x8x512xf32> to vector<8x512xf32>
    %add3A_63 = arith.addf %get3A_54, %reduce_sum3A_62 : vector<8x512xf32>
    %swap3A_64 = arith.constant 2 : index
    %swap3A_65 = arith.constant 0 : index
    %swap3A_66 = arith.constant 0 : index
    %swap3A_67 = vector.load %arg4[%swap3A_64, %swap3A_65, %swap3A_66] : memref<3x8x512xf32, #tpu.memory_space<vmem>>, vector<1x8x512xf32>
    %swap3A_68 = vector.shape_cast %swap3A_67 : vector<1x8x512xf32> to vector<8x512xf32>
    %swap3A_69 = vector.shape_cast %add3A_63 : vector<8x512xf32> to vector<1x8x512xf32>
    tpu.vector_store %arg4[%swap3A_64, %swap3A_65, %swap3A_66], %swap3A_69 {strides = array<i32>} : memref<3x8x512xf32, #tpu.memory_space<vmem>>, vector<1x8x512xf32>,
    %eq3A_70 = arith.constant 11 : i32
    %eq3A_71 = arith.cmpi eq, %arg0, %eq3A_70 : i32
    %convert_element_type3A_72 = arith.extui %eq3A_71 : i1 to i32
    %cond3A_73 = arith.constant 0 : i32
    %cond3A_74 = arith.cmpi ne, %convert_element_type3A_72, %cond3A_73 : i32
    scf.if %cond3A_74 {
      %get3A_75 = arith.constant 0 : index
      %get3A_76 = arith.constant 0 : index
      %get3A_77 = arith.constant 0 : index
      %get3A_78 = vector.load %arg4[%get3A_75, %get3A_76, %get3A_77] : memref<3x8x512xf32, #tpu.memory_space<vmem>>, vector<1x8x512xf32>
      %get3A_79 = vector.shape_cast %get3A_78 : vector<1x8x512xf32> to vector<8x512xf32>
      %reduce_sum3A_80 = vector.shape_cast %get3A_79 : vector<8x512xf32> to vector<1x8x512xf32>
      %reduce_sum3A_81 = arith.constant dense<0.000000e+00> : vector<1xf32>
      %reduce_sum3A_82 = vector.multi_reduction <add>, %reduce_sum3A_80, %reduce_sum3A_81 [1, 2] : vector<1x8x512xf32> to vector<1xf32>
      %reduce_sum3A_83 = vector.shape_cast %reduce_sum3A_82 : vector<1xf32> to vector<1x1x1xf32>
      %reduce_sum3A_84 = vector.extract %reduce_sum3A_83[0, 0, 0] : f32 from vector<1x1x1xf32>
      %swap3A_85 = arith.constant 0 : index
      %swap3A_86 = memref.load %arg3[%swap3A_85] : memref<3xf32, #tpu.memory_space<smem>>
      memref.store %reduce_sum3A_84, %arg3[%swap3A_85] : memref<3xf32, #tpu.memory_space<smem>>
      %get3A_87 = arith.constant 1 : index
      %get3A_88 = arith.constant 0 : index
      %get3A_89 = arith.constant 0 : index
      %get3A_90 = vector.load %arg4[%get3A_87, %get3A_88, %get3A_89] : memref<3x8x512xf32, #tpu.memory_space<vmem>>, vector<1x8x512xf32>
      %get3A_91 = vector.shape_cast %get3A_90 : vector<1x8x512xf32> to vector<8x512xf32>
      %reduce_sum3A_92 = vector.shape_cast %get3A_91 : vector<8x512xf32> to vector<1x8x512xf32>
      %reduce_sum3A_93 = arith.constant dense<0.000000e+00> : vector<1xf32>
      %reduce_sum3A_94 = vector.multi_reduction <add>, %reduce_sum3A_92, %reduce_sum3A_93 [1, 2] : vector<1x8x512xf32> to vector<1xf32>
      %reduce_sum3A_95 = vector.shape_cast %reduce_sum3A_94 : vector<1xf32> to vector<1x1x1xf32>
      %reduce_sum3A_96 = vector.extract %reduce_sum3A_95[0, 0, 0] : f32 from vector<1x1x1xf32>
      %swap3A_97 = arith.constant 1 : index
      %swap3A_98 = memref.load %arg3[%swap3A_97] : memref<3xf32, #tpu.memory_space<smem>>
      memref.store %reduce_sum3A_96, %arg3[%swap3A_97] : memref<3xf32, #tpu.memory_space<smem>>
      %get3A_99 = arith.constant 2 : index
      %get3A_100 = arith.constant 0 : index
      %get3A_101 = arith.constant 0 : index
      %get3A_102 = vector.load %arg4[%get3A_99, %get3A_100, %get3A_101] : memref<3x8x512xf32, #tpu.memory_space<vmem>>, vector<1x8x512xf32>
      %get3A_103 = vector.shape_cast %get3A_102 : vector<1x8x512xf32> to vector<8x512xf32>
      %reduce_sum3A_104 = vector.shape_cast %get3A_103 : vector<8x512xf32> to vector<1x8x512xf32>
      %reduce_sum3A_105 = arith.constant dense<0.000000e+00> : vector<1xf32>
      %reduce_sum3A_106 = vector.multi_reduction <add>, %reduce_sum3A_104, %reduce_sum3A_105 [1, 2] : vector<1x8x512xf32> to vector<1xf32>
      %reduce_sum3A_107 = vector.shape_cast %reduce_sum3A_106 : vector<1xf32> to vector<1x1x1xf32>
      %reduce_sum3A_108 = vector.extract %reduce_sum3A_107[0, 0, 0] : f32 from vector<1x1x1xf32>
      %swap3A_109 = arith.constant 2 : index
      %swap3A_110 = memref.load %arg3[%swap3A_109] : memref<3xf32, #tpu.memory_space<smem>>
      memref.store %reduce_sum3A_108, %arg3[%swap3A_109] : memref<3xf32, #tpu.memory_space<smem>>
    } else {
    }
    return
  }
  func.func @transform_0(%arg0: i32) -> (i32, i32, i32, i32) {
    %jit3A = arith.constant 2 : i32
    %div3A = arith.divsi %arg0, %jit3A : i32
    %sign3A = arith.constant 0 : i32
    %sign3A_0 = arith.cmpi sgt, %arg0, %sign3A : i32
    %sign3A_1 = arith.extui %sign3A_0 : i1 to i32
    %sign3A_2 = arith.constant 0 : i32
    %sign3A_3 = arith.cmpi slt, %arg0, %sign3A_2 : i32
    %sign3A_4 = arith.extui %sign3A_3 : i1 to i32
    %sign3A_5 = arith.subi %sign3A_1, %sign3A_4 : i32
    %sign3A_6 = arith.constant 0 : i32
    %sign3A_7 = arith.cmpi sgt, %jit3A, %sign3A_6 : i32
    %sign3A_8 = arith.extui %sign3A_7 : i1 to i32
    %sign3A_9 = arith.constant 0 : i32
    %sign3A_10 = arith.cmpi slt, %jit3A, %sign3A_9 : i32
    %sign3A_11 = arith.extui %sign3A_10 : i1 to i32
    %sign3A_12 = arith.subi %sign3A_8, %sign3A_11 : i32
    %ne3A = arith.cmpi ne, %sign3A_5, %sign3A_12 : i32
    %rem3A = arith.remsi %arg0, %jit3A : i32
    %ne3A_13 = arith.constant 0 : i32
    %ne3A_14 = arith.cmpi ne, %rem3A, %ne3A_13 : i32
    %and3A = arith.andi %ne3A, %ne3A_14 : i1
    %sub3A = arith.constant 1 : i32
    %sub3A_15 = arith.subi %div3A, %sub3A : i32
    %select_n3A = arith.select %and3A, %sub3A_15, %div3A : i32
    %jit3A_16 = arith.constant 2 : i32
    %eq3A = arith.constant 0 : i32
    %eq3A_17 = arith.cmpi eq, %jit3A_16, %eq3A : i32
    %jit3A_18 = arith.constant 1 : i32
    %select_n3A_19 = arith.select %eq3A_17, %jit3A_18, %jit3A_16 : i32
    %rem3A_20 = arith.remsi %arg0, %select_n3A_19 : i32
    %ne3A_21 = arith.constant 0 : i32
    %ne3A_22 = arith.cmpi ne, %rem3A_20, %ne3A_21 : i32
    %lt3A = arith.constant 0 : i32
    %lt3A_23 = arith.cmpi slt, %rem3A_20, %lt3A : i32
    %lt3A_24 = arith.constant 0 : i32
    %lt3A_25 = arith.cmpi slt, %select_n3A_19, %lt3A_24 : i32
    %ne3A_26 = arith.xori %lt3A_23, %lt3A_25 : i1
    %and3A_27 = arith.andi %ne3A_26, %ne3A_22 : i1
    %add3A = arith.addi %rem3A_20, %select_n3A_19 : i32
    %select_n3A_28 = arith.select %and3A_27, %add3A, %rem3A_20 : i32
    %c0_i32 = arith.constant 0 : i32
    %c0_i32_29 = arith.constant 0 : i32
    %c0_i32_30 = arith.constant 0 : i32
    return %select_n3A, %c0_i32, %select_n3A_28, %c0_i32_29 : i32, i32, i32, i32
  }
  func.func @transform_1(%arg0: i32) -> (i32, i32, i32) {
    %jit3A = arith.constant 2 : i32
    %div3A = arith.divsi %arg0, %jit3A : i32
    %sign3A = arith.constant 0 : i32
    %sign3A_0 = arith.cmpi sgt, %arg0, %sign3A : i32
    %sign3A_1 = arith.extui %sign3A_0 : i1 to i32
    %sign3A_2 = arith.constant 0 : i32
    %sign3A_3 = arith.cmpi slt, %arg0, %sign3A_2 : i32
    %sign3A_4 = arith.extui %sign3A_3 : i1 to i32
    %sign3A_5 = arith.subi %sign3A_1, %sign3A_4 : i32
    %sign3A_6 = arith.constant 0 : i32
    %sign3A_7 = arith.cmpi sgt, %jit3A, %sign3A_6 : i32
    %sign3A_8 = arith.extui %sign3A_7 : i1 to i32
    %sign3A_9 = arith.constant 0 : i32
    %sign3A_10 = arith.cmpi slt, %jit3A, %sign3A_9 : i32
    %sign3A_11 = arith.extui %sign3A_10 : i1 to i32
    %sign3A_12 = arith.subi %sign3A_8, %sign3A_11 : i32
    %ne3A = arith.cmpi ne, %sign3A_5, %sign3A_12 : i32
    %rem3A = arith.remsi %arg0, %jit3A : i32
    %ne3A_13 = arith.constant 0 : i32
    %ne3A_14 = arith.cmpi ne, %rem3A, %ne3A_13 : i32
    %and3A = arith.andi %ne3A, %ne3A_14 : i1
    %sub3A = arith.constant 1 : i32
    %sub3A_15 = arith.subi %div3A, %sub3A : i32
    %select_n3A = arith.select %and3A, %sub3A_15, %div3A : i32
    %jit3A_16 = arith.constant 2 : i32
    %eq3A = arith.constant 0 : i32
    %eq3A_17 = arith.cmpi eq, %jit3A_16, %eq3A : i32
    %jit3A_18 = arith.constant 1 : i32
    %select_n3A_19 = arith.select %eq3A_17, %jit3A_18, %jit3A_16 : i32
    %rem3A_20 = arith.remsi %arg0, %select_n3A_19 : i32
    %ne3A_21 = arith.constant 0 : i32
    %ne3A_22 = arith.cmpi ne, %rem3A_20, %ne3A_21 : i32
    %lt3A = arith.constant 0 : i32
    %lt3A_23 = arith.cmpi slt, %rem3A_20, %lt3A : i32
    %lt3A_24 = arith.constant 0 : i32
    %lt3A_25 = arith.cmpi slt, %select_n3A_19, %lt3A_24 : i32
    %ne3A_26 = arith.xori %lt3A_23, %lt3A_25 : i1
    %and3A_27 = arith.andi %ne3A_26, %ne3A_22 : i1
    %add3A = arith.addi %rem3A_20, %select_n3A_19 : i32
    %select_n3A_28 = arith.select %and3A_27, %add3A, %rem3A_20 : i32
    %c0_i32 = arith.constant 0 : i32
    %c0_i32_29 = arith.constant 0 : i32
    return %select_n3A, %select_n3A_28, %c0_i32 : i32, i32, i32
  }
  func.func @transform_2(%arg0: i32) -> i32 {
    %c0_i32 = arith.constant 0 : i32
    %c0_i32_0 = arith.constant 0 : i32
    return %c0_i32 : i32
  }
}

</mosaic_0001>

<sc_bundles>
// kernel: kernel.4.cloned.1.call-start
scs
__scs_entry_jumppad:
0x0: {  	(pc) =	sbr.rel $0x88, $3  }
0x1: {  	(tag) =	ssettag $0x0;
	lr =	simm.s32 $0x1  }
0x2: {  	[smem:$0x3F9F] =	sst lr;
	_ =	strace $0xD0000000  }
0x3: {  	_ = 	snop  }
0x4: {  	_ = 	snop  }
0x5: {  	_ = 	snop  }
0x6: {  	_ = 	snop  }
0x7: {  	_ = 	snop  }
__scs_overlays_trampoline_lowered:
0x8: {  	[smem:$0x3FAE] =	sst s0  }
0x9: {  	[smem:$0x3FAF] =	sst s1  }
0xa: {  	[smem:$0x3FB0] =	sst s2  }
0xb: {  	[smem:$0x3FB1] =	sst s3  }
0xc: {  	[smem:$0x3FB2] =	sst s4  }
0xd: {  	[smem:$0x3FB3] =	sst s5  }
0xe: {  	[smem:$0x3FB4] =	sst s6  }
0xf: {  	[smem:$0x3FB5] =	sst s7  }
0x10: {  	[smem:$0x3FB6] =	sst s8  }
0x11: {  	[smem:$0x3FB7] =	sst s9;
	s0 =	simm.s32 @!p0 $0x0  }
0x12: {  	s1 =	sld [smem:$0x3F9D];
	s0 =	simm.s32 @p0 $0x1  }
0x13: {  	[smem:$0x3FB8] =	sst s0;
	s0 =	simm.s32 @!p1 $0x0  }
0x14: {  	s2 =	sld [smem:$0x3F9C];
	s0 =	simm.s32 @p1 $0x1  }
0x15: {  	[smem:$0x3FB9] =	sst s0;
	s0 =	simm.s32 @!p2 $0x0  }
0x16: {  	s3 =	sld [smem:$0x3FDB];
	s0 =	simm.s32 @p2 $0x1  }
0x17: {  	s4 =	simm.s32 $0x1BF5;
	[smem:$0x3FBB] =	sst s0  }
0x18: {  	s0 =	sld [smem:$0x3F9E];
	_ =	swait.ge [sflag:s4], $0x0  }
0x19: {  	s7 =	sld [smem:$0x3F9F]  }
0x1a: {  	s8 =	sadd.s32 $0xFFFFE003, lr  }
0x1b: {  	s9 =	sadd.s32 $0xFFFFFEF7, lr;
	s5 =	simm.s32 $0xFFFFFFFF;
	p2 =	slt.u32 s8, $0xFFFFF086  }
0x1c: {  	p1 =	slt.u32 s9, $0xF7A;
	s5 =	simm.s32 @!p2 $0x0  }
0x1d: {  	s5 =	simm.s32 @p1 $0x1;
	p0 =	seq.s32 s7, s2  }
0x1e: {  	s7 =	smul.u32 @!p0 $0xF7A, s2;
	p2 =	seq.s32 @!p0 s5, $0x0  }
0x1f: {  	s9 =	smul.u32 $0xF7A, s1;
	s8 =	simm.s32 @!p0 $0x1BF5;
	p2 =	por !p2, p0  }
0x20: {  	[sflag:s8] =	ssyncset.s32 @!p0 $0xFFFFF086;
	s6 =	sadd.s32 @!p0 s3, s7;
	s7 =	simm.s32 @!p0 $0x108  }
0x21: {  	s3 =	sadd.s32 s3, s9;
	s6 =	sadd.s32 @!p0 $0x88, s6;
	s7 =	simm.s32 @p2 $0x1082  }
0x22: {  	[simem:s7], [sflag:s8] =	dma.local @!p0 [hbm:s6], $0xF7A  }
0x23: {  	s9 =	sor.u32 $0xD0000000, s2;
	s6 =	simm.s32 $0x108;
	_ =	swait.ge @!p0 [sflag:s8], $0x0  }
0x24: {  	s3 =	sadd.s32 $0x88, s3;
	s6 =	simm.s32 @!p1 $0x1082;
	[sflag:s4] =	ssyncset.s32 $0xFFFFF086  }
0x25: {  	[simem:s6], [sflag:s4] =	dma.local [hbm:s3], $0xF7A  }
0x26: {  	[smem:$0x3F9F] =	sst s1;
	(tag) =	ssettag s2;
	_ =	strace s9  }
0x27: {  	s1 =	sld [smem:$0x3FAF]  }
0x28: {  	s2 =	sld [smem:$0x3FB0]  }
0x29: {  	s4 =	sld [smem:$0x3FB2]  }
0x2a: {  	p0 =	seq.s32 s5, $0x0;
	s5 =	sld [smem:$0x3FB3]  }
0x2b: {  	s6 =	sld [smem:$0x3FB4]  }
0x2c: {  	s7 =	sld [smem:$0x3FB5]  }
0x2d: {  	s3 =	simm.s32 $0x108;
	s8 =	sld [smem:$0x3FB6]  }
0x2e: {  	s3 =	simm.s32 @!p0 $0x1082;
	s9 =	sld [smem:$0x3FB7]  }
0x2f: {  	lr =	sadd.s32 s0, s3;
	s0 =	sld [smem:$0x3FAE]  }
0x30: {  	s3 =	sld [smem:$0x3FB1]  }
0x31: {  	[smem:$0x3FBA] =	sst s10  }
0x32: {  	s10 =	sld [smem:$0x3FB8];
	_ =	sdelay $0x3  }
0x33: {  	p0 =	seq.s32 s10, $0x1;
	s10 =	sld [smem:$0x3FBA];
	_ =	sdelay $0x3  }
0x34: {  	[smem:$0x3FBA] =	sst s10  }
0x35: {  	s10 =	sld [smem:$0x3FB9];
	_ =	sdelay $0x3  }
0x36: {  	p1 =	seq.s32 s10, $0x1;
	s10 =	sld [smem:$0x3FBA];
	_ =	sdelay $0x3  }
0x37: {  	[smem:$0x3FBA] =	sst s10  }
0x38: {  	s10 =	sld [smem:$0x3FBB]  }
0x39: {  	_ = 	snop;
	(pc) =	sbr.ind lr, $3  }
0x3a: {  	_ = 	snop  }
0x3b: {  	_ = 	snop  }
0x3c: {  	p2 =	seq.s32 s10, $0x1;
	s10 =	sld [smem:$0x3FBA]  }
0x3d: {  	_ =	shalt  }
0x3e: {  	_ =	shalt  }
0x3f: {  	_ =	shalt  }
0x40: {  	_ =	shalt  }
0x41: {  	_ =	shalt  }
0x42: {  	_ =	shalt  }
0x43: {  	_ =	shalt  }
0x44: {  	_ =	shalt  }
0x45: {  	_ =	shalt  }
0x46: {  	_ =	shalt  }
0x47: {  	_ =	shalt  }
0x48: {  	_ =	shalt  }
0x49: {  	_ =	shalt  }
0x4a: {  	_ =	shalt  }
0x4b: {  	_ =	shalt  }
0x4c: {  	_ =	shalt  }
0x4d: {  	_ =	shalt  }
0x4e: {  	_ =	shalt  }
0x4f: {  	_ =	shalt  }
0x50: {  	_ =	shalt  }
0x51: {  	_ =	shalt  }
0x52: {  	_ =	shalt  }
0x53: {  	_ =	shalt  }
0x54: {  	_ =	shalt  }
0x55: {  	_ =	shalt  }
0x56: {  	_ =	shalt  }
0x57: {  	_ =	shalt  }
0x58: {  	_ =	shalt  }
0x59: {  	_ =	shalt  }
0x5a: {  	_ =	shalt  }
0x5b: {  	_ =	shalt  }
0x5c: {  	_ =	shalt  }
0x5d: {  	_ =	shalt  }
0x5e: {  	_ =	shalt  }
0x5f: {  	_ =	shalt  }
0x60: {  	_ =	shalt  }
0x61: {  	_ =	shalt  }
0x62: {  	_ =	shalt  }
0x63: {  	_ =	shalt  }
0x64: {  	_ =	shalt  }
0x65: {  	_ =	shalt  }
0x66: {  	_ =	shalt  }
0x67: {  	_ =	shalt  }
0x68: {  	_ =	shalt  }
0x69: {  	_ =	shalt  }
0x6a: {  	_ =	shalt  }
0x6b: {  	_ =	shalt  }
0x6c: {  	_ =	shalt  }
0x6d: {  	_ =	shalt  }
0x6e: {  	_ =	shalt  }
0x6f: {  	_ =	shalt  }
0x70: {  	_ =	shalt  }
0x71: {  	_ =	shalt  }
0x72: {  	_ =	shalt  }
0x73: {  	_ =	shalt  }
0x74: {  	_ =	shalt  }
0x75: {  	_ =	shalt  }
0x76: {  	_ =	shalt  }
0x77: {  	_ =	shalt  }
0x78: {  	_ =	shalt  }
0x79: {  	_ =	shalt  }
0x7a: {  	_ =	shalt  }
0x7b: {  	_ =	shalt  }
0x7c: {  	_ =	shalt  }
0x7d: {  	_ =	shalt  }
0x7e: {  	_ =	shalt  }
0x7f: {  	_ =	shalt  }
0x80: {  	_ =	shalt  }
0x81: {  	_ =	shalt  }
0x82: {  	_ =	shalt  }
0x83: {  	_ =	shalt  }
0x84: {  	_ =	shalt  }
0x85: {  	_ =	shalt  }
0x86: {  	_ =	shalt  }
0x87: {  	_ =	shalt  }
.Lfunc_end0:
.L_simem_size_0:
called_computation_lowered:
.L_overlay_start_0:
0x88: {  	s2 =	sld [smem:$0x3FD9]  }
0x89: {  	s3 =	sld [smem:$0x3FFE];
	_ =	sdelay $0x1  }
0x8a: {  	s1 =	srdreg.scid  }
0x8b: {  	s0 =	sand.u32 $0x1, s1  }
0x8c: {  	s17 =	sshll.u32 s0, $0xA;
	s2 =	sadd.s32 s3, s2  }
0x8d: {  	s2 =	sadd.s32 s2, s17  }
0x8e: {  	[smem:$0x3FC6] =	sst s2  }
0x8f: {  	_ = 	snop  }
0x90: {  	s2 =	sld [smem:$0x3FC9]  }
0x91: {  	s18 =	sld [smem:$0x3FC8];
	(tm) =	ssettm $0x1  }
0x92: {  	s4 =	sld [smem:$0x3FFB];
	_ =	sdelay $0x3  }
0x93: {  	_ =	strace s4  }
0x94: {  	s4 =	sld [smem:$0x3FFC];
	_ =	sdelay $0x3  }
0x95: {  	_ =	strace s4  }
0x96: {  	s4 =	sld [smem:$0x3FFD];
	_ =	sdelay $0x3  }
0x97: {  	_ =	strace s4  }
0x98: {  	_ =	strace $0x8FFFFFFF  }
0x99: {  	s19 =	sld [smem:$0x3FDB];
	_ =	sdelay $0x1  }
0x9a: {  	s5 =	simm.s32 $_scs_section_size  }
0x9b: {  	s6 =	simm.s32 $_size__tile_overlayer_lowered;
	s7 =	simm.s32 $_tile_overlayer_lowered  }
0x9c: {  	s22 =	simm.s32 $0x1BFF;
	s21 =	sshll.u32 s7, $0x1;
	s4 =	sadd.s32 s5, s19  }
0x9d: {  	s8 =	simm.s32 $0x0;
	s20 =	sshll.u32 s6, $0x1;
	s6 =	sadd.s32 s21, s4  }
0x9e: {  	[timem:s8], [sflag:s22] =	dma.local [hbm:s6], s20  }
0x9f: {  	_ =	swait.ge [sflag:s22], s20  }
0xa0: {  	s5 =	ssub.s32 $0x0, s20;
	[sflag:s22] =	ssyncset.done $0x0  }
0xa1: {  	[sflag:s22] =	ssyncadd.s32 s5;
	_ =	sdelay $0x1  }
0xa2: {  	s23 =	simm.s32 $0x1B8B  }
0xa3: {  	_ =	swait.ge [sflag:s23], $0x1  }
0xa4: {  	[sflag:s23] =	ssyncset.done $0x0  }
0xa5: {  	s25 =	simm.s32 $0x1B8E;
	s24 =	sld [smem:$0x3FFE];
	[sflag:s23] =	ssyncadd.s32 $0xFFFFFFFF  }
0xa6: {  	s26 =	simm.s32 $execute0_lowered;
	[smem:$0x3FD2] =	sst s25  }
0xa7: {  	s6 =	sshll.u32 s26, $0x1;
	_ =	strace $0x80000046;
	[dreg:$0x1] =	wrdreg $0xFFFFFFFF  }
0xa8: {  	s28 =	simm.s32 $_size_execute0_lowered;
	s4 =	sadd.s32 s4, s6;
	[dreg:$0x0] =	wrdreg $0x0  }
0xa9: {  	s6 =	sshll.u32 s28, $0x1;
	[dreg:$0x2] =	wrdreg s4  }
0xaa: {  	[dreg:$0x3] =	wrdreg s6  }
0xab: {  	[dreg:$0x4] =	wrdreg $0xC0  }
0xac: {  	_ =	task [dreg:s8], $0x5FFFF  }
0xad: {  	[dreg:$0x1] =	wrdreg $0xFFFFFFFF  }
0xae: {  	[dreg:$0x0] =	wrdreg $0x60  }
0xaf: {  	[dreg:$0x2] =	wrdreg s2  }
0xb0: {  	[dreg:$0x3] =	wrdreg s18  }
0xb1: {  	[dreg:$0x4] =	wrdreg s24  }
0xb2: {  	[dreg:$0x5] =	wrdreg $0x9  }
0xb3: {  	_ =	task.clear_ibuf [dreg:s8], $0x6FFFF;
	_ =	strace $0x90000046  }
0xb4: {  	s29 =	simm.s32 $0x9;
	_ =	strace $0x80000048  }
0xb5: {  	_ =	swait.ge [sflag:s29], $0x1  }
0xb6: {  	[sflag:s29] =	ssyncadd.s32 $0xFFFFFFFF  }
0xb7: {  	_ =	strace $0x90000048  }
0xb8: {  	_ =	sfence  }
0xb9: {  	s30 =	sld [smem:$0x0];
	_ =	sdelay $0x2  }
0xba: {  	s31 =	sshll.u32 s1, $0xD;
	s1 =	sshrl.u32 s1, $0x2  }
0xbb: {  	s3 =	sand.u32 $0x4000, s31;
	s1 =	sadd.s32 s1, s30  }
0xbc: {  	s0 =	sor.u32 s3, s0;
	s1 =	sshll.u32 s1, $0x11  }
0xbd: {  	s0 =	sor.u32 s1, s0  }
0xbe: {  	s0 =	sadd.s32 $0x8F2B, s0  }
0xbf: {  	[sflag:s0] =	ssyncadd.remote.s32 $0x1  }
0xc0: {  	_ =	sfence.sel $0xFFFF  }
0xc1: {  	[dreg:$0x0] =	wrdreg $0xFFFFFFFF;
	(pc) =	sbr.abs _section_cstart, $3  }
0xc2: {  	[dreg:$0x1] =	wrdreg $0xFFFFFFFF  }
0xc3: {  	_ =	task.clear_ibuf [dreg:s8], $0x2FFFF;
	_ =	strace $0x9FFFFFFF  }
0xc4: {  	(tm) =	ssettm $0x7FFFFFFF  }
0xc5: {  	_ =	shalt  }
tec
execute0_lowered:
.L_overlay_start_1:
0x0: {  	(tag) =	ssettag $0x1  }
0x1: {  	s1 =	rddreg [dreg:$0x0]  }
0x2: {  	s3 =	rddreg [dreg:$0x1]  }
0x3: {  	s0 =	rddreg [dreg:$0x2]  }
0x4: {  	s2 =	srdreg.scid;
	s5 =	stileid.u32;
	s4 =	simm.s32 $0x0  }
0x5: {  	s14 =	simm.s32 $0x800;
	s15 =	simm.s32 $0x40000;
	s17 =	simm.s32 $0x9800  }
0x6: {  	s18 =	simm.s32 $0x13800;
	s19 =	simm.s32 $0x1;
	s20 =	simm.s32 $0x3  }
0x7: {  	s21 =	simm.s32 $0x2;
	s22 =	simm.s32 $0x4;
	s24 =	simm.s32 $0x5  }
0x8: {  	s25 =	simm.s32 $0x0;
	s2 =	sand.u32 $0x1, s2;
	s5 =	sshll.u32 s5, $0x1  }
0x9: {  	[smem:$0x7FF] =	sst s4;
	s10 =	sadd.s32 $0x100, s1;
	s11 =	sor.u32 s2, s5  }
0xa: {  	_ =	strace $0x80000047;
	s2 =	ssub.s32 $0x2, s2;
	s5 =	sshll.u32 s11, $0x9  }
.Ltmp0:
0xb: {  	s6 =	sshrl.u32 s2, $0x1;
	s9 =	sshll.u32 s11, $0x3;
	(pc) =	sbr.rel .LBB2_1-.Ltmp0, $4  }
0xc: {  	s12 =	sshll.u32 s11, $0x6;
	s11 =	sadd.s32 $0x100, s3;
	s7 =	sadd.s32 s5, s1  }
0xd: {  	s8 =	sadd.s32 s5, s3;
	s2 =	ssub.s32 s2, s6;
	s9 =	sor.u32 $0x100, s9  }
0xe: {  	s12 =	sadd.s32 s0, s12;
	s5 =	sadd.s32 $0x390000, s7;
	s6 =	sadd.s32 $0x30000, s8  }
0xf: {  	s7 =	sadd.s32 $0x390100, s7;
	s8 =	sadd.s32 $0x30100, s8;
	s13 =	smax.u32 s2, $0x1  }
.LBB2_8:
0x10: {  	[tilespmem:$0x14000] =	vst v3;
	s25 =	sadd.s32 $0x1, s25  }
0x11: {  	[tilespmem:$0x14080] =	vst v2;
	p0 =	sne.s32 s25, s13  }
.Ltmp1:
0x12: {  	[tilespmem:$0x14100] =	vst v0;
	s0 =	simm.s32 $0x14000;
	(pc) =	sbr.rel @!p0 .LBB2_9-.Ltmp1, $4  }
0x13: {  	[hbm4b:s12+s4] =	stream.linear.scatter [tilespmem:s0], [sflag:$0x5], $0x180, $0x38;
	[tilespmem:$0x14200] =	vst v63  }
0x14: {  	_ =	swait.ge [sflag:s24], $0x180  }
0x15: {  	[sflag:s24] =	ssyncset.done $0x0  }
0x16: {  	[sflag:s24] =	ssyncadd.s32 $0xFFFFFE80  }
.LBB2_1:
0x17: {  	[tilespmem:s4], [sflag:$0x1] =	stream.strided.gather [hbm4b:s5+s14], $0x9800, s15, s14, $0x38;
	v0 =	vimm.f32 $0.0e+00;
	[tilespmem:$0x14200] =	vst v63  }
0x18: {  	s0 =	simm.s32 $0x13000;
	[tilespmem:$0x1FFD0] =	vst v0  }
0x19: {  	v62 =	vimm.f32 $0.0e+00;
	[tilespmem:s0], [sflag:$0x3] =	stream.linear.gather [hbm4b:s6+s4], $0x800, $0x38;
	[tilespmem:$0x14200] =	vst v63  }
0x1a: {  	[tilespmem:$0x1FFE0] =	vst v62  }
0x1b: {  	v63 =	vimm.f32 $0.0e+00;
	[tilespmem:s17], [sflag:$0x2] =	stream.strided.gather [hbm4b:s7+s14], $0x9800, s15, s14, $0x38;
	[tilespmem:$0x14200] =	vst v63  }
0x1c: {  	s26 =	simm.s32 $0x0;
	[tilespmem:$0x1FFF0] =	vst v63  }
0x1d: {  	[tilespmem:s18], [sflag:$0x4] =	stream.linear.gather [hbm4b:s8+s4], $0x800, $0x38;
	[tilespmem:$0x14200] =	vst v63  }
.LBB2_2:
0x1e: {  	_ =	swait.ge [sflag:s19], $0x9800  }
0x1f: {  	[sflag:s19] =	ssyncset.done $0x0  }
0x20: {  	[sflag:s19] =	ssyncadd.s32 $0xFFFF6800  }
0x21: {  	s29 =	simm.s32 $0x0;
	_ =	swait.ge [sflag:s20], $0x800  }
0x22: {  	s0 =	sand.u32 $0x70, s29;
	s2 =	sand.u32 $0x400, s29;
	[sflag:s20] =	ssyncset.done $0x0  }
0x23: {  	s28 =	sor.u32 s0, s2;
	[sflag:s20] =	ssyncadd.s32 $0xFFFFF800  }
0x24: {  	s16 =	sor.u32 s29, s29;
	v48 =	vld [tilespmem:s28+$0x13200]  }
0x25: {  	s0 =	sor.u32 $0x380, s16;
	v49 =	vld [tilespmem:s28+$0x13300]  }
0x26: {  	v50 =	vld [tilespmem:s0+$0x13000]  }
0x27: {  	v51 =	vld [tilespmem:s28+$0x13000]  }
0x28: {  	v52 =	vld [tilespmem:s28+$0x13100]  }
0x29: {  	v47 =	vld [tilespmem:s28+$0x9200]  }
0x2a: {  	v40 =	vld [tilespmem:s28+$0x9280]  }
0x2b: {  	v38 =	vld [tilespmem:s28+$0x9300]  }
0x2c: {  	v33 =	vld [tilespmem:s28+$0x9380]  }
0x2d: {  	v36 =	vld [tilespmem:s28+$0x9000]  }
0x2e: {  	v29 =	vld [tilespmem:s28+$0x9080]  }
0x2f: {  	v28 =	vld [tilespmem:s28+$0x9100]  }
0x30: {  	v27 =	vld [tilespmem:s28+$0x9180]  }
0x31: {  	v25 =	vld [tilespmem:s28+$0x8A00]  }
0x32: {  	v24 =	vld [tilespmem:s28+$0x8A80]  }
0x33: {  	v26 =	vld [tilespmem:s28+$0x8B00]  }
0x34: {  	v16 =	vld [tilespmem:s28+$0x8B80]  }
0x35: {  	v17 =	vld [tilespmem:s28+$0x8800]  }
0x36: {  	v15 =	vld [tilespmem:s28+$0x8880]  }
0x37: {  	v31 =	vld [tilespmem:s28+$0x8900]  }
0x38: {  	v30 =	vld [tilespmem:s28+$0x8980]  }
0x39: {  	v14 =	vld [tilespmem:s28+$0x8200]  }
0x3a: {  	v32 =	vld [tilespmem:s28+$0x8280]  }
0x3b: {  	v34 =	vld [tilespmem:s28+$0x8300]  }
0x3c: {  	v12 =	vld [tilespmem:s28+$0x8380]  }
0x3d: {  	v35 =	vld [tilespmem:s28+$0x8000]  }
0x3e: {  	v11 =	vld [tilespmem:s28+$0x7A00]  }
0x3f: {  	v37 =	vld [tilespmem:s28+$0x7A80]  }
0x40: {  	v39 =	vld [tilespmem:s28+$0x7B00]  }
0x41: {  	v10 =	vld [tilespmem:s28+$0x7B80]  }
0x42: {  	v42 =	vld [tilespmem:s28+$0x7200]  }
0x43: {  	v41 =	vld [tilespmem:s28+$0x7280]  }
0x44: {  	v44 =	vld [tilespmem:s28+$0x7300]  }
0x45: {  	v43 =	vld [tilespmem:s28+$0x7380]  }
0x46: {  	v46 =	vld [tilespmem:s28+$0x6A00]  }
0x47: {  	v45 =	vld [tilespmem:s28+$0x6A80]  }
0x48: {  	v23 =	vld [tilespmem:s28+$0x6B00]  }
0x49: {  	v22 =	vld [tilespmem:s28+$0x6B80]  }
0x4a: {  	v21 =	vld [tilespmem:s28+$0x6200]  }
0x4b: {  	v20 =	vld [tilespmem:s28+$0x6280]  }
0x4c: {  	v19 =	vld [tilespmem:s28+$0x6300]  }
0x4d: {  	v18 =	vld [tilespmem:s28+$0x6380]  }
0x4e: {  	v13 =	vld [tilespmem:s28+$0x5A00]  }
0x4f: {  	v9 =	vld [tilespmem:s28+$0x5A80]  }
0x50: {  	v5 =	vld [tilespmem:s28+$0x5B00]  }
0x51: {  	v6 =	vld [tilespmem:s28+$0x5B80]  }
0x52: {  	v7 =	vld [tilespmem:s28+$0x5200]  }
0x53: {  	v8 =	vld [tilespmem:s28+$0x5280]  }
0x54: {  	v0 =	vld [tilespmem:s28+$0x5300]  }
0x55: {  	v56 =	vld [tilespmem:s28+$0x5380]  }
0x56: {  	v57 =	vld [tilespmem:s28+$0x4A00]  }
0x57: {  	v58 =	vld [tilespmem:s28+$0x4A80]  }
0x58: {  	v59 =	vld [tilespmem:s28+$0x4B00]  }
0x59: {  	v53 =	vld [tilespmem:s28+$0x1A00]  }
0x5a: {  	v54 =	vld [tilespmem:s28+$0x1200]  }
0x5b: {  	v55 =	vld [tilespmem:s28+$0x1280]  }
0x5c: {  	v60 =	vld [tilespmem:s28+$0x300]  }
0x5d: {  	v61 =	vld [tilespmem:s28+$0xB00]  }
0x5e: {  	v62 =	vld [tilespmem:s0+$0x0]  }
0x5f: {  	v63 =	vld [tilespmem:s28+$0xB80]  }
0x60: {  	v1 =	vld [tilespmem:s28+$0x800]  }
0x61: {  	v4 =	vld [tilespmem:s28+$0x880]  }
0x62: {  	v3 =	vld [tilespmem:s28+$0x100]  }
0x63: {  	v2 =	vld [tilespmem:s28+$0x900]  }
0x64: {  	[tilespmem:$0x1FF00] =	vst v56;
	v56 =	vld [tilespmem:s28+$0x1300]  }
0x65: {  	[tilespmem:$0x1FEF0] =	vst v57;
	v57 =	vld [tilespmem:s28+$0x200]  }
0x66: {  	[tilespmem:$0x1FF20] =	vst v58;
	v58 =	vld [tilespmem:s28+$0xA00]  }
0x67: {  	s23 =	sand.u32 $0xFFFFFC00, s29;
	[tilespmem:$0x1FF10] =	vst v59;
	v59 =	vld [tilespmem:s28+$0xA80];
	v60 =	vmul.f32 v60, v60;
	v61 =	vmul.f32 v61, v61  }
0x68: {  	s0 =	sadd.s32 $0x0, s23;
	[tilespmem:$0x1FEE0] =	vst v0;
	v0 =	vld [tilespmem:s28+$0x0];
	vm3 =	veq.s32 v48, $0x0;
	v1 =	vmul.f32 v1, v1;
	v2 =	vmul.f32 v2, v2  }
0x69: {  	s31 =	sor.u32 $0x280, s0;
	v48 =	vld [tilespmem:s28+$0x980];
	vm4 =	veq.s32 v51, $0x0;
	v47 =	vmul.f32 v47, v47;
	v38 =	vmul.f32 v38, v38  }
0x6a: {  	v51 =	vld [tilespmem:s31+$0x0];
	vm2 =	veq.s32 v52, $0x0;
	v36 =	vmul.f32 v36, v36;
	v33 =	vmul.f32 v33, v33  }
0x6b: {  	v29 =	vmul.f32 v29, v29;
	v28 =	vmul.f32 v28, v28;
	v52 =	vadd.f32 v61, v60;
	v61 =	vld [tilespmem:s28+$0x1380]  }
0x6c: {  	v27 =	vmul.f32 v27, v27;
	v17 =	vmul.f32 v17, v17;
	[tilespmem:$0x1FD30] =	vst v47;
	v47 =	vld [tilespmem:s28+$0x2100]  }
0x6d: {  	v25 =	vmul.f32 v25, v25;
	v15 =	vmul.f32 v15, v15;
	[tilespmem:$0x1FD70] =	vst v29;
	v29 =	vld [tilespmem:s28+$0x2180]  }
0x6e: {  	v24 =	vmul.f32 v24, v24;
	v16 =	vmul.f32 v16, v16;
	[tilespmem:$0x1FDD0] =	vst v17;
	v17 =	vld [tilespmem:s28+$0x2A80]  }
0x6f: {  	v30 =	vmul.f32 v30, v30;
	v14 =	vmul.f32 v14, v14;
	[tilespmem:$0x1FDF0] =	vst v15;
	v15 =	vld [tilespmem:s28+$0x2980]  }
0x70: {  	v32 =	vmul.f32 v32, v32;
	v12 =	vmul.f32 v12, v12;
	[tilespmem:$0x1FD80] =	vst v28;
	v28 =	vld [tilespmem:s28+$0x3200]  }
0x71: {  	s30 =	sor.u32 $0x80, s0;
	vm1 =	veq.s32 v49, $0x0;
	v10 =	vmul.f32 v10, v10;
	v23 =	vmul.f32 v23, v23;
	[tilespmem:$0x1FE10] =	vst v30;
	v30 =	vld [tilespmem:s28+$0x3A80]  }
0x72: {  	vm0 =	veq.s32 v50, $0x0;
	v49 =	vmul.f32 v57, v57;
	v50 =	vmul.f32 v58, v58;
	v58 =	vld [tilespmem:s30+$0x0]  }
0x73: {  	s2 =	sor.u32 $0x180, s0;
	v42 =	vmul.f32 v42, v42;
	v60 =	vmul.f32 v63, v63;
	[tilespmem:$0x1FEC0] =	vst v23;
	v23 =	vld [tilespmem:s28+$0x4000]  }
0x74: {  	v0 =	vmul.f32 v0, v0;
	v57 =	vmul.f32 v62, v62;
	v49 =	vadd.f32 v50, v49;
	v50 =	vld [tilespmem:s2+$0x0]  }
0x75: {  	v59 =	vmul.f32 v59, v59;
	v62 =	vmul.f32 v55, v55;
	v55 =	vld [tilespmem:s28+$0x1900]  }
0x76: {  	v51 =	vmul.f32 v51, v51;
	v0 =	vadd.f32 v1, v0;
	v1 =	vmul.f32 v3, v3;
	v3 =	vld [tilespmem:s28+$0x1000]  }
0x77: {  	v63 =	vmul.f32 v4, v4;
	v4 =	vmul.f32 v58, v58;
	v58 =	vld [tilespmem:s28+$0x1080]  }
0x78: {  	v48 =	vmul.f32 v48, v48;
	v57 =	vadd.f32 v60, v57;
	v60 =	vld [tilespmem:s28+$0x1100];
	v51 =	vadd.f32 v59, v51  }
0x79: {  	[tilespmem:$0x1FE20] =	vst v14;
	v59 =	vld [tilespmem:s28+$0x1180];
	v14 =	vmul.f32 v17, v17;
	v1 =	vadd.f32 v2, v1;
	v50 =	vmul.f32 v50, v50  }
0x7a: {  	v17 =	vld [tilespmem:s28+$0x3000];
	v2 =	vadd.f32 v63, v4;
	v4 =	vmul.f32 v54, v54;
	v54 =	vmul.f32 v56, v56  }
0x7b: {  	v44 =	vmul.f32 v44, v44;
	v56 =	vld [tilespmem:s28+$0x1B00];
	v48 =	vadd.f32 v48, v50;
	v50 =	vmul.f32 v61, v61  }
0x7c: {  	v61 =	vld [tilespmem:s28+$0x1800];
	v4 =	vadd.f32 v4, v49;
	v49 =	vadd.f32 v54, v52;
	v52 =	vmul.f32 v58, v58  }
0x7d: {  	v3 =	vmul.f32 v3, v3;
	v60 =	vmul.f32 v60, v60;
	v54 =	vld [tilespmem:s28+$0x1B80]  }
0x7e: {  	v46 =	vmul.f32 v46, v46;
	v45 =	vmul.f32 v45, v45;
	v2 =	vadd.f32 v52, v2;
	v52 =	vld [tilespmem:s28+$0x1980]  }
0x7f: {  	v63 =	vmul.f32 v59, v59;
	v0 =	vadd.f32 v3, v0;
	v1 =	vadd.f32 v60, v1;
	v58 =	vld [tilespmem:s28+$0x1A80]  }
0x80: {  	v55 =	vmul.f32 v55, v55;
	v3 =	vadd.f32 v50, v57;
	v50 =	vadd.f32 v62, v51;
	v62 =	vld [tilespmem:s28+$0x1880]  }
0x81: {  	v51 =	vmul.f32 v53, v53;
	v48 =	vadd.f32 v63, v48;
	v53 =	vld [tilespmem:s28+$0x2300];
	v63 =	vmul.f32 v61, v61  }
0x82: {  	v57 =	vmul.f32 v40, v40;
	v40 =	vld [tilespmem:s28+$0x2380];
	v60 =	vmul.f32 v56, v56  }
0x83: {  	v1 =	vadd.f32 v55, v1;
	v55 =	vld [tilespmem:s28+$0x2280];
	v0 =	vadd.f32 v63, v0;
	v63 =	vmul.f32 v52, v52  }
0x84: {  	v22 =	vmul.f32 v22, v22;
	v49 =	vadd.f32 v60, v49;
	v60 =	vmul.f32 v58, v58;
	v58 =	vld [tilespmem:s28+$0x2080]  }
0x85: {  	v7 =	vmul.f32 v7, v7;
	v8 =	vmul.f32 v8, v8;
	v48 =	vadd.f32 v63, v48;
	v63 =	vld [tilespmem:s28+$0x2B00]  }
0x86: {  	v15 =	vmul.f32 v15, v15;
	v4 =	vadd.f32 v51, v4;
	v51 =	vld [tilespmem:s28+$0x2200];
	v54 =	vmul.f32 v54, v54  }
0x87: {  	[tilespmem:$0x1FED0] =	vst v22;
	v22 =	vmul.f32 v30, v30;
	v61 =	vld [tilespmem:s28+$0x2000];
	v62 =	vmul.f32 v62, v62  }
0x88: {  	[tilespmem:$0x1FD40] =	vst v38;
	v3 =	vadd.f32 v54, v3;
	v56 =	vmul.f32 v53, v53;
	v53 =	vmul.f32 v47, v47;
	v54 =	vld [tilespmem:s28+$0x2800]  }
0x89: {  	[tilespmem:$0x1FD50] =	vst v36;
	v36 =	vmul.f32 v55, v55;
	v38 =	vadd.f32 v60, v50;
	v50 =	vmul.f32 v58, v58;
	v58 =	vld [tilespmem:s28+$0x2900]  }
0x8a: {  	[tilespmem:$0x1FDE0] =	vst v16;
	v2 =	vadd.f32 v62, v2;
	v16 =	vmul.f32 v63, v63;
	v63 =	vmul.f32 v31, v31;
	v31 =	vld [tilespmem:s28+$0x3300]  }
0x8b: {  	[tilespmem:$0x1FD60] =	vst v33;
	v55 =	vld [tilespmem:s28+$0x2B80];
	v33 =	vadd.f32 v56, v49;
	v62 =	vmul.f32 v40, v40;
	v56 =	vmul.f32 v26, v26  }
0x8c: {  	v1 =	vadd.f32 v53, v1;
	v53 =	vmul.f32 v34, v34;
	v34 =	vld [tilespmem:s28+$0x4300];
	v60 =	vmul.f32 v61, v61  }
0x8d: {  	v17 =	vmul.f32 v17, v17;
	v61 =	vld [tilespmem:s28+$0x2A00];
	v36 =	vadd.f32 v36, v38;
	v3 =	vadd.f32 v62, v3  }
0x8e: {  	[tilespmem:$0x1FDC0] =	vst v56;
	v62 =	vld [tilespmem:s28+$0x2880];
	v56 =	vmul.f32 v35, v35;
	v0 =	vadd.f32 v60, v0;
	v38 =	vmul.f32 v58, v58  }
0x8f: {  	[tilespmem:$0x1FE60] =	vst v12;
	v35 =	vld [tilespmem:s28+$0x5800];
	v47 =	vmul.f32 v54, v54;
	v16 =	vadd.f32 v16, v33;
	v12 =	vmul.f32 v31, v31  }
0x90: {  	v51 =	vmul.f32 v51, v51;
	v1 =	vadd.f32 v38, v1;
	v38 =	vmul.f32 v11, v11;
	v11 =	vld [tilespmem:s28+$0x3180]  }
0x91: {  	v60 =	vmul.f32 v29, v29;
	v0 =	vadd.f32 v47, v0;
	v12 =	vadd.f32 v12, v16;
	v16 =	vld [tilespmem:s28+$0x3A00]  }
0x92: {  	v4 =	vadd.f32 v51, v4;
	v29 =	vmul.f32 v55, v55;
	v55 =	vld [tilespmem:s28+$0x3280];
	v49 =	vmul.f32 v61, v61  }
0x93: {  	v59 =	vimm.f32 $0.0e+00;
	v61 =	vadd.f32 v60, v48;
	v0 =	vadd.f32 v17, v0;
	v17 =	vld [tilespmem:s28+$0x3B00]  }
0x94: {  	v51 =	vmul.f32 v18, v18;
	v54 =	vld [tilespmem:s28+$0x3100];
	v4 =	vadd.f32 v49, v4;
	v49 =	vmul.f32 v28, v28  }
0x95: {  	[tilespmem:$0x1FE40] =	vst v53;
	v53 =	vmul.f32 v9, v9;
	v58 =	vld [tilespmem:s28+$0x3080];
	v15 =	vadd.f32 v15, v61;
	v11 =	vmul.f32 v11, v11  }
0x96: {  	v14 =	vadd.f32 v14, v36;
	[tilespmem:$0x1FE00] =	vst v63;
	v63 =	vld [tilespmem:s28+$0x3800];
	v4 =	vadd.f32 v49, v4;
	v16 =	vmul.f32 v16, v16  }
0x97: {  	[tilespmem:$0x1FE90] =	vst v10;
	v2 =	vadd.f32 v50, v2;
	v10 =	vmul.f32 v55, v55;
	v11 =	vadd.f32 v11, v15;
	v15 =	vld [tilespmem:s28+$0x3880]  }
0x98: {  	v52 =	vmul.f32 v62, v62;
	v17 =	vmul.f32 v17, v17;
	v4 =	vadd.f32 v16, v4;
	v16 =	vld [tilespmem:s28+$0x3980]  }
0x99: {  	[tilespmem:$0x1FE50] =	vst v56;
	v50 =	vmul.f32 v21, v21;
	v56 =	vmul.f32 v5, v5;
	v10 =	vadd.f32 v10, v14;
	v14 =	vld [tilespmem:s28+$0x3900]  }
0x9a: {  	v2 =	vadd.f32 v52, v2;
	v47 =	vmul.f32 v58, v58;
	v12 =	vadd.f32 v17, v12;
	v17 =	vld [tilespmem:s28+$0x4200]  }
0x9b: {  	v5 =	vld [tilespmem:s28+$0x4800];
	v3 =	vadd.f32 v29, v3;
	v29 =	vmul.f32 v41, v41;
	v18 =	vmul.f32 v34, v34  }
0x9c: {  	v33 =	vld [tilespmem:s28+$0x3380];
	v48 =	vmul.f32 v54, v54;
	v2 =	vadd.f32 v47, v2;
	v15 =	vmul.f32 v15, v15  }
0x9d: {  	v40 =	vimm.f32 $0.0e+00;
	v49 =	vmul.f32 v20, v20;
	v20 =	vld [tilespmem:s28+$0x4100];
	v16 =	vmul.f32 v16, v16  }
0x9e: {  	v1 =	vadd.f32 v48, v1;
	v14 =	vmul.f32 v14, v14;
	v2 =	vadd.f32 v15, v2;
	v15 =	vld [tilespmem:s28+$0x4280]  }
0x9f: {  	[tilespmem:$0x1FE30] =	vst v32;
	v32 =	vmul.f32 v63, v63;
	v17 =	vmul.f32 v17, v17;
	v11 =	vadd.f32 v16, v11;
	v16 =	vld [tilespmem:s28+$0x4080]  }
0xa0: {  	v60 =	vmul.f32 v37, v37;
	v62 =	vmul.f32 v39, v39;
	v1 =	vadd.f32 v14, v1;
	v14 =	vld [tilespmem:s28+$0x4380]  }
0xa1: {  	v28 =	vld [tilespmem:s28+$0x3B80];
	v0 =	vadd.f32 v32, v0;
	v4 =	vadd.f32 v17, v4;
	v17 =	vmul.f32 v23, v23  }
0xa2: {  	v41 =	vimm.f32 $0.0e+00;
	v54 =	vmul.f32 v13, v13;
	v13 =	vld [tilespmem:s28+$0x4180];
	v55 =	vmul.f32 v6, v6  }
0xa3: {  	v52 =	vmul.f32 v19, v19;
	v5 =	vmul.f32 v5, v5;
	v0 =	vadd.f32 v17, v0;
	v17 =	vld [tilespmem:$0x1FF00]  }
0xa4: {  	v37 =	vimm.f32 $0.0e+00;
	v6 =	vmul.f32 v15, v15;
	v15 =	vmul.f32 v16, v16;
	v16 =	vld [tilespmem:$0x1FEE0]  }
0xa5: {  	[tilespmem:$0x1FD90] =	vst v27;
	v39 =	vimm.f32 $0.0e+00;
	v9 =	vmul.f32 v14, v14;
	v14 =	vmul.f32 v20, v20;
	v20 =	vld [tilespmem:$0x1FF20]  }
0xa6: {  	[tilespmem:$0x1FE80] =	vst v62;
	v62 =	vimm.f32 $0.0e+00;
	v31 =	vmul.f32 v43, v43;
	v61 =	vmul.f32 v33, v33;
	v23 =	vld [tilespmem:s28+$0x5100]  }
0xa7: {  	[tilespmem:$0x1FDA0] =	vst v25;
	v43 =	vimm.f32 $0.0e+00;
	v10 =	vadd.f32 v22, v10;
	v1 =	vadd.f32 v14, v1;
	v14 =	vld [tilespmem:s28+$0x4900]  }
0xa8: {  	[tilespmem:$0x1FDB0] =	vst v24;
	v33 =	vmul.f32 v28, v28;
	v3 =	vadd.f32 v61, v3;
	v22 =	vmul.f32 v17, v17;
	v17 =	vld [tilespmem:$0x1FF10]  }
0xa9: {  	[tilespmem:$0x1FF50] =	vst v40;
	v48 =	vimm.f32 $0.0e+00;
	v58 =	vmul.f32 v35, v35;
	v19 =	vmul.f32 v16, v16;
	v16 =	vld [tilespmem:$0x1FEF0]  }
0xaa: {  	[tilespmem:$0x1FF60] =	vst v41;
	v13 =	vmul.f32 v13, v13;
	v3 =	vadd.f32 v33, v3;
	v6 =	vadd.f32 v6, v10;
	v10 =	vld [tilespmem:s28+$0x4980]  }
0xab: {  	[tilespmem:$0x1FEA0] =	vst v29;
	v63 =	vimm.f32 $0.0e+00;
	v47 =	vimm.f32 $0.0e+00;
	v12 =	vadd.f32 v18, v12;
	v18 =	vld [tilespmem:s28+$0x4B80]  }
0xac: {  	[tilespmem:$0x1FF30] =	vst v37;
	v61 =	vimm.f32 $0.0e+00;
	v3 =	vadd.f32 v9, v3;
	v2 =	vadd.f32 v15, v2;
	v15 =	vld [tilespmem:s28+$0x5000]  }
0xad: {  	[tilespmem:$0x1FE70] =	vst v60;
	v9 =	vld [tilespmem:s28+$0x4880];
	v0 =	vadd.f32 v5, v0;
	v20 =	vmul.f32 v20, v20;
	v14 =	vmul.f32 v14, v14  }
0xae: {  	[tilespmem:$0x1FF40] =	vst v39;
	v11 =	vadd.f32 v13, v11;
	v13 =	vld [tilespmem:s28+$0x5080];
	v17 =	vmul.f32 v17, v17;
	v16 =	vmul.f32 v16, v16  }
0xaf: {  	[tilespmem:$0x1FFB0] =	vst v62;
	v36 =	vmul.f32 v23, v23;
	v1 =	vadd.f32 v14, v1;
	v5 =	vmul.f32 v10, v10  }
0xb0: {  	[tilespmem:$0x1FF70] =	vst v43;
	v12 =	vadd.f32 v17, v12;
	v4 =	vadd.f32 v16, v4;
	v16 =	vmul.f32 v18, v18;
	v18 =	vld [tilespmem:s28+$0x5180]  }
0xb1: {  	[tilespmem:$0x1FF90] =	vst v48;
	v6 =	vadd.f32 v20, v6;
	v17 =	vadd.f32 v5, v11;
	v5 =	vld [tilespmem:s28+$0x5880];
	v10 =	vmul.f32 v15, v15  }
0xb2: {  	[tilespmem:$0x1FEB0] =	vst v31;
	v9 =	vmul.f32 v9, v9;
	v11 =	vld [tilespmem:s28+$0x5980];
	v12 =	vadd.f32 v19, v12;
	v3 =	vadd.f32 v16, v3  }
0xb3: {  	[tilespmem:$0x1FFC0] =	vst v63;
	v21 =	vmul.f32 v13, v13;
	v19 =	vadd.f32 v36, v1;
	v13 =	vadd.f32 v10, v0;
	v10 =	vld [tilespmem:s28+$0x6080]  }
0xb4: {  	[tilespmem:$0x1FFA0] =	vst v61;
	v61 =	vimm.f32 $0.0e+00;
	v15 =	vadd.f32 v8, v6;
	v14 =	vadd.f32 v22, v3;
	v22 =	vld [tilespmem:s28+$0x5900]  }
0xb5: {  	s0 =	simm.s32 $0x10;
	[tilespmem:$0x1FF80] =	vst v47;
	v16 =	vadd.f32 v9, v2;
	v20 =	vadd.f32 v7, v4;
	v60 =	vmul.f32 v18, v18;
	v18 =	vld [tilespmem:s28+$0x6000]  }
.LBB2_3:
0xb6: {  	v2 =	vld [tilespmem:s28+$0x6100]  }
0xb7: {  	v9 =	vld [tilespmem:s28+$0x6800]  }
0xb8: {  	v7 =	vadd.f32 v56, v12;
	v12 =	vadd.f32 v55, v14;
	v14 =	vld [tilespmem:s28+$0x6880]  }
0xb9: {  	v0 =	vadd.f32 v21, v16;
	v6 =	vadd.f32 v54, v20;
	v16 =	vld [tilespmem:s28+$0x7080]  }
0xba: {  	v15 =	vadd.f32 v53, v15;
	v53 =	vld [tilespmem:$0x1FDE0]  }
0xbb: {  	v6 =	vadd.f32 v50, v6;
	v50 =	vld [tilespmem:$0x1FDA0]  }
0xbc: {  	v12 =	vadd.f32 v51, v12;
	v51 =	vld [tilespmem:$0x1FDC0]  }
0xbd: {  	v7 =	vadd.f32 v52, v7;
	v52 =	vld [tilespmem:$0x1FDD0];
	v1 =	vmul.f32 v5, v5  }
0xbe: {  	v3 =	vadd.f32 v60, v17;
	v4 =	vmul.f32 v22, v22;
	v5 =	vld [tilespmem:s28+$0x6180];
	v11 =	vmul.f32 v11, v11  }
0xbf: {  	v8 =	vadd.f32 v58, v13;
	v13 =	vmul.f32 v18, v18;
	v39 =	vmul.f32 v10, v10;
	v10 =	vld [tilespmem:s28+$0x6900]  }
0xc0: {  	v3 =	vadd.f32 v11, v3;
	v11 =	vld [tilespmem:s28+$0x6980]  }
0xc1: {  	v2 =	vmul.f32 v2, v2;
	v4 =	vadd.f32 v4, v19;
	v8 =	vadd.f32 v13, v8;
	v13 =	vld [tilespmem:s28+$0x7000]  }
0xc2: {  	v0 =	vadd.f32 v1, v0;
	v40 =	vmul.f32 v14, v14;
	v14 =	vld [tilespmem:s28+$0x7100]  }
0xc3: {  	v9 =	vmul.f32 v9, v9;
	v41 =	vmul.f32 v16, v16;
	v16 =	vld [tilespmem:$0x1FEB0];
	v2 =	vadd.f32 v2, v4  }
0xc4: {  	v4 =	vadd.f32 v49, v15;
	v0 =	vadd.f32 v39, v0;
	v15 =	vld [tilespmem:$0x1FEC0]  }
0xc5: {  	v8 =	vadd.f32 v9, v8;
	v9 =	vld [tilespmem:s28+$0x7800];
	v5 =	vmul.f32 v5, v5  }
0xc6: {  	v49 =	vld [tilespmem:$0x1FE30];
	v0 =	vadd.f32 v40, v0  }
0xc7: {  	v3 =	vadd.f32 v5, v3;
	v5 =	vmul.f32 v10, v10;
	v10 =	vld [tilespmem:s28+$0x7180]  }
0xc8: {  	v0 =	vadd.f32 v41, v0;
	v41 =	vld [tilespmem:$0x1FF40]  }
0xc9: {  	v11 =	vmul.f32 v11, v11;
	v7 =	vadd.f32 v15, v7;
	v15 =	vld [tilespmem:$0x1FED0]  }
0xca: {  	v13 =	vmul.f32 v13, v13;
	v2 =	vadd.f32 v5, v2;
	v5 =	vld [tilespmem:s28+$0x7900]  }
0xcb: {  	v3 =	vadd.f32 v11, v3;
	v11 =	vmul.f32 v14, v14;
	v14 =	vld [tilespmem:s28+$0x7980]  }
0xcc: {  	v23 =	vimm.f32 $0.0e+00;
	v8 =	vadd.f32 v13, v8;
	v13 =	vld [tilespmem:s28+$0x8080]  }
0xcd: {  	v19 =	vsel vm4, $0x3F800000, v23;
	v2 =	vadd.f32 v11, v2;
	v11 =	vld [tilespmem:s28+$0x8100]  }
0xce: {  	v10 =	vmul.f32 v10, v10;
	v41 =	vadd.f32 v19, v41;
	v19 =	vld [tilespmem:$0x1FF50]  }
0xcf: {  	s29 =	sadd.s32 $0x80, s29;
	v9 =	vmul.f32 v9, v9;
	v12 =	vadd.f32 v15, v12;
	v15 =	vld [tilespmem:s28+$0x7880]  }
0xd0: {  	s16 =	sand.u32 $0x70, s0;
	s23 =	sand.u32 $0x400, s29;
	v3 =	vadd.f32 v10, v3;
	v10 =	vld [tilespmem:s28+$0x8180]  }
0xd1: {  	v8 =	vadd.f32 v9, v8;
	s28 =	sor.u32 s16, s23;
	v9 =	vmul.f32 v14, v14;
	v14 =	vld [tilespmem:$0x1FE90]  }
0xd2: {  	v6 =	vadd.f32 v46, v6;
	v46 =	vld [tilespmem:s28+$0x13200]  }
0xd3: {  	v58 =	vld [tilespmem:s28+$0x13000]  }
0xd4: {  	v60 =	vld [tilespmem:s28+$0x13100]  }
0xd5: {  	v1 =	vld [tilespmem:s28+$0x9280]  }
0xd6: {  	v20 =	vsel vm3, $0x3F800000, v23;
	v6 =	vadd.f32 v42, v6;
	v42 =	vld [tilespmem:s28+$0x8300]  }
0xd7: {  	v20 =	vadd.f32 v20, v41;
	v41 =	vld [tilespmem:s28+$0x7200]  }
0xd8: {  	v4 =	vadd.f32 v45, v4;
	v45 =	vld [tilespmem:s28+$0x6A00]  }
0xd9: {  	v5 =	vmul.f32 v5, v5;
	v47 =	vld [tilespmem:s28+$0x6A80]  }
0xda: {  	v12 =	vadd.f32 v16, v12;
	v16 =	vld [tilespmem:$0x1FEA0]  }
0xdb: {  	v2 =	vadd.f32 v5, v2;
	v5 =	vld [tilespmem:$0x1FE70]  }
0xdc: {  	s23 =	sor.u32 s29, s0;
	v48 =	vmul.f32 v11, v11;
	v11 =	vld [tilespmem:s30+$0x13000]  }
0xdd: {  	s16 =	sor.u32 $0x380, s23;
	v43 =	vmul.f32 v15, v15;
	v15 =	vld [tilespmem:$0x1FE80]  }
0xde: {  	v3 =	vadd.f32 v9, v3;
	v12 =	vadd.f32 v14, v12;
	v14 =	vld [tilespmem:s16+$0x13000];
	v9 =	vmul.f32 v10, v10  }
0xdf: {  	v10 =	vld [tilespmem:$0x1FE20]  }
0xe0: {  	v4 =	vadd.f32 v16, v4;
	v9 =	vadd.f32 v9, v3;
	v3 =	vld [tilespmem:$0x1FE00]  }
0xe1: {  	v13 =	vmul.f32 v13, v13;
	v0 =	vadd.f32 v43, v0;
	vm7 =	veq.s32 v11, $0x0;
	v11 =	vld [tilespmem:$0x1FD30]  }
0xe2: {  	v7 =	vadd.f32 v44, v7;
	v4 =	vadd.f32 v5, v4;
	v5 =	vld [tilespmem:s31+$0x13000]  }
0xe3: {  	v6 =	vadd.f32 v38, v6;
	v13 =	vadd.f32 v13, v0;
	v0 =	vld [tilespmem:s28+$0x9200]  }
0xe4: {  	v7 =	vadd.f32 v15, v7;
	v15 =	vld [tilespmem:s28+$0x13300]  }
0xe5: {  	v6 =	vadd.f32 v10, v6;
	v10 =	vld [tilespmem:$0x1FE40]  }
0xe6: {  	[tilespmem:$0x1FCA0] =	vst v14;
	v14 =	vld [tilespmem:s2+$0x13000]  }
0xe7: {  	v4 =	vadd.f32 v49, v4;
	v49 =	vld [tilespmem:s28+$0x6B80];
	v6 =	vadd.f32 v50, v6  }
0xe8: {  	v17 =	vsel vm1, $0x3F800000, v23;
	v50 =	vld [tilespmem:s28+$0x6200]  }
0xe9: {  	v21 =	vsel vm2, $0x3F800000, v23;
	v16 =	vsel vm0, $0x3F800000, v23;
	v11 =	vadd.f32 v11, v6;
	v6 =	vld [tilespmem:$0x1FD40]  }
0xea: {  	vm5 =	veq.s32 v5, $0x0;
	v0 =	vmul.f32 v0, v0;
	v7 =	vadd.f32 v10, v7;
	v10 =	vld [tilespmem:$0x1FE50]  }
0xeb: {  	vm6 =	veq.s32 v14, $0x0;
	v29 =	vnsel vm3, $0x0, v11;
	v33 =	vsub.f32 $1.000000000e+00, v11;
	v11 =	vld [tilespmem:s28+$0x8B80]  }
0xec: {  	v24 =	vsel vm7, $0x3F800000, v23;
	v22 =	vsel vm5, $0x3F800000, v23;
	v28 =	vsel vm6, $0x3F800000, v23;
	v23 =	vld [tilespmem:$0x1FF30]  }
0xed: {  	[tilespmem:$0x1FD30] =	vst v0;
	v0 =	vmul.f32 v45, v45;
	v45 =	vld [tilespmem:s28+$0x200];
	v5 =	vadd.f32 v51, v7  }
0xee: {  	v51 =	vld [tilespmem:s28+$0x6280]  }
0xef: {  	s23 =	sand.u32 $0xFFFFFC00, s29;
	v14 =	vadd.f32 v6, v5;
	v6 =	vld [tilespmem:$0x1FD50]  }
0xf0: {  	s2 =	sadd.s32 s23, s0;
	v5 =	vld [tilespmem:s28+$0x9080];
	v8 =	vadd.f32 v10, v8  }
0xf1: {  	s31 =	sor.u32 $0x280, s2;
	s30 =	sor.u32 $0x80, s2;
	s2 =	sor.u32 $0x180, s2;
	v33 =	vmax.f32 v33, $0.0e+00;
	v10 =	vld [tilespmem:$0x1FE60]  }
0xf2: {  	v33 =	vsel vm3, $0x0, v33;
	vm3 =	veq.s32 v46, $0x0;
	v46 =	vld [tilespmem:s2+$0x0];
	v7 =	vadd.f32 v52, v8  }
0xf3: {  	v52 =	vld [tilespmem:s28+$0x6300]  }
0xf4: {  	[tilespmem:$0x1FC90] =	vst v15;
	v15 =	vadd.f32 v6, v7;
	v6 =	vld [tilespmem:$0x1FD60]  }
0xf5: {  	v7 =	vld [tilespmem:$0x1FD80]  }
0xf6: {  	v10 =	vadd.f32 v10, v12;
	v12 =	vadd.f32 v48, v2;
	v2 =	vld [tilespmem:s28+$0x9300]  }
0xf7: {  	v48 =	vld [tilespmem:s28+$0x6B00]  }
0xf8: {  	v8 =	vadd.f32 v53, v10;
	v10 =	vadd.f32 v3, v12;
	v3 =	vld [tilespmem:$0x1FDB0]  }
0xf9: {  	v53 =	vld [tilespmem:s28+$0x6380]  }
0xfa: {  	v18 =	vadd.f32 v6, v8;
	v6 =	vld [tilespmem:s28+$0x9100]  }
0xfb: {  	v25 =	vadd.f32 v7, v10;
	v7 =	vld [tilespmem:s28+$0x9180]  }
0xfc: {  	v8 =	vld [tilespmem:$0x1FD70]  }
0xfd: {  	v30 =	vnsel vm1, $0x0, v14;
	v34 =	vsub.f32 $1.000000000e+00, v14;
	v14 =	vsub.f32 $1.000000000e+00, v15;
	v10 =	vld [tilespmem:s28+$0x8B00]  }
0xfe: {  	v44 =	vmul.f32 v5, v5;
	v5 =	vmul.f32 v48, v48;
	v48 =	vld [tilespmem:s28+$0x0]  }
0xff: {  	v31 =	vnsel vm0, $0x0, v18;
	v36 =	vsub.f32 $1.000000000e+00, v18;
	v18 =	vmax.f32 v14, $0.0e+00;
	v14 =	vld [tilespmem:s28+$0x8900]  }
0x100: {  	v32 =	vnsel vm4, $0x0, v15;
	v35 =	vnsel vm2, $0x0, v25;
	v15 =	vsub.f32 $1.000000000e+00, v25;
	v25 =	vld [tilespmem:s28+$0x5380]  }
0x101: {  	v12 =	vadd.f32 v3, v4;
	v3 =	vld [tilespmem:s28+$0x9380]  }
0x102: {  	v4 =	vld [tilespmem:$0x1FDF0]  }
0x103: {  	v18 =	vsel vm4, $0x0, v18;
	vm4 =	veq.s32 v58, $0x0;
	v58 =	vld [tilespmem:s28+$0x1080]  }
0x104: {  	v40 =	vmax.f32 v15, $0.0e+00;
	v15 =	vld [tilespmem:s28+$0x8980]  }
0x105: {  	v23 =	vadd.f32 v18, v23;
	v18 =	vld [tilespmem:s28+$0x8200]  }
0x106: {  	v26 =	vadd.f32 v57, v12;
	v12 =	vld [tilespmem:s28+$0x8800]  }
0x107: {  	v32 =	vadd.f32 v32, v59;
	v59 =	vsel vm2, $0x0, v40;
	v40 =	vld [tilespmem:s28+$0x7A80]  }
0x108: {  	vm2 =	veq.s32 v60, $0x0;
	v60 =	vld [tilespmem:s28+$0x1180];
	v23 =	vadd.f32 v33, v23;
	v13 =	vadd.f32 v4, v13  }
0x109: {  	v4 =	vld [tilespmem:$0x1FE10];
	v43 =	vmul.f32 v3, v3  }
0x10a: {  	[tilespmem:$0x1FF30] =	vst v23;
	v23 =	vld [tilespmem:$0x1FF60];
	v13 =	vadd.f32 v8, v13  }
0x10b: {  	v8 =	vld [tilespmem:$0x1FD90];
	[tilespmem:$0x1FD60] =	vst v43;
	v43 =	vmul.f32 v11, v11  }
0x10c: {  	v37 =	vnsel vm7, $0x0, v13;
	v55 =	vsub.f32 $1.000000000e+00, v13;
	v13 =	vld [tilespmem:s28+$0x8880]  }
0x10d: {  	[tilespmem:$0x1FDE0] =	vst v43;
	v43 =	vmul.f32 v18, v18;
	v18 =	vld [tilespmem:s28+$0x3280]  }
0x10e: {  	v9 =	vadd.f32 v4, v9;
	v4 =	vld [tilespmem:s28+$0x9000]  }
0x10f: {  	v37 =	vadd.f32 v37, v19;
	v19 =	vld [tilespmem:s28+$0x8280]  }
0x110: {  	v38 =	vmax.f32 v55, $0.0e+00;
	v55 =	vld [tilespmem:s28+$0x5A80]  }
0x111: {  	v27 =	vadd.f32 v8, v9;
	v8 =	vld [tilespmem:s28+$0x8A00]  }
0x112: {  	v54 =	vnsel vm5, $0x0, v26;
	v9 =	vld [tilespmem:s28+$0x8A80]  }
0x113: {  	[tilespmem:$0x1FF40] =	vst v20;
	v20 =	vadd.f32 v54, v37;
	v37 =	vld [tilespmem:s28+$0x8000]  }
0x114: {  	v56 =	vsel vm7, $0x0, v38;
	v38 =	vld [tilespmem:s28+$0x7A00]  }
0x115: {  	v57 =	vadd.f32 v56, v23;
	v23 =	vld [tilespmem:$0x1FF70]  }
0x116: {  	[tilespmem:$0x1FD70] =	vst v44;
	v33 =	vmax.f32 v36, $0.0e+00;
	v54 =	vld [tilespmem:s28+$0x5A00];
	v44 =	vmul.f32 v13, v13  }
0x117: {  	v56 =	vld [tilespmem:s28+$0x5B00];
	v39 =	vnsel vm6, $0x0, v27;
	v27 =	vsub.f32 $1.000000000e+00, v27;
	[tilespmem:$0x1FF50] =	vst v20;
	v36 =	vmul.f32 v4, v4  }
0x118: {  	v20 =	vld [tilespmem:s28+$0x8380];
	[tilespmem:$0x1FDF0] =	vst v44  }
0x119: {  	v63 =	vmax.f32 v27, $0.0e+00;
	v27 =	vld [tilespmem:s28+$0x4A80];
	v44 =	vmul.f32 v19, v19;
	[tilespmem:$0x1FD50] =	vst v36;
	v36 =	vmul.f32 v12, v12  }
0x11a: {  	v19 =	vld [tilespmem:s28+$0x3300];
	v4 =	vmul.f32 v38, v38;
	v38 =	vmul.f32 v40, v40;
	v24 =	vadd.f32 v24, v23  }
0x11b: {  	v23 =	vld [tilespmem:$0x1FF80];
	[tilespmem:$0x1FDD0] =	vst v36  }
0x11c: {  	v36 =	vmul.f32 v15, v15;
	[tilespmem:$0x1FE70] =	vst v38;
	v38 =	vld [tilespmem:s28+$0x2280];
	v22 =	vadd.f32 v22, v24;
	v24 =	vsel vm6, $0x0, v63  }
0x11d: {  	v63 =	vld [tilespmem:s28+$0x5200];
	v24 =	vadd.f32 v24, v61;
	v61 =	vmul.f32 v7, v7  }
0x11e: {  	v34 =	vmax.f32 v34, $0.0e+00;
	[tilespmem:$0x1FE10] =	vst v36;
	v36 =	vmul.f32 v37, v37;
	v37 =	vmul.f32 v20, v20;
	v20 =	vld [tilespmem:s28+$0x2A00]  }
0x11f: {  	[tilespmem:$0x1FF70] =	vst v22;
	v22 =	vsel vm1, $0x0, v34;
	v34 =	vmul.f32 v1, v1;
	v1 =	vmul.f32 v47, v47;
	v47 =	vld [tilespmem:s28+$0xA00]  }
0x120: {  	v62 =	vadd.f32 v35, v23;
	v23 =	vld [tilespmem:$0x1FF90];
	[tilespmem:$0x1FD90] =	vst v61  }
0x121: {  	v61 =	vld [tilespmem:s28+$0x3B00];
	[tilespmem:$0x1FE50] =	vst v36  }
0x122: {  	v35 =	vmul.f32 v2, v2;
	[tilespmem:$0x1FE60] =	vst v37;
	v36 =	vld [tilespmem:s28+$0x2A80]  }
0x123: {  	v26 =	vsub.f32 $1.000000000e+00, v26;
	v37 =	vld [tilespmem:s28+$0x2200];
	[tilespmem:$0x1FCD0] =	vst v34;
	v34 =	vmul.f32 v9, v9  }
0x124: {  	v2 =	vmul.f32 v41, v41;
	v41 =	vld [tilespmem:s28+$0x1A00];
	[tilespmem:$0x1FD40] =	vst v35;
	v35 =	vmul.f32 v10, v10  }
0x125: {  	v29 =	vadd.f32 v29, v32;
	v26 =	vmax.f32 v26, $0.0e+00;
	[tilespmem:$0x1FDB0] =	vst v34;
	v34 =	vld [tilespmem:s28+$0x3B80]  }
0x126: {  	v26 =	vsel vm5, $0x0, v26;
	[tilespmem:$0x1FDC0] =	vst v35;
	v35 =	vmul.f32 v14, v14;
	v14 =	vld [tilespmem:s28+$0x3200]  }
0x127: {  	[tilespmem:$0x1FCC0] =	vst v29;
	v29 =	vadd.f32 v59, v23;
	v23 =	vadd.f32 v26, v57;
	v26 =	vld [tilespmem:s28+$0x4A00]  }
0x128: {  	v57 =	vld [tilespmem:s28+$0x4380]  }
0x129: {  	v13 =	vmul.f32 v61, v61;
	v61 =	vld [tilespmem:s28+$0x900]  }
0x12a: {  	v59 =	vmul.f32 v6, v6;
	[tilespmem:$0x1FF60] =	vst v23;
	v23 =	vadd.f32 v30, v62;
	v62 =	vld [tilespmem:s28+$0x5B80]  }
0x12b: {  	[tilespmem:$0x1FE00] =	vst v35;
	v35 =	vmul.f32 v42, v42;
	v22 =	vadd.f32 v22, v29;
	v29 =	vld [tilespmem:s28+$0x4B80]  }
0x12c: {  	[tilespmem:$0x1FD80] =	vst v59;
	v59 =	vld [tilespmem:s28+$0x3A00]  }
0x12d: {  	[tilespmem:$0x1FE40] =	vst v35;
	v35 =	vld [tilespmem:s28+$0x3380]  }
0x12e: {  	[tilespmem:$0x1FEC0] =	vst v5;
	v5 =	vmul.f32 v49, v49;
	v11 =	vmul.f32 v34, v34;
	v34 =	vld [tilespmem:s16+$0x0]  }
0x12f: {  	v49 =	vmul.f32 v51, v51;
	v51 =	vmul.f32 v53, v53;
	[tilespmem:$0x1FF80] =	vst v23;
	v23 =	vld [tilespmem:$0x1FFA0]  }
0x130: {  	v53 =	vmul.f32 v55, v55;
	[tilespmem:$0x1FF90] =	vst v22;
	v22 =	vld [tilespmem:s28+$0x7B00];
	v15 =	vmul.f32 v14, v14  }
0x131: {  	v14 =	vmul.f32 v18, v18;
	v18 =	vmul.f32 v36, v36;
	v36 =	vld [tilespmem:s28+$0xB80]  }
0x132: {  	v55 =	vmul.f32 v62, v62;
	v62 =	vmul.f32 v26, v26;
	v26 =	vld [tilespmem:s28+$0x1280]  }
0x133: {  	v12 =	vmul.f32 v59, v59;
	v59 =	vld [tilespmem:s28+$0x100]  }
0x134: {  	[tilespmem:$0x1FED0] =	vst v5;
	v5 =	vmul.f32 v63, v63;
	v21 =	vadd.f32 v21, v23;
	v23 =	vld [tilespmem:$0x1FFB0]  }
0x135: {  	v63 =	vmul.f32 v29, v29;
	v29 =	vmul.f32 v45, v45;
	v45 =	vld [tilespmem:s30+$0x0]  }
0x136: {  	v40 =	vmul.f32 v22, v22;
	v22 =	vld [tilespmem:s28+$0x2B80]  }
0x137: {  	v17 =	vadd.f32 v17, v21;
	v21 =	vld [tilespmem:s28+$0x7280]  }
0x138: {  	[tilespmem:$0x1FE80] =	vst v40;
	v40 =	vld [tilespmem:s28+$0x2380]  }
0x139: {  	v30 =	vadd.f32 v39, v23;
	v39 =	vld [tilespmem:s28+$0x7B80]  }
0x13a: {  	v23 =	vld [tilespmem:$0x1FFC0]  }
0x13b: {  	[tilespmem:$0x1FFA0] =	vst v17;
	v17 =	vadd.f32 v31, v30;
	v30 =	vld [tilespmem:s28+$0x4200]  }
0x13c: {  	v31 =	vld [tilespmem:s28+$0x4280]  }
0x13d: {  	[tilespmem:$0x1FE20] =	vst v43;
	v43 =	vmul.f32 v21, v21;
	v21 =	vld [tilespmem:s28+$0x2B00]  }
0x13e: {  	[tilespmem:$0x1FFB0] =	vst v17;
	v17 =	vsel vm0, $0x0, v33;
	v33 =	vmul.f32 v8, v8;
	v8 =	vmul.f32 v57, v57;
	v57 =	vld [tilespmem:s28+$0x880]  }
0x13f: {  	[tilespmem:$0x1FEA0] =	vst v43;
	v43 =	vld [tilespmem:s28+$0x980]  }
0x140: {  	v32 =	vadd.f32 v28, v23;
	v23 =	vld [tilespmem:s28+$0x5280]  }
0x141: {  	v17 =	vadd.f32 v17, v24;
	v24 =	vld [tilespmem:s28+$0x5300]  }
0x142: {  	v28 =	vld [tilespmem:s28+$0x4B00]  }
0x143: {  	v42 =	vmul.f32 v39, v39;
	v39 =	vld [tilespmem:s28+$0x2300]  }
0x144: {  	[tilespmem:$0x1FDA0] =	vst v33;
	v33 =	vld [tilespmem:s28+$0x3A80]  }
0x145: {  	[tilespmem:$0x1FCB0] =	vst v17;
	v17 =	vld [tilespmem:s28+$0x7380]  }
0x146: {  	v16 =	vadd.f32 v16, v32;
	v32 =	vld [tilespmem:s28+$0x4300]  }
0x147: {  	v34 =	vmul.f32 v34, v34;
	v36 =	vmul.f32 v36, v36;
	[tilespmem:$0x1FE90] =	vst v42;
	v42 =	vld [tilespmem:s28+$0x1A80]  }
0x148: {  	[tilespmem:$0x1FE30] =	vst v44;
	v7 =	vmul.f32 v30, v30;
	v6 =	vmul.f32 v31, v31;
	v31 =	vld [tilespmem:s28+$0xA80]  }
0x149: {  	[tilespmem:$0x1FCF0] =	vst v5;
	v30 =	vmul.f32 v47, v47;
	v47 =	vld [tilespmem:s28+$0x1000];
	v5 =	vmul.f32 v23, v23  }
0x14a: {  	[tilespmem:$0x1FFC0] =	vst v16;
	v16 =	vld [tilespmem:s28+$0x7300];
	v10 =	vmul.f32 v33, v33;
	v44 =	vmul.f32 v17, v17  }
0x14b: {  	v23 =	vld [tilespmem:s28+$0x1B00];
	[tilespmem:$0x1FD20] =	vst v5;
	v5 =	vmul.f32 v24, v24;
	v9 =	vmul.f32 v32, v32  }
0x14c: {  	v33 =	vld [tilespmem:s28+$0xB00];
	v17 =	vmul.f32 v19, v19;
	v19 =	vmul.f32 v20, v20  }
0x14d: {  	v24 =	vld [tilespmem:s28+$0x1B80];
	v20 =	vmul.f32 v22, v22;
	v22 =	vmul.f32 v38, v38  }
0x14e: {  	v32 =	vld [tilespmem:s28+$0x300];
	v38 =	vmul.f32 v39, v39;
	v39 =	vmul.f32 v40, v40  }
0x14f: {  	v34 =	vadd.f32 v36, v34;
	v40 =	vld [tilespmem:s28+$0x800];
	v36 =	vmul.f32 v47, v47;
	v3 =	vmul.f32 v16, v16  }
0x150: {  	v47 =	vld [tilespmem:s28+$0x1900];
	[tilespmem:$0x1FD00] =	vst v5;
	v5 =	vmul.f32 v25, v25;
	v16 =	vmul.f32 v35, v35  }
0x151: {  	v35 =	vmul.f32 v37, v37;
	v37 =	vmul.f32 v48, v48;
	v48 =	vld [tilespmem:$0x1FC90]  }
0x152: {  	[tilespmem:$0x1FEB0] =	vst v44;
	v25 =	vld [tilespmem:s28+$0x1200]  }
0x153: {  	v44 =	vld [tilespmem:s31+$0x0];
	[tilespmem:$0x1FD10] =	vst v5;
	v5 =	vmul.f32 v27, v27  }
0x154: {  	v61 =	vmul.f32 v61, v61;
	v27 =	vld [tilespmem:s28+$0x1300];
	v33 =	vmul.f32 v33, v33  }
0x155: {  	v32 =	vmul.f32 v32, v32;
	[tilespmem:$0x1FCE0] =	vst v5;
	v5 =	vmul.f32 v28, v28;
	v28 =	vld [tilespmem:s28+$0x1380]  }
0x156: {  	v59 =	vmul.f32 v59, v59;
	v40 =	vmul.f32 v40, v40;
	vm1 =	veq.s32 v48, $0x0;
	v48 =	vld [tilespmem:$0x1FCA0]  }
0x157: {  	v45 =	vmul.f32 v45, v45;
	v29 =	vadd.f32 v30, v29;
	v30 =	vadd.f32 v33, v32;
	v33 =	vld [tilespmem:s28+$0x1800]  }
0x158: {  	v57 =	vmul.f32 v57, v57;
	v31 =	vmul.f32 v31, v31;
	v32 =	vadd.f32 v40, v37;
	v40 =	vld [tilespmem:s28+$0x1880]  }
0x159: {  	v44 =	vmul.f32 v44, v44;
	v37 =	vmul.f32 v46, v46;
	v46 =	vadd.f32 v61, v59;
	v61 =	vld [tilespmem:$0x1FCB0]  }
0x15a: {  	v43 =	vmul.f32 v43, v43;
	v25 =	vmul.f32 v25, v25;
	v59 =	vld [tilespmem:$0x1FCC0]  }
0x15b: {  	v27 =	vmul.f32 v27, v27;
	v31 =	vadd.f32 v31, v44;
	v44 =	vadd.f32 v57, v45;
	v57 =	vld [tilespmem:$0x1FCD0]  }
0x15c: {  	v26 =	vmul.f32 v26, v26;
	v45 =	vmul.f32 v58, v58;
	v37 =	vadd.f32 v43, v37;
	v43 =	vld [tilespmem:s28+$0x2100]  }
0x15d: {  	v60 =	vmul.f32 v60, v60;
	v25 =	vadd.f32 v25, v29;
	v27 =	vadd.f32 v27, v30;
	v30 =	vld [tilespmem:s28+$0x2000]  }
0x15e: {  	v41 =	vmul.f32 v41, v41;
	v26 =	vadd.f32 v26, v31;
	v31 =	vadd.f32 v45, v44;
	v44 =	vld [tilespmem:s28+$0x2180]  }
0x15f: {  	v29 =	vadd.f32 v36, v32;
	v32 =	vadd.f32 v60, v37;
	v37 =	vld [tilespmem:s28+$0x2900]  }
0x160: {  	v28 =	vmul.f32 v28, v28;
	v25 =	vadd.f32 v41, v25;
	v41 =	vld [tilespmem:s28+$0x3180]  }
0x161: {  	v42 =	vmul.f32 v42, v42;
	v23 =	vmul.f32 v23, v23;
	vm0 =	veq.s32 v48, $0x0;
	v48 =	vld [tilespmem:s28+$0x1100]  }
0x162: {  	v24 =	vmul.f32 v24, v24;
	v33 =	vmul.f32 v33, v33;
	v28 =	vadd.f32 v28, v34;
	v34 =	vld [tilespmem:s28+$0x2080]  }
0x163: {  	v40 =	vmul.f32 v40, v40;
	v23 =	vadd.f32 v23, v27;
	v25 =	vadd.f32 v35, v25;
	v35 =	vld [tilespmem:s28+$0x4080]  }
0x164: {  	v26 =	vadd.f32 v42, v26;
	v60 =	vadd.f32 v33, v29;
	v29 =	vld [tilespmem:s28+$0x2800]  }
0x165: {  	v42 =	vmovc v2;
	v31 =	vadd.f32 v40, v31;
	v2 =	vmul.f32 v43, v43;
	v43 =	vld [tilespmem:s28+$0x3800];
	v24 =	vadd.f32 v24, v28  }
0x166: {  	v21 =	vmul.f32 v21, v21;
	v40 =	vld [tilespmem:s28+$0x4180];
	v23 =	vadd.f32 v38, v23;
	v22 =	vadd.f32 v22, v26  }
0x167: {  	v45 =	vmovc v1;
	v19 =	vadd.f32 v19, v25;
	v1 =	vmul.f32 v30, v30;
	v30 =	vld [tilespmem:s28+$0x2880];
	v58 =	vmul.f32 v48, v48  }
0x168: {  	v48 =	vld [tilespmem:s28+$0x1980];
	v24 =	vadd.f32 v39, v24;
	v39 =	vmul.f32 v37, v37;
	v21 =	vadd.f32 v21, v23  }
0x169: {  	v18 =	vadd.f32 v18, v22;
	v37 =	vld [tilespmem:s28+$0x4100];
	v36 =	vadd.f32 v58, v46;
	v58 =	vmul.f32 v47, v47  }
0x16a: {  	v15 =	vadd.f32 v15, v19;
	v17 =	vadd.f32 v17, v21;
	v21 =	vld [tilespmem:s28+$0x4000]  }
0x16b: {  	v34 =	vmul.f32 v34, v34;
	v20 =	vadd.f32 v20, v24;
	v36 =	vadd.f32 v58, v36;
	v58 =	vld [tilespmem:s28+$0x3000]  }
0x16c: {  	v27 =	vadd.f32 v1, v60;
	v29 =	vmul.f32 v29, v29;
	v13 =	vadd.f32 v13, v17;
	v17 =	vld [tilespmem:s28+$0x4800]  }
0x16d: {  	v14 =	vadd.f32 v14, v18;
	v16 =	vadd.f32 v16, v20;
	v20 =	vmul.f32 v43, v43;
	v43 =	vld [tilespmem:s28+$0x5800]  }
0x16e: {  	v46 =	vmovc v0;
	v1 =	vadd.f32 v34, v31;
	v30 =	vmul.f32 v30, v30;
	v0 =	vmul.f32 v48, v48;
	v48 =	vld [tilespmem:s28+$0x2980]  }
0x16f: {  	v50 =	vmul.f32 v50, v50;
	v12 =	vadd.f32 v12, v15;
	v33 =	vadd.f32 v2, v36;
	v2 =	vld [tilespmem:s28+$0x3100]  }
0x170: {  	v52 =	vmul.f32 v52, v52;
	v23 =	vadd.f32 v29, v27;
	v22 =	vadd.f32 v30, v1;
	v1 =	vld [tilespmem:s28+$0x3900]  }
0x171: {  	v54 =	vmul.f32 v54, v54;
	v7 =	vadd.f32 v7, v12;
	v9 =	vadd.f32 v9, v13;
	v13 =	vld [tilespmem:s28+$0x5000]  }
0x172: {  	v56 =	vmul.f32 v56, v56;
	v10 =	vadd.f32 v10, v14;
	v32 =	vadd.f32 v0, v32;
	v0 =	vld [tilespmem:s28+$0x3080]  }
0x173: {  	v38 =	vmovc v4;
	v60 =	vmul.f32 v44, v44;
	v11 =	vadd.f32 v11, v16;
	v4 =	vadd.f32 v62, v7;
	v62 =	vld [tilespmem:$0x1FD10]  }
0x174: {  	v6 =	vadd.f32 v6, v10;
	v47 =	vmul.f32 v48, v48;
	v48 =	vmul.f32 v58, v58;
	v58 =	vld [tilespmem:s28+$0x3880]  }
0x175: {  	v8 =	vadd.f32 v8, v11;
	v7 =	vadd.f32 v5, v9;
	v11 =	vmul.f32 v17, v17;
	v17 =	vld [tilespmem:s28+$0x5080]  }
0x176: {  	v32 =	vadd.f32 v60, v32;
	v60 =	vadd.f32 v39, v33;
	v31 =	vmul.f32 v2, v2;
	v2 =	vld [tilespmem:s28+$0x3980]  }
0x177: {  	v0 =	vmul.f32 v0, v0;
	v19 =	vadd.f32 v48, v23;
	v23 =	vmul.f32 v41, v41;
	v41 =	vld [tilespmem:s28+$0x4980]  }
0x178: {  	v16 =	vmul.f32 v21, v21;
	v27 =	vadd.f32 v47, v32;
	v47 =	vadd.f32 v63, v8;
	v48 =	vld [tilespmem:$0x1FCE0]  }
0x179: {  	v36 =	vadd.f32 v31, v60;
	v60 =	vld [tilespmem:$0x1FD00];
	v18 =	vadd.f32 v0, v22;
	v22 =	vmul.f32 v58, v58  }
0x17a: {  	v39 =	vmul.f32 v1, v1;
	v23 =	vadd.f32 v23, v27;
	v15 =	vadd.f32 v20, v19;
	v20 =	vld [tilespmem:s28+$0x4880]  }
0x17b: {  	v19 =	vmul.f32 v2, v2;
	v14 =	vadd.f32 v22, v18;
	v18 =	vmul.f32 v35, v35;
	v22 =	vld [tilespmem:s28+$0x4900]  }
0x17c: {  	v8 =	vmul.f32 v13, v13;
	v21 =	vadd.f32 v39, v36;
	v58 =	vld [tilespmem:$0x1FCF0];
	v12 =	vadd.f32 v16, v15  }
0x17d: {  	v19 =	vadd.f32 v19, v23;
	v23 =	vmul.f32 v37, v37;
	v10 =	vadd.f32 v18, v14;
	v18 =	vld [tilespmem:s28+$0x5100]  }
0x17e: {  	v63 =	vld [tilespmem:$0x1FD20];
	v15 =	vmul.f32 v40, v40;
	v6 =	vadd.f32 v48, v6;
	v9 =	vadd.f32 v11, v12  }
0x17f: {  	p0 =	sne.s32 s0, $0xF0;
	v11 =	vmul.f32 v41, v41;
	v12 =	vadd.f32 v60, v7;
	v16 =	vadd.f32 v23, v21;
	v23 =	vld [tilespmem:s28+$0x5180]  }
.Ltmp2:
0x180: {  	v5 =	vld [tilespmem:s28+$0x5880];
	v14 =	vmul.f32 v20, v20;
	v15 =	vadd.f32 v15, v19;
	v19 =	vmul.f32 v22, v22;
	(pc) =	sbr.rel @p0 .LBB2_3-.Ltmp2, $4  }
0x181: {  	v21 =	vmul.f32 v17, v17;
	v20 =	vadd.f32 v58, v4;
	v13 =	vadd.f32 v8, v9;
	v22 =	vld [tilespmem:s28+$0x5900]  }
0x182: {  	v17 =	vadd.f32 v11, v15;
	v11 =	vld [tilespmem:s28+$0x5980];
	v19 =	vadd.f32 v19, v16;
	v15 =	vmul.f32 v18, v18  }
0x183: {  	v58 =	vmul.f32 v43, v43;
	v16 =	vadd.f32 v14, v10;
	v18 =	vld [tilespmem:s28+$0x6000];
	v14 =	vadd.f32 v62, v47  }
0x184: {  	s0 =	sadd.s32 $0x10, s0;
	v44 =	vmovc v3;
	v10 =	vld [tilespmem:s28+$0x6080];
	v60 =	vmul.f32 v23, v23;
	v19 =	vadd.f32 v15, v19;
	v15 =	vadd.f32 v63, v6  }
0x185: {  	v23 =	vld [tilespmem:s28+$0x6100]  }
0x186: {  	v26 =	vld [tilespmem:s28+$0x6180]  }
0x187: {  	v27 =	vld [tilespmem:s28+$0x6800]  }
0x188: {  	v28 =	vld [tilespmem:s28+$0x6880]  }
0x189: {  	v29 =	vld [tilespmem:s28+$0x6900]  }
0x18a: {  	v30 =	vld [tilespmem:s28+$0x6980]  }
0x18b: {  	v31 =	vld [tilespmem:s28+$0x7000]  }
0x18c: {  	v32 =	vld [tilespmem:s28+$0x7080]  }
0x18d: {  	v33 =	vld [tilespmem:s28+$0x7100]  }
0x18e: {  	v34 =	vld [tilespmem:s28+$0x7180]  }
0x18f: {  	p0 =	seq.s32 s26, $0x3;
	v35 =	vld [tilespmem:s28+$0x7800]  }
0x190: {  	v36 =	vld [tilespmem:s28+$0x7880];
	s0 =	sshll.u32 @!p0 s26, $0x8  }
0x191: {  	v37 =	vld [tilespmem:s28+$0x7900];
	s0 =	sadd.s32 @!p0 s9, s0  }
0x192: {  	v39 =	vld [tilespmem:s28+$0x7980];
	s16 =	sshrl.u32 @!p0 s0, $0x9  }
0x193: {  	v41 =	vld [tilespmem:s28+$0x8080];
	s16 =	sadd.s32 @!p0 $0x6, s16  }
0x194: {  	v43 =	vld [tilespmem:s28+$0x8100];
	s0 =	sshll.u32 @!p0 s0, $0x9;
	s23 =	smul.u32 @!p0 $0x4C0000, s16  }
0x195: {  	v47 =	vld [tilespmem:s28+$0x8180];
	s0 =	sand.u32 @!p0 $0x3F000, s0  }
0x196: {  	v8 =	vld [tilespmem:s2+$0x13000];
	s28 =	simm.s32 @!p0 $0x800;
	s2 =	sshll.u32 @!p0 s16, $0x12;
	s23 =	sor.u32 @!p0 s0, s23  }
0x197: {  	s29 =	simm.s32 @!p0 $0x40000;
	s0 =	sor.u32 @!p0 s0, s2;
	s23 =	sshrl.u32 @!p0 s23, $0x3  }
0x198: {  	v7 =	vld [tilespmem:s30+$0x13000];
	s30 =	simm.s32 @!p0 $0x0;
	s0 =	sshrl.u32 @!p0 s0, $0x3;
	s23 =	sadd.s32 @!p0 s1, s23  }
0x199: {  	v9 =	vld [tilespmem:s31+$0x13000];
	[tilespmem:s30], [sflag:$0x1] =	stream.strided.gather @!p0 [hbm4b:s23+s28], $0x9800, s29, s28, $0x38  }
0x19a: {  	s2 =	simm.s32 @!p0 $0x13000;
	s0 =	sadd.s32 @!p0 s3, s0  }
0x19b: {  	[tilespmem:s2], [sflag:$0x3] =	stream.linear.gather @!p0 [hbm4b:s0+s30], $0x800, $0x38;
	[tilespmem:$0x14200] =	vst v63  }
0x19c: {  	_ =	swait.ge [sflag:s21], $0x9800  }
0x19d: {  	[sflag:s21] =	ssyncset.done $0x0  }
0x19e: {  	[sflag:s21] =	ssyncadd.s32 $0xFFFF6800  }
0x19f: {  	s29 =	simm.s32 $0x0;
	_ =	swait.ge [sflag:s22], $0x800  }
0x1a0: {  	s16 =	sand.u32 $0x70, s29;
	s23 =	sand.u32 $0x400, s29;
	[sflag:s22] =	ssyncset.done $0x0  }
0x1a1: {  	s28 =	sor.u32 s16, s23;
	[sflag:s22] =	ssyncadd.s32 $0xFFFFF800  }
0x1a2: {  	v0 =	vld [tilespmem:s28+$0x12B80];
	_ =	sdelay $0x4  }
0x1a3: {  	[tilespmem:$0x1FB00] =	vst v0;
	v0 =	vld [tilespmem:$0x1FEC0]  }
0x1a4: {  	v12 =	vadd.f32 v56, v12;
	_ =	sdelay $0x1  }
0x1a5: {  	v12 =	vadd.f32 v52, v12;
	_ =	sdelay $0x1  }
0x1a6: {  	v12 =	vadd.f32 v0, v12;
	v0 =	vld [tilespmem:$0x1FED0]  }
0x1a7: {  	v14 =	vadd.f32 v55, v14;
	_ =	sdelay $0x1  }
0x1a8: {  	v14 =	vadd.f32 v51, v14;
	_ =	sdelay $0x1  }
0x1a9: {  	v14 =	vadd.f32 v0, v14;
	v0 =	vld [tilespmem:$0x1FEB0];
	_ =	sdelay $0x3  }
0x1aa: {  	v15 =	vadd.f32 v53, v15  }
0x1ab: {  	v14 =	vadd.f32 v0, v14;
	v0 =	vld [tilespmem:$0x1FEA0]  }
0x1ac: {  	v15 =	vadd.f32 v49, v15;
	_ =	sdelay $0x1  }
0x1ad: {  	v15 =	vadd.f32 v45, v15;
	_ =	sdelay $0x1  }
0x1ae: {  	v15 =	vadd.f32 v0, v15;
	v0 =	vld [tilespmem:$0x1FE80];
	_ =	sdelay $0x2  }
0x1af: {  	v12 =	vadd.f32 v44, v12;
	_ =	sdelay $0x1  }
0x1b0: {  	v12 =	vadd.f32 v0, v12;
	v0 =	vld [tilespmem:$0x1FE90];
	_ =	sdelay $0x4  }
0x1b1: {  	v20 =	vadd.f32 v54, v20;
	v14 =	vadd.f32 v0, v14;
	v0 =	vld [tilespmem:$0x1FE70];
	_ =	sdelay $0x1  }
0x1b2: {  	v16 =	vadd.f32 v21, v16;
	v5 =	vmul.f32 v5, v5;
	v56 =	vadd.f32 v50, v20;
	_ =	sdelay $0x1  }
0x1b3: {  	v5 =	vadd.f32 v5, v16;
	v16 =	vmul.f32 v18, v18;
	v18 =	vadd.f32 v46, v56  }
0x1b4: {  	v15 =	vadd.f32 v0, v15;
	v0 =	vld [tilespmem:$0x1FE20]  }
0x1b5: {  	v21 =	vmul.f32 v22, v22;
	v18 =	vadd.f32 v42, v18  }
0x1b6: {  	v13 =	vadd.f32 v58, v13;
	v10 =	vmul.f32 v10, v10  }
0x1b7: {  	v19 =	vadd.f32 v21, v19;
	v20 =	vmul.f32 v23, v23;
	v18 =	vadd.f32 v38, v18  }
0x1b8: {  	v13 =	vadd.f32 v16, v13;
	v10 =	vadd.f32 v10, v5;
	v5 =	vmul.f32 v27, v27  }
0x1b9: {  	v16 =	vadd.f32 v20, v19;
	v20 =	vmul.f32 v28, v28;
	v18 =	vadd.f32 v0, v18;
	v0 =	vld [tilespmem:$0x1FE40];
	_ =	sdelay $0x1  }
0x1ba: {  	v13 =	vadd.f32 v5, v13;
	v10 =	vadd.f32 v20, v10;
	v20 =	vmul.f32 v31, v31;
	_ =	sdelay $0x1  }
0x1bb: {  	v13 =	vadd.f32 v20, v13;
	v20 =	vmul.f32 v32, v32  }
0x1bc: {  	v12 =	vadd.f32 v0, v12;
	v0 =	vld [tilespmem:$0x1FE50]  }
0x1bd: {  	v10 =	vadd.f32 v20, v10;
	v20 =	vmul.f32 v35, v35;
	_ =	sdelay $0x1  }
0x1be: {  	v13 =	vadd.f32 v20, v13;
	_ =	sdelay $0x1  }
0x1bf: {  	v13 =	vadd.f32 v0, v13;
	v0 =	vld [tilespmem:$0x1FE60];
	_ =	sdelay $0x4  }
0x1c0: {  	v14 =	vadd.f32 v0, v14;
	v0 =	vld [tilespmem:$0x1FE30];
	_ =	sdelay $0x4  }
0x1c1: {  	v15 =	vadd.f32 v0, v15;
	v0 =	vld [tilespmem:$0x1FDA0];
	_ =	sdelay $0x4  }
0x1c2: {  	v18 =	vadd.f32 v0, v18;
	v0 =	vld [tilespmem:$0x1FDC0];
	_ =	sdelay $0x4  }
0x1c3: {  	v12 =	vadd.f32 v0, v12;
	v0 =	vld [tilespmem:$0x1FDD0];
	_ =	sdelay $0x1  }
0x1c4: {  	v17 =	vadd.f32 v60, v17;
	v21 =	vmul.f32 v11, v11;
	_ =	sdelay $0x1  }
0x1c5: {  	v17 =	vadd.f32 v21, v17  }
0x1c6: {  	v58 =	vmul.f32 v26, v26;
	v46 =	vmul.f32 v29, v29;
	v13 =	vadd.f32 v0, v13;
	v0 =	vld [tilespmem:$0x1FDE0];
	_ =	sdelay $0x1  }
0x1c7: {  	v17 =	vadd.f32 v58, v17;
	v58 =	vmul.f32 v33, v33;
	v16 =	vadd.f32 v46, v16;
	_ =	sdelay $0x1  }
0x1c8: {  	v33 =	vmul.f32 v34, v34;
	v34 =	vmul.f32 v37, v37;
	v16 =	vadd.f32 v58, v16  }
0x1c9: {  	v14 =	vadd.f32 v0, v14;
	v0 =	vld [tilespmem:$0x1FE00]  }
0x1ca: {  	v56 =	vmul.f32 v30, v30;
	v51 =	vmul.f32 v43, v43;
	v16 =	vadd.f32 v34, v16;
	_ =	sdelay $0x1  }
0x1cb: {  	v17 =	vadd.f32 v56, v17;
	v16 =	vadd.f32 v51, v16;
	_ =	sdelay $0x1  }
0x1cc: {  	v17 =	vadd.f32 v33, v17;
	v33 =	vadd.f32 v0, v16;
	v0 =	vld [tilespmem:$0x1FDB0];
	_ =	sdelay $0x3  }
0x1cd: {  	v20 =	vmul.f32 v36, v36  }
0x1ce: {  	v15 =	vadd.f32 v0, v15;
	v0 =	vld [tilespmem:$0x1FDF0]  }
0x1cf: {  	v10 =	vadd.f32 v20, v10;
	v20 =	vmul.f32 v41, v41;
	_ =	sdelay $0x1  }
0x1d0: {  	v10 =	vadd.f32 v20, v10;
	_ =	sdelay $0x1  }
0x1d1: {  	v10 =	vadd.f32 v0, v10;
	v0 =	vld [tilespmem:s28+$0x10280];
	_ =	sdelay $0x3  }
0x1d2: {  	v35 =	vmul.f32 v39, v39  }
0x1d3: {  	[tilespmem:$0x1FBC0] =	vst v0;
	v0 =	vld [tilespmem:$0x1FE10]  }
0x1d4: {  	v32 =	vmul.f32 v47, v47;
	v17 =	vadd.f32 v35, v17;
	_ =	sdelay $0x1  }
0x1d5: {  	v17 =	vadd.f32 v32, v17;
	_ =	sdelay $0x1  }
0x1d6: {  	v17 =	vadd.f32 v0, v17;
	v0 =	vld [tilespmem:$0x1FD50];
	_ =	sdelay $0x4  }
0x1d7: {  	v13 =	vadd.f32 v0, v13;
	v0 =	vld [tilespmem:$0x1FD30];
	_ =	sdelay $0x4  }
0x1d8: {  	vm6 =	veq.s32 v9, $0x0;
	v9 =	vadd.f32 v0, v18;
	v0 =	vld [tilespmem:$0x1FD40];
	_ =	sdelay $0x4  }
0x1d9: {  	v20 =	vadd.f32 v0, v12;
	v0 =	vld [tilespmem:$0x1FD60];
	_ =	sdelay $0x4  }
0x1da: {  	v26 =	vadd.f32 v0, v14;
	v0 =	vld [tilespmem:s28+$0xFA00];
	_ =	sdelay $0x4  }
0x1db: {  	[tilespmem:$0x1FBF0] =	vst v0;
	v0 =	vld [tilespmem:$0x1FD80];
	_ =	sdelay $0x4  }
0x1dc: {  	vm5 =	veq.s32 v8, $0x0;
	v8 =	vadd.f32 v0, v33;
	v0 =	vld [tilespmem:s28+$0xFA80];
	_ =	sdelay $0x4  }
0x1dd: {  	[tilespmem:$0x1FC00] =	vst v0;
	v0 =	vld [tilespmem:$0x1FD70];
	_ =	sdelay $0x4  }
0x1de: {  	v10 =	vadd.f32 v0, v10;
	v0 =	vld [tilespmem:s28+$0xFB00];
	_ =	sdelay $0x4  }
0x1df: {  	[tilespmem:$0x1FC10] =	vst v0;
	v0 =	vld [tilespmem:$0x1FD90];
	_ =	sdelay $0x4  }
0x1e0: {  	v17 =	vadd.f32 v0, v17;
	v0 =	vld [tilespmem:s28+$0xFB80];
	_ =	sdelay $0x4  }
0x1e1: {  	[tilespmem:$0x1FC20] =	vst v0;
	v0 =	vld [tilespmem:$0x1FF30]  }
0x1e2: {  	vm7 =	veq.s32 v7, $0x0;
	v7 =	vsub.f32 $1.000000000e+00, v13;
	_ =	sdelay $0x1  }
0x1e3: {  	v7 =	vmax.f32 v7, $0.0e+00  }
0x1e4: {  	v7 =	vsel vm4, $0x0, v7  }
0x1e5: {  	v7 =	vadd.f32 v7, v0;
	v0 =	vld [tilespmem:s28+$0xF200];
	_ =	sdelay $0x4  }
0x1e6: {  	[tilespmem:$0x1FC30] =	vst v0;
	v0 =	vld [tilespmem:$0x1FF40];
	_ =	sdelay $0x2  }
0x1e7: {  	v56 =	vimm.f32 $0.0e+00  }
0x1e8: {  	v14 =	vsel vm4, $0x3F800000, v56  }
0x1e9: {  	v34 =	vadd.f32 v14, v0;
	v0 =	vld [tilespmem:s28+$0xF280];
	_ =	sdelay $0x4  }
0x1ea: {  	[tilespmem:$0x1FC40] =	vst v0;
	v0 =	vld [tilespmem:$0x1FF50];
	_ =	sdelay $0x3  }
0x1eb: {  	v14 =	vnsel vm7, $0x0, v10  }
0x1ec: {  	v27 =	vadd.f32 v14, v0;
	v0 =	vld [tilespmem:s28+$0xF380];
	_ =	sdelay $0x1  }
0x1ed: {  	s2 =	sor.u32 s29, s29;
	v6 =	vld [tilespmem:s28+$0x13A00]  }
0x1ee: {  	s0 =	sor.u32 $0x380, s2;
	v2 =	vld [tilespmem:s28+$0x13B00]  }
0x1ef: {  	v3 =	vld [tilespmem:s0+$0x13800]  }
0x1f0: {  	[tilespmem:$0x1FC50] =	vst v0;
	v0 =	vld [tilespmem:s28+$0xEA80]  }
0x1f1: {  	v4 =	vld [tilespmem:s28+$0x13800]  }
0x1f2: {  	v24 =	vld [tilespmem:s28+$0x13900]  }
0x1f3: {  	v25 =	vld [tilespmem:s28+$0x12A00]  }
0x1f4: {  	v40 =	vld [tilespmem:s28+$0x12A80]  }
0x1f5: {  	[tilespmem:$0x1FC60] =	vst v0;
	v0 =	vld [tilespmem:s28+$0xEB00]  }
0x1f6: {  	v48 =	vld [tilespmem:s28+$0x12B00]  }
0x1f7: {  	v54 =	vld [tilespmem:s28+$0x12800]  }
0x1f8: {  	v60 =	vld [tilespmem:s28+$0x12880]  }
0x1f9: {  	v11 =	vld [tilespmem:s28+$0x12900]  }
0x1fa: {  	[tilespmem:$0x1FC70] =	vst v0;
	v0 =	vld [tilespmem:$0x1FF60]  }
0x1fb: {  	v62 =	vld [tilespmem:s28+$0x12980];
	v10 =	vsub.f32 $1.000000000e+00, v10  }
0x1fc: {  	v63 =	vld [tilespmem:s28+$0x12200]  }
0x1fd: {  	v50 =	vld [tilespmem:s28+$0x12280];
	v13 =	vnsel vm4, $0x0, v13;
	v10 =	vmax.f32 v10, $0.0e+00  }
0x1fe: {  	v49 =	vld [tilespmem:s28+$0x12300];
	v13 =	vadd.f32 v13, v59;
	v18 =	vsub.f32 $1.000000000e+00, v9;
	v10 =	vsel vm7, $0x0, v10  }
0x1ff: {  	v9 =	vnsel vm3, $0x0, v9;
	v10 =	vadd.f32 v10, v0;
	v0 =	vld [tilespmem:$0x1FF70]  }
0x200: {  	v52 =	vld [tilespmem:s28+$0x12380];
	v15 =	vadd.f32 v57, v15;
	v9 =	vadd.f32 v9, v13;
	v13 =	vmax.f32 v18, $0.0e+00  }
0x201: {  	v5 =	vld [tilespmem:s28+$0x12000];
	v13 =	vsel vm3, $0x0, v13  }
0x202: {  	v46 =	vld [tilespmem:s28+$0x12080];
	v13 =	vadd.f32 v13, v7;
	v7 =	vnsel vm6, $0x0, v15  }
0x203: {  	v45 =	vld [tilespmem:s28+$0x12100];
	v27 =	vadd.f32 v7, v27;
	v7 =	vsub.f32 $1.000000000e+00, v15;
	v15 =	vsel vm7, $0x3F800000, v56  }
0x204: {  	v15 =	vadd.f32 v15, v0;
	v0 =	vld [tilespmem:s28+$0xEB80]  }
0x205: {  	v42 =	vld [tilespmem:s28+$0x12180]  }
0x206: {  	v22 =	vld [tilespmem:s28+$0x11A80]  }
0x207: {  	v53 =	vld [tilespmem:s28+$0x11B00]  }
0x208: {  	v55 =	vld [tilespmem:s28+$0x11B80]  }
0x209: {  	[tilespmem:$0x1FC80] =	vst v0;
	v0 =	vld [tilespmem:$0x1FF80]  }
0x20a: {  	v38 =	vld [tilespmem:s28+$0x11800]  }
0x20b: {  	v21 =	vld [tilespmem:s28+$0x11200]  }
0x20c: {  	v37 =	vld [tilespmem:s28+$0x11280]  }
0x20d: {  	v39 =	vld [tilespmem:s28+$0x11300];
	v36 =	vsub.f32 $1.000000000e+00, v8;
	v8 =	vnsel vm2, $0x0, v8  }
0x20e: {  	v8 =	vadd.f32 v8, v0;
	v0 =	vld [tilespmem:$0x1FF90]  }
0x20f: {  	v58 =	vld [tilespmem:s28+$0x11380]  }
0x210: {  	v41 =	vld [tilespmem:s28+$0x10A00]  }
0x211: {  	v47 =	vld [tilespmem:s28+$0x10A80];
	v29 =	vmax.f32 v36, $0.0e+00  }
0x212: {  	v43 =	vld [tilespmem:s28+$0x10B00];
	v29 =	vsel vm2, $0x0, v29  }
0x213: {  	v30 =	vsub.f32 $1.000000000e+00, v20;
	v29 =	vadd.f32 v29, v0;
	v0 =	vld [tilespmem:$0x1FFA0]  }
0x214: {  	v23 =	vld [tilespmem:s28+$0x10B80]  }
0x215: {  	v51 =	vld [tilespmem:s28+$0x10200];
	v20 =	vnsel vm1, $0x0, v20;
	v30 =	vmax.f32 v30, $0.0e+00  }
0x216: {  	v19 =	vld [tilespmem:s28+$0xEA00];
	v8 =	vadd.f32 v20, v8;
	v20 =	vsel vm1, $0x0, v30  }
0x217: {  	v31 =	vld [tilespmem:s28+$0xB200];
	v20 =	vadd.f32 v20, v29;
	v29 =	vsel vm2, $0x3F800000, v56  }
0x218: {  	v7 =	vmax.f32 v7, $0.0e+00;
	v29 =	vadd.f32 v29, v0;
	v0 =	vld [tilespmem:$0x1FFB0]  }
0x219: {  	v32 =	vld [tilespmem:s28+$0xB300];
	v7 =	vsel vm6, $0x0, v7  }
0x21a: {  	v1 =	vld [tilespmem:s28+$0xA280];
	v10 =	vadd.f32 v7, v10  }
0x21b: {  	v44 =	vld [tilespmem:s28+$0x11A00];
	v57 =	vsel vm6, $0x3F800000, v56;
	v9 =	vadd.f32 v27, v9  }
0x21c: {  	v16 =	vld [tilespmem:s28+$0x10300];
	v10 =	vadd.f32 v10, v13;
	v30 =	vsub.f32 $1.000000000e+00, v17;
	v17 =	vnsel vm5, $0x0, v17  }
0x21d: {  	v59 =	vld [tilespmem:s28+$0x9A00];
	v15 =	vadd.f32 v57, v15;
	v17 =	vadd.f32 v17, v0  }
0x21e: {  	s16 =	sand.u32 $0xFFFFFC00, s29;
	v57 =	vsub.f32 $1.000000000e+00, v26;
	v26 =	vnsel vm0, $0x0, v26;
	v10 =	vadd.f32 v20, v10;
	v20 =	vld [tilespmem:$0x1FFF0]  }
0x21f: {  	s23 =	sadd.s32 $0x0, s16;
	v18 =	vld [tilespmem:s28+$0xE200];
	v8 =	vadd.f32 v8, v9;
	v17 =	vadd.f32 v26, v17  }
0x220: {  	s31 =	sor.u32 $0x280, s23;
	v35 =	vsel vm3, $0x3F800000, v56;
	v12 =	vld [tilespmem:s28+$0x10380];
	v30 =	vmax.f32 v30, $0.0e+00  }
0x221: {  	vm3 =	veq.s32 v6, $0x0;
	v6 =	vld [tilespmem:s31+$0x9800];
	v30 =	vsel vm5, $0x0, v30;
	v8 =	vadd.f32 v17, v8  }
0x222: {  	v57 =	vmax.f32 v57, $0.0e+00;
	v30 =	vadd.f32 v30, v61;
	v0 =	vld [tilespmem:$0x1FFC0]  }
0x223: {  	v26 =	vsel vm0, $0x0, v57;
	v8 =	vadd.f32 v8, v20;
	v20 =	vld [tilespmem:$0x1FFE0]  }
0x224: {  	v33 =	vld [tilespmem:s28+$0xAA00];
	v26 =	vadd.f32 v26, v30  }
0x225: {  	v28 =	vadd.f32 v35, v34;
	v34 =	vld [tilespmem:s28+$0xAA80]  }
0x226: {  	v27 =	vld [tilespmem:s28+$0xA300];
	v10 =	vadd.f32 v26, v10  }
0x227: {  	v36 =	vsel vm5, $0x3F800000, v56;
	v13 =	vadd.f32 v15, v28;
	v28 =	vld [tilespmem:s0+$0x9800]  }
0x228: {  	v61 =	vld [tilespmem:s28+$0xA200];
	v36 =	vadd.f32 v36, v0;
	v0 =	vsel vm1, $0x3F800000, v56;
	v10 =	vadd.f32 v10, v20  }
0x229: {  	v17 =	vld [tilespmem:s28+$0xA000];
	v0 =	vadd.f32 v0, v29  }
0x22a: {  	v15 =	vsel vm0, $0x3F800000, v56;
	[tilespmem:$0x1FAE0] =	vst v10;
	v10 =	vld [tilespmem:$0x1FFD0]  }
0x22b: {  	v15 =	vadd.f32 v15, v36;
	v0 =	vadd.f32 v0, v13;
	v13 =	vld [tilespmem:s28+$0x9800]  }
0x22c: {  	s0 =	sor.u32 $0x80, s23;
	v9 =	vld [tilespmem:s28+$0xA380]  }
0x22d: {  	vm4 =	veq.s32 v4, $0x0;
	vm2 =	veq.s32 v24, $0x0;
	v24 =	vld [tilespmem:s0+$0x9800];
	v0 =	vadd.f32 v15, v0  }
0x22e: {  	v4 =	vmul.f32 v61, v61;
	vm0 =	veq.s32 v3, $0x0;
	v3 =	vmul.f32 v59, v59;
	v29 =	vld [tilespmem:s28+$0x9B00]  }
0x22f: {  	vm1 =	veq.s32 v2, $0x0;
	v2 =	vld [tilespmem:s28+$0xA180];
	v0 =	vadd.f32 v0, v10  }
0x230: {  	v3 =	vadd.f32 v4, v3;
	[tilespmem:$0x1FAD0] =	vst v8;
	v8 =	vld [tilespmem:s28+$0x9900];
	v4 =	vmul.f32 v13, v13;
	v13 =	vmul.f32 v17, v17  }
0x231: {  	[tilespmem:$0x1FAF0] =	vst v0;
	v0 =	vld [tilespmem:s28+$0xA100]  }
0x232: {  	v4 =	vadd.f32 v13, v4;
	v13 =	vld [tilespmem:s28+$0xA800]  }
0x233: {  	s30 =	sor.u32 $0x180, s23;
	v15 =	vld [tilespmem:s28+$0xA080];
	v20 =	vmul.f32 v27, v27;
	v10 =	vmul.f32 v29, v29  }
0x234: {  	v1 =	vmul.f32 v1, v1;
	v6 =	vmul.f32 v6, v6;
	v17 =	vld [tilespmem:s30+$0x9800]  }
0x235: {  	v35 =	vld [tilespmem:s28+$0xAB00];
	v9 =	vmul.f32 v9, v9;
	v10 =	vadd.f32 v20, v10;
	v20 =	vmul.f32 v28, v28  }
0x236: {  	v26 =	vld [tilespmem:s28+$0xAB80];
	v8 =	vmul.f32 v8, v8;
	v0 =	vmul.f32 v0, v0  }
0x237: {  	v1 =	vadd.f32 v1, v6;
	v13 =	vmul.f32 v13, v13;
	v9 =	vadd.f32 v9, v20;
	v20 =	vld [tilespmem:s28+$0xA900]  }
0x238: {  	v7 =	vld [tilespmem:s28+$0xB280];
	v0 =	vadd.f32 v0, v8;
	v8 =	vmul.f32 v15, v15;
	v15 =	vmul.f32 v24, v24  }
0x239: {  	v2 =	vmul.f32 v2, v2;
	v6 =	vmul.f32 v17, v17;
	v4 =	vadd.f32 v13, v4;
	v13 =	vld [tilespmem:s28+$0xB100]  }
0x23a: {  	v24 =	vld [tilespmem:s28+$0xA880];
	v8 =	vadd.f32 v8, v15;
	v15 =	vmul.f32 v33, v33  }
0x23b: {  	v17 =	vld [tilespmem:s28+$0xA980];
	v2 =	vadd.f32 v2, v6;
	v6 =	vmul.f32 v26, v26  }
0x23c: {  	v26 =	vld [tilespmem:s28+$0xB000];
	v3 =	vadd.f32 v15, v3;
	v15 =	vmul.f32 v20, v20  }
0x23d: {  	v12 =	vmul.f32 v12, v12;
	v27 =	vmul.f32 v35, v35;
	v28 =	vld [tilespmem:s28+$0xB380];
	v6 =	vadd.f32 v6, v9  }
0x23e: {  	v9 =	vmul.f32 v34, v34;
	v13 =	vmul.f32 v13, v13;
	v20 =	vld [tilespmem:s28+$0xB080];
	v0 =	vadd.f32 v15, v0  }
0x23f: {  	v10 =	vadd.f32 v27, v10;
	v27 =	vmul.f32 v32, v32;
	v15 =	vmul.f32 v24, v24;
	v24 =	vld [tilespmem:s28+$0xB180]  }
0x240: {  	v1 =	vadd.f32 v9, v1;
	v9 =	vmul.f32 v31, v31;
	v0 =	vadd.f32 v13, v0;
	v13 =	vld [tilespmem:s28+$0xBA80]  }
0x241: {  	v17 =	vmul.f32 v17, v17;
	v8 =	vadd.f32 v15, v8;
	v15 =	vmul.f32 v26, v26;
	v26 =	vld [tilespmem:s28+$0xB800]  }
0x242: {  	[tilespmem:$0x1FBE0] =	vst v12;
	v12 =	vld [tilespmem:s28+$0xE280];
	v3 =	vadd.f32 v9, v3;
	v9 =	vadd.f32 v27, v10;
	v10 =	vmul.f32 v28, v28  }
0x243: {  	v7 =	vmul.f32 v7, v7;
	v29 =	vld [tilespmem:s28+$0xBA00];
	v2 =	vadd.f32 v17, v2  }
0x244: {  	v17 =	vld [tilespmem:s28+$0xBB00];
	v6 =	vadd.f32 v10, v6;
	v10 =	vmul.f32 v20, v20;
	v20 =	vmul.f32 v24, v24  }
0x245: {  	v1 =	vadd.f32 v7, v1;
	v24 =	vld [tilespmem:s28+$0xB900];
	v13 =	vmul.f32 v13, v13  }
0x246: {  	v2 =	vadd.f32 v20, v2;
	v20 =	vmul.f32 v26, v26;
	v26 =	vld [tilespmem:$0x1FB00]  }
0x247: {  	v1 =	vadd.f32 v13, v1;
	v13 =	vld [tilespmem:s28+$0xC100]  }
0x248: {  	v33 =	vmul.f32 v11, v11;
	v11 =	vld [tilespmem:s28+$0xC280]  }
0x249: {  	v4 =	vadd.f32 v15, v4;
	v15 =	vld [tilespmem:s28+$0xBB80]  }
0x24a: {  	v8 =	vadd.f32 v10, v8;
	v10 =	vmul.f32 v17, v17;
	v17 =	vld [tilespmem:s28+$0xB880];
	v24 =	vmul.f32 v24, v24  }
0x24b: {  	v7 =	vmul.f32 v29, v29;
	v4 =	vadd.f32 v20, v4;
	v20 =	vld [tilespmem:s28+$0xC300]  }
0x24c: {  	v31 =	vmul.f32 v26, v26;
	v0 =	vadd.f32 v24, v0;
	v26 =	vld [tilespmem:s28+$0xC380];
	v13 =	vmul.f32 v13, v13  }
0x24d: {  	v3 =	vadd.f32 v7, v3;
	v7 =	vld [tilespmem:s28+$0xB980]  }
0x24e: {  	v15 =	vmul.f32 v15, v15;
	v0 =	vadd.f32 v13, v0;
	v13 =	vld [tilespmem:s28+$0xCB80]  }
0x24f: {  	v14 =	vld [tilespmem:s28+$0xF300];
	v17 =	vmul.f32 v17, v17  }
0x250: {  	v61 =	vld [tilespmem:s28+$0xE980];
	v6 =	vadd.f32 v15, v6  }
0x251: {  	v15 =	vld [tilespmem:s28+$0xC000];
	v8 =	vadd.f32 v17, v8;
	v17 =	vmul.f32 v20, v20;
	v20 =	vmul.f32 v26, v26  }
0x252: {  	v36 =	vmul.f32 v5, v5;
	v9 =	vadd.f32 v10, v9;
	v10 =	vld [tilespmem:s28+$0xC200];
	v7 =	vmul.f32 v7, v7  }
0x253: {  	v5 =	vmul.f32 v11, v11;
	v11 =	vld [tilespmem:s28+$0xC800];
	v6 =	vadd.f32 v20, v6;
	v13 =	vmul.f32 v13, v13  }
0x254: {  	v2 =	vadd.f32 v7, v2;
	v7 =	vld [tilespmem:s28+$0xC080]  }
0x255: {  	v6 =	vadd.f32 v13, v6;
	v13 =	vld [tilespmem:s28+$0xD000]  }
0x256: {  	v1 =	vadd.f32 v5, v1;
	v5 =	vld [tilespmem:s28+$0xC900];
	v15 =	vmul.f32 v15, v15  }
0x257: {  	v10 =	vmul.f32 v10, v10;
	v9 =	vadd.f32 v17, v9;
	v17 =	vld [tilespmem:s28+$0xCA00]  }
0x258: {  	v11 =	vmul.f32 v11, v11;
	v4 =	vadd.f32 v15, v4;
	v15 =	vld [tilespmem:s28+$0xCB00]  }
0x259: {  	v3 =	vadd.f32 v10, v3;
	v10 =	vld [tilespmem:s28+$0xC180]  }
0x25a: {  	v29 =	vmul.f32 v48, v48;
	v4 =	vadd.f32 v11, v4;
	v11 =	vld [tilespmem:s28+$0xD300];
	v13 =	vmul.f32 v13, v13  }
0x25b: {  	v48 =	vmul.f32 v16, v16;
	v16 =	vld [tilespmem:$0x1FC20];
	v7 =	vmul.f32 v7, v7  }
0x25c: {  	v5 =	vmul.f32 v5, v5;
	v17 =	vmul.f32 v17, v17;
	v4 =	vadd.f32 v13, v4;
	v13 =	vld [tilespmem:s28+$0xDB00]  }
0x25d: {  	v7 =	vadd.f32 v7, v8;
	v8 =	vld [tilespmem:s28+$0xCA80];
	v20 =	vmul.f32 v44, v44;
	v15 =	vmul.f32 v15, v15  }
0x25e: {  	v0 =	vadd.f32 v5, v0;
	v10 =	vmul.f32 v10, v10;
	v3 =	vadd.f32 v17, v3;
	v17 =	vld [tilespmem:s28+$0xC980]  }
0x25f: {  	v5 =	vld [tilespmem:s28+$0xD380];
	[tilespmem:$0x1FB10] =	vst v20;
	v20 =	vmul.f32 v22, v22;
	v9 =	vadd.f32 v15, v9;
	v11 =	vmul.f32 v11, v11  }
0x260: {  	v28 =	vmul.f32 v60, v60;
	v60 =	vmul.f32 v14, v14;
	v14 =	vld [tilespmem:$0x1FC50];
	v2 =	vadd.f32 v10, v2  }
0x261: {  	v10 =	vld [tilespmem:s28+$0xC880];
	[tilespmem:$0x1FB20] =	vst v20;
	v20 =	vmul.f32 v53, v53;
	v9 =	vadd.f32 v11, v9;
	v13 =	vmul.f32 v13, v13  }
0x262: {  	v8 =	vmul.f32 v8, v8;
	v15 =	vld [tilespmem:s28+$0xD200]  }
0x263: {  	[tilespmem:$0x1FB30] =	vst v20;
	v20 =	vmul.f32 v55, v55;
	v17 =	vmul.f32 v17, v17;
	v9 =	vadd.f32 v13, v9;
	v13 =	vld [tilespmem:$0x1FBF0]  }
0x264: {  	v25 =	vmul.f32 v25, v25;
	v1 =	vadd.f32 v8, v1;
	v8 =	vld [tilespmem:s28+$0xD100];
	v5 =	vmul.f32 v5, v5  }
0x265: {  	v38 =	vmul.f32 v38, v38;
	[tilespmem:$0x1FB40] =	vst v20;
	v20 =	vmul.f32 v21, v21;
	v2 =	vadd.f32 v17, v2;
	v17 =	vld [tilespmem:s28+$0xD080]  }
0x266: {  	v37 =	vmul.f32 v37, v37;
	v24 =	vmul.f32 v50, v50;
	v5 =	vadd.f32 v5, v6;
	v6 =	vld [tilespmem:s28+$0xD800]  }
0x267: {  	v10 =	vmul.f32 v10, v10;
	v11 =	vld [tilespmem:s28+$0xDA00];
	[tilespmem:$0x1FB50] =	vst v20;
	v20 =	vmul.f32 v39, v39  }
0x268: {  	v15 =	vmul.f32 v15, v15;
	v50 =	vmul.f32 v13, v13;
	v13 =	vld [tilespmem:$0x1FC00]  }
0x269: {  	v7 =	vadd.f32 v10, v7;
	v10 =	vld [tilespmem:s28+$0xD280];
	v8 =	vmul.f32 v8, v8;
	[tilespmem:$0x1FB60] =	vst v20;
	v20 =	vmul.f32 v41, v41  }
0x26a: {  	v30 =	vmul.f32 v54, v54;
	v3 =	vadd.f32 v15, v3;
	v15 =	vld [tilespmem:s28+$0xD180];
	v17 =	vmul.f32 v17, v17  }
0x26b: {  	v35 =	vmul.f32 v49, v49;
	v0 =	vadd.f32 v8, v0;
	v8 =	vld [tilespmem:s28+$0xDB80];
	[tilespmem:$0x1FB70] =	vst v20;
	v20 =	vmul.f32 v47, v47  }
0x26c: {  	v6 =	vmul.f32 v6, v6;
	v11 =	vmul.f32 v11, v11;
	v7 =	vadd.f32 v17, v7;
	v17 =	vld [tilespmem:s28+$0xDA80]  }
0x26d: {  	v57 =	vimm.f32 $0.0e+00;
	[tilespmem:$0x1FB80] =	vst v20;
	v20 =	vmul.f32 v43, v43;
	v49 =	vmul.f32 v13, v13;
	v13 =	vld [tilespmem:$0x1FC10]  }
0x26e: {  	v32 =	vmul.f32 v62, v62;
	v4 =	vadd.f32 v6, v4;
	v6 =	vld [tilespmem:s28+$0xE300];
	v10 =	vmul.f32 v10, v10  }
0x26f: {  	v3 =	vadd.f32 v11, v3;
	v11 =	vld [tilespmem:s28+$0xD980];
	[tilespmem:$0x1FB90] =	vst v20;
	v20 =	vmul.f32 v23, v23;
	v15 =	vmul.f32 v15, v15  }
0x270: {  	v27 =	vmul.f32 v40, v40;
	v40 =	vmul.f32 v52, v52;
	v1 =	vadd.f32 v10, v1;
	v10 =	vld [tilespmem:s28+$0xD900]  }
0x271: {  	[tilespmem:$0x1FBA0] =	vst v20;
	v20 =	vmul.f32 v51, v51;
	v2 =	vadd.f32 v15, v2;
	v15 =	vld [tilespmem:s28+$0xD880];
	v51 =	vmul.f32 v16, v16  }
0x272: {  	v56 =	vimm.f32 $0.0e+00;
	v16 =	vld [tilespmem:$0x1FC30];
	v52 =	vmul.f32 v13, v13;
	v13 =	vmul.f32 v17, v17  }
0x273: {  	v62 =	vmul.f32 v42, v42;
	v42 =	vimm.f32 $0.0e+00;
	v8 =	vmul.f32 v8, v8;
	[tilespmem:$0x1FBB0] =	vst v20;
	v20 =	vld [tilespmem:$0x1FBC0]  }
0x274: {  	v34 =	vmul.f32 v63, v63;
	v11 =	vmul.f32 v11, v11;
	v1 =	vadd.f32 v13, v1;
	v13 =	vld [tilespmem:s28+$0xE100]  }
0x275: {  	v63 =	vmul.f32 v45, v45;
	v26 =	vmul.f32 v46, v46;
	v5 =	vadd.f32 v8, v5;
	v8 =	vld [tilespmem:s28+$0xE000]  }
0x276: {  	v10 =	vmul.f32 v10, v10;
	v2 =	vadd.f32 v11, v2;
	v11 =	vld [tilespmem:s28+$0xE180];
	v15 =	vmul.f32 v15, v15  }
0x277: {  	v45 =	vimm.f32 $0.0e+00;
	v6 =	vmul.f32 v6, v6;
	v54 =	vmul.f32 v16, v16;
	v16 =	vld [tilespmem:$0x1FC40]  }
0x278: {  	v0 =	vadd.f32 v10, v0;
	v10 =	vld [tilespmem:s28+$0xE380];
	v20 =	vmul.f32 v20, v20;
	v7 =	vadd.f32 v15, v7  }
0x279: {  	v15 =	vld [tilespmem:s28+$0xE080];
	v17 =	vadd.f32 v6, v9;
	v9 =	vmul.f32 v12, v12;
	v12 =	vmul.f32 v13, v13  }
0x27a: {  	v46 =	vimm.f32 $0.0e+00;
	v44 =	vimm.f32 $0.0e+00;
	v39 =	vmul.f32 v58, v58;
	v13 =	vld [tilespmem:$0x1FC60]  }
0x27b: {  	v58 =	vmul.f32 v14, v14;
	v8 =	vmul.f32 v8, v8;
	[tilespmem:$0x1FBD0] =	vst v20;
	v20 =	vadd.f32 v12, v0;
	v0 =	vld [tilespmem:$0x1FC80]  }
0x27c: {  	v55 =	vimm.f32 $0.0e+00;
	v14 =	vld [tilespmem:s28+$0xE800];
	v53 =	vmul.f32 v16, v16;
	v16 =	vmul.f32 v18, v18  }
0x27d: {  	v41 =	vimm.f32 $0.0e+00;
	v47 =	vimm.f32 $0.0e+00;
	v10 =	vmul.f32 v10, v10;
	v6 =	vld [tilespmem:s28+$0xE880]  }
0x27e: {  	v4 =	vadd.f32 v8, v4;
	v8 =	vld [tilespmem:s28+$0xE900];
	v3 =	vadd.f32 v16, v3;
	v16 =	vmul.f32 v19, v19  }
0x27f: {  	v10 =	vadd.f32 v10, v5;
	v5 =	vmul.f32 v15, v15;
	v59 =	vmul.f32 v13, v13;
	v13 =	vld [tilespmem:$0x1FC70]  }
0x280: {  	v21 =	vld [tilespmem:s28+$0xF000];
	v43 =	vimm.f32 $0.0e+00;
	v22 =	vmul.f32 v0, v0;
	v0 =	vmul.f32 v11, v11  }
0x281: {  	v23 =	vimm.f32 $0.0e+00;
	v15 =	vmul.f32 v61, v61;
	v11 =	vmul.f32 v14, v14  }
0x282: {  	v61 =	vimm.f32 $0.0e+00;
	v12 =	vmul.f32 v6, v6;
	v6 =	vadd.f32 v0, v2;
	v0 =	vld [tilespmem:s28+$0xF080]  }
0x283: {  	v1 =	vadd.f32 v9, v1;
	v2 =	vmul.f32 v8, v8;
	v8 =	vadd.f32 v11, v4;
	v4 =	vld [tilespmem:s28+$0xF180]  }
0x284: {  	v9 =	vadd.f32 v16, v3;
	v3 =	vadd.f32 v22, v10;
	v10 =	vld [tilespmem:s28+$0xF800];
	v13 =	vmul.f32 v13, v13  }
0x285: {  	v5 =	vadd.f32 v5, v7;
	v14 =	vmul.f32 v21, v21;
	v11 =	vadd.f32 v2, v20;
	v2 =	vld [tilespmem:s28+$0xF880]  }
0x286: {  	s2 =	simm.s32 $0x10;
	v1 =	vadd.f32 v59, v1;
	v59 =	vimm.f32 $0.0e+00;
	v7 =	vadd.f32 v13, v17;
	v13 =	vld [tilespmem:s28+$0xF100]  }
.LBB2_5:
0x287: {  	v5 =	vadd.f32 v12, v5;
	v12 =	vld [tilespmem:s28+$0xF900]  }
0x288: {  	v16 =	vld [tilespmem:s28+$0x10080]  }
0x289: {  	v6 =	vadd.f32 v15, v6;
	v15 =	vld [tilespmem:s28+$0xF980];
	v0 =	vmul.f32 v0, v0  }
0x28a: {  	v8 =	vadd.f32 v14, v8;
	v14 =	vld [tilespmem:s28+$0x10000];
	v4 =	vmul.f32 v4, v4  }
0x28b: {  	v10 =	vmul.f32 v10, v10;
	v0 =	vadd.f32 v0, v5;
	v5 =	vld [tilespmem:s28+$0x10100]  }
0x28c: {  	v13 =	vmul.f32 v13, v13;
	v4 =	vadd.f32 v4, v6;
	v6 =	vmul.f32 v12, v12;
	v12 =	vld [tilespmem:s28+$0x10180]  }
0x28d: {  	v2 =	vmul.f32 v2, v2;
	v8 =	vadd.f32 v10, v8;
	v10 =	vld [tilespmem:s28+$0x10800]  }
0x28e: {  	v11 =	vadd.f32 v13, v11;
	v13 =	vmul.f32 v15, v15;
	v15 =	vld [tilespmem:s28+$0x10880]  }
0x28f: {  	v0 =	vadd.f32 v2, v0;
	v2 =	vmul.f32 v16, v16;
	v16 =	vld [tilespmem:$0x1FBB0]  }
0x290: {  	v9 =	vadd.f32 v54, v9;
	v14 =	vmul.f32 v14, v14;
	v6 =	vadd.f32 v6, v11;
	v11 =	vld [tilespmem:s28+$0x10900]  }
0x291: {  	v4 =	vadd.f32 v13, v4;
	v13 =	vld [tilespmem:s28+$0x10980]  }
0x292: {  	v9 =	vadd.f32 v50, v9;
	v8 =	vadd.f32 v14, v8;
	v14 =	vld [tilespmem:s28+$0x11000]  }
0x293: {  	v0 =	vadd.f32 v2, v0;
	v5 =	vmul.f32 v5, v5;
	v2 =	vmul.f32 v15, v15;
	v15 =	vld [tilespmem:$0x1FB70]  }
0x294: {  	v12 =	vmul.f32 v12, v12;
	v9 =	vadd.f32 v16, v9;
	v16 =	vld [tilespmem:$0x1FBE0]  }
0x295: {  	v7 =	vadd.f32 v60, v7;
	v10 =	vmul.f32 v10, v10;
	v5 =	vadd.f32 v5, v6;
	v6 =	vld [tilespmem:$0x1FBD0]  }
0x296: {  	v3 =	vadd.f32 v58, v3;
	v4 =	vadd.f32 v12, v4;
	v11 =	vmul.f32 v11, v11;
	v12 =	vld [tilespmem:s28+$0x11180]  }
0x297: {  	v1 =	vadd.f32 v53, v1;
	v8 =	vadd.f32 v10, v8;
	v10 =	vld [tilespmem:s28+$0x11880]  }
0x298: {  	v7 =	vadd.f32 v52, v7;
	v13 =	vmul.f32 v13, v13;
	v5 =	vadd.f32 v11, v5;
	v11 =	vld [tilespmem:s28+$0x11900]  }
0x299: {  	v3 =	vadd.f32 v51, v3;
	v9 =	vadd.f32 v15, v9;
	v15 =	vld [tilespmem:$0x1FB90]  }
0x29a: {  	s29 =	sadd.s32 $0x80, s29;
	v1 =	vadd.f32 v49, v1;
	v4 =	vadd.f32 v13, v4;
	v13 =	vld [tilespmem:s28+$0x11980]  }
0x29b: {  	s16 =	sand.u32 $0x70, s2;
	s23 =	sand.u32 $0x400, s29;
	v3 =	vadd.f32 v16, v3;
	v16 =	vld [tilespmem:s28+$0x11080]  }
0x29c: {  	v19 =	vsel vm4, $0x3F800000, v46;
	v7 =	vadd.f32 v48, v7;
	v1 =	vadd.f32 v6, v1;
	v6 =	vld [tilespmem:s28+$0x11100];
	s28 =	sor.u32 s16, s23  }
0x29d: {  	v21 =	vsel vm2, $0x3F800000, v46;
	v41 =	vadd.f32 v19, v41;
	v14 =	vmul.f32 v14, v14;
	v19 =	vld [tilespmem:s28+$0x11A80]  }
0x29e: {  	v20 =	vsel vm3, $0x3F800000, v46;
	v21 =	vadd.f32 v21, v47;
	v7 =	vadd.f32 v15, v7;
	v15 =	vld [tilespmem:$0x1FBA0]  }
0x29f: {  	v17 =	vsel vm1, $0x3F800000, v46;
	v20 =	vadd.f32 v20, v41;
	v8 =	vadd.f32 v14, v8;
	v41 =	vld [tilespmem:s28+$0x11380]  }
0x2a0: {  	v17 =	vadd.f32 v17, v21;
	v21 =	vld [tilespmem:s28+$0x10A80]  }
0x2a1: {  	v8 =	vadd.f32 v38, v8;
	v38 =	vld [tilespmem:s28+$0x10280]  }
0x2a2: {  	s23 =	sor.u32 s29, s2;
	v47 =	vld [tilespmem:s28+$0xBA80]  }
0x2a3: {  	v12 =	vmul.f32 v12, v12;
	s16 =	sor.u32 $0x380, s23;
	v3 =	vadd.f32 v15, v3;
	v15 =	vld [tilespmem:$0x1FB80]  }
0x2a4: {  	v0 =	vadd.f32 v2, v0;
	v14 =	vld [tilespmem:s16+$0x13800];
	v2 =	vmul.f32 v16, v16;
	v6 =	vmul.f32 v6, v6  }
0x2a5: {  	v4 =	vadd.f32 v12, v4;
	v12 =	vld [tilespmem:$0x1FB10]  }
0x2a6: {  	v10 =	vmul.f32 v10, v10;
	v5 =	vadd.f32 v6, v5;
	v0 =	vadd.f32 v2, v0;
	v6 =	vld [tilespmem:s31+$0x13800]  }
0x2a7: {  	v2 =	vmul.f32 v11, v11;
	v11 =	vld [tilespmem:s28+$0x13800]  }
0x2a8: {  	v10 =	vadd.f32 v10, v0;
	v1 =	vadd.f32 v15, v1;
	v15 =	vld [tilespmem:s28+$0x13A00]  }
0x2a9: {  	v5 =	vadd.f32 v2, v5;
	v2 =	vld [tilespmem:$0x1FB20]  }
0x2aa: {  	v0 =	vld [tilespmem:s28+$0x12A00];
	v10 =	vadd.f32 v26, v10  }
0x2ab: {  	[tilespmem:$0x1F8A0] =	vst v14;
	v14 =	vadd.f32 v63, v5;
	v5 =	vld [tilespmem:s28+$0x12880]  }
0x2ac: {  	[tilespmem:$0x1F8B0] =	vst v11;
	v11 =	vmul.f32 v13, v13;
	v26 =	vadd.f32 v28, v10;
	v10 =	vld [tilespmem:s28+$0x12300]  }
0x2ad: {  	v14 =	vadd.f32 v33, v14;
	v1 =	vadd.f32 v37, v1;
	[tilespmem:$0x1F880] =	vst v15;
	v15 =	vld [tilespmem:$0x1FB50]  }
0x2ae: {  	v4 =	vadd.f32 v11, v4;
	v11 =	vld [tilespmem:s30+$0x13800]  }
0x2af: {  	v50 =	vnsel vm2, $0x0, v14;
	v52 =	vsub.f32 $1.000000000e+00, v14;
	v14 =	vld [tilespmem:s28+$0x12100];
	v13 =	vadd.f32 v2, v1  }
0x2b0: {  	v1 =	vld [tilespmem:s28+$0x12A80]  }
0x2b1: {  	v37 =	vld [tilespmem:s28+$0x11200];
	v13 =	vadd.f32 v24, v13  }
0x2b2: {  	v9 =	vadd.f32 v15, v9;
	v15 =	vld [tilespmem:$0x1FB60]  }
0x2b3: {  	v0 =	vmul.f32 v0, v0;
	v2 =	vld [tilespmem:s28+$0x12B00];
	v13 =	vadd.f32 v27, v13  }
0x2b4: {  	v9 =	vadd.f32 v12, v9;
	v12 =	vld [tilespmem:$0x1FB30]  }
0x2b5: {  	vm5 =	veq.s32 v6, $0x0;
	[tilespmem:$0x1FA20] =	vst v0;
	v0 =	vmul.f32 v1, v1;
	v1 =	vld [tilespmem:s28+$0xB280];
	v58 =	vsub.f32 $1.000000000e+00, v13  }
0x2b6: {  	v53 =	vnsel vm5, $0x0, v13;
	v13 =	vld [tilespmem:s28+$0x12080]  }
0x2b7: {  	v3 =	vadd.f32 v39, v3;
	v39 =	vmax.f32 v58, $0.0e+00;
	v58 =	vld [tilespmem:s28+$0xF280];
	v7 =	vadd.f32 v15, v7  }
0x2b8: {  	v63 =	vsel vm5, $0x0, v39;
	v39 =	vld [tilespmem:s28+$0x11280];
	v9 =	vadd.f32 v34, v9  }
0x2b9: {  	v7 =	vadd.f32 v12, v7;
	v12 =	vld [tilespmem:s28+$0x13900]  }
0x2ba: {  	vm6 =	veq.s32 v11, $0x0;
	v34 =	vld [tilespmem:s28+$0xA380];
	v11 =	vadd.f32 v25, v9  }
0x2bb: {  	v15 =	vld [tilespmem:s28+$0x13B00]  }
0x2bc: {  	v9 =	vld [tilespmem:s28+$0x12280];
	v49 =	vsub.f32 $1.000000000e+00, v11  }
0x2bd: {  	v6 =	vadd.f32 v35, v7;
	v7 =	vadd.f32 v36, v8;
	v36 =	vmax.f32 v52, $0.0e+00;
	v52 =	vld [tilespmem:s28+$0xFB00]  }
0x2be: {  	[tilespmem:$0x1F8C0] =	vst v12;
	v12 =	vld [tilespmem:$0x1FB40]  }
0x2bf: {  	v33 =	vmax.f32 v49, $0.0e+00;
	v49 =	vld [tilespmem:s28+$0x10380]  }
0x2c0: {  	[tilespmem:$0x1F890] =	vst v15;
	v15 =	vadd.f32 v29, v6;
	v6 =	vld [tilespmem:s28+$0x12900]  }
0x2c1: {  	v18 =	vadd.f32 v30, v7;
	v7 =	vld [tilespmem:s28+$0x12980]  }
0x2c2: {  	v29 =	vnsel vm3, $0x0, v11;
	v11 =	vld [tilespmem:s28+$0x12380];
	v30 =	vnsel vm1, $0x0, v15;
	v15 =	vsub.f32 $1.000000000e+00, v15  }
0x2c3: {  	v3 =	vadd.f32 v12, v3;
	v12 =	vld [tilespmem:s0+$0x13800]  }
0x2c4: {  	v60 =	vmax.f32 v15, $0.0e+00;
	v15 =	vld [tilespmem:s28+$0x12180]  }
0x2c5: {  	v8 =	vadd.f32 v40, v3;
	v3 =	vld [tilespmem:s28+$0x12B80]  }
0x2c6: {  	v40 =	vld [tilespmem:s28+$0xFB80]  }
0x2c7: {  	v24 =	vadd.f32 v31, v8;
	v8 =	vld [tilespmem:s28+$0x12200]  }
0x2c8: {  	vm7 =	veq.s32 v12, $0x0;
	v12 =	vadd.f32 v62, v4;
	v4 =	vld [tilespmem:s28+$0x12800]  }
0x2c9: {  	v48 =	vnsel vm4, $0x0, v18;
	v18 =	vsub.f32 $1.000000000e+00, v18;
	v62 =	vadd.f32 v50, v57;
	v50 =	vld [tilespmem:s28+$0xFA00]  }
0x2ca: {  	v16 =	vsel vm0, $0x3F800000, v46;
	v22 =	vsel vm5, $0x3F800000, v46;
	v57 =	vld [tilespmem:s28+$0xE280]  }
0x2cb: {  	v28 =	vsel vm6, $0x3F800000, v46;
	v18 =	vmax.f32 v18, $0.0e+00;
	v25 =	vsel vm7, $0x3F800000, v46;
	v46 =	vld [tilespmem:s28+$0xC280]  }
0x2cc: {  	v18 =	vsel vm4, $0x0, v18;
	v27 =	vadd.f32 v32, v12;
	v12 =	vld [tilespmem:s28+$0x12000]  }
0x2cd: {  	v51 =	vnsel vm7, $0x0, v26;
	v32 =	vadd.f32 v48, v23;
	v23 =	vadd.f32 v18, v61;
	v18 =	vld [tilespmem:s28+$0x11A00]  }
0x2ce: {  	v35 =	vadd.f32 v51, v42;
	v42 =	vld [tilespmem:s28+$0x11B00]  }
0x2cf: {  	v48 =	vld [tilespmem:s28+$0x10300]  }
0x2d0: {  	v51 =	vld [tilespmem:s28+$0xFA80]  }
0x2d1: {  	v25 =	vadd.f32 v25, v56;
	v56 =	vld [tilespmem:s28+$0xE200]  }
0x2d2: {  	[tilespmem:$0x1F950] =	vst v20;
	v26 =	vsub.f32 $1.000000000e+00, v26;
	v61 =	vld [tilespmem:s28+$0xE380]  }
0x2d3: {  	[tilespmem:$0x1FA40] =	vst v0;
	v0 =	vmul.f32 v2, v2;
	v20 =	vadd.f32 v53, v35;
	v35 =	vld [tilespmem:s28+$0x11800]  }
0x2d4: {  	v33 =	vsel vm3, $0x0, v33;
	v26 =	vmax.f32 v26, $0.0e+00;
	v29 =	vadd.f32 v29, v32;
	v32 =	vld [tilespmem:s28+$0xD380]  }
0x2d5: {  	v23 =	vadd.f32 v33, v23;
	v26 =	vsel vm7, $0x0, v26;
	v33 =	vld [tilespmem:s28+$0xCB80]  }
0x2d6: {  	[tilespmem:$0x1F9E0] =	vst v0;
	v26 =	vadd.f32 v26, v59;
	v59 =	vld [tilespmem:s28+$0xE300]  }
0x2d7: {  	v22 =	vadd.f32 v22, v25;
	[tilespmem:$0x1F960] =	vst v20;
	v20 =	vld [tilespmem:s28+$0x11B80]  }
0x2d8: {  	v54 =	vnsel vm6, $0x0, v27;
	v27 =	vsub.f32 $1.000000000e+00, v27;
	[tilespmem:$0x1FAB0] =	vst v29;
	v29 =	vsel vm2, $0x0, v36;
	v36 =	vld [tilespmem:s28+$0x10200]  }
0x2d9: {  	v0 =	vmul.f32 v4, v4;
	[tilespmem:$0x1F920] =	vst v22;
	v22 =	vsel vm1, $0x0, v60;
	v60 =	vld [tilespmem:s28+$0xF300]  }
0x2da: {  	v25 =	vmax.f32 v27, $0.0e+00;
	v27 =	vadd.f32 v28, v44;
	v44 =	vld [tilespmem:s28+$0xEB80]  }
0x2db: {  	v28 =	vld [tilespmem:s28+$0xDB80];
	[tilespmem:$0x1FA00] =	vst v0;
	v0 =	vmul.f32 v3, v3  }
0x2dc: {  	[tilespmem:$0x1F8D0] =	vst v23;
	v23 =	vadd.f32 v63, v26;
	v26 =	vadd.f32 v54, v45;
	v54 =	vld [tilespmem:s28+$0xF200]  }
0x2dd: {  	v63 =	vld [tilespmem:s28+$0xEA00];
	[tilespmem:$0x1F9D0] =	vst v0;
	v0 =	vmul.f32 v5, v5  }
0x2de: {  	v3 =	vmul.f32 v39, v39;
	v39 =	vld [tilespmem:s28+$0xB200]  }
0x2df: {  	v25 =	vsel vm6, $0x0, v25;
	v45 =	vld [tilespmem:s28+$0xAA80];
	[tilespmem:$0x1F9F0] =	vst v0;
	v0 =	vmul.f32 v6, v6  }
0x2e0: {  	[tilespmem:$0x1F910] =	vst v17;
	v25 =	vadd.f32 v25, v43;
	v43 =	vld [tilespmem:s28+$0x10A00]  }
0x2e1: {  	v16 =	vadd.f32 v16, v27;
	v27 =	vld [tilespmem:s28+$0xDB00];
	[tilespmem:$0x1F9C0] =	vst v0;
	v0 =	vmul.f32 v7, v7  }
0x2e2: {  	v31 =	vnsel vm0, $0x0, v24;
	v29 =	vadd.f32 v29, v55;
	[tilespmem:$0x1F8E0] =	vst v23;
	v23 =	vadd.f32 v30, v62;
	v62 =	vld [tilespmem:s28+$0xF380]  }
0x2e3: {  	v17 =	vadd.f32 v31, v26;
	v26 =	vld [tilespmem:s28+$0xDA80];
	[tilespmem:$0x1F9A0] =	vst v0;
	v0 =	vmul.f32 v8, v8  }
0x2e4: {  	v22 =	vadd.f32 v22, v29;
	v29 =	vld [tilespmem:s28+$0xD200];
	[tilespmem:$0x1F930] =	vst v16  }
0x2e5: {  	v30 =	vld [tilespmem:s28+$0xD280];
	[tilespmem:$0x1F980] =	vst v0;
	v0 =	vmul.f32 v9, v9  }
0x2e6: {  	v31 =	vld [tilespmem:s28+$0xD300];
	[tilespmem:$0x1F8F0] =	vst v23  }
0x2e7: {  	v4 =	vmul.f32 v35, v35;
	v35 =	vld [tilespmem:s28+$0xBA00];
	[tilespmem:$0x1FA30] =	vst v0;
	v0 =	vmul.f32 v10, v10  }
0x2e8: {  	v24 =	vsub.f32 $1.000000000e+00, v24;
	v5 =	vmul.f32 v41, v41;
	v41 =	vld [tilespmem:s28+$0xA180];
	[tilespmem:$0x1F900] =	vst v22  }
0x2e9: {  	v16 =	vld [tilespmem:s28+$0x10B00];
	[tilespmem:$0x1F990] =	vst v0;
	v0 =	vmul.f32 v12, v12  }
0x2ea: {  	v24 =	vmax.f32 v24, $0.0e+00;
	v22 =	vld [tilespmem:s28+$0x11300];
	[tilespmem:$0x1F940] =	vst v17  }
0x2eb: {  	v17 =	vsel vm0, $0x0, v24;
	v23 =	vld [tilespmem:s28+$0xEA80];
	[tilespmem:$0x1F9B0] =	vst v0;
	v0 =	vmul.f32 v13, v13  }
0x2ec: {  	v17 =	vadd.f32 v17, v25;
	v25 =	vld [tilespmem:s28+$0xDA00]  }
0x2ed: {  	v53 =	vmul.f32 v58, v58;
	v24 =	vld [tilespmem:s28+$0xEB00];
	[tilespmem:$0x1FA10] =	vst v0;
	v0 =	vmul.f32 v14, v14  }
0x2ee: {  	[tilespmem:$0x1F970] =	vst v17;
	v17 =	vld [tilespmem:s28+$0x10B80];
	v58 =	vmul.f32 v62, v62;
	v62 =	vmul.f32 v56, v56  }
0x2ef: {  	v56 =	vmul.f32 v45, v45;
	v45 =	vld [tilespmem:$0x1F8A0];
	[tilespmem:$0x1FA70] =	vst v0;
	v0 =	vmul.f32 v15, v15  }
0x2f0: {  	v8 =	vmul.f32 v28, v28;
	v28 =	vld [tilespmem:s28+$0xA200]  }
0x2f1: {  	v7 =	vmul.f32 v25, v25;
	v25 =	vld [tilespmem:s28+$0xAB00];
	[tilespmem:$0x1FA50] =	vst v0;
	v0 =	vmul.f32 v18, v18  }
0x2f2: {  	v9 =	vmul.f32 v27, v27;
	v27 =	vld [tilespmem:s28+$0x9A00]  }
0x2f3: {  	v10 =	vmul.f32 v30, v30;
	v30 =	vld [tilespmem:s28+$0x9B00];
	[tilespmem:$0x1FB10] =	vst v0;
	v0 =	vmul.f32 v19, v19  }
0x2f4: {  	v13 =	vmul.f32 v31, v31;
	v31 =	vld [tilespmem:s28+$0xA300]  }
0x2f5: {  	vm0 =	veq.s32 v45, $0x0;
	v45 =	vld [tilespmem:$0x1F8B0];
	[tilespmem:$0x1FB20] =	vst v0;
	v0 =	vmul.f32 v42, v42  }
0x2f6: {  	v6 =	vmul.f32 v26, v26;
	v26 =	vld [tilespmem:s28+$0xAB80];
	v28 =	vmul.f32 v28, v28  }
0x2f7: {  	v12 =	vmul.f32 v29, v29;
	v29 =	vld [tilespmem:s28+$0xA280];
	[tilespmem:$0x1FB30] =	vst v0;
	v0 =	vmul.f32 v20, v20  }
0x2f8: {  	v27 =	vmul.f32 v27, v27;
	v30 =	vmul.f32 v30, v30;
	v14 =	vld [tilespmem:s28+$0xCA00]  }
0x2f9: {  	v31 =	vmul.f32 v31, v31;
	v18 =	vld [tilespmem:s28+$0xCA80];
	[tilespmem:$0x1FB40] =	vst v0;
	v0 =	vmul.f32 v37, v37  }
0x2fa: {  	v25 =	vmul.f32 v25, v25;
	vm4 =	veq.s32 v45, $0x0;
	v45 =	vld [tilespmem:s28+$0xA880]  }
0x2fb: {  	v27 =	vadd.f32 v28, v27;
	v28 =	vadd.f32 v31, v30;
	v31 =	vld [tilespmem:s28+$0xB000];
	[tilespmem:$0x1FB50] =	vst v0;
	v0 =	vmul.f32 v22, v22  }
0x2fc: {  	v19 =	vld [tilespmem:s28+$0xCB00]  }
0x2fd: {  	v15 =	vmul.f32 v14, v14;
	v25 =	vadd.f32 v25, v28;
	v28 =	vld [tilespmem:s28+$0xB800];
	[tilespmem:$0x1FB60] =	vst v0;
	v0 =	vmul.f32 v43, v43  }
0x2fe: {  	v14 =	vmul.f32 v18, v18;
	v18 =	vmul.f32 v46, v46;
	v46 =	vld [tilespmem:s16+$0x9800]  }
0x2ff: {  	s16 =	sand.u32 $0xFFFFFC00, s29;
	v20 =	vld [tilespmem:s28+$0xC200];
	[tilespmem:$0x1FB70] =	vst v0;
	v0 =	vmul.f32 v21, v21  }
0x300: {  	s23 =	sadd.s32 s16, s2;
	v37 =	vld [tilespmem:s28+$0xBB00]  }
0x301: {  	v34 =	vmul.f32 v34, v34;
	s31 =	sor.u32 $0x280, s23;
	v22 =	vld [tilespmem:s28+$0xC380];
	[tilespmem:$0x1FB80] =	vst v0;
	v0 =	vmul.f32 v16, v16  }
0x302: {  	v2 =	vmul.f32 v11, v11;
	v11 =	vmul.f32 v32, v32;
	v42 =	vld [tilespmem:s31+$0x9800]  }
0x303: {  	s0 =	sor.u32 $0x80, s23;
	v32 =	vmul.f32 v46, v46;
	v46 =	vld [tilespmem:s28+$0xA900];
	[tilespmem:$0x1FB90] =	vst v0;
	v0 =	vmul.f32 v17, v17  }
0x304: {  	v43 =	vld [tilespmem:s0+$0x9800];
	v17 =	vmul.f32 v19, v19  }
0x305: {  	v32 =	vadd.f32 v34, v32;
	v34 =	vld [tilespmem:s28+$0xB080];
	v19 =	vmul.f32 v20, v20;
	[tilespmem:$0x1FBA0] =	vst v0;
	v0 =	vmul.f32 v36, v36  }
0x306: {  	v20 =	vmul.f32 v22, v22;
	v22 =	vmul.f32 v47, v47;
	v47 =	vld [tilespmem:s28+$0x9800]  }
0x307: {  	v26 =	vmul.f32 v26, v26;
	v21 =	vld [tilespmem:s28+$0xC300];
	[tilespmem:$0x1FBB0] =	vst v0;
	v0 =	vmul.f32 v38, v38  }
0x308: {  	v29 =	vmul.f32 v29, v29;
	v42 =	vmul.f32 v42, v42;
	v38 =	vld [tilespmem:s28+$0xBB80]  }
0x309: {  	v26 =	vadd.f32 v26, v32;
	v32 =	vld [tilespmem:s28+$0xB880];
	v16 =	vmul.f32 v33, v33;
	[tilespmem:$0x1FBD0] =	vst v0;
	v0 =	vmul.f32 v49, v49  }
0x30a: {  	v49 =	vmul.f32 v51, v51;
	v51 =	vmul.f32 v40, v40;
	v40 =	vld [tilespmem:s28+$0xB300]  }
0x30b: {  	v33 =	vmul.f32 v35, v35;
	v35 =	vmul.f32 v47, v47;
	v47 =	vld [tilespmem:$0x1F8C0]  }
0x30c: {  	[tilespmem:$0x1FBE0] =	vst v0;
	v0 =	vmul.f32 v63, v63;
	v63 =	vmul.f32 v61, v61;
	v61 =	vld [tilespmem:s28+$0xA100]  }
0x30d: {  	v29 =	vadd.f32 v29, v42;
	v36 =	vmul.f32 v37, v37;
	v37 =	vmul.f32 v38, v38;
	v38 =	vld [tilespmem:s28+$0xA000]  }
0x30e: {  	[tilespmem:$0x1FA80] =	vst v0;
	v0 =	vmul.f32 v23, v23;
	v23 =	vmul.f32 v59, v59;
	v59 =	vld [tilespmem:s28+$0x9900]  }
0x30f: {  	v29 =	vadd.f32 v56, v29;
	v56 =	vld [tilespmem:$0x1F920];
	v40 =	vmul.f32 v40, v40  }
0x310: {  	vm2 =	veq.s32 v47, $0x0;
	v47 =	vld [tilespmem:s28+$0xA980];
	[tilespmem:$0x1FAC0] =	vst v0;
	v0 =	vmul.f32 v24, v24  }
0x311: {  	v1 =	vmul.f32 v1, v1;
	v24 =	vld [tilespmem:s28+$0xB380];
	v25 =	vadd.f32 v40, v25  }
0x312: {  	v61 =	vmul.f32 v61, v61;
	[tilespmem:$0x1FA90] =	vst v0;
	v0 =	vmul.f32 v44, v44;
	v44 =	vld [tilespmem:s28+$0xAA00]  }
0x313: {  	v38 =	vmul.f32 v38, v38;
	v59 =	vmul.f32 v59, v59;
	v25 =	vadd.f32 v36, v25;
	v36 =	vld [tilespmem:s28+$0xC880]  }
0x314: {  	v1 =	vadd.f32 v1, v29;
	[tilespmem:$0x1FAA0] =	vst v0;
	v0 =	vmul.f32 v57, v57;
	v57 =	vld [tilespmem:s28+$0xA080]  }
0x315: {  	v21 =	vmul.f32 v21, v21;
	v30 =	vadd.f32 v38, v35;
	v38 =	vadd.f32 v61, v59;
	v61 =	vld [tilespmem:$0x1F8D0]  }
0x316: {  	v59 =	vld [tilespmem:$0x1F8E0]  }
0x317: {  	v1 =	vadd.f32 v22, v1;
	v21 =	vadd.f32 v21, v25;
	v25 =	vld [tilespmem:s28+$0xD000]  }
0x318: {  	s30 =	sor.u32 $0x180, s23;
	v24 =	vmul.f32 v24, v24;
	[tilespmem:$0x1FA60] =	vst v0;
	v0 =	vld [tilespmem:$0x1F880]  }
0x319: {  	v1 =	vadd.f32 v18, v1;
	v55 =	vmul.f32 v44, v44;
	v44 =	vld [tilespmem:s30+$0x9800]  }
0x31a: {  	v24 =	vadd.f32 v24, v26;
	v26 =	vmul.f32 v28, v28;
	v28 =	vld [tilespmem:s28+$0xC080]  }
0x31b: {  	v1 =	vadd.f32 v14, v1;
	v27 =	vadd.f32 v55, v27;
	v55 =	vld [tilespmem:$0x1F900]  }
0x31c: {  	v43 =	vmul.f32 v43, v43;
	v57 =	vmul.f32 v57, v57;
	v24 =	vadd.f32 v37, v24;
	v37 =	vmovc v3;
	v3 =	vld [tilespmem:$0x1FA60]  }
0x31d: {  	v1 =	vadd.f32 v10, v1;
	vm3 =	veq.s32 v0, $0x0;
	v0 =	vld [tilespmem:$0x1F890]  }
0x31e: {  	v39 =	vmul.f32 v39, v39;
	v41 =	vmul.f32 v41, v41;
	v42 =	vadd.f32 v57, v43;
	v57 =	vld [tilespmem:$0x1F8F0]  }
0x31f: {  	v1 =	vadd.f32 v6, v1;
	v43 =	vmul.f32 v45, v45;
	v45 =	vld [tilespmem:s28+$0xB180];
	v35 =	vmul.f32 v44, v44  }
0x320: {  	v27 =	vadd.f32 v39, v27;
	v44 =	vld [tilespmem:s28+$0xB100]  }
0x321: {  	v35 =	vadd.f32 v41, v35;
	v41 =	vmul.f32 v46, v46;
	v1 =	vadd.f32 v3, v1;
	v3 =	vld [tilespmem:$0x1FA80]  }
0x322: {  	v27 =	vadd.f32 v33, v27;
	vm1 =	veq.s32 v0, $0x0;
	v0 =	vld [tilespmem:s28+$0xA800]  }
0x323: {  	v38 =	vadd.f32 v41, v38;
	v41 =	vadd.f32 v43, v42;
	v42 =	vld [tilespmem:s28+$0xB900]  }
0x324: {  	v19 =	vadd.f32 v19, v27;
	v43 =	vld [tilespmem:s28+$0xB980]  }
0x325: {  	v34 =	vmul.f32 v34, v34;
	v39 =	vmul.f32 v45, v45;
	v45 =	vld [tilespmem:$0x1F940]  }
0x326: {  	v15 =	vadd.f32 v15, v19;
	v19 =	vld [tilespmem:s28+$0xD800]  }
0x327: {  	v29 =	vadd.f32 v34, v41;
	v41 =	vld [tilespmem:$0x1F950]  }
0x328: {  	v32 =	vmul.f32 v32, v32;
	v34 =	vld [tilespmem:s28+$0xC100]  }
0x329: {  	v12 =	vadd.f32 v12, v15;
	v15 =	vld [tilespmem:s28+$0xE000]  }
0x32a: {  	v22 =	vadd.f32 v32, v29;
	v29 =	vld [tilespmem:s28+$0xC900]  }
0x32b: {  	v40 =	vmov v2;
	v2 =	vmul.f32 v42, v42;
	v42 =	vld [tilespmem:$0x1F960]  }
0x32c: {  	v20 =	vadd.f32 v20, v24;
	v28 =	vmul.f32 v28, v28;
	v33 =	vmul.f32 v43, v43;
	v43 =	vld [tilespmem:$0x1F970]  }
0x32d: {  	v7 =	vadd.f32 v7, v12;
	v12 =	vld [tilespmem:s28+$0xE800]  }
0x32e: {  	v16 =	vadd.f32 v16, v20;
	v18 =	vadd.f32 v28, v22;
	v22 =	vmul.f32 v36, v36;
	v36 =	vld [tilespmem:$0x1F9B0]  }
0x32f: {  	v0 =	vmul.f32 v0, v0;
	v28 =	vld [tilespmem:s28+$0xD100]  }
0x330: {  	v11 =	vadd.f32 v11, v16;
	v16 =	vmul.f32 v19, v19;
	v19 =	vld [tilespmem:s28+$0xE080]  }
0x331: {  	v0 =	vadd.f32 v0, v30;
	v30 =	vmul.f32 v47, v47;
	v47 =	vld [tilespmem:$0x1F910]  }
0x332: {  	v32 =	vmul.f32 v34, v34;
	v34 =	vld [tilespmem:$0x1F980]  }
0x333: {  	v31 =	vmul.f32 v31, v31;
	v7 =	vadd.f32 v62, v7;
	v62 =	vld [tilespmem:$0x1FA50]  }
0x334: {  	v14 =	vadd.f32 v22, v18;
	v22 =	vld [tilespmem:s28+$0xD900]  }
0x335: {  	v8 =	vadd.f32 v8, v11;
	v11 =	vmul.f32 v15, v15;
	v15 =	vld [tilespmem:s28+$0xE880];
	v0 =	vadd.f32 v31, v0  }
0x336: {  	v30 =	vadd.f32 v30, v35;
	v31 =	vld [tilespmem:s28+$0xC000]  }
0x337: {  	v35 =	vmul.f32 v44, v44;
	v0 =	vadd.f32 v26, v0;
	v26 =	vld [tilespmem:s28+$0xC800]  }
0x338: {  	v30 =	vadd.f32 v39, v30;
	v39 =	vld [tilespmem:s28+$0xC180]  }
0x339: {  	v44 =	vld [tilespmem:$0x1F930];
	v35 =	vadd.f32 v35, v38  }
0x33a: {  	v30 =	vadd.f32 v33, v30;
	v33 =	vld [tilespmem:s28+$0xC980]  }
0x33b: {  	v35 =	vadd.f32 v2, v35;
	v2 =	vadd.f32 v63, v8;
	v63 =	vld [tilespmem:$0x1FA70];
	v31 =	vmul.f32 v31, v31  }
0x33c: {  	v24 =	vmul.f32 v26, v26;
	v26 =	vld [tilespmem:s28+$0xD080]  }
0x33d: {  	v0 =	vadd.f32 v31, v0;
	v27 =	vmul.f32 v39, v39;
	v31 =	vadd.f32 v32, v35;
	v35 =	vld [tilespmem:$0x1F990]  }
0x33e: {  	v32 =	vld [tilespmem:$0x1F9A0]  }
0x33f: {  	v27 =	vadd.f32 v27, v30;
	v30 =	vld [tilespmem:s28+$0xD180]  }
0x340: {  	v17 =	vadd.f32 v17, v21;
	v29 =	vmul.f32 v29, v29;
	v21 =	vmul.f32 v33, v33;
	v33 =	vld [tilespmem:$0x1F9C0]  }
0x341: {  	v0 =	vadd.f32 v24, v0;
	v24 =	vld [tilespmem:s28+$0xD880]  }
0x342: {  	v20 =	vmul.f32 v25, v25;
	v25 =	vadd.f32 v29, v31;
	v31 =	vld [tilespmem:$0x1F9D0]  }
0x343: {  	v29 =	vld [tilespmem:$0x1F9E0]  }
0x344: {  	v21 =	vadd.f32 v21, v27;
	v27 =	vld [tilespmem:s28+$0xD980]  }
0x345: {  	v18 =	vmul.f32 v26, v26;
	v26 =	vmul.f32 v28, v28;
	v28 =	vld [tilespmem:$0x1F9F0]  }
0x346: {  	v13 =	vadd.f32 v13, v17;
	v17 =	vmul.f32 v30, v30;
	v30 =	vld [tilespmem:$0x1FA00]  }
0x347: {  	v0 =	vadd.f32 v20, v0;
	v20 =	vadd.f32 v26, v25;
	v26 =	vld [tilespmem:$0x1FA10]  }
0x348: {  	v25 =	vld [tilespmem:$0x1FA20]  }
0x349: {  	v10 =	vadd.f32 v18, v14;
	v18 =	vld [tilespmem:s28+$0xE100]  }
0x34a: {  	v14 =	vmul.f32 v24, v24;
	v17 =	vadd.f32 v17, v21;
	v21 =	vmul.f32 v22, v22;
	v22 =	vld [tilespmem:s28+$0xE180]  }
0x34b: {  	v9 =	vadd.f32 v9, v13;
	v24 =	vld [tilespmem:$0x1FA30]  }
0x34c: {  	v0 =	vadd.f32 v16, v0;
	v13 =	vmul.f32 v27, v27;
	v6 =	vadd.f32 v14, v10;
	v14 =	vld [tilespmem:s28+$0xE900]  }
0x34d: {  	v10 =	vmul.f32 v19, v19;
	v19 =	vadd.f32 v23, v9;
	v9 =	vadd.f32 v3, v7;
	v3 =	vld [tilespmem:$0x1FA90]  }
0x34e: {  	v11 =	vadd.f32 v11, v0;
	v0 =	vld [tilespmem:s28+$0xF080];
	v16 =	vadd.f32 v21, v20  }
0x34f: {  	v38 =	vmovc v4;
	v27 =	vld [tilespmem:$0x1FA40];
	v17 =	vadd.f32 v13, v17;
	v13 =	vmul.f32 v18, v18;
	v4 =	vmul.f32 v22, v22  }
0x350: {  	v8 =	vmul.f32 v12, v12;
	v39 =	vmov v5;
	v20 =	vld [tilespmem:s28+$0xF000];
	v5 =	vadd.f32 v10, v6  }
0x351: {  	v18 =	vld [tilespmem:s28+$0xE980];
	v16 =	vadd.f32 v13, v16;
	v6 =	vadd.f32 v4, v17;
	v17 =	vmul.f32 v14, v14  }
0x352: {  	v7 =	vadd.f32 v3, v19;
	v3 =	vld [tilespmem:$0x1FAA0]  }
0x353: {  	p1 =	sne.s32 s2, $0xF0;
	v8 =	vadd.f32 v8, v11;
	v11 =	vadd.f32 v17, v16;
	v16 =	vld [tilespmem:$0x1FAC0]  }
.Ltmp3:
0x354: {  	v52 =	vmul.f32 v52, v52;
	v23 =	vld [tilespmem:$0x1FAB0];
	(pc) =	sbr.rel @p1 .LBB2_5-.Ltmp3, $4  }
0x355: {  	v50 =	vmul.f32 v50, v50;
	v48 =	vmul.f32 v48, v48;
	v10 =	vld [tilespmem:s28+$0xF800]  }
0x356: {  	v60 =	vmul.f32 v60, v60;
	v54 =	vmul.f32 v54, v54;
	v13 =	vld [tilespmem:s28+$0xF100]  }
0x357: {  	v46 =	vimm.f32 $0.0e+00;
	v12 =	vmul.f32 v15, v15;
	v4 =	vld [tilespmem:s28+$0xF180];
	v14 =	vmul.f32 v20, v20  }
0x358: {  	s2 =	sadd.s32 $0x10, s2;
	v15 =	vmul.f32 v18, v18;
	v3 =	vadd.f32 v3, v2;
	v2 =	vld [tilespmem:s28+$0xF880];
	v1 =	vadd.f32 v16, v1  }
0x359: {  	v16 =	vld [tilespmem:s28+$0xF900]  }
0x35a: {  	v17 =	vld [tilespmem:s28+$0xF980]  }
0x35b: {  	v18 =	vld [tilespmem:s28+$0x10000]  }
0x35c: {  	v19 =	vld [tilespmem:s28+$0x10100]  }
0x35d: {  	v22 =	vld [tilespmem:s28+$0x10080]  }
0x35e: {  	v9 =	vadd.f32 v54, v9;
	v54 =	vld [tilespmem:s28+$0x10880]  }
0x35f: {  	v7 =	vadd.f32 v60, v7;
	v60 =	vld [tilespmem:$0x1FBE0]  }
0x360: {  	v1 =	vadd.f32 v53, v1;
	v53 =	vld [tilespmem:$0x1FBB0]  }
0x361: {  	v3 =	vadd.f32 v58, v3;
	v58 =	vld [tilespmem:s28+$0x10980]  }
0x362: {  	v20 =	vadd.f32 v50, v9;
	v50 =	vld [tilespmem:s28+$0x10180]  }
0x363: {  	v5 =	vadd.f32 v12, v5;
	v7 =	vadd.f32 v52, v7;
	v52 =	vld [tilespmem:s28+$0x10800]  }
0x364: {  	v0 =	vmul.f32 v0, v0;
	v13 =	vmul.f32 v13, v13;
	v1 =	vadd.f32 v49, v1;
	v49 =	vld [tilespmem:s28+$0x11180]  }
0x365: {  	v7 =	vadd.f32 v48, v7;
	v48 =	vld [tilespmem:$0x1FB90]  }
0x366: {  	v0 =	vadd.f32 v0, v5;
	v11 =	vadd.f32 v13, v11;
	v13 =	vmul.f32 v18, v18;
	v18 =	vld [tilespmem:s28+$0x11000]  }
0x367: {  	v5 =	vmul.f32 v10, v10;
	v3 =	vadd.f32 v51, v3;
	v10 =	vmul.f32 v19, v19;
	v19 =	vld [tilespmem:$0x1FBD0]  }
0x368: {  	v8 =	vadd.f32 v14, v8;
	v6 =	vadd.f32 v15, v6;
	v12 =	vmul.f32 v22, v22;
	v22 =	vld [tilespmem:s28+$0x11080]  }
0x369: {  	v4 =	vmul.f32 v4, v4;
	v2 =	vmul.f32 v2, v2;
	v3 =	vadd.f32 v60, v3;
	v60 =	vld [tilespmem:$0x1FB60]  }
0x36a: {  	v5 =	vadd.f32 v5, v8;
	v21 =	vmul.f32 v16, v16;
	v16 =	vld [tilespmem:s28+$0x11980]  }
0x36b: {  	v4 =	vadd.f32 v4, v6;
	v14 =	vmul.f32 v17, v17;
	v0 =	vadd.f32 v2, v0;
	v2 =	vld [tilespmem:s28+$0x10900]  }
0x36c: {  	v6 =	vadd.f32 v53, v20;
	v51 =	vmul.f32 v58, v58;
	v9 =	vadd.f32 v21, v11;
	v21 =	vld [tilespmem:$0x1FB70]  }
0x36d: {  	v4 =	vadd.f32 v14, v4;
	v5 =	vadd.f32 v13, v5;
	v8 =	vmul.f32 v50, v50;
	v50 =	vld [tilespmem:$0x1FBA0]  }
0x36e: {  	v11 =	vmul.f32 v52, v52;
	v52 =	vld [tilespmem:$0x1FB80];
	v0 =	vadd.f32 v12, v0;
	v9 =	vadd.f32 v10, v9  }
0x36f: {  	v20 =	vld [tilespmem:s28+$0x11100];
	v14 =	vmul.f32 v54, v54;
	v4 =	vadd.f32 v8, v4;
	v7 =	vadd.f32 v48, v7  }
0x370: {  	v53 =	vld [tilespmem:s28+$0x11880];
	v5 =	vadd.f32 v11, v5;
	v11 =	vmul.f32 v49, v49;
	v1 =	vadd.f32 v19, v1  }
0x371: {  	v54 =	vld [tilespmem:$0x1FB50];
	v0 =	vadd.f32 v14, v0;
	v10 =	vmul.f32 v18, v18;
	v4 =	vadd.f32 v51, v4  }
0x372: {  	v17 =	vld [tilespmem:$0x1FB10];
	v8 =	vmul.f32 v22, v22;
	v7 =	vadd.f32 v60, v7;
	v6 =	vadd.f32 v21, v6  }
0x373: {  	v58 =	vld [tilespmem:s28+$0x11900];
	v2 =	vmul.f32 v2, v2;
	v3 =	vadd.f32 v50, v3;
	v1 =	vadd.f32 v52, v1  }
0x374: {  	v18 =	vld [tilespmem:$0x1FB30];
	v5 =	vadd.f32 v10, v5;
	v0 =	vadd.f32 v8, v0  }
0x375: {  	v22 =	vld [tilespmem:$0x1FB20];
	v12 =	vmul.f32 v20, v20;
	v2 =	vadd.f32 v2, v9;
	v4 =	vadd.f32 v11, v4  }
0x376: {  	v20 =	vld [tilespmem:$0x1FB40];
	v21 =	vmul.f32 v53, v53;
	v6 =	vadd.f32 v54, v6;
	v3 =	vadd.f32 v39, v3  }
0x377: {  	v10 =	vmul.f32 v16, v16;
	v1 =	vadd.f32 v37, v1;
	v5 =	vadd.f32 v38, v5  }
0x378: {  	v0 =	vadd.f32 v21, v0;
	v2 =	vadd.f32 v12, v2  }
0x379: {  	v38 =	vsel vm4, $0x3F800000, v46;
	v7 =	vadd.f32 v18, v7;
	v4 =	vadd.f32 v10, v4  }
0x37a: {  	v41 =	vadd.f32 v38, v41;
	v6 =	vadd.f32 v17, v6  }
0x37b: {  	v19 =	vmul.f32 v58, v58;
	v3 =	vadd.f32 v20, v3;
	v1 =	vadd.f32 v22, v1  }
0x37c: {  	v5 =	vadd.f32 v36, v5;
	v0 =	vadd.f32 v26, v0  }
0x37d: {  	v2 =	vadd.f32 v19, v2;
	v7 =	vadd.f32 v35, v7  }
0x37e: {  	v4 =	vadd.f32 v62, v4;
	v6 =	vadd.f32 v34, v6  }
0x37f: {  	v3 =	vadd.f32 v40, v3;
	v1 =	vadd.f32 v24, v1  }
0x380: {  	v54 =	vld [tilespmem:s30+$0x13800];
	v5 =	vadd.f32 v30, v5;
	v0 =	vadd.f32 v28, v0  }
0x381: {  	v2 =	vadd.f32 v63, v2;
	v7 =	vadd.f32 v29, v7  }
0x382: {  	v35 =	vld [tilespmem:s31+$0x13800];
	v4 =	vadd.f32 v32, v4;
	v6 =	vadd.f32 v25, v6  }
0x383: {  	v49 =	vsel vm3, $0x3F800000, v46;
	v34 =	vld [tilespmem:s0+$0x13800];
	v3 =	vadd.f32 v31, v3;
	v36 =	vsub.f32 $1.000000000e+00, v5  }
0x384: {  	v1 =	vadd.f32 v27, v1;
	v5 =	vnsel vm4, $0x0, v5;
	v2 =	vadd.f32 v33, v2  }
0x385: {  	vm15 =	veq.s32 v54, $0x0;
	v5 =	vadd.f32 v5, v23;
	v60 =	vsub.f32 $1.000000000e+00, v4  }
0x386: {  	v4 =	vnsel vm15, $0x0, v4;
	v37 =	vmax.f32 v36, $0.0e+00;
	v39 =	vsub.f32 $1.000000000e+00, v6  }
0x387: {  	vm14 =	veq.s32 v35, $0x0;
	v6 =	vnsel vm3, $0x0, v6;
	v4 =	vadd.f32 v4, v45  }
0x388: {  	vm5 =	veq.s32 v34, $0x0;
	v8 =	vsel vm4, $0x0, v37;
	v5 =	vadd.f32 v6, v5  }
0x389: {  	v6 =	vadd.f32 v49, v41;
	v52 =	vsub.f32 $1.000000000e+00, v2;
	v40 =	vnsel vm5, $0x0, v0  }
0x38a: {  	v50 =	vnsel vm14, $0x0, v1;
	v1 =	vsub.f32 $1.000000000e+00, v1;
	v48 =	vadd.f32 v40, v42  }
0x38b: {  	v2 =	vnsel vm2, $0x0, v2;
	v8 =	vadd.f32 v8, v61;
	v0 =	vsub.f32 $1.000000000e+00, v0  }
0x38c: {  	v58 =	vsel vm2, $0x3F800000, v46;
	v2 =	vadd.f32 v2, v57;
	v51 =	vadd.f32 v50, v48  }
0x38d: {  	v57 =	vsub.f32 $1.000000000e+00, v7;
	v7 =	vnsel vm1, $0x0, v7;
	v61 =	vsub.f32 $1.000000000e+00, v3  }
0x38e: {  	v11 =	vmax.f32 v39, $0.0e+00;
	v2 =	vadd.f32 v7, v2;
	v5 =	vadd.f32 v51, v5  }
0x38f: {  	v3 =	vnsel vm0, $0x0, v3;
	v11 =	vsel vm3, $0x0, v11;
	v10 =	vmax.f32 v52, $0.0e+00  }
0x390: {  	v3 =	vadd.f32 v3, v4;
	v0 =	vmax.f32 v0, $0.0e+00;
	v2 =	vadd.f32 v2, v5  }
0x391: {  	v1 =	vmax.f32 v1, $0.0e+00;
	v8 =	vadd.f32 v11, v8;
	v0 =	vsel vm5, $0x0, v0  }
0x392: {  	v10 =	vsel vm2, $0x0, v10;
	v0 =	vadd.f32 v0, v59;
	v2 =	vadd.f32 v3, v2;
	v3 =	vld [tilespmem:$0x1FAD0]  }
0x393: {  	v1 =	vsel vm14, $0x0, v1;
	v7 =	vmax.f32 v60, $0.0e+00;
	v10 =	vadd.f32 v10, v55  }
0x394: {  	v7 =	vsel vm15, $0x0, v7;
	v59 =	vmax.f32 v57, $0.0e+00;
	v0 =	vadd.f32 v1, v0  }
0x395: {  	v53 =	vsel vm5, $0x3F800000, v46;
	v7 =	vadd.f32 v7, v43;
	v13 =	vsel vm1, $0x0, v59  }
0x396: {  	v10 =	vadd.f32 v13, v10;
	v13 =	vmax.f32 v61, $0.0e+00;
	v0 =	vadd.f32 v0, v8  }
0x397: {  	v11 =	vadd.f32 v53, v56;
	v4 =	vsel vm0, $0x0, v13;
	v3 =	vadd.f32 v2, v3;
	v2 =	vld [tilespmem:$0x1FAE0]  }
0x398: {  	v56 =	vsel vm14, $0x3F800000, v46;
	v4 =	vadd.f32 v4, v7;
	v0 =	vadd.f32 v10, v0  }
0x399: {  	v12 =	vsel vm15, $0x3F800000, v46;
	v1 =	vadd.f32 v56, v11;
	v11 =	vadd.f32 v58, v47  }
0x39a: {  	v62 =	vsel vm1, $0x3F800000, v46;
	v12 =	vadd.f32 v12, v44;
	v0 =	vadd.f32 v4, v0  }
0x39b: {  	v11 =	vadd.f32 v62, v11;
	v1 =	vadd.f32 v1, v6  }
0x39c: {  	v63 =	vsel vm0, $0x3F800000, v46;
	v2 =	vadd.f32 v0, v2;
	v0 =	vld [tilespmem:$0x1FAF0]  }
.Ltmp4:
0x39d: {  	v6 =	vadd.f32 v63, v12;
	v1 =	vadd.f32 v11, v1;
	(pc) =	sbr.rel @p0 .LBB2_8-.Ltmp4, $3  }
0x39e: {  	_ = 	snop  }
0x39f: {  	v1 =	vadd.f32 v6, v1;
	_ =	sdelay $0x1  }
0x3a0: {  	v0 =	vadd.f32 v1, v0  }
0x3a1: {  	s0 =	sshll.u32 s26, $0x8  }
0x3a2: {  	s0 =	sadd.s32 s9, s0  }
0x3a3: {  	s2 =	sshrl.u32 s0, $0x9  }
0x3a4: {  	s2 =	sadd.s32 $0x6, s2  }
0x3a5: {  	s0 =	sshll.u32 s0, $0x9;
	s16 =	smul.u32 $0x4C0000, s2  }
0x3a6: {  	s0 =	sand.u32 $0x3F000, s0  }
0x3a7: {  	s2 =	sshll.u32 s2, $0x12;
	s16 =	sor.u32 s0, s16  }
.Ltmp5:
0x3a8: {  	[tilespmem:$0x1FFF0] =	vst v3;
	s0 =	sor.u32 s0, s2;
	s16 =	sshrl.u32 s16, $0x3;
	(pc) =	sbr.rel .LBB2_2-.Ltmp5, $4  }
0x3a9: {  	[tilespmem:$0x1FFE0] =	vst v2;
	s0 =	sshrl.u32 s0, $0x3;
	s16 =	sadd.s32 s16, s10  }
0x3aa: {  	[tilespmem:s17], [sflag:$0x2] =	stream.strided.gather [hbm4b:s16+s14], $0x9800, s15, s14, $0x38;
	[tilespmem:$0x14200] =	vst v63  }
0x3ab: {  	s26 =	sadd.s32 $0x1, s26;
	[tilespmem:$0x1FFD0] =	vst v0;
	s0 =	sadd.s32 s0, s11  }
0x3ac: {  	[tilespmem:s18], [sflag:$0x4] =	stream.linear.gather [hbm4b:s0+s4], $0x800, $0x38;
	[tilespmem:$0x14200] =	vst v63  }
.LBB2_9:
0x3ad: {  	_ =	sfence.sel $0x180000  }
0x3ae: {  	[bflag:$0x0] =	sbarrier.arrive $0xFFFF  }
0x3af: {  	_ =	strace $0x90000047  }
0x3b0: {  	s0 =	stileid.u32;
	[bflag:$0x2] =	sbarrier.arrive $0xFFFF  }
0x3b1: {  	p0 =	sne.s32 s0, $0x0;
	s0 =	rddreg [dreg:$0x3]  }
0x3b2: {  	s0 =	sadd.s32 @!p0 $0x100000, s0  }
0x3b3: {  	[sflag:s0] =	ssyncadd.tile.s32 @!p0 $0x1;
	_ =	shalt  }
.Lfunc_end2:
_tile_overlayer_lowered:
.L_overlay_start_2:
0x3b4: {  	(tag) =	ssettag $0x2  }
0x3b5: {  	s0 =	rddreg [dreg:$0x0];
	s2 =	stileid.u32  }
0x3b6: {  	s1 =	rddreg [dreg:$0x1];
	p0 =	sne.s32 s2, $0x0  }
0x3b7: {  	s3 =	rddreg [dreg:$0x2];
	[bflag:$0x3] =	sbarrier.arrive $0xFFFF;
	s2 =	simm.s32 @!p0 $0x1C05  }
0x3b8: {  	[timem:s3], [sflag:s2] =	dma.local @!p0 [hbm:s0], s1  }
0x3b9: {  	s0 =	simm.s32 @!p0 $0x5  }
0x3ba: {  	_ =	swait.ge @!p0 [sflag:s0], s1  }
0x3bb: {  	s1 =	ssub.s32 @!p0 $0x0, s1;
	[sflag:s0] =	ssyncset.done @!p0 $0x0  }
0x3bc: {  	[sflag:s0] =	ssyncadd.s32 @!p0 s1  }
0x3bd: {  	[bflag:$0x3] =	sbarrier.arrive $0xFFFF  }
0x3be: {  	_ =	shalt  }

</sc_bundles>
